<compile_context>
chip_gen: v7x
topology: tpu7x:2x2x1
jax: 0.10.2.dev20260603
libtpu: 0.0.44.dev20260713+nightly
codegen_flags: <defaults>
</compile_context>

<pallas_src>
import functools

import jax
import jax.numpy as jnp
from jax import lax
from jax.experimental import pallas as pl
from jax.experimental.pallas import tpu as pltpu
from jax.experimental.pallas import tpu_sc as plsc

N_NODES = 10000
D = 128
DH = D // 2
N_PAD = 10240
ROWS_PER_TILE = N_PAD // 16
E = 320000
NB_DEG = 80
NB_AGG = 160
E_PAD = 128 * NB_DEG * 32

_mesh = plsc.VectorSubcoreMesh(core_axis_name="c", subcore_axis_name="s")


@functools.partial(
    pl.kernel,
    out_type=jax.ShapeDtypeStruct((32, N_PAD), jnp.float32),
    mesh=_mesh,
    compiler_params=pltpu.CompilerParams(needs_layout_passes=False),
    scratch_types=[
        pltpu.VMEM((NB_DEG, 128), jnp.int32),
        pltpu.VMEM((N_PAD,), jnp.float32),
    ],
)
def _deg_kernel(dst_hbm, out_hbm, dst_v, deg_v):
    c = lax.axis_index("c")
    s = lax.axis_index("s")
    w = c * 16 + s

    def zb(i, carry):
        deg_v[pl.ds(i * 16, 16)] = jnp.zeros((16,), jnp.float32)
        return carry
    lax.fori_loop(0, N_PAD // 16, zb, 0)

    pltpu.sync_copy(dst_hbm.at[pl.ds(w * NB_DEG, NB_DEG)], dst_v)
    ones = jnp.ones((16,), jnp.float32)

    def body(j, carry):
        for k in range(8):
            plsc.addupdate_scatter(deg_v, [dst_v[j, pl.ds(k * 16, 16)]], ones)
        return carry
    lax.fori_loop(0, NB_DEG, body, 0)

    pltpu.sync_copy(deg_v, out_hbm.at[w])


_NBUF = 5
_NGRP = NB_AGG // _NBUF


@functools.partial(
    pl.kernel,
    out_type=[jax.ShapeDtypeStruct((N_PAD, DH), jnp.float32),
              jax.ShapeDtypeStruct((N_PAD, DH), jnp.float32)],
    mesh=_mesh,
    compiler_params=pltpu.CompilerParams(use_tc_tiling_on_sc=False),
    scratch_types=[
        pltpu.VMEM((NB_AGG, 128), jnp.int32),
        pltpu.VMEM((NB_AGG, 128), jnp.int32),
        [pltpu.VMEM((128, DH), jnp.float32)] * _NBUF,
        pltpu.VMEM_SHARED((N_PAD, DH), jnp.float32),
        [pltpu.SemaphoreType.DMA] * _NBUF,
        [pltpu.SemaphoreType.DMA] * _NBUF,
    ],
)
def _agg_kernel(src_hbm, dst_hbm, h0_hbm, h1_hbm, out0_hbm, out1_hbm,
                src_v, dst_v, rows_v, acc_sh, gsem, ssem):
    c = lax.axis_index("c")
    s = lax.axis_index("s")

    def zbody(i, carry):
        for j in range(DH // 16):
            rows_v[0][i, pl.ds(j * 16, 16)] = jnp.zeros((16,), jnp.float32)
        return carry
    lax.fori_loop(0, 128, zbody, 0)
    r0 = s * ROWS_PER_TILE
    for k in range(ROWS_PER_TILE // 128):
        pltpu.sync_copy(rows_v[0], acc_sh.at[pl.ds(r0 + k * 128, 128)])
    plsc.subcore_barrier()

    pltpu.sync_copy(src_hbm.at[pl.ds(s * NB_AGG, NB_AGG)], src_v)
    pltpu.sync_copy(dst_hbm.at[pl.ds(s * NB_AGG, NB_AGG)], dst_v)

    def gwait(b, h_hbm):
        pltpu.make_async_copy(h_hbm.at[src_v.at[0]], rows_v[b], gsem[b]).wait()

    def swait(b):
        pltpu.make_async_copy(rows_v[b], acc_sh.at[dst_v.at[0]], ssem[b]).wait()

    def run(h_hbm):
        for b in range(_NBUF):
            pltpu.async_copy(h_hbm.at[src_v.at[b]], rows_v[b], gsem[b])

        @pl.loop(0, _NGRP)
        def grp(g):
            base = g * _NBUF
            for b in range(_NBUF):
                gwait(b, h_hbm)
                pltpu.async_copy(rows_v[b], acc_sh.at[dst_v.at[base + b]],
                                 ssem[b], add=True)
            for b in range(_NBUF):
                swait(b)

                @pl.when(g < _NGRP - 1)
                def _():
                    pltpu.async_copy(h_hbm.at[src_v.at[base + _NBUF + b]],
                                     rows_v[b], gsem[b])

    @pl.when(c == 0)
    def _():
        run(h0_hbm)

    @pl.when(c == 1)
    def _():
        run(h1_hbm)

    plsc.subcore_barrier()

    for k in range(ROWS_PER_TILE // 128):
        pltpu.sync_copy(acc_sh.at[pl.ds(r0 + k * 128, 128)], rows_v[0])

        @pl.when(c == 0)
        def _():
            pltpu.sync_copy(rows_v[0], out0_hbm.at[pl.ds(r0 + k * 128, 128)])

        @pl.when(c == 1)
        def _():
            pltpu.sync_copy(rows_v[0], out1_hbm.at[pl.ds(r0 + k * 128, 128)])


_R = 1024
_G = N_PAD // _R


def _tc1_body(x_ref, w_ref, degp_ref, h0_ref, h1_ref, dis_ref):
    deg = jnp.sum(degp_ref[...], axis=0) + 1.0
    dis = lax.rsqrt(deg)
    dis_ref[...] = dis
    hp = jnp.dot(
        x_ref[...], w_ref[...], preferred_element_type=jnp.float32
    ) * dis[:, None]
    h0_ref[...] = hp[:, :DH]
    h1_ref[...] = hp[:, DH:]


_tc1 = pl.pallas_call(
    _tc1_body,
    grid=(_G,),
    in_specs=[
        pl.BlockSpec((_R, D), lambda i: (i, 0)),
        pl.BlockSpec((D, D), lambda i: (0, 0)),
        pl.BlockSpec((32, _R), lambda i: (0, i)),
    ],
    out_specs=[
        pl.BlockSpec((_R, DH), lambda i: (i, 0)),
        pl.BlockSpec((_R, DH), lambda i: (i, 0)),
        pl.BlockSpec((_R,), lambda i: (i,)),
    ],
    out_shape=[
        jax.ShapeDtypeStruct((N_PAD, DH), jnp.float32),
        jax.ShapeDtypeStruct((N_PAD, DH), jnp.float32),
        jax.ShapeDtypeStruct((N_PAD,), jnp.float32),
    ],
)


def _tc2_body(a0_ref, a1_ref, h0_ref, h1_ref, dis_ref, b_ref, w_ref,
              o0_ref, o1_ref):
    dis = dis_ref[...]
    agg = jnp.concatenate([a0_ref[...] + h0_ref[...],
                           a1_ref[...] + h1_ref[...]], axis=1)
    z = agg * dis[:, None] + b_ref[...][None, :]
    z = jnp.maximum(z, 0.0)
    hp = jnp.dot(
        z, w_ref[...], preferred_element_type=jnp.float32
    ) * dis[:, None]
    o0_ref[...] = hp[:, :DH]
    o1_ref[...] = hp[:, DH:]


_tc2 = pl.pallas_call(
    _tc2_body,
    grid=(_G,),
    in_specs=[
        pl.BlockSpec((_R, DH), lambda i: (i, 0)),
        pl.BlockSpec((_R, DH), lambda i: (i, 0)),
        pl.BlockSpec((_R, DH), lambda i: (i, 0)),
        pl.BlockSpec((_R, DH), lambda i: (i, 0)),
        pl.BlockSpec((_R,), lambda i: (i,)),
        pl.BlockSpec((D,), lambda i: (0,)),
        pl.BlockSpec((D, D), lambda i: (0, 0)),
    ],
    out_specs=[
        pl.BlockSpec((_R, DH), lambda i: (i, 0)),
        pl.BlockSpec((_R, DH), lambda i: (i, 0)),
    ],
    out_shape=[
        jax.ShapeDtypeStruct((N_PAD, DH), jnp.float32),
        jax.ShapeDtypeStruct((N_PAD, DH), jnp.float32),
    ],
)


def _tc3_body(a0_ref, a1_ref, h0_ref, h1_ref, dis_ref, b_ref, out_ref):
    dis = dis_ref[...]
    agg = jnp.concatenate([a0_ref[...] + h0_ref[...],
                           a1_ref[...] + h1_ref[...]], axis=1)
    out_ref[...] = agg * dis[:, None] + b_ref[...][None, :]


_tc3 = pl.pallas_call(
    _tc3_body,
    grid=(_G,),
    in_specs=[
        pl.BlockSpec((_R, DH), lambda i: (i, 0)),
        pl.BlockSpec((_R, DH), lambda i: (i, 0)),
        pl.BlockSpec((_R, DH), lambda i: (i, 0)),
        pl.BlockSpec((_R, DH), lambda i: (i, 0)),
        pl.BlockSpec((_R,), lambda i: (i,)),
        pl.BlockSpec((D,), lambda i: (0,)),
    ],
    out_specs=pl.BlockSpec((_R, D), lambda i: (i, 0)),
    out_shape=jax.ShapeDtypeStruct((N_PAD, D), jnp.float32),
)


def kernel(x, edge_index, W1, b1, W2, b2):
    src = edge_index[0].astype(jnp.int32)
    dst = edge_index[1].astype(jnp.int32)
    pad = jnp.full((E_PAD - E,), N_NODES, jnp.int32)
    src_p = jnp.concatenate([src, pad]).reshape(E_PAD // 128, 128)
    dst_p = jnp.concatenate([dst, pad]).reshape(E_PAD // 128, 128)
    x_p = jnp.pad(x, ((0, N_PAD - N_NODES), (0, 0)))

    degp = _deg_kernel(dst_p)
    h10, h11, dis = _tc1(x_p, W1, degp)
    a10, a11 = _agg_kernel(src_p, dst_p, h10, h11)
    h20, h21 = _tc2(a10, a11, h10, h11, dis, b1, W2)
    a20, a21 = _agg_kernel(src_p, dst_p, h20, h21)
    out = _tc3(a20, a21, h20, h21, dis, b2)
    return out[:N_NODES]

# --- scband reference (transcript-rebuilt; emitter-appended) ---
"""Pipeline reference for scband-gcn-encoder-54803782697391 (READ-ONLY COPY).

The authoritative reference and input builder live on the scoring server;
editing this copy changes nothing except your own understanding.
"""

import jax, jax.numpy as jnp
import numpy as np

N_NODES = 10000
N_EDGES = 320000
D_IN = 128
D_H = 128


def setup_inputs(seed: int = 0) -> dict:
    key = jax.random.key(seed)
    k1, k2, k3, k4, k5, k6 = jax.random.split(key, 6)
    x = jax.random.normal(k1, (N_NODES, D_IN), dtype=jnp.float32)
    edge_index = jax.random.randint(k2, (2, N_EDGES), 0, N_NODES, dtype=jnp.int64)
    # GCNConv parameters (glorot-ish scale)
    W1 = jax.random.normal(k3, (D_IN, D_H), dtype=jnp.float32) * (1.0 / np.sqrt(D_IN))
    b1 = jnp.zeros((D_H,), dtype=jnp.float32)
    W2 = jax.random.normal(k4, (D_H, D_H), dtype=jnp.float32) * (1.0 / np.sqrt(D_H))
    b2 = jnp.zeros((D_H,), dtype=jnp.float32)
    return {"x": x, "edge_index": edge_index, "W1": W1, "b1": b1, "W2": W2, "b2": b2}


def _gcn_conv(x, edge_index, W, b, n_nodes):
    # linear transform
    h = x @ W
    src = edge_index[0]
    dst = edge_index[1]
    # add self-loops (GCNConv default add_self_loops=True)
    loop = jnp.arange(n_nodes, dtype=src.dtype)
    src = jnp.concatenate([src, loop])
    dst = jnp.concatenate([dst, loop])
    # symmetric normalization: deg computed on dst after self-loops
    deg = jnp.zeros((n_nodes,), dtype=h.dtype).at[dst].add(1.0)
    deg_inv_sqrt = jnp.where(deg > 0, 1.0 / jnp.sqrt(deg), 0.0)
    norm = deg_inv_sqrt[src] * deg_inv_sqrt[dst]
    # message = norm * x_j ; aggregate = scatter-add to dst
    msg = h[src] * norm[:, None]
    out = jax.ops.segment_sum(msg, dst, num_segments=n_nodes)
    return out + b


def reference(x, edge_index, W1, b1, W2, b2):
    n_nodes = x.shape[0]
    out = _gcn_conv(x, edge_index, W1, b1, n_nodes)
    out = jax.nn.relu(out)
    out = _gcn_conv(out, edge_index, W2, b2, n_nodes)
    return out

if __name__ == "__main__":
    import jax
    _d = setup_inputs()
    print(jax.jit(kernel)(*tuple(_d.values())))

</pallas_src>

<mosaic_0001>
#map = affine_map<(d0, d1) -> (0, 0)>
module attributes {stable_mosaic.version = 14 : i64} {
  func.func @_deg_kernel(%arg0: i32, %arg1: i32, %arg2: memref<2560x128xi32, #tpu.memory_space<hbm>>, %arg3: memref<32x10240xf32, #tpu.memory_space<hbm>>, %arg4: memref<80x128xi32, #tpu.memory_space<vmem>>, %arg5: memref<10240xf32, #tpu.memory_space<vmem>>) attributes {dimension_semantics = [#tpu.dimension_semantics<core_parallel>, #tpu.dimension_semantics<subcore_parallel>], iteration_bounds = array<i64: 2, 16>, scalar_prefetch = 0 : i64, scratch_operands = 2 : i64, tpu.core_type = #tpu.core_type<sc_vector_subcore>, window_params = [{transform_indices = #map}, {transform_indices = #map}]} {
    %mul3A = arith.constant 16 : i32
    %mul3A_0 = arith.muli %arg0, %mul3A : i32
    %add3A = arith.addi %mul3A_0, %arg1 : i32
    %scan3A = arith.constant 0 : i32
    %scan3A_1 = arith.constant 0 : i32
    %scan3A_2 = arith.constant 640 : i32
    %scan3A_3 = arith.addi %scan3A_1, %scan3A_2 : i32
    %scan3A_4 = arith.constant 1 : i32
    scf.for %scan3A_15 = %scan3A_1 to %scan3A_3 step %scan3A_4  : i32 {
      %broadcast_in_dim3A_16 = arith.constant 0.000000e+00 : f32
      %broadcast_in_dim3A_17 = vector.broadcast %broadcast_in_dim3A_16 : f32 to vector<16xf32>
      %mul3A_18 = arith.constant 16 : i32
      %mul3A_19 = arith.muli %scan3A_15, %mul3A_18 : i32
      %swap3A = arith.index_cast %mul3A_19 : i32 to index
      %swap3A_20 = tpu.vector_load %arg5[%swap3A] {strides = array<i32>} : memref<10240xf32, #tpu.memory_space<vmem>>, vector<16xf32>,
      tpu.vector_store %arg5[%swap3A], %broadcast_in_dim3A_17 {strides = array<i32>} : memref<10240xf32, #tpu.memory_space<vmem>>, vector<16xf32>,
    }
    %scan3A_5 = arith.constant 640 : i32
    %mul3A_6 = arith.constant 80 : i32
    %mul3A_7 = arith.muli %add3A, %mul3A_6 : i32
    "tpu.region"() ({
      %run_scoped3A = tpu.sem_alloc : memref<!tpu.dma_semaphore, #tpu.memory_space<semaphore_mem>>
      %dma_start3A = arith.constant 0 : i32
      %dma_start3A_15 = tpu.memref_slice %arg2[%mul3A_7, %dma_start3A] : memref<2560x128xi32, #tpu.memory_space<hbm>> -> memref<80x128xi32, #tpu.memory_space<hbm>>
      %dma_start3A_16 = arith.constant 0 : i32
      %dma_start3A_17 = tpu.memref_slice %arg2[%mul3A_7, %dma_start3A_16] : memref<2560x128xi32, #tpu.memory_space<hbm>> -> memref<80x128xi32, #tpu.memory_space<hbm>>
      tpu.enqueue_dma source(%dma_start3A_17 : memref<80x128xi32, #tpu.memory_space<hbm>>) target(%arg4 : memref<80x128xi32, #tpu.memory_space<vmem>>) target_semaphore(%run_scoped3A : memref<!tpu.dma_semaphore, #tpu.memory_space<semaphore_mem>>)
      %dma_wait3A = arith.constant 0 : i32
      %dma_wait3A_18 = tpu.memref_slice %arg2[%mul3A_7, %dma_wait3A] : memref<2560x128xi32, #tpu.memory_space<hbm>> -> memref<80x128xi32, #tpu.memory_space<hbm>>
      %dma_wait3A_19 = arith.constant 0 : i32
      %dma_wait3A_20 = tpu.memref_slice %arg2[%mul3A_7, %dma_wait3A_19] : memref<2560x128xi32, #tpu.memory_space<hbm>> -> memref<80x128xi32, #tpu.memory_space<hbm>>
      tpu.wait_dma2 semaphore(%run_scoped3A : memref<!tpu.dma_semaphore, #tpu.memory_space<semaphore_mem>>) src(%dma_wait3A_20 : memref<80x128xi32, #tpu.memory_space<hbm>>) dst(%arg4 : memref<80x128xi32, #tpu.memory_space<vmem>>)
      tpu.yield
    }) : () -> ()
    %broadcast_in_dim3A = arith.constant 1.000000e+00 : f32
    %broadcast_in_dim3A_8 = vector.broadcast %broadcast_in_dim3A : f32 to vector<16xf32>
    %scan3A_9 = arith.constant 0 : i32
    %scan3A_10 = arith.constant 0 : i32
    %scan3A_11 = arith.constant 80 : i32
    %scan3A_12 = arith.addi %scan3A_10, %scan3A_11 : i32
    %scan3A_13 = arith.constant 1 : i32
    scf.for %scan3A_15 = %scan3A_10 to %scan3A_12 step %scan3A_13  : i32 {
      %get3A = arith.index_cast %scan3A_15 : i32 to index
      %get3A_16 = arith.constant 0 : index
      %get3A_17 = tpu.vector_load %arg4[%get3A, %get3A_16] {strides = array<i32>} : memref<80x128xi32, #tpu.memory_space<vmem>>, vector<16xi32>,
      tpu.vector_store_idx %arg5[%get3A_17], %broadcast_in_dim3A_8 {add = true} : memref<10240xf32, #tpu.memory_space<vmem>>[vector<16xi32>], vector<16xf32>,
      %get3A_18 = arith.index_cast %scan3A_15 : i32 to index
      %get3A_19 = arith.constant 16 : index
      %get3A_20 = tpu.vector_load %arg4[%get3A_18, %get3A_19] {strides = array<i32>} : memref<80x128xi32, #tpu.memory_space<vmem>>, vector<16xi32>,
      tpu.vector_store_idx %arg5[%get3A_20], %broadcast_in_dim3A_8 {add = true} : memref<10240xf32, #tpu.memory_space<vmem>>[vector<16xi32>], vector<16xf32>,
      %get3A_21 = arith.index_cast %scan3A_15 : i32 to index
      %get3A_22 = arith.constant 32 : index
      %get3A_23 = tpu.vector_load %arg4[%get3A_21, %get3A_22] {strides = array<i32>} : memref<80x128xi32, #tpu.memory_space<vmem>>, vector<16xi32>,
      tpu.vector_store_idx %arg5[%get3A_23], %broadcast_in_dim3A_8 {add = true} : memref<10240xf32, #tpu.memory_space<vmem>>[vector<16xi32>], vector<16xf32>,
      %get3A_24 = arith.index_cast %scan3A_15 : i32 to index
      %get3A_25 = arith.constant 48 : index
      %get3A_26 = tpu.vector_load %arg4[%get3A_24, %get3A_25] {strides = array<i32>} : memref<80x128xi32, #tpu.memory_space<vmem>>, vector<16xi32>,
      tpu.vector_store_idx %arg5[%get3A_26], %broadcast_in_dim3A_8 {add = true} : memref<10240xf32, #tpu.memory_space<vmem>>[vector<16xi32>], vector<16xf32>,
      %get3A_27 = arith.index_cast %scan3A_15 : i32 to index
      %get3A_28 = arith.constant 64 : index
      %get3A_29 = tpu.vector_load %arg4[%get3A_27, %get3A_28] {strides = array<i32>} : memref<80x128xi32, #tpu.memory_space<vmem>>, vector<16xi32>,
      tpu.vector_store_idx %arg5[%get3A_29], %broadcast_in_dim3A_8 {add = true} : memref<10240xf32, #tpu.memory_space<vmem>>[vector<16xi32>], vector<16xf32>,
      %get3A_30 = arith.index_cast %scan3A_15 : i32 to index
      %get3A_31 = arith.constant 80 : index
      %get3A_32 = tpu.vector_load %arg4[%get3A_30, %get3A_31] {strides = array<i32>} : memref<80x128xi32, #tpu.memory_space<vmem>>, vector<16xi32>,
      tpu.vector_store_idx %arg5[%get3A_32], %broadcast_in_dim3A_8 {add = true} : memref<10240xf32, #tpu.memory_space<vmem>>[vector<16xi32>], vector<16xf32>,
      %get3A_33 = arith.index_cast %scan3A_15 : i32 to index
      %get3A_34 = arith.constant 96 : index
      %get3A_35 = tpu.vector_load %arg4[%get3A_33, %get3A_34] {strides = array<i32>} : memref<80x128xi32, #tpu.memory_space<vmem>>, vector<16xi32>,
      tpu.vector_store_idx %arg5[%get3A_35], %broadcast_in_dim3A_8 {add = true} : memref<10240xf32, #tpu.memory_space<vmem>>[vector<16xi32>], vector<16xf32>,
      %get3A_36 = arith.index_cast %scan3A_15 : i32 to index
      %get3A_37 = arith.constant 112 : index
      %get3A_38 = tpu.vector_load %arg4[%get3A_36, %get3A_37] {strides = array<i32>} : memref<80x128xi32, #tpu.memory_space<vmem>>, vector<16xi32>,
      tpu.vector_store_idx %arg5[%get3A_38], %broadcast_in_dim3A_8 {add = true} : memref<10240xf32, #tpu.memory_space<vmem>>[vector<16xi32>], vector<16xf32>,
    }
    %scan3A_14 = arith.constant 80 : i32
    "tpu.region"() ({
      %run_scoped3A = tpu.sem_alloc : memref<!tpu.dma_semaphore, #tpu.memory_space<semaphore_mem>>
      %dma_start3A = arith.constant 0 : i32
      %dma_start3A_15 = tpu.memref_slice %arg3[%add3A, %dma_start3A] : memref<32x10240xf32, #tpu.memory_space<hbm>> -> memref<1x10240xf32, #tpu.memory_space<hbm>>
      %dma_start3A_16 = tpu.memref_squeeze %dma_start3A_15 : memref<1x10240xf32, #tpu.memory_space<hbm>> -> memref<10240xf32, #tpu.memory_space<hbm>>
      %dma_start3A_17 = arith.constant 0 : i32
      %dma_start3A_18 = tpu.memref_slice %arg3[%add3A, %dma_start3A_17] : memref<32x10240xf32, #tpu.memory_space<hbm>> -> memref<1x10240xf32, #tpu.memory_space<hbm>>
      %dma_start3A_19 = tpu.memref_squeeze %dma_start3A_18 : memref<1x10240xf32, #tpu.memory_space<hbm>> -> memref<10240xf32, #tpu.memory_space<hbm>>
      tpu.enqueue_dma source(%arg5 : memref<10240xf32, #tpu.memory_space<vmem>>) target(%dma_start3A_19 : memref<10240xf32, #tpu.memory_space<hbm>>) target_semaphore(%run_scoped3A : memref<!tpu.dma_semaphore, #tpu.memory_space<semaphore_mem>>)
      %dma_wait3A = arith.constant 0 : i32
      %dma_wait3A_20 = tpu.memref_slice %arg3[%add3A, %dma_wait3A] : memref<32x10240xf32, #tpu.memory_space<hbm>> -> memref<1x10240xf32, #tpu.memory_space<hbm>>
      %dma_wait3A_21 = tpu.memref_squeeze %dma_wait3A_20 : memref<1x10240xf32, #tpu.memory_space<hbm>> -> memref<10240xf32, #tpu.memory_space<hbm>>
      %dma_wait3A_22 = arith.constant 0 : i32
      %dma_wait3A_23 = tpu.memref_slice %arg3[%add3A, %dma_wait3A_22] : memref<32x10240xf32, #tpu.memory_space<hbm>> -> memref<1x10240xf32, #tpu.memory_space<hbm>>
      %dma_wait3A_24 = tpu.memref_squeeze %dma_wait3A_23 : memref<1x10240xf32, #tpu.memory_space<hbm>> -> memref<10240xf32, #tpu.memory_space<hbm>>
      tpu.wait_dma2 semaphore(%run_scoped3A : memref<!tpu.dma_semaphore, #tpu.memory_space<semaphore_mem>>) src(%arg5 : memref<10240xf32, #tpu.memory_space<vmem>>) dst(%dma_wait3A_24 : memref<10240xf32, #tpu.memory_space<hbm>>)
      tpu.yield
    }) : () -> ()
    return
  }
}

#map = affine_map<(d0, d1) -> (0, 0)>
module attributes {stable_mosaic.version = 14 : i64} {
  func.func @_agg_kernel(%arg0: i32, %arg1: i32, %arg2: memref<2560x128xi32, #tpu.memory_space<hbm>>, %arg3: memref<2560x128xi32, #tpu.memory_space<hbm>>, %arg4: memref<10240x64xf32, #tpu.memory_space<hbm>>, %arg5: memref<10240x64xf32, #tpu.memory_space<hbm>>, %arg6: memref<10240x64xf32, #tpu.memory_space<hbm>>, %arg7: memref<10240x64xf32, #tpu.memory_space<hbm>>, %arg8: memref<160x128xi32, #tpu.memory_space<vmem>>, %arg9: memref<160x128xi32, #tpu.memory_space<vmem>>, %arg10: memref<128x64xf32, #tpu.memory_space<vmem>>, %arg11: memref<128x64xf32, #tpu.memory_space<vmem>>, %arg12: memref<128x64xf32, #tpu.memory_space<vmem>>, %arg13: memref<128x64xf32, #tpu.memory_space<vmem>>, %arg14: memref<128x64xf32, #tpu.memory_space<vmem>>, %arg15: memref<10240x64xf32, #tpu.memory_space<vmem_shared>>, %arg16: memref<!tpu.dma_semaphore, #tpu.memory_space<semaphore_mem>>, %arg17: memref<!tpu.dma_semaphore, #tpu.memory_space<semaphore_mem>>, %arg18: memref<!tpu.dma_semaphore, #tpu.memory_space<semaphore_mem>>, %arg19: memref<!tpu.dma_semaphore, #tpu.memory_space<semaphore_mem>>, %arg20: memref<!tpu.dma_semaphore, #tpu.memory_space<semaphore_mem>>, %arg21: memref<!tpu.dma_semaphore, #tpu.memory_space<semaphore_mem>>, %arg22: memref<!tpu.dma_semaphore, #tpu.memory_space<semaphore_mem>>, %arg23: memref<!tpu.dma_semaphore, #tpu.memory_space<semaphore_mem>>, %arg24: memref<!tpu.dma_semaphore, #tpu.memory_space<semaphore_mem>>, %arg25: memref<!tpu.dma_semaphore, #tpu.memory_space<semaphore_mem>>) attributes {dimension_semantics = [#tpu.dimension_semantics<core_parallel>, #tpu.dimension_semantics<subcore_parallel>], iteration_bounds = array<i64: 2, 16>, scalar_prefetch = 0 : i64, scratch_operands = 18 : i64, tpu.core_type = #tpu.core_type<sc_vector_subcore>, window_params = [{transform_indices = #map}, {transform_indices = #map}, {transform_indices = #map}, {transform_indices = #map}, {transform_indices = #map}, {transform_indices = #map}]} {
    %scan3A = arith.constant 0 : i32
    %scan3A_0 = arith.constant 0 : i32
    %scan3A_1 = arith.constant 128 : i32
    %scan3A_2 = arith.addi %scan3A_0, %scan3A_1 : i32
    %scan3A_3 = arith.constant 1 : i32
    scf.for %scan3A_87 = %scan3A_0 to %scan3A_2 step %scan3A_3  : i32 {
      %broadcast_in_dim3A = arith.constant 0.000000e+00 : f32
      %broadcast_in_dim3A_88 = vector.broadcast %broadcast_in_dim3A : f32 to vector<16xf32>
      %swap3A = arith.index_cast %scan3A_87 : i32 to index
      %swap3A_89 = arith.constant 0 : index
      %swap3A_90 = tpu.vector_load %arg10[%swap3A, %swap3A_89] {strides = array<i32>} : memref<128x64xf32, #tpu.memory_space<vmem>>, vector<1x16xf32>,
      %swap3A_91 = vector.shape_cast %swap3A_90 : vector<1x16xf32> to vector<16xf32>
      %swap3A_92 = vector.shape_cast %broadcast_in_dim3A_88 : vector<16xf32> to vector<1x16xf32>
      tpu.vector_store %arg10[%swap3A, %swap3A_89], %swap3A_92 {strides = array<i32>} : memref<128x64xf32, #tpu.memory_space<vmem>>, vector<1x16xf32>,
      %broadcast_in_dim3A_93 = arith.constant 0.000000e+00 : f32
      %broadcast_in_dim3A_94 = vector.broadcast %broadcast_in_dim3A_93 : f32 to vector<16xf32>
      %swap3A_95 = arith.index_cast %scan3A_87 : i32 to index
      %swap3A_96 = arith.constant 16 : index
      %swap3A_97 = tpu.vector_load %arg10[%swap3A_95, %swap3A_96] {strides = array<i32>} : memref<128x64xf32, #tpu.memory_space<vmem>>, vector<1x16xf32>,
      %swap3A_98 = vector.shape_cast %swap3A_97 : vector<1x16xf32> to vector<16xf32>
      %swap3A_99 = vector.shape_cast %broadcast_in_dim3A_94 : vector<16xf32> to vector<1x16xf32>
      tpu.vector_store %arg10[%swap3A_95, %swap3A_96], %swap3A_99 {strides = array<i32>} : memref<128x64xf32, #tpu.memory_space<vmem>>, vector<1x16xf32>,
      %broadcast_in_dim3A_100 = arith.constant 0.000000e+00 : f32
      %broadcast_in_dim3A_101 = vector.broadcast %broadcast_in_dim3A_100 : f32 to vector<16xf32>
      %swap3A_102 = arith.index_cast %scan3A_87 : i32 to index
      %swap3A_103 = arith.constant 32 : index
      %swap3A_104 = tpu.vector_load %arg10[%swap3A_102, %swap3A_103] {strides = array<i32>} : memref<128x64xf32, #tpu.memory_space<vmem>>, vector<1x16xf32>,
      %swap3A_105 = vector.shape_cast %swap3A_104 : vector<1x16xf32> to vector<16xf32>
      %swap3A_106 = vector.shape_cast %broadcast_in_dim3A_101 : vector<16xf32> to vector<1x16xf32>
      tpu.vector_store %arg10[%swap3A_102, %swap3A_103], %swap3A_106 {strides = array<i32>} : memref<128x64xf32, #tpu.memory_space<vmem>>, vector<1x16xf32>,
      %broadcast_in_dim3A_107 = arith.constant 0.000000e+00 : f32
      %broadcast_in_dim3A_108 = vector.broadcast %broadcast_in_dim3A_107 : f32 to vector<16xf32>
      %swap3A_109 = arith.index_cast %scan3A_87 : i32 to index
      %swap3A_110 = arith.constant 48 : index
      %swap3A_111 = tpu.vector_load %arg10[%swap3A_109, %swap3A_110] {strides = array<i32>} : memref<128x64xf32, #tpu.memory_space<vmem>>, vector<1x16xf32>,
      %swap3A_112 = vector.shape_cast %swap3A_111 : vector<1x16xf32> to vector<16xf32>
      %swap3A_113 = vector.shape_cast %broadcast_in_dim3A_108 : vector<16xf32> to vector<1x16xf32>
      tpu.vector_store %arg10[%swap3A_109, %swap3A_110], %swap3A_113 {strides = array<i32>} : memref<128x64xf32, #tpu.memory_space<vmem>>, vector<1x16xf32>,
    }
    %scan3A_4 = arith.constant 128 : i32
    %mul3A = arith.constant 640 : i32
    %mul3A_5 = arith.muli %arg1, %mul3A : i32
    %add3A = arith.constant 0 : i32
    %add3A_6 = arith.addi %mul3A_5, %add3A : i32
    "tpu.region"() ({
      %run_scoped3A = tpu.sem_alloc : memref<!tpu.dma_semaphore, #tpu.memory_space<semaphore_mem>>
      %dma_start3A = arith.constant 0 : i32
      %dma_start3A_87 = tpu.memref_slice %arg15[%add3A_6, %dma_start3A] : memref<10240x64xf32, #tpu.memory_space<vmem_shared>> -> memref<128x64xf32, #tpu.memory_space<vmem_shared>>
      %dma_start3A_88 = arith.constant 0 : i32
      %dma_start3A_89 = tpu.memref_slice %arg15[%add3A_6, %dma_start3A_88] : memref<10240x64xf32, #tpu.memory_space<vmem_shared>> -> memref<128x64xf32, #tpu.memory_space<vmem_shared>>
      tpu.enqueue_dma source(%arg10 : memref<128x64xf32, #tpu.memory_space<vmem>>) target(%dma_start3A_89 : memref<128x64xf32, #tpu.memory_space<vmem_shared>>) target_semaphore(%run_scoped3A : memref<!tpu.dma_semaphore, #tpu.memory_space<semaphore_mem>>)
      %dma_wait3A = arith.constant 0 : i32
      %dma_wait3A_90 = tpu.memref_slice %arg15[%add3A_6, %dma_wait3A] : memref<10240x64xf32, #tpu.memory_space<vmem_shared>> -> memref<128x64xf32, #tpu.memory_space<vmem_shared>>
      %dma_wait3A_91 = arith.constant 0 : i32
      %dma_wait3A_92 = tpu.memref_slice %arg15[%add3A_6, %dma_wait3A_91] : memref<10240x64xf32, #tpu.memory_space<vmem_shared>> -> memref<128x64xf32, #tpu.memory_space<vmem_shared>>
      tpu.wait_dma2 semaphore(%run_scoped3A : memref<!tpu.dma_semaphore, #tpu.memory_space<semaphore_mem>>) src(%arg10 : memref<128x64xf32, #tpu.memory_space<vmem>>) dst(%dma_wait3A_92 : memref<128x64xf32, #tpu.memory_space<vmem_shared>>)
      tpu.yield
    }) : () -> ()
    %add3A_7 = arith.constant 128 : i32
    %add3A_8 = arith.addi %mul3A_5, %add3A_7 : i32
    "tpu.region"() ({
      %run_scoped3A = tpu.sem_alloc : memref<!tpu.dma_semaphore, #tpu.memory_space<semaphore_mem>>
      %dma_start3A = arith.constant 0 : i32
      %dma_start3A_87 = tpu.memref_slice %arg15[%add3A_8, %dma_start3A] : memref<10240x64xf32, #tpu.memory_space<vmem_shared>> -> memref<128x64xf32, #tpu.memory_space<vmem_shared>>
      %dma_start3A_88 = arith.constant 0 : i32
      %dma_start3A_89 = tpu.memref_slice %arg15[%add3A_8, %dma_start3A_88] : memref<10240x64xf32, #tpu.memory_space<vmem_shared>> -> memref<128x64xf32, #tpu.memory_space<vmem_shared>>
      tpu.enqueue_dma source(%arg10 : memref<128x64xf32, #tpu.memory_space<vmem>>) target(%dma_start3A_89 : memref<128x64xf32, #tpu.memory_space<vmem_shared>>) target_semaphore(%run_scoped3A : memref<!tpu.dma_semaphore, #tpu.memory_space<semaphore_mem>>)
      %dma_wait3A = arith.constant 0 : i32
      %dma_wait3A_90 = tpu.memref_slice %arg15[%add3A_8, %dma_wait3A] : memref<10240x64xf32, #tpu.memory_space<vmem_shared>> -> memref<128x64xf32, #tpu.memory_space<vmem_shared>>
      %dma_wait3A_91 = arith.constant 0 : i32
      %dma_wait3A_92 = tpu.memref_slice %arg15[%add3A_8, %dma_wait3A_91] : memref<10240x64xf32, #tpu.memory_space<vmem_shared>> -> memref<128x64xf32, #tpu.memory_space<vmem_shared>>
      tpu.wait_dma2 semaphore(%run_scoped3A : memref<!tpu.dma_semaphore, #tpu.memory_space<semaphore_mem>>) src(%arg10 : memref<128x64xf32, #tpu.memory_space<vmem>>) dst(%dma_wait3A_92 : memref<128x64xf32, #tpu.memory_space<vmem_shared>>)
      tpu.yield
    }) : () -> ()
    %add3A_9 = arith.constant 256 : i32
    %add3A_10 = arith.addi %mul3A_5, %add3A_9 : i32
    "tpu.region"() ({
      %run_scoped3A = tpu.sem_alloc : memref<!tpu.dma_semaphore, #tpu.memory_space<semaphore_mem>>
      %dma_start3A = arith.constant 0 : i32
      %dma_start3A_87 = tpu.memref_slice %arg15[%add3A_10, %dma_start3A] : memref<10240x64xf32, #tpu.memory_space<vmem_shared>> -> memref<128x64xf32, #tpu.memory_space<vmem_shared>>
      %dma_start3A_88 = arith.constant 0 : i32
      %dma_start3A_89 = tpu.memref_slice %arg15[%add3A_10, %dma_start3A_88] : memref<10240x64xf32, #tpu.memory_space<vmem_shared>> -> memref<128x64xf32, #tpu.memory_space<vmem_shared>>
      tpu.enqueue_dma source(%arg10 : memref<128x64xf32, #tpu.memory_space<vmem>>) target(%dma_start3A_89 : memref<128x64xf32, #tpu.memory_space<vmem_shared>>) target_semaphore(%run_scoped3A : memref<!tpu.dma_semaphore, #tpu.memory_space<semaphore_mem>>)
      %dma_wait3A = arith.constant 0 : i32
      %dma_wait3A_90 = tpu.memref_slice %arg15[%add3A_10, %dma_wait3A] : memref<10240x64xf32, #tpu.memory_space<vmem_shared>> -> memref<128x64xf32, #tpu.memory_space<vmem_shared>>
      %dma_wait3A_91 = arith.constant 0 : i32
      %dma_wait3A_92 = tpu.memref_slice %arg15[%add3A_10, %dma_wait3A_91] : memref<10240x64xf32, #tpu.memory_space<vmem_shared>> -> memref<128x64xf32, #tpu.memory_space<vmem_shared>>
      tpu.wait_dma2 semaphore(%run_scoped3A : memref<!tpu.dma_semaphore, #tpu.memory_space<semaphore_mem>>) src(%arg10 : memref<128x64xf32, #tpu.memory_space<vmem>>) dst(%dma_wait3A_92 : memref<128x64xf32, #tpu.memory_space<vmem_shared>>)
      tpu.yield
    }) : () -> ()
    %add3A_11 = arith.constant 384 : i32
    %add3A_12 = arith.addi %mul3A_5, %add3A_11 : i32
    "tpu.region"() ({
      %run_scoped3A = tpu.sem_alloc : memref<!tpu.dma_semaphore, #tpu.memory_space<semaphore_mem>>
      %dma_start3A = arith.constant 0 : i32
      %dma_start3A_87 = tpu.memref_slice %arg15[%add3A_12, %dma_start3A] : memref<10240x64xf32, #tpu.memory_space<vmem_shared>> -> memref<128x64xf32, #tpu.memory_space<vmem_shared>>
      %dma_start3A_88 = arith.constant 0 : i32
      %dma_start3A_89 = tpu.memref_slice %arg15[%add3A_12, %dma_start3A_88] : memref<10240x64xf32, #tpu.memory_space<vmem_shared>> -> memref<128x64xf32, #tpu.memory_space<vmem_shared>>
      tpu.enqueue_dma source(%arg10 : memref<128x64xf32, #tpu.memory_space<vmem>>) target(%dma_start3A_89 : memref<128x64xf32, #tpu.memory_space<vmem_shared>>) target_semaphore(%run_scoped3A : memref<!tpu.dma_semaphore, #tpu.memory_space<semaphore_mem>>)
      %dma_wait3A = arith.constant 0 : i32
      %dma_wait3A_90 = tpu.memref_slice %arg15[%add3A_12, %dma_wait3A] : memref<10240x64xf32, #tpu.memory_space<vmem_shared>> -> memref<128x64xf32, #tpu.memory_space<vmem_shared>>
      %dma_wait3A_91 = arith.constant 0 : i32
      %dma_wait3A_92 = tpu.memref_slice %arg15[%add3A_12, %dma_wait3A_91] : memref<10240x64xf32, #tpu.memory_space<vmem_shared>> -> memref<128x64xf32, #tpu.memory_space<vmem_shared>>
      tpu.wait_dma2 semaphore(%run_scoped3A : memref<!tpu.dma_semaphore, #tpu.memory_space<semaphore_mem>>) src(%arg10 : memref<128x64xf32, #tpu.memory_space<vmem>>) dst(%dma_wait3A_92 : memref<128x64xf32, #tpu.memory_space<vmem_shared>>)
      tpu.yield
    }) : () -> ()
    %add3A_13 = arith.constant 512 : i32
    %add3A_14 = arith.addi %mul3A_5, %add3A_13 : i32
    "tpu.region"() ({
      %run_scoped3A = tpu.sem_alloc : memref<!tpu.dma_semaphore, #tpu.memory_space<semaphore_mem>>
      %dma_start3A = arith.constant 0 : i32
      %dma_start3A_87 = tpu.memref_slice %arg15[%add3A_14, %dma_start3A] : memref<10240x64xf32, #tpu.memory_space<vmem_shared>> -> memref<128x64xf32, #tpu.memory_space<vmem_shared>>
      %dma_start3A_88 = arith.constant 0 : i32
      %dma_start3A_89 = tpu.memref_slice %arg15[%add3A_14, %dma_start3A_88] : memref<10240x64xf32, #tpu.memory_space<vmem_shared>> -> memref<128x64xf32, #tpu.memory_space<vmem_shared>>
      tpu.enqueue_dma source(%arg10 : memref<128x64xf32, #tpu.memory_space<vmem>>) target(%dma_start3A_89 : memref<128x64xf32, #tpu.memory_space<vmem_shared>>) target_semaphore(%run_scoped3A : memref<!tpu.dma_semaphore, #tpu.memory_space<semaphore_mem>>)
      %dma_wait3A = arith.constant 0 : i32
      %dma_wait3A_90 = tpu.memref_slice %arg15[%add3A_14, %dma_wait3A] : memref<10240x64xf32, #tpu.memory_space<vmem_shared>> -> memref<128x64xf32, #tpu.memory_space<vmem_shared>>
      %dma_wait3A_91 = arith.constant 0 : i32
      %dma_wait3A_92 = tpu.memref_slice %arg15[%add3A_14, %dma_wait3A_91] : memref<10240x64xf32, #tpu.memory_space<vmem_shared>> -> memref<128x64xf32, #tpu.memory_space<vmem_shared>>
      tpu.wait_dma2 semaphore(%run_scoped3A : memref<!tpu.dma_semaphore, #tpu.memory_space<semaphore_mem>>) src(%arg10 : memref<128x64xf32, #tpu.memory_space<vmem>>) dst(%dma_wait3A_92 : memref<128x64xf32, #tpu.memory_space<vmem_shared>>)
      tpu.yield
    }) : () -> ()
    %barrier3A = arith.constant 0 : index
    tpu.barrier barrier_id(%barrier3A)
    %mul3A_15 = arith.constant 160 : i32
    %mul3A_16 = arith.muli %arg1, %mul3A_15 : i32
    "tpu.region"() ({
      %run_scoped3A = tpu.sem_alloc : memref<!tpu.dma_semaphore, #tpu.memory_space<semaphore_mem>>
      %dma_start3A = arith.constant 0 : i32
      %dma_start3A_87 = tpu.memref_slice %arg2[%mul3A_16, %dma_start3A] : memref<2560x128xi32, #tpu.memory_space<hbm>> -> memref<160x128xi32, #tpu.memory_space<hbm>>
      %dma_start3A_88 = arith.constant 0 : i32
      %dma_start3A_89 = tpu.memref_slice %arg2[%mul3A_16, %dma_start3A_88] : memref<2560x128xi32, #tpu.memory_space<hbm>> -> memref<160x128xi32, #tpu.memory_space<hbm>>
      tpu.enqueue_dma source(%dma_start3A_89 : memref<160x128xi32, #tpu.memory_space<hbm>>) target(%arg8 : memref<160x128xi32, #tpu.memory_space<vmem>>) target_semaphore(%run_scoped3A : memref<!tpu.dma_semaphore, #tpu.memory_space<semaphore_mem>>)
      %dma_wait3A = arith.constant 0 : i32
      %dma_wait3A_90 = tpu.memref_slice %arg2[%mul3A_16, %dma_wait3A] : memref<2560x128xi32, #tpu.memory_space<hbm>> -> memref<160x128xi32, #tpu.memory_space<hbm>>
      %dma_wait3A_91 = arith.constant 0 : i32
      %dma_wait3A_92 = tpu.memref_slice %arg2[%mul3A_16, %dma_wait3A_91] : memref<2560x128xi32, #tpu.memory_space<hbm>> -> memref<160x128xi32, #tpu.memory_space<hbm>>
      tpu.wait_dma2 semaphore(%run_scoped3A : memref<!tpu.dma_semaphore, #tpu.memory_space<semaphore_mem>>) src(%dma_wait3A_92 : memref<160x128xi32, #tpu.memory_space<hbm>>) dst(%arg8 : memref<160x128xi32, #tpu.memory_space<vmem>>)
      tpu.yield
    }) : () -> ()
    %mul3A_17 = arith.constant 160 : i32
    %mul3A_18 = arith.muli %arg1, %mul3A_17 : i32
    "tpu.region"() ({
      %run_scoped3A = tpu.sem_alloc : memref<!tpu.dma_semaphore, #tpu.memory_space<semaphore_mem>>
      %dma_start3A = arith.constant 0 : i32
      %dma_start3A_87 = tpu.memref_slice %arg3[%mul3A_18, %dma_start3A] : memref<2560x128xi32, #tpu.memory_space<hbm>> -> memref<160x128xi32, #tpu.memory_space<hbm>>
      %dma_start3A_88 = arith.constant 0 : i32
      %dma_start3A_89 = tpu.memref_slice %arg3[%mul3A_18, %dma_start3A_88] : memref<2560x128xi32, #tpu.memory_space<hbm>> -> memref<160x128xi32, #tpu.memory_space<hbm>>
      tpu.enqueue_dma source(%dma_start3A_89 : memref<160x128xi32, #tpu.memory_space<hbm>>) target(%arg9 : memref<160x128xi32, #tpu.memory_space<vmem>>) target_semaphore(%run_scoped3A : memref<!tpu.dma_semaphore, #tpu.memory_space<semaphore_mem>>)
      %dma_wait3A = arith.constant 0 : i32
      %dma_wait3A_90 = tpu.memref_slice %arg3[%mul3A_18, %dma_wait3A] : memref<2560x128xi32, #tpu.memory_space<hbm>> -> memref<160x128xi32, #tpu.memory_space<hbm>>
      %dma_wait3A_91 = arith.constant 0 : i32
      %dma_wait3A_92 = tpu.memref_slice %arg3[%mul3A_18, %dma_wait3A_91] : memref<2560x128xi32, #tpu.memory_space<hbm>> -> memref<160x128xi32, #tpu.memory_space<hbm>>
      tpu.wait_dma2 semaphore(%run_scoped3A : memref<!tpu.dma_semaphore, #tpu.memory_space<semaphore_mem>>) src(%dma_wait3A_92 : memref<160x128xi32, #tpu.memory_space<hbm>>) dst(%arg9 : memref<160x128xi32, #tpu.memory_space<vmem>>)
      tpu.yield
    }) : () -> ()
    %eq3A = arith.constant 0 : i32
    %eq3A_19 = arith.cmpi eq, %arg0, %eq3A : i32
    %convert_element_type3A = arith.extui %eq3A_19 : i1 to i32
    %cond3A = arith.constant 0 : i32
    %cond3A_20 = arith.cmpi ne, %convert_element_type3A, %cond3A : i32
    scf.if %cond3A_20 {
      %dma_start3A = arith.constant 0 : i32
      %dma_start3A_87 = arith.constant 0 : i32
      %dma_start3A_88 = tpu.memref_slice %arg8[%dma_start3A, %dma_start3A_87] : memref<160x128xi32, #tpu.memory_space<vmem>> -> memref<1x128xi32, #tpu.memory_space<vmem>>
      %dma_start3A_89 = tpu.memref_squeeze %dma_start3A_88 : memref<1x128xi32, #tpu.memory_space<vmem>> -> memref<128xi32, #tpu.memory_space<vmem>>
      %dma_start3A_90 = arith.constant 0 : i32
      %dma_start3A_91 = arith.constant 0 : i32
      %dma_start3A_92 = tpu.memref_slice %arg4[%dma_start3A_90, %dma_start3A_91] : memref<10240x64xf32, #tpu.memory_space<hbm>> -> memref<10240x64xf32, #tpu.memory_space<hbm>>
      tpu.enqueue_indirect_dma source(%dma_start3A_92 : memref<10240x64xf32, #tpu.memory_space<hbm>>) target(%arg10 : memref<128x64xf32, #tpu.memory_space<vmem>>) offsets(%dma_start3A_89 : memref<128xi32, #tpu.memory_space<vmem>>) semaphore(%arg16 : memref<!tpu.dma_semaphore, #tpu.memory_space<semaphore_mem>>)
      %dma_start3A_93 = arith.constant 1 : i32
      %dma_start3A_94 = arith.constant 0 : i32
      %dma_start3A_95 = tpu.memref_slice %arg8[%dma_start3A_93, %dma_start3A_94] : memref<160x128xi32, #tpu.memory_space<vmem>> -> memref<1x128xi32, #tpu.memory_space<vmem>>
      %dma_start3A_96 = tpu.memref_squeeze %dma_start3A_95 : memref<1x128xi32, #tpu.memory_space<vmem>> -> memref<128xi32, #tpu.memory_space<vmem>>
      %dma_start3A_97 = arith.constant 0 : i32
      %dma_start3A_98 = arith.constant 0 : i32
      %dma_start3A_99 = tpu.memref_slice %arg4[%dma_start3A_97, %dma_start3A_98] : memref<10240x64xf32, #tpu.memory_space<hbm>> -> memref<10240x64xf32, #tpu.memory_space<hbm>>
      tpu.enqueue_indirect_dma source(%dma_start3A_99 : memref<10240x64xf32, #tpu.memory_space<hbm>>) target(%arg11 : memref<128x64xf32, #tpu.memory_space<vmem>>) offsets(%dma_start3A_96 : memref<128xi32, #tpu.memory_space<vmem>>) semaphore(%arg17 : memref<!tpu.dma_semaphore, #tpu.memory_space<semaphore_mem>>)
      %dma_start3A_100 = arith.constant 2 : i32
      %dma_start3A_101 = arith.constant 0 : i32
      %dma_start3A_102 = tpu.memref_slice %arg8[%dma_start3A_100, %dma_start3A_101] : memref<160x128xi32, #tpu.memory_space<vmem>> -> memref<1x128xi32, #tpu.memory_space<vmem>>
      %dma_start3A_103 = tpu.memref_squeeze %dma_start3A_102 : memref<1x128xi32, #tpu.memory_space<vmem>> -> memref<128xi32, #tpu.memory_space<vmem>>
      %dma_start3A_104 = arith.constant 0 : i32
      %dma_start3A_105 = arith.constant 0 : i32
      %dma_start3A_106 = tpu.memref_slice %arg4[%dma_start3A_104, %dma_start3A_105] : memref<10240x64xf32, #tpu.memory_space<hbm>> -> memref<10240x64xf32, #tpu.memory_space<hbm>>
      tpu.enqueue_indirect_dma source(%dma_start3A_106 : memref<10240x64xf32, #tpu.memory_space<hbm>>) target(%arg12 : memref<128x64xf32, #tpu.memory_space<vmem>>) offsets(%dma_start3A_103 : memref<128xi32, #tpu.memory_space<vmem>>) semaphore(%arg18 : memref<!tpu.dma_semaphore, #tpu.memory_space<semaphore_mem>>)
      %dma_start3A_107 = arith.constant 3 : i32
      %dma_start3A_108 = arith.constant 0 : i32
      %dma_start3A_109 = tpu.memref_slice %arg8[%dma_start3A_107, %dma_start3A_108] : memref<160x128xi32, #tpu.memory_space<vmem>> -> memref<1x128xi32, #tpu.memory_space<vmem>>
      %dma_start3A_110 = tpu.memref_squeeze %dma_start3A_109 : memref<1x128xi32, #tpu.memory_space<vmem>> -> memref<128xi32, #tpu.memory_space<vmem>>
      %dma_start3A_111 = arith.constant 0 : i32
      %dma_start3A_112 = arith.constant 0 : i32
      %dma_start3A_113 = tpu.memref_slice %arg4[%dma_start3A_111, %dma_start3A_112] : memref<10240x64xf32, #tpu.memory_space<hbm>> -> memref<10240x64xf32, #tpu.memory_space<hbm>>
      tpu.enqueue_indirect_dma source(%dma_start3A_113 : memref<10240x64xf32, #tpu.memory_space<hbm>>) target(%arg13 : memref<128x64xf32, #tpu.memory_space<vmem>>) offsets(%dma_start3A_110 : memref<128xi32, #tpu.memory_space<vmem>>) semaphore(%arg19 : memref<!tpu.dma_semaphore, #tpu.memory_space<semaphore_mem>>)
      %dma_start3A_114 = arith.constant 4 : i32
      %dma_start3A_115 = arith.constant 0 : i32
      %dma_start3A_116 = tpu.memref_slice %arg8[%dma_start3A_114, %dma_start3A_115] : memref<160x128xi32, #tpu.memory_space<vmem>> -> memref<1x128xi32, #tpu.memory_space<vmem>>
      %dma_start3A_117 = tpu.memref_squeeze %dma_start3A_116 : memref<1x128xi32, #tpu.memory_space<vmem>> -> memref<128xi32, #tpu.memory_space<vmem>>
      %dma_start3A_118 = arith.constant 0 : i32
      %dma_start3A_119 = arith.constant 0 : i32
      %dma_start3A_120 = tpu.memref_slice %arg4[%dma_start3A_118, %dma_start3A_119] : memref<10240x64xf32, #tpu.memory_space<hbm>> -> memref<10240x64xf32, #tpu.memory_space<hbm>>
      tpu.enqueue_indirect_dma source(%dma_start3A_120 : memref<10240x64xf32, #tpu.memory_space<hbm>>) target(%arg14 : memref<128x64xf32, #tpu.memory_space<vmem>>) offsets(%dma_start3A_117 : memref<128xi32, #tpu.memory_space<vmem>>) semaphore(%arg20 : memref<!tpu.dma_semaphore, #tpu.memory_space<semaphore_mem>>)
      %scan3A_121 = arith.constant 0 : i32
      %scan3A_122 = arith.constant 32 : i32
      %scan3A_123 = arith.addi %scan3A_121, %scan3A_122 : i32
      %scan3A_124 = arith.constant 1 : i32
      scf.for %scan3A_126 = %scan3A_121 to %scan3A_123 step %scan3A_124  : i32 {
        %mul3A_127 = arith.constant 1 : i32
        %mul3A_128 = arith.muli %scan3A_126, %mul3A_127 : i32
        %add3A_129 = arith.constant 0 : i32
        %add3A_130 = arith.addi %add3A_129, %mul3A_128 : i32
        %mul3A_131 = arith.constant 5 : i32
        %mul3A_132 = arith.muli %add3A_130, %mul3A_131 : i32
        %dma_wait3A = arith.constant 0 : i32
        %dma_wait3A_133 = arith.constant 0 : i32
        %dma_wait3A_134 = tpu.memref_slice %arg8[%dma_wait3A, %dma_wait3A_133] : memref<160x128xi32, #tpu.memory_space<vmem>> -> memref<1x128xi32, #tpu.memory_space<vmem>>
        %dma_wait3A_135 = tpu.memref_squeeze %dma_wait3A_134 : memref<1x128xi32, #tpu.memory_space<vmem>> -> memref<128xi32, #tpu.memory_space<vmem>>
        %dma_wait3A_136 = arith.constant 0 : i32
        %dma_wait3A_137 = arith.constant 0 : i32
        %dma_wait3A_138 = tpu.memref_slice %arg4[%dma_wait3A_136, %dma_wait3A_137] : memref<10240x64xf32, #tpu.memory_space<hbm>> -> memref<10240x64xf32, #tpu.memory_space<hbm>>
        tpu.wait_indirect_dma semaphore(%arg16 : memref<!tpu.dma_semaphore, #tpu.memory_space<semaphore_mem>>) src(%dma_wait3A_138 : memref<10240x64xf32, #tpu.memory_space<hbm>>) dst(%arg10 : memref<128x64xf32, #tpu.memory_space<vmem>>)
        %add3A_139 = arith.constant 0 : i32
        %add3A_140 = arith.addi %mul3A_132, %add3A_139 : i32
        %dma_start3A_141 = arith.constant 0 : i32
        %dma_start3A_142 = tpu.memref_slice %arg9[%add3A_140, %dma_start3A_141] : memref<160x128xi32, #tpu.memory_space<vmem>> -> memref<1x128xi32, #tpu.memory_space<vmem>>
        %dma_start3A_143 = tpu.memref_squeeze %dma_start3A_142 : memref<1x128xi32, #tpu.memory_space<vmem>> -> memref<128xi32, #tpu.memory_space<vmem>>
        %dma_start3A_144 = arith.constant 0 : i32
        %dma_start3A_145 = arith.constant 0 : i32
        %dma_start3A_146 = tpu.memref_slice %arg15[%dma_start3A_144, %dma_start3A_145] : memref<10240x64xf32, #tpu.memory_space<vmem_shared>> -> memref<10240x64xf32, #tpu.memory_space<vmem_shared>>
        tpu.enqueue_indirect_dma source(%arg10 : memref<128x64xf32, #tpu.memory_space<vmem>>) target(%dma_start3A_146 : memref<10240x64xf32, #tpu.memory_space<vmem_shared>>) offsets(%dma_start3A_143 : memref<128xi32, #tpu.memory_space<vmem>>) semaphore(%arg21 : memref<!tpu.dma_semaphore, #tpu.memory_space<semaphore_mem>>) {add = true}
        %dma_wait3A_147 = arith.constant 0 : i32
        %dma_wait3A_148 = arith.constant 0 : i32
        %dma_wait3A_149 = tpu.memref_slice %arg8[%dma_wait3A_147, %dma_wait3A_148] : memref<160x128xi32, #tpu.memory_space<vmem>> -> memref<1x128xi32, #tpu.memory_space<vmem>>
        %dma_wait3A_150 = tpu.memref_squeeze %dma_wait3A_149 : memref<1x128xi32, #tpu.memory_space<vmem>> -> memref<128xi32, #tpu.memory_space<vmem>>
        %dma_wait3A_151 = arith.constant 0 : i32
        %dma_wait3A_152 = arith.constant 0 : i32
        %dma_wait3A_153 = tpu.memref_slice %arg4[%dma_wait3A_151, %dma_wait3A_152] : memref<10240x64xf32, #tpu.memory_space<hbm>> -> memref<10240x64xf32, #tpu.memory_space<hbm>>
        tpu.wait_indirect_dma semaphore(%arg17 : memref<!tpu.dma_semaphore, #tpu.memory_space<semaphore_mem>>) src(%dma_wait3A_153 : memref<10240x64xf32, #tpu.memory_space<hbm>>) dst(%arg11 : memref<128x64xf32, #tpu.memory_space<vmem>>)
        %add3A_154 = arith.constant 1 : i32
        %add3A_155 = arith.addi %mul3A_132, %add3A_154 : i32
        %dma_start3A_156 = arith.constant 0 : i32
        %dma_start3A_157 = tpu.memref_slice %arg9[%add3A_155, %dma_start3A_156] : memref<160x128xi32, #tpu.memory_space<vmem>> -> memref<1x128xi32, #tpu.memory_space<vmem>>
        %dma_start3A_158 = tpu.memref_squeeze %dma_start3A_157 : memref<1x128xi32, #tpu.memory_space<vmem>> -> memref<128xi32, #tpu.memory_space<vmem>>
        %dma_start3A_159 = arith.constant 0 : i32
        %dma_start3A_160 = arith.constant 0 : i32
        %dma_start3A_161 = tpu.memref_slice %arg15[%dma_start3A_159, %dma_start3A_160] : memref<10240x64xf32, #tpu.memory_space<vmem_shared>> -> memref<10240x64xf32, #tpu.memory_space<vmem_shared>>
        tpu.enqueue_indirect_dma source(%arg11 : memref<128x64xf32, #tpu.memory_space<vmem>>) target(%dma_start3A_161 : memref<10240x64xf32, #tpu.memory_space<vmem_shared>>) offsets(%dma_start3A_158 : memref<128xi32, #tpu.memory_space<vmem>>) semaphore(%arg22 : memref<!tpu.dma_semaphore, #tpu.memory_space<semaphore_mem>>) {add = true}
        %dma_wait3A_162 = arith.constant 0 : i32
        %dma_wait3A_163 = arith.constant 0 : i32
        %dma_wait3A_164 = tpu.memref_slice %arg8[%dma_wait3A_162, %dma_wait3A_163] : memref<160x128xi32, #tpu.memory_space<vmem>> -> memref<1x128xi32, #tpu.memory_space<vmem>>
        %dma_wait3A_165 = tpu.memref_squeeze %dma_wait3A_164 : memref<1x128xi32, #tpu.memory_space<vmem>> -> memref<128xi32, #tpu.memory_space<vmem>>
        %dma_wait3A_166 = arith.constant 0 : i32
        %dma_wait3A_167 = arith.constant 0 : i32
        %dma_wait3A_168 = tpu.memref_slice %arg4[%dma_wait3A_166, %dma_wait3A_167] : memref<10240x64xf32, #tpu.memory_space<hbm>> -> memref<10240x64xf32, #tpu.memory_space<hbm>>
        tpu.wait_indirect_dma semaphore(%arg18 : memref<!tpu.dma_semaphore, #tpu.memory_space<semaphore_mem>>) src(%dma_wait3A_168 : memref<10240x64xf32, #tpu.memory_space<hbm>>) dst(%arg12 : memref<128x64xf32, #tpu.memory_space<vmem>>)
        %add3A_169 = arith.constant 2 : i32
        %add3A_170 = arith.addi %mul3A_132, %add3A_169 : i32
        %dma_start3A_171 = arith.constant 0 : i32
        %dma_start3A_172 = tpu.memref_slice %arg9[%add3A_170, %dma_start3A_171] : memref<160x128xi32, #tpu.memory_space<vmem>> -> memref<1x128xi32, #tpu.memory_space<vmem>>
        %dma_start3A_173 = tpu.memref_squeeze %dma_start3A_172 : memref<1x128xi32, #tpu.memory_space<vmem>> -> memref<128xi32, #tpu.memory_space<vmem>>
        %dma_start3A_174 = arith.constant 0 : i32
        %dma_start3A_175 = arith.constant 0 : i32
        %dma_start3A_176 = tpu.memref_slice %arg15[%dma_start3A_174, %dma_start3A_175] : memref<10240x64xf32, #tpu.memory_space<vmem_shared>> -> memref<10240x64xf32, #tpu.memory_space<vmem_shared>>
        tpu.enqueue_indirect_dma source(%arg12 : memref<128x64xf32, #tpu.memory_space<vmem>>) target(%dma_start3A_176 : memref<10240x64xf32, #tpu.memory_space<vmem_shared>>) offsets(%dma_start3A_173 : memref<128xi32, #tpu.memory_space<vmem>>) semaphore(%arg23 : memref<!tpu.dma_semaphore, #tpu.memory_space<semaphore_mem>>) {add = true}
        %dma_wait3A_177 = arith.constant 0 : i32
        %dma_wait3A_178 = arith.constant 0 : i32
        %dma_wait3A_179 = tpu.memref_slice %arg8[%dma_wait3A_177, %dma_wait3A_178] : memref<160x128xi32, #tpu.memory_space<vmem>> -> memref<1x128xi32, #tpu.memory_space<vmem>>
        %dma_wait3A_180 = tpu.memref_squeeze %dma_wait3A_179 : memref<1x128xi32, #tpu.memory_space<vmem>> -> memref<128xi32, #tpu.memory_space<vmem>>
        %dma_wait3A_181 = arith.constant 0 : i32
        %dma_wait3A_182 = arith.constant 0 : i32
        %dma_wait3A_183 = tpu.memref_slice %arg4[%dma_wait3A_181, %dma_wait3A_182] : memref<10240x64xf32, #tpu.memory_space<hbm>> -> memref<10240x64xf32, #tpu.memory_space<hbm>>
        tpu.wait_indirect_dma semaphore(%arg19 : memref<!tpu.dma_semaphore, #tpu.memory_space<semaphore_mem>>) src(%dma_wait3A_183 : memref<10240x64xf32, #tpu.memory_space<hbm>>) dst(%arg13 : memref<128x64xf32, #tpu.memory_space<vmem>>)
        %add3A_184 = arith.constant 3 : i32
        %add3A_185 = arith.addi %mul3A_132, %add3A_184 : i32
        %dma_start3A_186 = arith.constant 0 : i32
        %dma_start3A_187 = tpu.memref_slice %arg9[%add3A_185, %dma_start3A_186] : memref<160x128xi32, #tpu.memory_space<vmem>> -> memref<1x128xi32, #tpu.memory_space<vmem>>
        %dma_start3A_188 = tpu.memref_squeeze %dma_start3A_187 : memref<1x128xi32, #tpu.memory_space<vmem>> -> memref<128xi32, #tpu.memory_space<vmem>>
        %dma_start3A_189 = arith.constant 0 : i32
        %dma_start3A_190 = arith.constant 0 : i32
        %dma_start3A_191 = tpu.memref_slice %arg15[%dma_start3A_189, %dma_start3A_190] : memref<10240x64xf32, #tpu.memory_space<vmem_shared>> -> memref<10240x64xf32, #tpu.memory_space<vmem_shared>>
        tpu.enqueue_indirect_dma source(%arg13 : memref<128x64xf32, #tpu.memory_space<vmem>>) target(%dma_start3A_191 : memref<10240x64xf32, #tpu.memory_space<vmem_shared>>) offsets(%dma_start3A_188 : memref<128xi32, #tpu.memory_space<vmem>>) semaphore(%arg24 : memref<!tpu.dma_semaphore, #tpu.memory_space<semaphore_mem>>) {add = true}
        %dma_wait3A_192 = arith.constant 0 : i32
        %dma_wait3A_193 = arith.constant 0 : i32
        %dma_wait3A_194 = tpu.memref_slice %arg8[%dma_wait3A_192, %dma_wait3A_193] : memref<160x128xi32, #tpu.memory_space<vmem>> -> memref<1x128xi32, #tpu.memory_space<vmem>>
        %dma_wait3A_195 = tpu.memref_squeeze %dma_wait3A_194 : memref<1x128xi32, #tpu.memory_space<vmem>> -> memref<128xi32, #tpu.memory_space<vmem>>
        %dma_wait3A_196 = arith.constant 0 : i32
        %dma_wait3A_197 = arith.constant 0 : i32
        %dma_wait3A_198 = tpu.memref_slice %arg4[%dma_wait3A_196, %dma_wait3A_197] : memref<10240x64xf32, #tpu.memory_space<hbm>> -> memref<10240x64xf32, #tpu.memory_space<hbm>>
        tpu.wait_indirect_dma semaphore(%arg20 : memref<!tpu.dma_semaphore, #tpu.memory_space<semaphore_mem>>) src(%dma_wait3A_198 : memref<10240x64xf32, #tpu.memory_space<hbm>>) dst(%arg14 : memref<128x64xf32, #tpu.memory_space<vmem>>)
        %add3A_199 = arith.constant 4 : i32
        %add3A_200 = arith.addi %mul3A_132, %add3A_199 : i32
        %dma_start3A_201 = arith.constant 0 : i32
        %dma_start3A_202 = tpu.memref_slice %arg9[%add3A_200, %dma_start3A_201] : memref<160x128xi32, #tpu.memory_space<vmem>> -> memref<1x128xi32, #tpu.memory_space<vmem>>
        %dma_start3A_203 = tpu.memref_squeeze %dma_start3A_202 : memref<1x128xi32, #tpu.memory_space<vmem>> -> memref<128xi32, #tpu.memory_space<vmem>>
        %dma_start3A_204 = arith.constant 0 : i32
        %dma_start3A_205 = arith.constant 0 : i32
        %dma_start3A_206 = tpu.memref_slice %arg15[%dma_start3A_204, %dma_start3A_205] : memref<10240x64xf32, #tpu.memory_space<vmem_shared>> -> memref<10240x64xf32, #tpu.memory_space<vmem_shared>>
        tpu.enqueue_indirect_dma source(%arg14 : memref<128x64xf32, #tpu.memory_space<vmem>>) target(%dma_start3A_206 : memref<10240x64xf32, #tpu.memory_space<vmem_shared>>) offsets(%dma_start3A_203 : memref<128xi32, #tpu.memory_space<vmem>>) semaphore(%arg25 : memref<!tpu.dma_semaphore, #tpu.memory_space<semaphore_mem>>) {add = true}
        %dma_wait3A_207 = arith.constant 0 : i32
        %dma_wait3A_208 = arith.constant 0 : i32
        %dma_wait3A_209 = tpu.memref_slice %arg9[%dma_wait3A_207, %dma_wait3A_208] : memref<160x128xi32, #tpu.memory_space<vmem>> -> memref<1x128xi32, #tpu.memory_space<vmem>>
        %dma_wait3A_210 = tpu.memref_squeeze %dma_wait3A_209 : memref<1x128xi32, #tpu.memory_space<vmem>> -> memref<128xi32, #tpu.memory_space<vmem>>
        %dma_wait3A_211 = arith.constant 0 : i32
        %dma_wait3A_212 = arith.constant 0 : i32
        %dma_wait3A_213 = tpu.memref_slice %arg15[%dma_wait3A_211, %dma_wait3A_212] : memref<10240x64xf32, #tpu.memory_space<vmem_shared>> -> memref<10240x64xf32, #tpu.memory_space<vmem_shared>>
        tpu.wait_indirect_dma semaphore(%arg21 : memref<!tpu.dma_semaphore, #tpu.memory_space<semaphore_mem>>) src(%arg10 : memref<128x64xf32, #tpu.memory_space<vmem>>) dst(%dma_wait3A_213 : memref<10240x64xf32, #tpu.memory_space<vmem_shared>>)
        %lt3A = arith.constant 31 : i32
        %lt3A_214 = arith.cmpi slt, %add3A_130, %lt3A : i32
        %convert_element_type3A_215 = arith.extui %lt3A_214 : i1 to i32
        %cond3A_216 = arith.constant 0 : i32
        %cond3A_217 = arith.cmpi ne, %convert_element_type3A_215, %cond3A_216 : i32
        scf.if %cond3A_217 {
          %add3A_266 = arith.constant 5 : i32
          %add3A_267 = arith.addi %mul3A_132, %add3A_266 : i32
          %add3A_268 = arith.constant 0 : i32
          %add3A_269 = arith.addi %add3A_267, %add3A_268 : i32
          %dma_start3A_270 = arith.constant 0 : i32
          %dma_start3A_271 = tpu.memref_slice %arg8[%add3A_269, %dma_start3A_270] : memref<160x128xi32, #tpu.memory_space<vmem>> -> memref<1x128xi32, #tpu.memory_space<vmem>>
          %dma_start3A_272 = tpu.memref_squeeze %dma_start3A_271 : memref<1x128xi32, #tpu.memory_space<vmem>> -> memref<128xi32, #tpu.memory_space<vmem>>
          %dma_start3A_273 = arith.constant 0 : i32
          %dma_start3A_274 = arith.constant 0 : i32
          %dma_start3A_275 = tpu.memref_slice %arg4[%dma_start3A_273, %dma_start3A_274] : memref<10240x64xf32, #tpu.memory_space<hbm>> -> memref<10240x64xf32, #tpu.memory_space<hbm>>
          tpu.enqueue_indirect_dma source(%dma_start3A_275 : memref<10240x64xf32, #tpu.memory_space<hbm>>) target(%arg10 : memref<128x64xf32, #tpu.memory_space<vmem>>) offsets(%dma_start3A_272 : memref<128xi32, #tpu.memory_space<vmem>>) semaphore(%arg16 : memref<!tpu.dma_semaphore, #tpu.memory_space<semaphore_mem>>)
        } else {
        }
        %dma_wait3A_218 = arith.constant 0 : i32
        %dma_wait3A_219 = arith.constant 0 : i32
        %dma_wait3A_220 = tpu.memref_slice %arg9[%dma_wait3A_218, %dma_wait3A_219] : memref<160x128xi32, #tpu.memory_space<vmem>> -> memref<1x128xi32, #tpu.memory_space<vmem>>
        %dma_wait3A_221 = tpu.memref_squeeze %dma_wait3A_220 : memref<1x128xi32, #tpu.memory_space<vmem>> -> memref<128xi32, #tpu.memory_space<vmem>>
        %dma_wait3A_222 = arith.constant 0 : i32
        %dma_wait3A_223 = arith.constant 0 : i32
        %dma_wait3A_224 = tpu.memref_slice %arg15[%dma_wait3A_222, %dma_wait3A_223] : memref<10240x64xf32, #tpu.memory_space<vmem_shared>> -> memref<10240x64xf32, #tpu.memory_space<vmem_shared>>
        tpu.wait_indirect_dma semaphore(%arg22 : memref<!tpu.dma_semaphore, #tpu.memory_space<semaphore_mem>>) src(%arg11 : memref<128x64xf32, #tpu.memory_space<vmem>>) dst(%dma_wait3A_224 : memref<10240x64xf32, #tpu.memory_space<vmem_shared>>)
        %lt3A_225 = arith.constant 31 : i32
        %lt3A_226 = arith.cmpi slt, %add3A_130, %lt3A_225 : i32
        %convert_element_type3A_227 = arith.extui %lt3A_226 : i1 to i32
        %cond3A_228 = arith.constant 0 : i32
        %cond3A_229 = arith.cmpi ne, %convert_element_type3A_227, %cond3A_228 : i32
        scf.if %cond3A_229 {
          %add3A_266 = arith.constant 5 : i32
          %add3A_267 = arith.addi %mul3A_132, %add3A_266 : i32
          %add3A_268 = arith.constant 1 : i32
          %add3A_269 = arith.addi %add3A_267, %add3A_268 : i32
          %dma_start3A_270 = arith.constant 0 : i32
          %dma_start3A_271 = tpu.memref_slice %arg8[%add3A_269, %dma_start3A_270] : memref<160x128xi32, #tpu.memory_space<vmem>> -> memref<1x128xi32, #tpu.memory_space<vmem>>
          %dma_start3A_272 = tpu.memref_squeeze %dma_start3A_271 : memref<1x128xi32, #tpu.memory_space<vmem>> -> memref<128xi32, #tpu.memory_space<vmem>>
          %dma_start3A_273 = arith.constant 0 : i32
          %dma_start3A_274 = arith.constant 0 : i32
          %dma_start3A_275 = tpu.memref_slice %arg4[%dma_start3A_273, %dma_start3A_274] : memref<10240x64xf32, #tpu.memory_space<hbm>> -> memref<10240x64xf32, #tpu.memory_space<hbm>>
          tpu.enqueue_indirect_dma source(%dma_start3A_275 : memref<10240x64xf32, #tpu.memory_space<hbm>>) target(%arg11 : memref<128x64xf32, #tpu.memory_space<vmem>>) offsets(%dma_start3A_272 : memref<128xi32, #tpu.memory_space<vmem>>) semaphore(%arg17 : memref<!tpu.dma_semaphore, #tpu.memory_space<semaphore_mem>>)
        } else {
        }
        %dma_wait3A_230 = arith.constant 0 : i32
        %dma_wait3A_231 = arith.constant 0 : i32
        %dma_wait3A_232 = tpu.memref_slice %arg9[%dma_wait3A_230, %dma_wait3A_231] : memref<160x128xi32, #tpu.memory_space<vmem>> -> memref<1x128xi32, #tpu.memory_space<vmem>>
        %dma_wait3A_233 = tpu.memref_squeeze %dma_wait3A_232 : memref<1x128xi32, #tpu.memory_space<vmem>> -> memref<128xi32, #tpu.memory_space<vmem>>
        %dma_wait3A_234 = arith.constant 0 : i32
        %dma_wait3A_235 = arith.constant 0 : i32
        %dma_wait3A_236 = tpu.memref_slice %arg15[%dma_wait3A_234, %dma_wait3A_235] : memref<10240x64xf32, #tpu.memory_space<vmem_shared>> -> memref<10240x64xf32, #tpu.memory_space<vmem_shared>>
        tpu.wait_indirect_dma semaphore(%arg23 : memref<!tpu.dma_semaphore, #tpu.memory_space<semaphore_mem>>) src(%arg12 : memref<128x64xf32, #tpu.memory_space<vmem>>) dst(%dma_wait3A_236 : memref<10240x64xf32, #tpu.memory_space<vmem_shared>>)
        %lt3A_237 = arith.constant 31 : i32
        %lt3A_238 = arith.cmpi slt, %add3A_130, %lt3A_237 : i32
        %convert_element_type3A_239 = arith.extui %lt3A_238 : i1 to i32
        %cond3A_240 = arith.constant 0 : i32
        %cond3A_241 = arith.cmpi ne, %convert_element_type3A_239, %cond3A_240 : i32
        scf.if %cond3A_241 {
          %add3A_266 = arith.constant 5 : i32
          %add3A_267 = arith.addi %mul3A_132, %add3A_266 : i32
          %add3A_268 = arith.constant 2 : i32
          %add3A_269 = arith.addi %add3A_267, %add3A_268 : i32
          %dma_start3A_270 = arith.constant 0 : i32
          %dma_start3A_271 = tpu.memref_slice %arg8[%add3A_269, %dma_start3A_270] : memref<160x128xi32, #tpu.memory_space<vmem>> -> memref<1x128xi32, #tpu.memory_space<vmem>>
          %dma_start3A_272 = tpu.memref_squeeze %dma_start3A_271 : memref<1x128xi32, #tpu.memory_space<vmem>> -> memref<128xi32, #tpu.memory_space<vmem>>
          %dma_start3A_273 = arith.constant 0 : i32
          %dma_start3A_274 = arith.constant 0 : i32
          %dma_start3A_275 = tpu.memref_slice %arg4[%dma_start3A_273, %dma_start3A_274] : memref<10240x64xf32, #tpu.memory_space<hbm>> -> memref<10240x64xf32, #tpu.memory_space<hbm>>
          tpu.enqueue_indirect_dma source(%dma_start3A_275 : memref<10240x64xf32, #tpu.memory_space<hbm>>) target(%arg12 : memref<128x64xf32, #tpu.memory_space<vmem>>) offsets(%dma_start3A_272 : memref<128xi32, #tpu.memory_space<vmem>>) semaphore(%arg18 : memref<!tpu.dma_semaphore, #tpu.memory_space<semaphore_mem>>)
        } else {
        }
        %dma_wait3A_242 = arith.constant 0 : i32
        %dma_wait3A_243 = arith.constant 0 : i32
        %dma_wait3A_244 = tpu.memref_slice %arg9[%dma_wait3A_242, %dma_wait3A_243] : memref<160x128xi32, #tpu.memory_space<vmem>> -> memref<1x128xi32, #tpu.memory_space<vmem>>
        %dma_wait3A_245 = tpu.memref_squeeze %dma_wait3A_244 : memref<1x128xi32, #tpu.memory_space<vmem>> -> memref<128xi32, #tpu.memory_space<vmem>>
        %dma_wait3A_246 = arith.constant 0 : i32
        %dma_wait3A_247 = arith.constant 0 : i32
        %dma_wait3A_248 = tpu.memref_slice %arg15[%dma_wait3A_246, %dma_wait3A_247] : memref<10240x64xf32, #tpu.memory_space<vmem_shared>> -> memref<10240x64xf32, #tpu.memory_space<vmem_shared>>
        tpu.wait_indirect_dma semaphore(%arg24 : memref<!tpu.dma_semaphore, #tpu.memory_space<semaphore_mem>>) src(%arg13 : memref<128x64xf32, #tpu.memory_space<vmem>>) dst(%dma_wait3A_248 : memref<10240x64xf32, #tpu.memory_space<vmem_shared>>)
        %lt3A_249 = arith.constant 31 : i32
        %lt3A_250 = arith.cmpi slt, %add3A_130, %lt3A_249 : i32
        %convert_element_type3A_251 = arith.extui %lt3A_250 : i1 to i32
        %cond3A_252 = arith.constant 0 : i32
        %cond3A_253 = arith.cmpi ne, %convert_element_type3A_251, %cond3A_252 : i32
        scf.if %cond3A_253 {
          %add3A_266 = arith.constant 5 : i32
          %add3A_267 = arith.addi %mul3A_132, %add3A_266 : i32
          %add3A_268 = arith.constant 3 : i32
          %add3A_269 = arith.addi %add3A_267, %add3A_268 : i32
          %dma_start3A_270 = arith.constant 0 : i32
          %dma_start3A_271 = tpu.memref_slice %arg8[%add3A_269, %dma_start3A_270] : memref<160x128xi32, #tpu.memory_space<vmem>> -> memref<1x128xi32, #tpu.memory_space<vmem>>
          %dma_start3A_272 = tpu.memref_squeeze %dma_start3A_271 : memref<1x128xi32, #tpu.memory_space<vmem>> -> memref<128xi32, #tpu.memory_space<vmem>>
          %dma_start3A_273 = arith.constant 0 : i32
          %dma_start3A_274 = arith.constant 0 : i32
          %dma_start3A_275 = tpu.memref_slice %arg4[%dma_start3A_273, %dma_start3A_274] : memref<10240x64xf32, #tpu.memory_space<hbm>> -> memref<10240x64xf32, #tpu.memory_space<hbm>>
          tpu.enqueue_indirect_dma source(%dma_start3A_275 : memref<10240x64xf32, #tpu.memory_space<hbm>>) target(%arg13 : memref<128x64xf32, #tpu.memory_space<vmem>>) offsets(%dma_start3A_272 : memref<128xi32, #tpu.memory_space<vmem>>) semaphore(%arg19 : memref<!tpu.dma_semaphore, #tpu.memory_space<semaphore_mem>>)
        } else {
        }
        %dma_wait3A_254 = arith.constant 0 : i32
        %dma_wait3A_255 = arith.constant 0 : i32
        %dma_wait3A_256 = tpu.memref_slice %arg9[%dma_wait3A_254, %dma_wait3A_255] : memref<160x128xi32, #tpu.memory_space<vmem>> -> memref<1x128xi32, #tpu.memory_space<vmem>>
        %dma_wait3A_257 = tpu.memref_squeeze %dma_wait3A_256 : memref<1x128xi32, #tpu.memory_space<vmem>> -> memref<128xi32, #tpu.memory_space<vmem>>
        %dma_wait3A_258 = arith.constant 0 : i32
        %dma_wait3A_259 = arith.constant 0 : i32
        %dma_wait3A_260 = tpu.memref_slice %arg15[%dma_wait3A_258, %dma_wait3A_259] : memref<10240x64xf32, #tpu.memory_space<vmem_shared>> -> memref<10240x64xf32, #tpu.memory_space<vmem_shared>>
        tpu.wait_indirect_dma semaphore(%arg25 : memref<!tpu.dma_semaphore, #tpu.memory_space<semaphore_mem>>) src(%arg14 : memref<128x64xf32, #tpu.memory_space<vmem>>) dst(%dma_wait3A_260 : memref<10240x64xf32, #tpu.memory_space<vmem_shared>>)
        %lt3A_261 = arith.constant 31 : i32
        %lt3A_262 = arith.cmpi slt, %add3A_130, %lt3A_261 : i32
        %convert_element_type3A_263 = arith.extui %lt3A_262 : i1 to i32
        %cond3A_264 = arith.constant 0 : i32
        %cond3A_265 = arith.cmpi ne, %convert_element_type3A_263, %cond3A_264 : i32
        scf.if %cond3A_265 {
          %add3A_266 = arith.constant 5 : i32
          %add3A_267 = arith.addi %mul3A_132, %add3A_266 : i32
          %add3A_268 = arith.constant 4 : i32
          %add3A_269 = arith.addi %add3A_267, %add3A_268 : i32
          %dma_start3A_270 = arith.constant 0 : i32
          %dma_start3A_271 = tpu.memref_slice %arg8[%add3A_269, %dma_start3A_270] : memref<160x128xi32, #tpu.memory_space<vmem>> -> memref<1x128xi32, #tpu.memory_space<vmem>>
          %dma_start3A_272 = tpu.memref_squeeze %dma_start3A_271 : memref<1x128xi32, #tpu.memory_space<vmem>> -> memref<128xi32, #tpu.memory_space<vmem>>
          %dma_start3A_273 = arith.constant 0 : i32
          %dma_start3A_274 = arith.constant 0 : i32
          %dma_start3A_275 = tpu.memref_slice %arg4[%dma_start3A_273, %dma_start3A_274] : memref<10240x64xf32, #tpu.memory_space<hbm>> -> memref<10240x64xf32, #tpu.memory_space<hbm>>
          tpu.enqueue_indirect_dma source(%dma_start3A_275 : memref<10240x64xf32, #tpu.memory_space<hbm>>) target(%arg14 : memref<128x64xf32, #tpu.memory_space<vmem>>) offsets(%dma_start3A_272 : memref<128xi32, #tpu.memory_space<vmem>>) semaphore(%arg20 : memref<!tpu.dma_semaphore, #tpu.memory_space<semaphore_mem>>)
        } else {
        }
      }
      %scan3A_125 = arith.constant 32 : i32
    } else {
    }
    %eq3A_21 = arith.constant 1 : i32
    %eq3A_22 = arith.cmpi eq, %arg0, %eq3A_21 : i32
    %convert_element_type3A_23 = arith.extui %eq3A_22 : i1 to i32
    %cond3A_24 = arith.constant 0 : i32
    %cond3A_25 = arith.cmpi ne, %convert_element_type3A_23, %cond3A_24 : i32
    scf.if %cond3A_25 {
      %dma_start3A = arith.constant 0 : i32
      %dma_start3A_87 = arith.constant 0 : i32
      %dma_start3A_88 = tpu.memref_slice %arg8[%dma_start3A, %dma_start3A_87] : memref<160x128xi32, #tpu.memory_space<vmem>> -> memref<1x128xi32, #tpu.memory_space<vmem>>
      %dma_start3A_89 = tpu.memref_squeeze %dma_start3A_88 : memref<1x128xi32, #tpu.memory_space<vmem>> -> memref<128xi32, #tpu.memory_space<vmem>>
      %dma_start3A_90 = arith.constant 0 : i32
      %dma_start3A_91 = arith.constant 0 : i32
      %dma_start3A_92 = tpu.memref_slice %arg5[%dma_start3A_90, %dma_start3A_91] : memref<10240x64xf32, #tpu.memory_space<hbm>> -> memref<10240x64xf32, #tpu.memory_space<hbm>>
      tpu.enqueue_indirect_dma source(%dma_start3A_92 : memref<10240x64xf32, #tpu.memory_space<hbm>>) target(%arg10 : memref<128x64xf32, #tpu.memory_space<vmem>>) offsets(%dma_start3A_89 : memref<128xi32, #tpu.memory_space<vmem>>) semaphore(%arg16 : memref<!tpu.dma_semaphore, #tpu.memory_space<semaphore_mem>>)
      %dma_start3A_93 = arith.constant 1 : i32
      %dma_start3A_94 = arith.constant 0 : i32
      %dma_start3A_95 = tpu.memref_slice %arg8[%dma_start3A_93, %dma_start3A_94] : memref<160x128xi32, #tpu.memory_space<vmem>> -> memref<1x128xi32, #tpu.memory_space<vmem>>
      %dma_start3A_96 = tpu.memref_squeeze %dma_start3A_95 : memref<1x128xi32, #tpu.memory_space<vmem>> -> memref<128xi32, #tpu.memory_space<vmem>>
      %dma_start3A_97 = arith.constant 0 : i32
      %dma_start3A_98 = arith.constant 0 : i32
      %dma_start3A_99 = tpu.memref_slice %arg5[%dma_start3A_97, %dma_start3A_98] : memref<10240x64xf32, #tpu.memory_space<hbm>> -> memref<10240x64xf32, #tpu.memory_space<hbm>>
      tpu.enqueue_indirect_dma source(%dma_start3A_99 : memref<10240x64xf32, #tpu.memory_space<hbm>>) target(%arg11 : memref<128x64xf32, #tpu.memory_space<vmem>>) offsets(%dma_start3A_96 : memref<128xi32, #tpu.memory_space<vmem>>) semaphore(%arg17 : memref<!tpu.dma_semaphore, #tpu.memory_space<semaphore_mem>>)
      %dma_start3A_100 = arith.constant 2 : i32
      %dma_start3A_101 = arith.constant 0 : i32
      %dma_start3A_102 = tpu.memref_slice %arg8[%dma_start3A_100, %dma_start3A_101] : memref<160x128xi32, #tpu.memory_space<vmem>> -> memref<1x128xi32, #tpu.memory_space<vmem>>
      %dma_start3A_103 = tpu.memref_squeeze %dma_start3A_102 : memref<1x128xi32, #tpu.memory_space<vmem>> -> memref<128xi32, #tpu.memory_space<vmem>>
      %dma_start3A_104 = arith.constant 0 : i32
      %dma_start3A_105 = arith.constant 0 : i32
      %dma_start3A_106 = tpu.memref_slice %arg5[%dma_start3A_104, %dma_start3A_105] : memref<10240x64xf32, #tpu.memory_space<hbm>> -> memref<10240x64xf32, #tpu.memory_space<hbm>>
      tpu.enqueue_indirect_dma source(%dma_start3A_106 : memref<10240x64xf32, #tpu.memory_space<hbm>>) target(%arg12 : memref<128x64xf32, #tpu.memory_space<vmem>>) offsets(%dma_start3A_103 : memref<128xi32, #tpu.memory_space<vmem>>) semaphore(%arg18 : memref<!tpu.dma_semaphore, #tpu.memory_space<semaphore_mem>>)
      %dma_start3A_107 = arith.constant 3 : i32
      %dma_start3A_108 = arith.constant 0 : i32
      %dma_start3A_109 = tpu.memref_slice %arg8[%dma_start3A_107, %dma_start3A_108] : memref<160x128xi32, #tpu.memory_space<vmem>> -> memref<1x128xi32, #tpu.memory_space<vmem>>
      %dma_start3A_110 = tpu.memref_squeeze %dma_start3A_109 : memref<1x128xi32, #tpu.memory_space<vmem>> -> memref<128xi32, #tpu.memory_space<vmem>>
      %dma_start3A_111 = arith.constant 0 : i32
      %dma_start3A_112 = arith.constant 0 : i32
      %dma_start3A_113 = tpu.memref_slice %arg5[%dma_start3A_111, %dma_start3A_112] : memref<10240x64xf32, #tpu.memory_space<hbm>> -> memref<10240x64xf32, #tpu.memory_space<hbm>>
      tpu.enqueue_indirect_dma source(%dma_start3A_113 : memref<10240x64xf32, #tpu.memory_space<hbm>>) target(%arg13 : memref<128x64xf32, #tpu.memory_space<vmem>>) offsets(%dma_start3A_110 : memref<128xi32, #tpu.memory_space<vmem>>) semaphore(%arg19 : memref<!tpu.dma_semaphore, #tpu.memory_space<semaphore_mem>>)
      %dma_start3A_114 = arith.constant 4 : i32
      %dma_start3A_115 = arith.constant 0 : i32
      %dma_start3A_116 = tpu.memref_slice %arg8[%dma_start3A_114, %dma_start3A_115] : memref<160x128xi32, #tpu.memory_space<vmem>> -> memref<1x128xi32, #tpu.memory_space<vmem>>
      %dma_start3A_117 = tpu.memref_squeeze %dma_start3A_116 : memref<1x128xi32, #tpu.memory_space<vmem>> -> memref<128xi32, #tpu.memory_space<vmem>>
      %dma_start3A_118 = arith.constant 0 : i32
      %dma_start3A_119 = arith.constant 0 : i32
      %dma_start3A_120 = tpu.memref_slice %arg5[%dma_start3A_118, %dma_start3A_119] : memref<10240x64xf32, #tpu.memory_space<hbm>> -> memref<10240x64xf32, #tpu.memory_space<hbm>>
      tpu.enqueue_indirect_dma source(%dma_start3A_120 : memref<10240x64xf32, #tpu.memory_space<hbm>>) target(%arg14 : memref<128x64xf32, #tpu.memory_space<vmem>>) offsets(%dma_start3A_117 : memref<128xi32, #tpu.memory_space<vmem>>) semaphore(%arg20 : memref<!tpu.dma_semaphore, #tpu.memory_space<semaphore_mem>>)
      %scan3A_121 = arith.constant 0 : i32
      %scan3A_122 = arith.constant 32 : i32
      %scan3A_123 = arith.addi %scan3A_121, %scan3A_122 : i32
      %scan3A_124 = arith.constant 1 : i32
      scf.for %scan3A_126 = %scan3A_121 to %scan3A_123 step %scan3A_124  : i32 {
        %mul3A_127 = arith.constant 1 : i32
        %mul3A_128 = arith.muli %scan3A_126, %mul3A_127 : i32
        %add3A_129 = arith.constant 0 : i32
        %add3A_130 = arith.addi %add3A_129, %mul3A_128 : i32
        %mul3A_131 = arith.constant 5 : i32
        %mul3A_132 = arith.muli %add3A_130, %mul3A_131 : i32
        %dma_wait3A = arith.constant 0 : i32
        %dma_wait3A_133 = arith.constant 0 : i32
        %dma_wait3A_134 = tpu.memref_slice %arg8[%dma_wait3A, %dma_wait3A_133] : memref<160x128xi32, #tpu.memory_space<vmem>> -> memref<1x128xi32, #tpu.memory_space<vmem>>
        %dma_wait3A_135 = tpu.memref_squeeze %dma_wait3A_134 : memref<1x128xi32, #tpu.memory_space<vmem>> -> memref<128xi32, #tpu.memory_space<vmem>>
        %dma_wait3A_136 = arith.constant 0 : i32
        %dma_wait3A_137 = arith.constant 0 : i32
        %dma_wait3A_138 = tpu.memref_slice %arg5[%dma_wait3A_136, %dma_wait3A_137] : memref<10240x64xf32, #tpu.memory_space<hbm>> -> memref<10240x64xf32, #tpu.memory_space<hbm>>
        tpu.wait_indirect_dma semaphore(%arg16 : memref<!tpu.dma_semaphore, #tpu.memory_space<semaphore_mem>>) src(%dma_wait3A_138 : memref<10240x64xf32, #tpu.memory_space<hbm>>) dst(%arg10 : memref<128x64xf32, #tpu.memory_space<vmem>>)
        %add3A_139 = arith.constant 0 : i32
        %add3A_140 = arith.addi %mul3A_132, %add3A_139 : i32
        %dma_start3A_141 = arith.constant 0 : i32
        %dma_start3A_142 = tpu.memref_slice %arg9[%add3A_140, %dma_start3A_141] : memref<160x128xi32, #tpu.memory_space<vmem>> -> memref<1x128xi32, #tpu.memory_space<vmem>>
        %dma_start3A_143 = tpu.memref_squeeze %dma_start3A_142 : memref<1x128xi32, #tpu.memory_space<vmem>> -> memref<128xi32, #tpu.memory_space<vmem>>
        %dma_start3A_144 = arith.constant 0 : i32
        %dma_start3A_145 = arith.constant 0 : i32
        %dma_start3A_146 = tpu.memref_slice %arg15[%dma_start3A_144, %dma_start3A_145] : memref<10240x64xf32, #tpu.memory_space<vmem_shared>> -> memref<10240x64xf32, #tpu.memory_space<vmem_shared>>
        tpu.enqueue_indirect_dma source(%arg10 : memref<128x64xf32, #tpu.memory_space<vmem>>) target(%dma_start3A_146 : memref<10240x64xf32, #tpu.memory_space<vmem_shared>>) offsets(%dma_start3A_143 : memref<128xi32, #tpu.memory_space<vmem>>) semaphore(%arg21 : memref<!tpu.dma_semaphore, #tpu.memory_space<semaphore_mem>>) {add = true}
        %dma_wait3A_147 = arith.constant 0 : i32
        %dma_wait3A_148 = arith.constant 0 : i32
        %dma_wait3A_149 = tpu.memref_slice %arg8[%dma_wait3A_147, %dma_wait3A_148] : memref<160x128xi32, #tpu.memory_space<vmem>> -> memref<1x128xi32, #tpu.memory_space<vmem>>
        %dma_wait3A_150 = tpu.memref_squeeze %dma_wait3A_149 : memref<1x128xi32, #tpu.memory_space<vmem>> -> memref<128xi32, #tpu.memory_space<vmem>>
        %dma_wait3A_151 = arith.constant 0 : i32
        %dma_wait3A_152 = arith.constant 0 : i32
        %dma_wait3A_153 = tpu.memref_slice %arg5[%dma_wait3A_151, %dma_wait3A_152] : memref<10240x64xf32, #tpu.memory_space<hbm>> -> memref<10240x64xf32, #tpu.memory_space<hbm>>
        tpu.wait_indirect_dma semaphore(%arg17 : memref<!tpu.dma_semaphore, #tpu.memory_space<semaphore_mem>>) src(%dma_wait3A_153 : memref<10240x64xf32, #tpu.memory_space<hbm>>) dst(%arg11 : memref<128x64xf32, #tpu.memory_space<vmem>>)
        %add3A_154 = arith.constant 1 : i32
        %add3A_155 = arith.addi %mul3A_132, %add3A_154 : i32
        %dma_start3A_156 = arith.constant 0 : i32
        %dma_start3A_157 = tpu.memref_slice %arg9[%add3A_155, %dma_start3A_156] : memref<160x128xi32, #tpu.memory_space<vmem>> -> memref<1x128xi32, #tpu.memory_space<vmem>>
        %dma_start3A_158 = tpu.memref_squeeze %dma_start3A_157 : memref<1x128xi32, #tpu.memory_space<vmem>> -> memref<128xi32, #tpu.memory_space<vmem>>
        %dma_start3A_159 = arith.constant 0 : i32
        %dma_start3A_160 = arith.constant 0 : i32
        %dma_start3A_161 = tpu.memref_slice %arg15[%dma_start3A_159, %dma_start3A_160] : memref<10240x64xf32, #tpu.memory_space<vmem_shared>> -> memref<10240x64xf32, #tpu.memory_space<vmem_shared>>
        tpu.enqueue_indirect_dma source(%arg11 : memref<128x64xf32, #tpu.memory_space<vmem>>) target(%dma_start3A_161 : memref<10240x64xf32, #tpu.memory_space<vmem_shared>>) offsets(%dma_start3A_158 : memref<128xi32, #tpu.memory_space<vmem>>) semaphore(%arg22 : memref<!tpu.dma_semaphore, #tpu.memory_space<semaphore_mem>>) {add = true}
        %dma_wait3A_162 = arith.constant 0 : i32
        %dma_wait3A_163 = arith.constant 0 : i32
        %dma_wait3A_164 = tpu.memref_slice %arg8[%dma_wait3A_162, %dma_wait3A_163] : memref<160x128xi32, #tpu.memory_space<vmem>> -> memref<1x128xi32, #tpu.memory_space<vmem>>
        %dma_wait3A_165 = tpu.memref_squeeze %dma_wait3A_164 : memref<1x128xi32, #tpu.memory_space<vmem>> -> memref<128xi32, #tpu.memory_space<vmem>>
        %dma_wait3A_166 = arith.constant 0 : i32
        %dma_wait3A_167 = arith.constant 0 : i32
        %dma_wait3A_168 = tpu.memref_slice %arg5[%dma_wait3A_166, %dma_wait3A_167] : memref<10240x64xf32, #tpu.memory_space<hbm>> -> memref<10240x64xf32, #tpu.memory_space<hbm>>
        tpu.wait_indirect_dma semaphore(%arg18 : memref<!tpu.dma_semaphore, #tpu.memory_space<semaphore_mem>>) src(%dma_wait3A_168 : memref<10240x64xf32, #tpu.memory_space<hbm>>) dst(%arg12 : memref<128x64xf32, #tpu.memory_space<vmem>>)
        %add3A_169 = arith.constant 2 : i32
        %add3A_170 = arith.addi %mul3A_132, %add3A_169 : i32
        %dma_start3A_171 = arith.constant 0 : i32
        %dma_start3A_172 = tpu.memref_slice %arg9[%add3A_170, %dma_start3A_171] : memref<160x128xi32, #tpu.memory_space<vmem>> -> memref<1x128xi32, #tpu.memory_space<vmem>>
        %dma_start3A_173 = tpu.memref_squeeze %dma_start3A_172 : memref<1x128xi32, #tpu.memory_space<vmem>> -> memref<128xi32, #tpu.memory_space<vmem>>
        %dma_start3A_174 = arith.constant 0 : i32
        %dma_start3A_175 = arith.constant 0 : i32
        %dma_start3A_176 = tpu.memref_slice %arg15[%dma_start3A_174, %dma_start3A_175] : memref<10240x64xf32, #tpu.memory_space<vmem_shared>> -> memref<10240x64xf32, #tpu.memory_space<vmem_shared>>
        tpu.enqueue_indirect_dma source(%arg12 : memref<128x64xf32, #tpu.memory_space<vmem>>) target(%dma_start3A_176 : memref<10240x64xf32, #tpu.memory_space<vmem_shared>>) offsets(%dma_start3A_173 : memref<128xi32, #tpu.memory_space<vmem>>) semaphore(%arg23 : memref<!tpu.dma_semaphore, #tpu.memory_space<semaphore_mem>>) {add = true}
        %dma_wait3A_177 = arith.constant 0 : i32
        %dma_wait3A_178 = arith.constant 0 : i32
        %dma_wait3A_179 = tpu.memref_slice %arg8[%dma_wait3A_177, %dma_wait3A_178] : memref<160x128xi32, #tpu.memory_space<vmem>> -> memref<1x128xi32, #tpu.memory_space<vmem>>
        %dma_wait3A_180 = tpu.memref_squeeze %dma_wait3A_179 : memref<1x128xi32, #tpu.memory_space<vmem>> -> memref<128xi32, #tpu.memory_space<vmem>>
        %dma_wait3A_181 = arith.constant 0 : i32
        %dma_wait3A_182 = arith.constant 0 : i32
        %dma_wait3A_183 = tpu.memref_slice %arg5[%dma_wait3A_181, %dma_wait3A_182] : memref<10240x64xf32, #tpu.memory_space<hbm>> -> memref<10240x64xf32, #tpu.memory_space<hbm>>
        tpu.wait_indirect_dma semaphore(%arg19 : memref<!tpu.dma_semaphore, #tpu.memory_space<semaphore_mem>>) src(%dma_wait3A_183 : memref<10240x64xf32, #tpu.memory_space<hbm>>) dst(%arg13 : memref<128x64xf32, #tpu.memory_space<vmem>>)
        %add3A_184 = arith.constant 3 : i32
        %add3A_185 = arith.addi %mul3A_132, %add3A_184 : i32
        %dma_start3A_186 = arith.constant 0 : i32
        %dma_start3A_187 = tpu.memref_slice %arg9[%add3A_185, %dma_start3A_186] : memref<160x128xi32, #tpu.memory_space<vmem>> -> memref<1x128xi32, #tpu.memory_space<vmem>>
        %dma_start3A_188 = tpu.memref_squeeze %dma_start3A_187 : memref<1x128xi32, #tpu.memory_space<vmem>> -> memref<128xi32, #tpu.memory_space<vmem>>
        %dma_start3A_189 = arith.constant 0 : i32
        %dma_start3A_190 = arith.constant 0 : i32
        %dma_start3A_191 = tpu.memref_slice %arg15[%dma_start3A_189, %dma_start3A_190] : memref<10240x64xf32, #tpu.memory_space<vmem_shared>> -> memref<10240x64xf32, #tpu.memory_space<vmem_shared>>
        tpu.enqueue_indirect_dma source(%arg13 : memref<128x64xf32, #tpu.memory_space<vmem>>) target(%dma_start3A_191 : memref<10240x64xf32, #tpu.memory_space<vmem_shared>>) offsets(%dma_start3A_188 : memref<128xi32, #tpu.memory_space<vmem>>) semaphore(%arg24 : memref<!tpu.dma_semaphore, #tpu.memory_space<semaphore_mem>>) {add = true}
        %dma_wait3A_192 = arith.constant 0 : i32
        %dma_wait3A_193 = arith.constant 0 : i32
        %dma_wait3A_194 = tpu.memref_slice %arg8[%dma_wait3A_192, %dma_wait3A_193] : memref<160x128xi32, #tpu.memory_space<vmem>> -> memref<1x128xi32, #tpu.memory_space<vmem>>
        %dma_wait3A_195 = tpu.memref_squeeze %dma_wait3A_194 : memref<1x128xi32, #tpu.memory_space<vmem>> -> memref<128xi32, #tpu.memory_space<vmem>>
        %dma_wait3A_196 = arith.constant 0 : i32
        %dma_wait3A_197 = arith.constant 0 : i32
        %dma_wait3A_198 = tpu.memref_slice %arg5[%dma_wait3A_196, %dma_wait3A_197] : memref<10240x64xf32, #tpu.memory_space<hbm>> -> memref<10240x64xf32, #tpu.memory_space<hbm>>
        tpu.wait_indirect_dma semaphore(%arg20 : memref<!tpu.dma_semaphore, #tpu.memory_space<semaphore_mem>>) src(%dma_wait3A_198 : memref<10240x64xf32, #tpu.memory_space<hbm>>) dst(%arg14 : memref<128x64xf32, #tpu.memory_space<vmem>>)
        %add3A_199 = arith.constant 4 : i32
        %add3A_200 = arith.addi %mul3A_132, %add3A_199 : i32
        %dma_start3A_201 = arith.constant 0 : i32
        %dma_start3A_202 = tpu.memref_slice %arg9[%add3A_200, %dma_start3A_201] : memref<160x128xi32, #tpu.memory_space<vmem>> -> memref<1x128xi32, #tpu.memory_space<vmem>>
        %dma_start3A_203 = tpu.memref_squeeze %dma_start3A_202 : memref<1x128xi32, #tpu.memory_space<vmem>> -> memref<128xi32, #tpu.memory_space<vmem>>
        %dma_start3A_204 = arith.constant 0 : i32
        %dma_start3A_205 = arith.constant 0 : i32
        %dma_start3A_206 = tpu.memref_slice %arg15[%dma_start3A_204, %dma_start3A_205] : memref<10240x64xf32, #tpu.memory_space<vmem_shared>> -> memref<10240x64xf32, #tpu.memory_space<vmem_shared>>
        tpu.enqueue_indirect_dma source(%arg14 : memref<128x64xf32, #tpu.memory_space<vmem>>) target(%dma_start3A_206 : memref<10240x64xf32, #tpu.memory_space<vmem_shared>>) offsets(%dma_start3A_203 : memref<128xi32, #tpu.memory_space<vmem>>) semaphore(%arg25 : memref<!tpu.dma_semaphore, #tpu.memory_space<semaphore_mem>>) {add = true}
        %dma_wait3A_207 = arith.constant 0 : i32
        %dma_wait3A_208 = arith.constant 0 : i32
        %dma_wait3A_209 = tpu.memref_slice %arg9[%dma_wait3A_207, %dma_wait3A_208] : memref<160x128xi32, #tpu.memory_space<vmem>> -> memref<1x128xi32, #tpu.memory_space<vmem>>
        %dma_wait3A_210 = tpu.memref_squeeze %dma_wait3A_209 : memref<1x128xi32, #tpu.memory_space<vmem>> -> memref<128xi32, #tpu.memory_space<vmem>>
        %dma_wait3A_211 = arith.constant 0 : i32
        %dma_wait3A_212 = arith.constant 0 : i32
        %dma_wait3A_213 = tpu.memref_slice %arg15[%dma_wait3A_211, %dma_wait3A_212] : memref<10240x64xf32, #tpu.memory_space<vmem_shared>> -> memref<10240x64xf32, #tpu.memory_space<vmem_shared>>
        tpu.wait_indirect_dma semaphore(%arg21 : memref<!tpu.dma_semaphore, #tpu.memory_space<semaphore_mem>>) src(%arg10 : memref<128x64xf32, #tpu.memory_space<vmem>>) dst(%dma_wait3A_213 : memref<10240x64xf32, #tpu.memory_space<vmem_shared>>)
        %lt3A = arith.constant 31 : i32
        %lt3A_214 = arith.cmpi slt, %add3A_130, %lt3A : i32
        %convert_element_type3A_215 = arith.extui %lt3A_214 : i1 to i32
        %cond3A_216 = arith.constant 0 : i32
        %cond3A_217 = arith.cmpi ne, %convert_element_type3A_215, %cond3A_216 : i32
        scf.if %cond3A_217 {
          %add3A_266 = arith.constant 5 : i32
          %add3A_267 = arith.addi %mul3A_132, %add3A_266 : i32
          %add3A_268 = arith.constant 0 : i32
          %add3A_269 = arith.addi %add3A_267, %add3A_268 : i32
          %dma_start3A_270 = arith.constant 0 : i32
          %dma_start3A_271 = tpu.memref_slice %arg8[%add3A_269, %dma_start3A_270] : memref<160x128xi32, #tpu.memory_space<vmem>> -> memref<1x128xi32, #tpu.memory_space<vmem>>
          %dma_start3A_272 = tpu.memref_squeeze %dma_start3A_271 : memref<1x128xi32, #tpu.memory_space<vmem>> -> memref<128xi32, #tpu.memory_space<vmem>>
          %dma_start3A_273 = arith.constant 0 : i32
          %dma_start3A_274 = arith.constant 0 : i32
          %dma_start3A_275 = tpu.memref_slice %arg5[%dma_start3A_273, %dma_start3A_274] : memref<10240x64xf32, #tpu.memory_space<hbm>> -> memref<10240x64xf32, #tpu.memory_space<hbm>>
          tpu.enqueue_indirect_dma source(%dma_start3A_275 : memref<10240x64xf32, #tpu.memory_space<hbm>>) target(%arg10 : memref<128x64xf32, #tpu.memory_space<vmem>>) offsets(%dma_start3A_272 : memref<128xi32, #tpu.memory_space<vmem>>) semaphore(%arg16 : memref<!tpu.dma_semaphore, #tpu.memory_space<semaphore_mem>>)
        } else {
        }
        %dma_wait3A_218 = arith.constant 0 : i32
        %dma_wait3A_219 = arith.constant 0 : i32
        %dma_wait3A_220 = tpu.memref_slice %arg9[%dma_wait3A_218, %dma_wait3A_219] : memref<160x128xi32, #tpu.memory_space<vmem>> -> memref<1x128xi32, #tpu.memory_space<vmem>>
        %dma_wait3A_221 = tpu.memref_squeeze %dma_wait3A_220 : memref<1x128xi32, #tpu.memory_space<vmem>> -> memref<128xi32, #tpu.memory_space<vmem>>
        %dma_wait3A_222 = arith.constant 0 : i32
        %dma_wait3A_223 = arith.constant 0 : i32
        %dma_wait3A_224 = tpu.memref_slice %arg15[%dma_wait3A_222, %dma_wait3A_223] : memref<10240x64xf32, #tpu.memory_space<vmem_shared>> -> memref<10240x64xf32, #tpu.memory_space<vmem_shared>>
        tpu.wait_indirect_dma semaphore(%arg22 : memref<!tpu.dma_semaphore, #tpu.memory_space<semaphore_mem>>) src(%arg11 : memref<128x64xf32, #tpu.memory_space<vmem>>) dst(%dma_wait3A_224 : memref<10240x64xf32, #tpu.memory_space<vmem_shared>>)
        %lt3A_225 = arith.constant 31 : i32
        %lt3A_226 = arith.cmpi slt, %add3A_130, %lt3A_225 : i32
        %convert_element_type3A_227 = arith.extui %lt3A_226 : i1 to i32
        %cond3A_228 = arith.constant 0 : i32
        %cond3A_229 = arith.cmpi ne, %convert_element_type3A_227, %cond3A_228 : i32
        scf.if %cond3A_229 {
          %add3A_266 = arith.constant 5 : i32
          %add3A_267 = arith.addi %mul3A_132, %add3A_266 : i32
          %add3A_268 = arith.constant 1 : i32
          %add3A_269 = arith.addi %add3A_267, %add3A_268 : i32
          %dma_start3A_270 = arith.constant 0 : i32
          %dma_start3A_271 = tpu.memref_slice %arg8[%add3A_269, %dma_start3A_270] : memref<160x128xi32, #tpu.memory_space<vmem>> -> memref<1x128xi32, #tpu.memory_space<vmem>>
          %dma_start3A_272 = tpu.memref_squeeze %dma_start3A_271 : memref<1x128xi32, #tpu.memory_space<vmem>> -> memref<128xi32, #tpu.memory_space<vmem>>
          %dma_start3A_273 = arith.constant 0 : i32
          %dma_start3A_274 = arith.constant 0 : i32
          %dma_start3A_275 = tpu.memref_slice %arg5[%dma_start3A_273, %dma_start3A_274] : memref<10240x64xf32, #tpu.memory_space<hbm>> -> memref<10240x64xf32, #tpu.memory_space<hbm>>
          tpu.enqueue_indirect_dma source(%dma_start3A_275 : memref<10240x64xf32, #tpu.memory_space<hbm>>) target(%arg11 : memref<128x64xf32, #tpu.memory_space<vmem>>) offsets(%dma_start3A_272 : memref<128xi32, #tpu.memory_space<vmem>>) semaphore(%arg17 : memref<!tpu.dma_semaphore, #tpu.memory_space<semaphore_mem>>)
        } else {
        }
        %dma_wait3A_230 = arith.constant 0 : i32
        %dma_wait3A_231 = arith.constant 0 : i32
        %dma_wait3A_232 = tpu.memref_slice %arg9[%dma_wait3A_230, %dma_wait3A_231] : memref<160x128xi32, #tpu.memory_space<vmem>> -> memref<1x128xi32, #tpu.memory_space<vmem>>
        %dma_wait3A_233 = tpu.memref_squeeze %dma_wait3A_232 : memref<1x128xi32, #tpu.memory_space<vmem>> -> memref<128xi32, #tpu.memory_space<vmem>>
        %dma_wait3A_234 = arith.constant 0 : i32
        %dma_wait3A_235 = arith.constant 0 : i32
        %dma_wait3A_236 = tpu.memref_slice %arg15[%dma_wait3A_234, %dma_wait3A_235] : memref<10240x64xf32, #tpu.memory_space<vmem_shared>> -> memref<10240x64xf32, #tpu.memory_space<vmem_shared>>
        tpu.wait_indirect_dma semaphore(%arg23 : memref<!tpu.dma_semaphore, #tpu.memory_space<semaphore_mem>>) src(%arg12 : memref<128x64xf32, #tpu.memory_space<vmem>>) dst(%dma_wait3A_236 : memref<10240x64xf32, #tpu.memory_space<vmem_shared>>)
        %lt3A_237 = arith.constant 31 : i32
        %lt3A_238 = arith.cmpi slt, %add3A_130, %lt3A_237 : i32
        %convert_element_type3A_239 = arith.extui %lt3A_238 : i1 to i32
        %cond3A_240 = arith.constant 0 : i32
        %cond3A_241 = arith.cmpi ne, %convert_element_type3A_239, %cond3A_240 : i32
        scf.if %cond3A_241 {
          %add3A_266 = arith.constant 5 : i32
          %add3A_267 = arith.addi %mul3A_132, %add3A_266 : i32
          %add3A_268 = arith.constant 2 : i32
          %add3A_269 = arith.addi %add3A_267, %add3A_268 : i32
          %dma_start3A_270 = arith.constant 0 : i32
          %dma_start3A_271 = tpu.memref_slice %arg8[%add3A_269, %dma_start3A_270] : memref<160x128xi32, #tpu.memory_space<vmem>> -> memref<1x128xi32, #tpu.memory_space<vmem>>
          %dma_start3A_272 = tpu.memref_squeeze %dma_start3A_271 : memref<1x128xi32, #tpu.memory_space<vmem>> -> memref<128xi32, #tpu.memory_space<vmem>>
          %dma_start3A_273 = arith.constant 0 : i32
          %dma_start3A_274 = arith.constant 0 : i32
          %dma_start3A_275 = tpu.memref_slice %arg5[%dma_start3A_273, %dma_start3A_274] : memref<10240x64xf32, #tpu.memory_space<hbm>> -> memref<10240x64xf32, #tpu.memory_space<hbm>>
          tpu.enqueue_indirect_dma source(%dma_start3A_275 : memref<10240x64xf32, #tpu.memory_space<hbm>>) target(%arg12 : memref<128x64xf32, #tpu.memory_space<vmem>>) offsets(%dma_start3A_272 : memref<128xi32, #tpu.memory_space<vmem>>) semaphore(%arg18 : memref<!tpu.dma_semaphore, #tpu.memory_space<semaphore_mem>>)
        } else {
        }
        %dma_wait3A_242 = arith.constant 0 : i32
        %dma_wait3A_243 = arith.constant 0 : i32
        %dma_wait3A_244 = tpu.memref_slice %arg9[%dma_wait3A_242, %dma_wait3A_243] : memref<160x128xi32, #tpu.memory_space<vmem>> -> memref<1x128xi32, #tpu.memory_space<vmem>>
        %dma_wait3A_245 = tpu.memref_squeeze %dma_wait3A_244 : memref<1x128xi32, #tpu.memory_space<vmem>> -> memref<128xi32, #tpu.memory_space<vmem>>
        %dma_wait3A_246 = arith.constant 0 : i32
        %dma_wait3A_247 = arith.constant 0 : i32
        %dma_wait3A_248 = tpu.memref_slice %arg15[%dma_wait3A_246, %dma_wait3A_247] : memref<10240x64xf32, #tpu.memory_space<vmem_shared>> -> memref<10240x64xf32, #tpu.memory_space<vmem_shared>>
        tpu.wait_indirect_dma semaphore(%arg24 : memref<!tpu.dma_semaphore, #tpu.memory_space<semaphore_mem>>) src(%arg13 : memref<128x64xf32, #tpu.memory_space<vmem>>) dst(%dma_wait3A_248 : memref<10240x64xf32, #tpu.memory_space<vmem_shared>>)
        %lt3A_249 = arith.constant 31 : i32
        %lt3A_250 = arith.cmpi slt, %add3A_130, %lt3A_249 : i32
        %convert_element_type3A_251 = arith.extui %lt3A_250 : i1 to i32
        %cond3A_252 = arith.constant 0 : i32
        %cond3A_253 = arith.cmpi ne, %convert_element_type3A_251, %cond3A_252 : i32
        scf.if %cond3A_253 {
          %add3A_266 = arith.constant 5 : i32
          %add3A_267 = arith.addi %mul3A_132, %add3A_266 : i32
          %add3A_268 = arith.constant 3 : i32
          %add3A_269 = arith.addi %add3A_267, %add3A_268 : i32
          %dma_start3A_270 = arith.constant 0 : i32
          %dma_start3A_271 = tpu.memref_slice %arg8[%add3A_269, %dma_start3A_270] : memref<160x128xi32, #tpu.memory_space<vmem>> -> memref<1x128xi32, #tpu.memory_space<vmem>>
          %dma_start3A_272 = tpu.memref_squeeze %dma_start3A_271 : memref<1x128xi32, #tpu.memory_space<vmem>> -> memref<128xi32, #tpu.memory_space<vmem>>
          %dma_start3A_273 = arith.constant 0 : i32
          %dma_start3A_274 = arith.constant 0 : i32
          %dma_start3A_275 = tpu.memref_slice %arg5[%dma_start3A_273, %dma_start3A_274] : memref<10240x64xf32, #tpu.memory_space<hbm>> -> memref<10240x64xf32, #tpu.memory_space<hbm>>
          tpu.enqueue_indirect_dma source(%dma_start3A_275 : memref<10240x64xf32, #tpu.memory_space<hbm>>) target(%arg13 : memref<128x64xf32, #tpu.memory_space<vmem>>) offsets(%dma_start3A_272 : memref<128xi32, #tpu.memory_space<vmem>>) semaphore(%arg19 : memref<!tpu.dma_semaphore, #tpu.memory_space<semaphore_mem>>)
        } else {
        }
        %dma_wait3A_254 = arith.constant 0 : i32
        %dma_wait3A_255 = arith.constant 0 : i32
        %dma_wait3A_256 = tpu.memref_slice %arg9[%dma_wait3A_254, %dma_wait3A_255] : memref<160x128xi32, #tpu.memory_space<vmem>> -> memref<1x128xi32, #tpu.memory_space<vmem>>
        %dma_wait3A_257 = tpu.memref_squeeze %dma_wait3A_256 : memref<1x128xi32, #tpu.memory_space<vmem>> -> memref<128xi32, #tpu.memory_space<vmem>>
        %dma_wait3A_258 = arith.constant 0 : i32
        %dma_wait3A_259 = arith.constant 0 : i32
        %dma_wait3A_260 = tpu.memref_slice %arg15[%dma_wait3A_258, %dma_wait3A_259] : memref<10240x64xf32, #tpu.memory_space<vmem_shared>> -> memref<10240x64xf32, #tpu.memory_space<vmem_shared>>
        tpu.wait_indirect_dma semaphore(%arg25 : memref<!tpu.dma_semaphore, #tpu.memory_space<semaphore_mem>>) src(%arg14 : memref<128x64xf32, #tpu.memory_space<vmem>>) dst(%dma_wait3A_260 : memref<10240x64xf32, #tpu.memory_space<vmem_shared>>)
        %lt3A_261 = arith.constant 31 : i32
        %lt3A_262 = arith.cmpi slt, %add3A_130, %lt3A_261 : i32
        %convert_element_type3A_263 = arith.extui %lt3A_262 : i1 to i32
        %cond3A_264 = arith.constant 0 : i32
        %cond3A_265 = arith.cmpi ne, %convert_element_type3A_263, %cond3A_264 : i32
        scf.if %cond3A_265 {
          %add3A_266 = arith.constant 5 : i32
          %add3A_267 = arith.addi %mul3A_132, %add3A_266 : i32
          %add3A_268 = arith.constant 4 : i32
          %add3A_269 = arith.addi %add3A_267, %add3A_268 : i32
          %dma_start3A_270 = arith.constant 0 : i32
          %dma_start3A_271 = tpu.memref_slice %arg8[%add3A_269, %dma_start3A_270] : memref<160x128xi32, #tpu.memory_space<vmem>> -> memref<1x128xi32, #tpu.memory_space<vmem>>
          %dma_start3A_272 = tpu.memref_squeeze %dma_start3A_271 : memref<1x128xi32, #tpu.memory_space<vmem>> -> memref<128xi32, #tpu.memory_space<vmem>>
          %dma_start3A_273 = arith.constant 0 : i32
          %dma_start3A_274 = arith.constant 0 : i32
          %dma_start3A_275 = tpu.memref_slice %arg5[%dma_start3A_273, %dma_start3A_274] : memref<10240x64xf32, #tpu.memory_space<hbm>> -> memref<10240x64xf32, #tpu.memory_space<hbm>>
          tpu.enqueue_indirect_dma source(%dma_start3A_275 : memref<10240x64xf32, #tpu.memory_space<hbm>>) target(%arg14 : memref<128x64xf32, #tpu.memory_space<vmem>>) offsets(%dma_start3A_272 : memref<128xi32, #tpu.memory_space<vmem>>) semaphore(%arg20 : memref<!tpu.dma_semaphore, #tpu.memory_space<semaphore_mem>>)
        } else {
        }
      }
      %scan3A_125 = arith.constant 32 : i32
    } else {
    }
    %barrier3A_26 = arith.constant 0 : index
    tpu.barrier barrier_id(%barrier3A_26)
    %add3A_27 = arith.constant 0 : i32
    %add3A_28 = arith.addi %mul3A_5, %add3A_27 : i32
    "tpu.region"() ({
      %run_scoped3A = tpu.sem_alloc : memref<!tpu.dma_semaphore, #tpu.memory_space<semaphore_mem>>
      %dma_start3A = arith.constant 0 : i32
      %dma_start3A_87 = tpu.memref_slice %arg15[%add3A_28, %dma_start3A] : memref<10240x64xf32, #tpu.memory_space<vmem_shared>> -> memref<128x64xf32, #tpu.memory_space<vmem_shared>>
      %dma_start3A_88 = arith.constant 0 : i32
      %dma_start3A_89 = tpu.memref_slice %arg15[%add3A_28, %dma_start3A_88] : memref<10240x64xf32, #tpu.memory_space<vmem_shared>> -> memref<128x64xf32, #tpu.memory_space<vmem_shared>>
      tpu.enqueue_dma source(%dma_start3A_89 : memref<128x64xf32, #tpu.memory_space<vmem_shared>>) target(%arg10 : memref<128x64xf32, #tpu.memory_space<vmem>>) target_semaphore(%run_scoped3A : memref<!tpu.dma_semaphore, #tpu.memory_space<semaphore_mem>>)
      %dma_wait3A = arith.constant 0 : i32
      %dma_wait3A_90 = tpu.memref_slice %arg15[%add3A_28, %dma_wait3A] : memref<10240x64xf32, #tpu.memory_space<vmem_shared>> -> memref<128x64xf32, #tpu.memory_space<vmem_shared>>
      %dma_wait3A_91 = arith.constant 0 : i32
      %dma_wait3A_92 = tpu.memref_slice %arg15[%add3A_28, %dma_wait3A_91] : memref<10240x64xf32, #tpu.memory_space<vmem_shared>> -> memref<128x64xf32, #tpu.memory_space<vmem_shared>>
      tpu.wait_dma2 semaphore(%run_scoped3A : memref<!tpu.dma_semaphore, #tpu.memory_space<semaphore_mem>>) src(%dma_wait3A_92 : memref<128x64xf32, #tpu.memory_space<vmem_shared>>) dst(%arg10 : memref<128x64xf32, #tpu.memory_space<vmem>>)
      tpu.yield
    }) : () -> ()
    %eq3A_29 = arith.constant 0 : i32
    %eq3A_30 = arith.cmpi eq, %arg0, %eq3A_29 : i32
    %convert_element_type3A_31 = arith.extui %eq3A_30 : i1 to i32
    %cond3A_32 = arith.constant 0 : i32
    %cond3A_33 = arith.cmpi ne, %convert_element_type3A_31, %cond3A_32 : i32
    scf.if %cond3A_33 {
      %add3A_87 = arith.constant 0 : i32
      %add3A_88 = arith.addi %mul3A_5, %add3A_87 : i32
      "tpu.region"() ({
        %run_scoped3A = tpu.sem_alloc : memref<!tpu.dma_semaphore, #tpu.memory_space<semaphore_mem>>
        %dma_start3A = arith.constant 0 : i32
        %dma_start3A_89 = tpu.memref_slice %arg6[%add3A_88, %dma_start3A] : memref<10240x64xf32, #tpu.memory_space<hbm>> -> memref<128x64xf32, #tpu.memory_space<hbm>>
        %dma_start3A_90 = arith.constant 0 : i32
        %dma_start3A_91 = tpu.memref_slice %arg6[%add3A_88, %dma_start3A_90] : memref<10240x64xf32, #tpu.memory_space<hbm>> -> memref<128x64xf32, #tpu.memory_space<hbm>>
        tpu.enqueue_dma source(%arg10 : memref<128x64xf32, #tpu.memory_space<vmem>>) target(%dma_start3A_91 : memref<128x64xf32, #tpu.memory_space<hbm>>) target_semaphore(%run_scoped3A : memref<!tpu.dma_semaphore, #tpu.memory_space<semaphore_mem>>)
        %dma_wait3A = arith.constant 0 : i32
        %dma_wait3A_92 = tpu.memref_slice %arg6[%add3A_88, %dma_wait3A] : memref<10240x64xf32, #tpu.memory_space<hbm>> -> memref<128x64xf32, #tpu.memory_space<hbm>>
        %dma_wait3A_93 = arith.constant 0 : i32
        %dma_wait3A_94 = tpu.memref_slice %arg6[%add3A_88, %dma_wait3A_93] : memref<10240x64xf32, #tpu.memory_space<hbm>> -> memref<128x64xf32, #tpu.memory_space<hbm>>
        tpu.wait_dma2 semaphore(%run_scoped3A : memref<!tpu.dma_semaphore, #tpu.memory_space<semaphore_mem>>) src(%arg10 : memref<128x64xf32, #tpu.memory_space<vmem>>) dst(%dma_wait3A_94 : memref<128x64xf32, #tpu.memory_space<hbm>>)
        tpu.yield
      }) : () -> ()
    } else {
    }
    %eq3A_34 = arith.constant 1 : i32
    %eq3A_35 = arith.cmpi eq, %arg0, %eq3A_34 : i32
    %convert_element_type3A_36 = arith.extui %eq3A_35 : i1 to i32
    %cond3A_37 = arith.constant 0 : i32
    %cond3A_38 = arith.cmpi ne, %convert_element_type3A_36, %cond3A_37 : i32
    scf.if %cond3A_38 {
      %add3A_87 = arith.constant 0 : i32
      %add3A_88 = arith.addi %mul3A_5, %add3A_87 : i32
      "tpu.region"() ({
        %run_scoped3A = tpu.sem_alloc : memref<!tpu.dma_semaphore, #tpu.memory_space<semaphore_mem>>
        %dma_start3A = arith.constant 0 : i32
        %dma_start3A_89 = tpu.memref_slice %arg7[%add3A_88, %dma_start3A] : memref<10240x64xf32, #tpu.memory_space<hbm>> -> memref<128x64xf32, #tpu.memory_space<hbm>>
        %dma_start3A_90 = arith.constant 0 : i32
        %dma_start3A_91 = tpu.memref_slice %arg7[%add3A_88, %dma_start3A_90] : memref<10240x64xf32, #tpu.memory_space<hbm>> -> memref<128x64xf32, #tpu.memory_space<hbm>>
        tpu.enqueue_dma source(%arg10 : memref<128x64xf32, #tpu.memory_space<vmem>>) target(%dma_start3A_91 : memref<128x64xf32, #tpu.memory_space<hbm>>) target_semaphore(%run_scoped3A : memref<!tpu.dma_semaphore, #tpu.memory_space<semaphore_mem>>)
        %dma_wait3A = arith.constant 0 : i32
        %dma_wait3A_92 = tpu.memref_slice %arg7[%add3A_88, %dma_wait3A] : memref<10240x64xf32, #tpu.memory_space<hbm>> -> memref<128x64xf32, #tpu.memory_space<hbm>>
        %dma_wait3A_93 = arith.constant 0 : i32
        %dma_wait3A_94 = tpu.memref_slice %arg7[%add3A_88, %dma_wait3A_93] : memref<10240x64xf32, #tpu.memory_space<hbm>> -> memref<128x64xf32, #tpu.memory_space<hbm>>
        tpu.wait_dma2 semaphore(%run_scoped3A : memref<!tpu.dma_semaphore, #tpu.memory_space<semaphore_mem>>) src(%arg10 : memref<128x64xf32, #tpu.memory_space<vmem>>) dst(%dma_wait3A_94 : memref<128x64xf32, #tpu.memory_space<hbm>>)
        tpu.yield
      }) : () -> ()
    } else {
    }
    %add3A_39 = arith.constant 128 : i32
    %add3A_40 = arith.addi %mul3A_5, %add3A_39 : i32
    "tpu.region"() ({
      %run_scoped3A = tpu.sem_alloc : memref<!tpu.dma_semaphore, #tpu.memory_space<semaphore_mem>>
      %dma_start3A = arith.constant 0 : i32
      %dma_start3A_87 = tpu.memref_slice %arg15[%add3A_40, %dma_start3A] : memref<10240x64xf32, #tpu.memory_space<vmem_shared>> -> memref<128x64xf32, #tpu.memory_space<vmem_shared>>
      %dma_start3A_88 = arith.constant 0 : i32
      %dma_start3A_89 = tpu.memref_slice %arg15[%add3A_40, %dma_start3A_88] : memref<10240x64xf32, #tpu.memory_space<vmem_shared>> -> memref<128x64xf32, #tpu.memory_space<vmem_shared>>
      tpu.enqueue_dma source(%dma_start3A_89 : memref<128x64xf32, #tpu.memory_space<vmem_shared>>) target(%arg10 : memref<128x64xf32, #tpu.memory_space<vmem>>) target_semaphore(%run_scoped3A : memref<!tpu.dma_semaphore, #tpu.memory_space<semaphore_mem>>)
      %dma_wait3A = arith.constant 0 : i32
      %dma_wait3A_90 = tpu.memref_slice %arg15[%add3A_40, %dma_wait3A] : memref<10240x64xf32, #tpu.memory_space<vmem_shared>> -> memref<128x64xf32, #tpu.memory_space<vmem_shared>>
      %dma_wait3A_91 = arith.constant 0 : i32
      %dma_wait3A_92 = tpu.memref_slice %arg15[%add3A_40, %dma_wait3A_91] : memref<10240x64xf32, #tpu.memory_space<vmem_shared>> -> memref<128x64xf32, #tpu.memory_space<vmem_shared>>
      tpu.wait_dma2 semaphore(%run_scoped3A : memref<!tpu.dma_semaphore, #tpu.memory_space<semaphore_mem>>) src(%dma_wait3A_92 : memref<128x64xf32, #tpu.memory_space<vmem_shared>>) dst(%arg10 : memref<128x64xf32, #tpu.memory_space<vmem>>)
      tpu.yield
    }) : () -> ()
    %eq3A_41 = arith.constant 0 : i32
    %eq3A_42 = arith.cmpi eq, %arg0, %eq3A_41 : i32
    %convert_element_type3A_43 = arith.extui %eq3A_42 : i1 to i32
    %cond3A_44 = arith.constant 0 : i32
    %cond3A_45 = arith.cmpi ne, %convert_element_type3A_43, %cond3A_44 : i32
    scf.if %cond3A_45 {
      %add3A_87 = arith.constant 128 : i32
      %add3A_88 = arith.addi %mul3A_5, %add3A_87 : i32
      "tpu.region"() ({
        %run_scoped3A = tpu.sem_alloc : memref<!tpu.dma_semaphore, #tpu.memory_space<semaphore_mem>>
        %dma_start3A = arith.constant 0 : i32
        %dma_start3A_89 = tpu.memref_slice %arg6[%add3A_88, %dma_start3A] : memref<10240x64xf32, #tpu.memory_space<hbm>> -> memref<128x64xf32, #tpu.memory_space<hbm>>
        %dma_start3A_90 = arith.constant 0 : i32
        %dma_start3A_91 = tpu.memref_slice %arg6[%add3A_88, %dma_start3A_90] : memref<10240x64xf32, #tpu.memory_space<hbm>> -> memref<128x64xf32, #tpu.memory_space<hbm>>
        tpu.enqueue_dma source(%arg10 : memref<128x64xf32, #tpu.memory_space<vmem>>) target(%dma_start3A_91 : memref<128x64xf32, #tpu.memory_space<hbm>>) target_semaphore(%run_scoped3A : memref<!tpu.dma_semaphore, #tpu.memory_space<semaphore_mem>>)
        %dma_wait3A = arith.constant 0 : i32
        %dma_wait3A_92 = tpu.memref_slice %arg6[%add3A_88, %dma_wait3A] : memref<10240x64xf32, #tpu.memory_space<hbm>> -> memref<128x64xf32, #tpu.memory_space<hbm>>
        %dma_wait3A_93 = arith.constant 0 : i32
        %dma_wait3A_94 = tpu.memref_slice %arg6[%add3A_88, %dma_wait3A_93] : memref<10240x64xf32, #tpu.memory_space<hbm>> -> memref<128x64xf32, #tpu.memory_space<hbm>>
        tpu.wait_dma2 semaphore(%run_scoped3A : memref<!tpu.dma_semaphore, #tpu.memory_space<semaphore_mem>>) src(%arg10 : memref<128x64xf32, #tpu.memory_space<vmem>>) dst(%dma_wait3A_94 : memref<128x64xf32, #tpu.memory_space<hbm>>)
        tpu.yield
      }) : () -> ()
    } else {
    }
    %eq3A_46 = arith.constant 1 : i32
    %eq3A_47 = arith.cmpi eq, %arg0, %eq3A_46 : i32
    %convert_element_type3A_48 = arith.extui %eq3A_47 : i1 to i32
    %cond3A_49 = arith.constant 0 : i32
    %cond3A_50 = arith.cmpi ne, %convert_element_type3A_48, %cond3A_49 : i32
    scf.if %cond3A_50 {
      %add3A_87 = arith.constant 128 : i32
      %add3A_88 = arith.addi %mul3A_5, %add3A_87 : i32
      "tpu.region"() ({
        %run_scoped3A = tpu.sem_alloc : memref<!tpu.dma_semaphore, #tpu.memory_space<semaphore_mem>>
        %dma_start3A = arith.constant 0 : i32
        %dma_start3A_89 = tpu.memref_slice %arg7[%add3A_88, %dma_start3A] : memref<10240x64xf32, #tpu.memory_space<hbm>> -> memref<128x64xf32, #tpu.memory_space<hbm>>
        %dma_start3A_90 = arith.constant 0 : i32
        %dma_start3A_91 = tpu.memref_slice %arg7[%add3A_88, %dma_start3A_90] : memref<10240x64xf32, #tpu.memory_space<hbm>> -> memref<128x64xf32, #tpu.memory_space<hbm>>
        tpu.enqueue_dma source(%arg10 : memref<128x64xf32, #tpu.memory_space<vmem>>) target(%dma_start3A_91 : memref<128x64xf32, #tpu.memory_space<hbm>>) target_semaphore(%run_scoped3A : memref<!tpu.dma_semaphore, #tpu.memory_space<semaphore_mem>>)
        %dma_wait3A = arith.constant 0 : i32
        %dma_wait3A_92 = tpu.memref_slice %arg7[%add3A_88, %dma_wait3A] : memref<10240x64xf32, #tpu.memory_space<hbm>> -> memref<128x64xf32, #tpu.memory_space<hbm>>
        %dma_wait3A_93 = arith.constant 0 : i32
        %dma_wait3A_94 = tpu.memref_slice %arg7[%add3A_88, %dma_wait3A_93] : memref<10240x64xf32, #tpu.memory_space<hbm>> -> memref<128x64xf32, #tpu.memory_space<hbm>>
        tpu.wait_dma2 semaphore(%run_scoped3A : memref<!tpu.dma_semaphore, #tpu.memory_space<semaphore_mem>>) src(%arg10 : memref<128x64xf32, #tpu.memory_space<vmem>>) dst(%dma_wait3A_94 : memref<128x64xf32, #tpu.memory_space<hbm>>)
        tpu.yield
      }) : () -> ()
    } else {
    }
    %add3A_51 = arith.constant 256 : i32
    %add3A_52 = arith.addi %mul3A_5, %add3A_51 : i32
    "tpu.region"() ({
      %run_scoped3A = tpu.sem_alloc : memref<!tpu.dma_semaphore, #tpu.memory_space<semaphore_mem>>
      %dma_start3A = arith.constant 0 : i32
      %dma_start3A_87 = tpu.memref_slice %arg15[%add3A_52, %dma_start3A] : memref<10240x64xf32, #tpu.memory_space<vmem_shared>> -> memref<128x64xf32, #tpu.memory_space<vmem_shared>>
      %dma_start3A_88 = arith.constant 0 : i32
      %dma_start3A_89 = tpu.memref_slice %arg15[%add3A_52, %dma_start3A_88] : memref<10240x64xf32, #tpu.memory_space<vmem_shared>> -> memref<128x64xf32, #tpu.memory_space<vmem_shared>>
      tpu.enqueue_dma source(%dma_start3A_89 : memref<128x64xf32, #tpu.memory_space<vmem_shared>>) target(%arg10 : memref<128x64xf32, #tpu.memory_space<vmem>>) target_semaphore(%run_scoped3A : memref<!tpu.dma_semaphore, #tpu.memory_space<semaphore_mem>>)
      %dma_wait3A = arith.constant 0 : i32
      %dma_wait3A_90 = tpu.memref_slice %arg15[%add3A_52, %dma_wait3A] : memref<10240x64xf32, #tpu.memory_space<vmem_shared>> -> memref<128x64xf32, #tpu.memory_space<vmem_shared>>
      %dma_wait3A_91 = arith.constant 0 : i32
      %dma_wait3A_92 = tpu.memref_slice %arg15[%add3A_52, %dma_wait3A_91] : memref<10240x64xf32, #tpu.memory_space<vmem_shared>> -> memref<128x64xf32, #tpu.memory_space<vmem_shared>>
      tpu.wait_dma2 semaphore(%run_scoped3A : memref<!tpu.dma_semaphore, #tpu.memory_space<semaphore_mem>>) src(%dma_wait3A_92 : memref<128x64xf32, #tpu.memory_space<vmem_shared>>) dst(%arg10 : memref<128x64xf32, #tpu.memory_space<vmem>>)
      tpu.yield
    }) : () -> ()
    %eq3A_53 = arith.constant 0 : i32
    %eq3A_54 = arith.cmpi eq, %arg0, %eq3A_53 : i32
    %convert_element_type3A_55 = arith.extui %eq3A_54 : i1 to i32
    %cond3A_56 = arith.constant 0 : i32
    %cond3A_57 = arith.cmpi ne, %convert_element_type3A_55, %cond3A_56 : i32
    scf.if %cond3A_57 {
      %add3A_87 = arith.constant 256 : i32
      %add3A_88 = arith.addi %mul3A_5, %add3A_87 : i32
      "tpu.region"() ({
        %run_scoped3A = tpu.sem_alloc : memref<!tpu.dma_semaphore, #tpu.memory_space<semaphore_mem>>
        %dma_start3A = arith.constant 0 : i32
        %dma_start3A_89 = tpu.memref_slice %arg6[%add3A_88, %dma_start3A] : memref<10240x64xf32, #tpu.memory_space<hbm>> -> memref<128x64xf32, #tpu.memory_space<hbm>>
        %dma_start3A_90 = arith.constant 0 : i32
        %dma_start3A_91 = tpu.memref_slice %arg6[%add3A_88, %dma_start3A_90] : memref<10240x64xf32, #tpu.memory_space<hbm>> -> memref<128x64xf32, #tpu.memory_space<hbm>>
        tpu.enqueue_dma source(%arg10 : memref<128x64xf32, #tpu.memory_space<vmem>>) target(%dma_start3A_91 : memref<128x64xf32, #tpu.memory_space<hbm>>) target_semaphore(%run_scoped3A : memref<!tpu.dma_semaphore, #tpu.memory_space<semaphore_mem>>)
        %dma_wait3A = arith.constant 0 : i32
        %dma_wait3A_92 = tpu.memref_slice %arg6[%add3A_88, %dma_wait3A] : memref<10240x64xf32, #tpu.memory_space<hbm>> -> memref<128x64xf32, #tpu.memory_space<hbm>>
        %dma_wait3A_93 = arith.constant 0 : i32
        %dma_wait3A_94 = tpu.memref_slice %arg6[%add3A_88, %dma_wait3A_93] : memref<10240x64xf32, #tpu.memory_space<hbm>> -> memref<128x64xf32, #tpu.memory_space<hbm>>
        tpu.wait_dma2 semaphore(%run_scoped3A : memref<!tpu.dma_semaphore, #tpu.memory_space<semaphore_mem>>) src(%arg10 : memref<128x64xf32, #tpu.memory_space<vmem>>) dst(%dma_wait3A_94 : memref<128x64xf32, #tpu.memory_space<hbm>>)
        tpu.yield
      }) : () -> ()
    } else {
    }
    %eq3A_58 = arith.constant 1 : i32
    %eq3A_59 = arith.cmpi eq, %arg0, %eq3A_58 : i32
    %convert_element_type3A_60 = arith.extui %eq3A_59 : i1 to i32
    %cond3A_61 = arith.constant 0 : i32
    %cond3A_62 = arith.cmpi ne, %convert_element_type3A_60, %cond3A_61 : i32
    scf.if %cond3A_62 {
      %add3A_87 = arith.constant 256 : i32
      %add3A_88 = arith.addi %mul3A_5, %add3A_87 : i32
      "tpu.region"() ({
        %run_scoped3A = tpu.sem_alloc : memref<!tpu.dma_semaphore, #tpu.memory_space<semaphore_mem>>
        %dma_start3A = arith.constant 0 : i32
        %dma_start3A_89 = tpu.memref_slice %arg7[%add3A_88, %dma_start3A] : memref<10240x64xf32, #tpu.memory_space<hbm>> -> memref<128x64xf32, #tpu.memory_space<hbm>>
        %dma_start3A_90 = arith.constant 0 : i32
        %dma_start3A_91 = tpu.memref_slice %arg7[%add3A_88, %dma_start3A_90] : memref<10240x64xf32, #tpu.memory_space<hbm>> -> memref<128x64xf32, #tpu.memory_space<hbm>>
        tpu.enqueue_dma source(%arg10 : memref<128x64xf32, #tpu.memory_space<vmem>>) target(%dma_start3A_91 : memref<128x64xf32, #tpu.memory_space<hbm>>) target_semaphore(%run_scoped3A : memref<!tpu.dma_semaphore, #tpu.memory_space<semaphore_mem>>)
        %dma_wait3A = arith.constant 0 : i32
        %dma_wait3A_92 = tpu.memref_slice %arg7[%add3A_88, %dma_wait3A] : memref<10240x64xf32, #tpu.memory_space<hbm>> -> memref<128x64xf32, #tpu.memory_space<hbm>>
        %dma_wait3A_93 = arith.constant 0 : i32
        %dma_wait3A_94 = tpu.memref_slice %arg7[%add3A_88, %dma_wait3A_93] : memref<10240x64xf32, #tpu.memory_space<hbm>> -> memref<128x64xf32, #tpu.memory_space<hbm>>
        tpu.wait_dma2 semaphore(%run_scoped3A : memref<!tpu.dma_semaphore, #tpu.memory_space<semaphore_mem>>) src(%arg10 : memref<128x64xf32, #tpu.memory_space<vmem>>) dst(%dma_wait3A_94 : memref<128x64xf32, #tpu.memory_space<hbm>>)
        tpu.yield
      }) : () -> ()
    } else {
    }
    %add3A_63 = arith.constant 384 : i32
    %add3A_64 = arith.addi %mul3A_5, %add3A_63 : i32
    "tpu.region"() ({
      %run_scoped3A = tpu.sem_alloc : memref<!tpu.dma_semaphore, #tpu.memory_space<semaphore_mem>>
      %dma_start3A = arith.constant 0 : i32
      %dma_start3A_87 = tpu.memref_slice %arg15[%add3A_64, %dma_start3A] : memref<10240x64xf32, #tpu.memory_space<vmem_shared>> -> memref<128x64xf32, #tpu.memory_space<vmem_shared>>
      %dma_start3A_88 = arith.constant 0 : i32
      %dma_start3A_89 = tpu.memref_slice %arg15[%add3A_64, %dma_start3A_88] : memref<10240x64xf32, #tpu.memory_space<vmem_shared>> -> memref<128x64xf32, #tpu.memory_space<vmem_shared>>
      tpu.enqueue_dma source(%dma_start3A_89 : memref<128x64xf32, #tpu.memory_space<vmem_shared>>) target(%arg10 : memref<128x64xf32, #tpu.memory_space<vmem>>) target_semaphore(%run_scoped3A : memref<!tpu.dma_semaphore, #tpu.memory_space<semaphore_mem>>)
      %dma_wait3A = arith.constant 0 : i32
      %dma_wait3A_90 = tpu.memref_slice %arg15[%add3A_64, %dma_wait3A] : memref<10240x64xf32, #tpu.memory_space<vmem_shared>> -> memref<128x64xf32, #tpu.memory_space<vmem_shared>>
      %dma_wait3A_91 = arith.constant 0 : i32
      %dma_wait3A_92 = tpu.memref_slice %arg15[%add3A_64, %dma_wait3A_91] : memref<10240x64xf32, #tpu.memory_space<vmem_shared>> -> memref<128x64xf32, #tpu.memory_space<vmem_shared>>
      tpu.wait_dma2 semaphore(%run_scoped3A : memref<!tpu.dma_semaphore, #tpu.memory_space<semaphore_mem>>) src(%dma_wait3A_92 : memref<128x64xf32, #tpu.memory_space<vmem_shared>>) dst(%arg10 : memref<128x64xf32, #tpu.memory_space<vmem>>)
      tpu.yield
    }) : () -> ()
    %eq3A_65 = arith.constant 0 : i32
    %eq3A_66 = arith.cmpi eq, %arg0, %eq3A_65 : i32
    %convert_element_type3A_67 = arith.extui %eq3A_66 : i1 to i32
    %cond3A_68 = arith.constant 0 : i32
    %cond3A_69 = arith.cmpi ne, %convert_element_type3A_67, %cond3A_68 : i32
    scf.if %cond3A_69 {
      %add3A_87 = arith.constant 384 : i32
      %add3A_88 = arith.addi %mul3A_5, %add3A_87 : i32
      "tpu.region"() ({
        %run_scoped3A = tpu.sem_alloc : memref<!tpu.dma_semaphore, #tpu.memory_space<semaphore_mem>>
        %dma_start3A = arith.constant 0 : i32
        %dma_start3A_89 = tpu.memref_slice %arg6[%add3A_88, %dma_start3A] : memref<10240x64xf32, #tpu.memory_space<hbm>> -> memref<128x64xf32, #tpu.memory_space<hbm>>
        %dma_start3A_90 = arith.constant 0 : i32
        %dma_start3A_91 = tpu.memref_slice %arg6[%add3A_88, %dma_start3A_90] : memref<10240x64xf32, #tpu.memory_space<hbm>> -> memref<128x64xf32, #tpu.memory_space<hbm>>
        tpu.enqueue_dma source(%arg10 : memref<128x64xf32, #tpu.memory_space<vmem>>) target(%dma_start3A_91 : memref<128x64xf32, #tpu.memory_space<hbm>>) target_semaphore(%run_scoped3A : memref<!tpu.dma_semaphore, #tpu.memory_space<semaphore_mem>>)
        %dma_wait3A = arith.constant 0 : i32
        %dma_wait3A_92 = tpu.memref_slice %arg6[%add3A_88, %dma_wait3A] : memref<10240x64xf32, #tpu.memory_space<hbm>> -> memref<128x64xf32, #tpu.memory_space<hbm>>
        %dma_wait3A_93 = arith.constant 0 : i32
        %dma_wait3A_94 = tpu.memref_slice %arg6[%add3A_88, %dma_wait3A_93] : memref<10240x64xf32, #tpu.memory_space<hbm>> -> memref<128x64xf32, #tpu.memory_space<hbm>>
        tpu.wait_dma2 semaphore(%run_scoped3A : memref<!tpu.dma_semaphore, #tpu.memory_space<semaphore_mem>>) src(%arg10 : memref<128x64xf32, #tpu.memory_space<vmem>>) dst(%dma_wait3A_94 : memref<128x64xf32, #tpu.memory_space<hbm>>)
        tpu.yield
      }) : () -> ()
    } else {
    }
    %eq3A_70 = arith.constant 1 : i32
    %eq3A_71 = arith.cmpi eq, %arg0, %eq3A_70 : i32
    %convert_element_type3A_72 = arith.extui %eq3A_71 : i1 to i32
    %cond3A_73 = arith.constant 0 : i32
    %cond3A_74 = arith.cmpi ne, %convert_element_type3A_72, %cond3A_73 : i32
    scf.if %cond3A_74 {
      %add3A_87 = arith.constant 384 : i32
      %add3A_88 = arith.addi %mul3A_5, %add3A_87 : i32
      "tpu.region"() ({
        %run_scoped3A = tpu.sem_alloc : memref<!tpu.dma_semaphore, #tpu.memory_space<semaphore_mem>>
        %dma_start3A = arith.constant 0 : i32
        %dma_start3A_89 = tpu.memref_slice %arg7[%add3A_88, %dma_start3A] : memref<10240x64xf32, #tpu.memory_space<hbm>> -> memref<128x64xf32, #tpu.memory_space<hbm>>
        %dma_start3A_90 = arith.constant 0 : i32
        %dma_start3A_91 = tpu.memref_slice %arg7[%add3A_88, %dma_start3A_90] : memref<10240x64xf32, #tpu.memory_space<hbm>> -> memref<128x64xf32, #tpu.memory_space<hbm>>
        tpu.enqueue_dma source(%arg10 : memref<128x64xf32, #tpu.memory_space<vmem>>) target(%dma_start3A_91 : memref<128x64xf32, #tpu.memory_space<hbm>>) target_semaphore(%run_scoped3A : memref<!tpu.dma_semaphore, #tpu.memory_space<semaphore_mem>>)
        %dma_wait3A = arith.constant 0 : i32
        %dma_wait3A_92 = tpu.memref_slice %arg7[%add3A_88, %dma_wait3A] : memref<10240x64xf32, #tpu.memory_space<hbm>> -> memref<128x64xf32, #tpu.memory_space<hbm>>
        %dma_wait3A_93 = arith.constant 0 : i32
        %dma_wait3A_94 = tpu.memref_slice %arg7[%add3A_88, %dma_wait3A_93] : memref<10240x64xf32, #tpu.memory_space<hbm>> -> memref<128x64xf32, #tpu.memory_space<hbm>>
        tpu.wait_dma2 semaphore(%run_scoped3A : memref<!tpu.dma_semaphore, #tpu.memory_space<semaphore_mem>>) src(%arg10 : memref<128x64xf32, #tpu.memory_space<vmem>>) dst(%dma_wait3A_94 : memref<128x64xf32, #tpu.memory_space<hbm>>)
        tpu.yield
      }) : () -> ()
    } else {
    }
    %add3A_75 = arith.constant 512 : i32
    %add3A_76 = arith.addi %mul3A_5, %add3A_75 : i32
    "tpu.region"() ({
      %run_scoped3A = tpu.sem_alloc : memref<!tpu.dma_semaphore, #tpu.memory_space<semaphore_mem>>
      %dma_start3A = arith.constant 0 : i32
      %dma_start3A_87 = tpu.memref_slice %arg15[%add3A_76, %dma_start3A] : memref<10240x64xf32, #tpu.memory_space<vmem_shared>> -> memref<128x64xf32, #tpu.memory_space<vmem_shared>>
      %dma_start3A_88 = arith.constant 0 : i32
      %dma_start3A_89 = tpu.memref_slice %arg15[%add3A_76, %dma_start3A_88] : memref<10240x64xf32, #tpu.memory_space<vmem_shared>> -> memref<128x64xf32, #tpu.memory_space<vmem_shared>>
      tpu.enqueue_dma source(%dma_start3A_89 : memref<128x64xf32, #tpu.memory_space<vmem_shared>>) target(%arg10 : memref<128x64xf32, #tpu.memory_space<vmem>>) target_semaphore(%run_scoped3A : memref<!tpu.dma_semaphore, #tpu.memory_space<semaphore_mem>>)
      %dma_wait3A = arith.constant 0 : i32
      %dma_wait3A_90 = tpu.memref_slice %arg15[%add3A_76, %dma_wait3A] : memref<10240x64xf32, #tpu.memory_space<vmem_shared>> -> memref<128x64xf32, #tpu.memory_space<vmem_shared>>
      %dma_wait3A_91 = arith.constant 0 : i32
      %dma_wait3A_92 = tpu.memref_slice %arg15[%add3A_76, %dma_wait3A_91] : memref<10240x64xf32, #tpu.memory_space<vmem_shared>> -> memref<128x64xf32, #tpu.memory_space<vmem_shared>>
      tpu.wait_dma2 semaphore(%run_scoped3A : memref<!tpu.dma_semaphore, #tpu.memory_space<semaphore_mem>>) src(%dma_wait3A_92 : memref<128x64xf32, #tpu.memory_space<vmem_shared>>) dst(%arg10 : memref<128x64xf32, #tpu.memory_space<vmem>>)
      tpu.yield
    }) : () -> ()
    %eq3A_77 = arith.constant 0 : i32
    %eq3A_78 = arith.cmpi eq, %arg0, %eq3A_77 : i32
    %convert_element_type3A_79 = arith.extui %eq3A_78 : i1 to i32
    %cond3A_80 = arith.constant 0 : i32
    %cond3A_81 = arith.cmpi ne, %convert_element_type3A_79, %cond3A_80 : i32
    scf.if %cond3A_81 {
      %add3A_87 = arith.constant 512 : i32
      %add3A_88 = arith.addi %mul3A_5, %add3A_87 : i32
      "tpu.region"() ({
        %run_scoped3A = tpu.sem_alloc : memref<!tpu.dma_semaphore, #tpu.memory_space<semaphore_mem>>
        %dma_start3A = arith.constant 0 : i32
        %dma_start3A_89 = tpu.memref_slice %arg6[%add3A_88, %dma_start3A] : memref<10240x64xf32, #tpu.memory_space<hbm>> -> memref<128x64xf32, #tpu.memory_space<hbm>>
        %dma_start3A_90 = arith.constant 0 : i32
        %dma_start3A_91 = tpu.memref_slice %arg6[%add3A_88, %dma_start3A_90] : memref<10240x64xf32, #tpu.memory_space<hbm>> -> memref<128x64xf32, #tpu.memory_space<hbm>>
        tpu.enqueue_dma source(%arg10 : memref<128x64xf32, #tpu.memory_space<vmem>>) target(%dma_start3A_91 : memref<128x64xf32, #tpu.memory_space<hbm>>) target_semaphore(%run_scoped3A : memref<!tpu.dma_semaphore, #tpu.memory_space<semaphore_mem>>)
        %dma_wait3A = arith.constant 0 : i32
        %dma_wait3A_92 = tpu.memref_slice %arg6[%add3A_88, %dma_wait3A] : memref<10240x64xf32, #tpu.memory_space<hbm>> -> memref<128x64xf32, #tpu.memory_space<hbm>>
        %dma_wait3A_93 = arith.constant 0 : i32
        %dma_wait3A_94 = tpu.memref_slice %arg6[%add3A_88, %dma_wait3A_93] : memref<10240x64xf32, #tpu.memory_space<hbm>> -> memref<128x64xf32, #tpu.memory_space<hbm>>
        tpu.wait_dma2 semaphore(%run_scoped3A : memref<!tpu.dma_semaphore, #tpu.memory_space<semaphore_mem>>) src(%arg10 : memref<128x64xf32, #tpu.memory_space<vmem>>) dst(%dma_wait3A_94 : memref<128x64xf32, #tpu.memory_space<hbm>>)
        tpu.yield
      }) : () -> ()
    } else {
    }
    %eq3A_82 = arith.constant 1 : i32
    %eq3A_83 = arith.cmpi eq, %arg0, %eq3A_82 : i32
    %convert_element_type3A_84 = arith.extui %eq3A_83 : i1 to i32
    %cond3A_85 = arith.constant 0 : i32
    %cond3A_86 = arith.cmpi ne, %convert_element_type3A_84, %cond3A_85 : i32
    scf.if %cond3A_86 {
      %add3A_87 = arith.constant 512 : i32
      %add3A_88 = arith.addi %mul3A_5, %add3A_87 : i32
      "tpu.region"() ({
        %run_scoped3A = tpu.sem_alloc : memref<!tpu.dma_semaphore, #tpu.memory_space<semaphore_mem>>
        %dma_start3A = arith.constant 0 : i32
        %dma_start3A_89 = tpu.memref_slice %arg7[%add3A_88, %dma_start3A] : memref<10240x64xf32, #tpu.memory_space<hbm>> -> memref<128x64xf32, #tpu.memory_space<hbm>>
        %dma_start3A_90 = arith.constant 0 : i32
        %dma_start3A_91 = tpu.memref_slice %arg7[%add3A_88, %dma_start3A_90] : memref<10240x64xf32, #tpu.memory_space<hbm>> -> memref<128x64xf32, #tpu.memory_space<hbm>>
        tpu.enqueue_dma source(%arg10 : memref<128x64xf32, #tpu.memory_space<vmem>>) target(%dma_start3A_91 : memref<128x64xf32, #tpu.memory_space<hbm>>) target_semaphore(%run_scoped3A : memref<!tpu.dma_semaphore, #tpu.memory_space<semaphore_mem>>)
        %dma_wait3A = arith.constant 0 : i32
        %dma_wait3A_92 = tpu.memref_slice %arg7[%add3A_88, %dma_wait3A] : memref<10240x64xf32, #tpu.memory_space<hbm>> -> memref<128x64xf32, #tpu.memory_space<hbm>>
        %dma_wait3A_93 = arith.constant 0 : i32
        %dma_wait3A_94 = tpu.memref_slice %arg7[%add3A_88, %dma_wait3A_93] : memref<10240x64xf32, #tpu.memory_space<hbm>> -> memref<128x64xf32, #tpu.memory_space<hbm>>
        tpu.wait_dma2 semaphore(%run_scoped3A : memref<!tpu.dma_semaphore, #tpu.memory_space<semaphore_mem>>) src(%arg10 : memref<128x64xf32, #tpu.memory_space<vmem>>) dst(%dma_wait3A_94 : memref<128x64xf32, #tpu.memory_space<hbm>>)
        tpu.yield
      }) : () -> ()
    } else {
    }
    return
  }
}

#map = affine_map<(d0, d1) -> (0, 0)>
module attributes {stable_mosaic.version = 14 : i64} {
  func.func @_agg_kernel(%arg0: i32, %arg1: i32, %arg2: memref<2560x128xi32, #tpu.memory_space<hbm>>, %arg3: memref<2560x128xi32, #tpu.memory_space<hbm>>, %arg4: memref<10240x64xf32, #tpu.memory_space<hbm>>, %arg5: memref<10240x64xf32, #tpu.memory_space<hbm>>, %arg6: memref<10240x64xf32, #tpu.memory_space<hbm>>, %arg7: memref<10240x64xf32, #tpu.memory_space<hbm>>, %arg8: memref<160x128xi32, #tpu.memory_space<vmem>>, %arg9: memref<160x128xi32, #tpu.memory_space<vmem>>, %arg10: memref<128x64xf32, #tpu.memory_space<vmem>>, %arg11: memref<128x64xf32, #tpu.memory_space<vmem>>, %arg12: memref<128x64xf32, #tpu.memory_space<vmem>>, %arg13: memref<128x64xf32, #tpu.memory_space<vmem>>, %arg14: memref<128x64xf32, #tpu.memory_space<vmem>>, %arg15: memref<10240x64xf32, #tpu.memory_space<vmem_shared>>, %arg16: memref<!tpu.dma_semaphore, #tpu.memory_space<semaphore_mem>>, %arg17: memref<!tpu.dma_semaphore, #tpu.memory_space<semaphore_mem>>, %arg18: memref<!tpu.dma_semaphore, #tpu.memory_space<semaphore_mem>>, %arg19: memref<!tpu.dma_semaphore, #tpu.memory_space<semaphore_mem>>, %arg20: memref<!tpu.dma_semaphore, #tpu.memory_space<semaphore_mem>>, %arg21: memref<!tpu.dma_semaphore, #tpu.memory_space<semaphore_mem>>, %arg22: memref<!tpu.dma_semaphore, #tpu.memory_space<semaphore_mem>>, %arg23: memref<!tpu.dma_semaphore, #tpu.memory_space<semaphore_mem>>, %arg24: memref<!tpu.dma_semaphore, #tpu.memory_space<semaphore_mem>>, %arg25: memref<!tpu.dma_semaphore, #tpu.memory_space<semaphore_mem>>) attributes {dimension_semantics = [#tpu.dimension_semantics<core_parallel>, #tpu.dimension_semantics<subcore_parallel>], iteration_bounds = array<i64: 2, 16>, scalar_prefetch = 0 : i64, scratch_operands = 18 : i64, tpu.core_type = #tpu.core_type<sc_vector_subcore>, window_params = [{transform_indices = #map}, {transform_indices = #map}, {transform_indices = #map}, {transform_indices = #map}, {transform_indices = #map}, {transform_indices = #map}]} {
    %scan3A = arith.constant 0 : i32
    %scan3A_0 = arith.constant 0 : i32
    %scan3A_1 = arith.constant 128 : i32
    %scan3A_2 = arith.addi %scan3A_0, %scan3A_1 : i32
    %scan3A_3 = arith.constant 1 : i32
    scf.for %scan3A_87 = %scan3A_0 to %scan3A_2 step %scan3A_3  : i32 {
      %broadcast_in_dim3A = arith.constant 0.000000e+00 : f32
      %broadcast_in_dim3A_88 = vector.broadcast %broadcast_in_dim3A : f32 to vector<16xf32>
      %swap3A = arith.index_cast %scan3A_87 : i32 to index
      %swap3A_89 = arith.constant 0 : index
      %swap3A_90 = tpu.vector_load %arg10[%swap3A, %swap3A_89] {strides = array<i32>} : memref<128x64xf32, #tpu.memory_space<vmem>>, vector<1x16xf32>,
      %swap3A_91 = vector.shape_cast %swap3A_90 : vector<1x16xf32> to vector<16xf32>
      %swap3A_92 = vector.shape_cast %broadcast_in_dim3A_88 : vector<16xf32> to vector<1x16xf32>
      tpu.vector_store %arg10[%swap3A, %swap3A_89], %swap3A_92 {strides = array<i32>} : memref<128x64xf32, #tpu.memory_space<vmem>>, vector<1x16xf32>,
      %broadcast_in_dim3A_93 = arith.constant 0.000000e+00 : f32
      %broadcast_in_dim3A_94 = vector.broadcast %broadcast_in_dim3A_93 : f32 to vector<16xf32>
      %swap3A_95 = arith.index_cast %scan3A_87 : i32 to index
      %swap3A_96 = arith.constant 16 : index
      %swap3A_97 = tpu.vector_load %arg10[%swap3A_95, %swap3A_96] {strides = array<i32>} : memref<128x64xf32, #tpu.memory_space<vmem>>, vector<1x16xf32>,
      %swap3A_98 = vector.shape_cast %swap3A_97 : vector<1x16xf32> to vector<16xf32>
      %swap3A_99 = vector.shape_cast %broadcast_in_dim3A_94 : vector<16xf32> to vector<1x16xf32>
      tpu.vector_store %arg10[%swap3A_95, %swap3A_96], %swap3A_99 {strides = array<i32>} : memref<128x64xf32, #tpu.memory_space<vmem>>, vector<1x16xf32>,
      %broadcast_in_dim3A_100 = arith.constant 0.000000e+00 : f32
      %broadcast_in_dim3A_101 = vector.broadcast %broadcast_in_dim3A_100 : f32 to vector<16xf32>
      %swap3A_102 = arith.index_cast %scan3A_87 : i32 to index
      %swap3A_103 = arith.constant 32 : index
      %swap3A_104 = tpu.vector_load %arg10[%swap3A_102, %swap3A_103] {strides = array<i32>} : memref<128x64xf32, #tpu.memory_space<vmem>>, vector<1x16xf32>,
      %swap3A_105 = vector.shape_cast %swap3A_104 : vector<1x16xf32> to vector<16xf32>
      %swap3A_106 = vector.shape_cast %broadcast_in_dim3A_101 : vector<16xf32> to vector<1x16xf32>
      tpu.vector_store %arg10[%swap3A_102, %swap3A_103], %swap3A_106 {strides = array<i32>} : memref<128x64xf32, #tpu.memory_space<vmem>>, vector<1x16xf32>,
      %broadcast_in_dim3A_107 = arith.constant 0.000000e+00 : f32
      %broadcast_in_dim3A_108 = vector.broadcast %broadcast_in_dim3A_107 : f32 to vector<16xf32>
      %swap3A_109 = arith.index_cast %scan3A_87 : i32 to index
      %swap3A_110 = arith.constant 48 : index
      %swap3A_111 = tpu.vector_load %arg10[%swap3A_109, %swap3A_110] {strides = array<i32>} : memref<128x64xf32, #tpu.memory_space<vmem>>, vector<1x16xf32>,
      %swap3A_112 = vector.shape_cast %swap3A_111 : vector<1x16xf32> to vector<16xf32>
      %swap3A_113 = vector.shape_cast %broadcast_in_dim3A_108 : vector<16xf32> to vector<1x16xf32>
      tpu.vector_store %arg10[%swap3A_109, %swap3A_110], %swap3A_113 {strides = array<i32>} : memref<128x64xf32, #tpu.memory_space<vmem>>, vector<1x16xf32>,
    }
    %scan3A_4 = arith.constant 128 : i32
    %mul3A = arith.constant 640 : i32
    %mul3A_5 = arith.muli %arg1, %mul3A : i32
    %add3A = arith.constant 0 : i32
    %add3A_6 = arith.addi %mul3A_5, %add3A : i32
    "tpu.region"() ({
      %run_scoped3A = tpu.sem_alloc : memref<!tpu.dma_semaphore, #tpu.memory_space<semaphore_mem>>
      %dma_start3A = arith.constant 0 : i32
      %dma_start3A_87 = tpu.memref_slice %arg15[%add3A_6, %dma_start3A] : memref<10240x64xf32, #tpu.memory_space<vmem_shared>> -> memref<128x64xf32, #tpu.memory_space<vmem_shared>>
      %dma_start3A_88 = arith.constant 0 : i32
      %dma_start3A_89 = tpu.memref_slice %arg15[%add3A_6, %dma_start3A_88] : memref<10240x64xf32, #tpu.memory_space<vmem_shared>> -> memref<128x64xf32, #tpu.memory_space<vmem_shared>>
      tpu.enqueue_dma source(%arg10 : memref<128x64xf32, #tpu.memory_space<vmem>>) target(%dma_start3A_89 : memref<128x64xf32, #tpu.memory_space<vmem_shared>>) target_semaphore(%run_scoped3A : memref<!tpu.dma_semaphore, #tpu.memory_space<semaphore_mem>>)
      %dma_wait3A = arith.constant 0 : i32
      %dma_wait3A_90 = tpu.memref_slice %arg15[%add3A_6, %dma_wait3A] : memref<10240x64xf32, #tpu.memory_space<vmem_shared>> -> memref<128x64xf32, #tpu.memory_space<vmem_shared>>
      %dma_wait3A_91 = arith.constant 0 : i32
      %dma_wait3A_92 = tpu.memref_slice %arg15[%add3A_6, %dma_wait3A_91] : memref<10240x64xf32, #tpu.memory_space<vmem_shared>> -> memref<128x64xf32, #tpu.memory_space<vmem_shared>>
      tpu.wait_dma2 semaphore(%run_scoped3A : memref<!tpu.dma_semaphore, #tpu.memory_space<semaphore_mem>>) src(%arg10 : memref<128x64xf32, #tpu.memory_space<vmem>>) dst(%dma_wait3A_92 : memref<128x64xf32, #tpu.memory_space<vmem_shared>>)
      tpu.yield
    }) : () -> ()
    %add3A_7 = arith.constant 128 : i32
    %add3A_8 = arith.addi %mul3A_5, %add3A_7 : i32
    "tpu.region"() ({
      %run_scoped3A = tpu.sem_alloc : memref<!tpu.dma_semaphore, #tpu.memory_space<semaphore_mem>>
      %dma_start3A = arith.constant 0 : i32
      %dma_start3A_87 = tpu.memref_slice %arg15[%add3A_8, %dma_start3A] : memref<10240x64xf32, #tpu.memory_space<vmem_shared>> -> memref<128x64xf32, #tpu.memory_space<vmem_shared>>
      %dma_start3A_88 = arith.constant 0 : i32
      %dma_start3A_89 = tpu.memref_slice %arg15[%add3A_8, %dma_start3A_88] : memref<10240x64xf32, #tpu.memory_space<vmem_shared>> -> memref<128x64xf32, #tpu.memory_space<vmem_shared>>
      tpu.enqueue_dma source(%arg10 : memref<128x64xf32, #tpu.memory_space<vmem>>) target(%dma_start3A_89 : memref<128x64xf32, #tpu.memory_space<vmem_shared>>) target_semaphore(%run_scoped3A : memref<!tpu.dma_semaphore, #tpu.memory_space<semaphore_mem>>)
      %dma_wait3A = arith.constant 0 : i32
      %dma_wait3A_90 = tpu.memref_slice %arg15[%add3A_8, %dma_wait3A] : memref<10240x64xf32, #tpu.memory_space<vmem_shared>> -> memref<128x64xf32, #tpu.memory_space<vmem_shared>>
      %dma_wait3A_91 = arith.constant 0 : i32
      %dma_wait3A_92 = tpu.memref_slice %arg15[%add3A_8, %dma_wait3A_91] : memref<10240x64xf32, #tpu.memory_space<vmem_shared>> -> memref<128x64xf32, #tpu.memory_space<vmem_shared>>
      tpu.wait_dma2 semaphore(%run_scoped3A : memref<!tpu.dma_semaphore, #tpu.memory_space<semaphore_mem>>) src(%arg10 : memref<128x64xf32, #tpu.memory_space<vmem>>) dst(%dma_wait3A_92 : memref<128x64xf32, #tpu.memory_space<vmem_shared>>)
      tpu.yield
    }) : () -> ()
    %add3A_9 = arith.constant 256 : i32
    %add3A_10 = arith.addi %mul3A_5, %add3A_9 : i32
    "tpu.region"() ({
      %run_scoped3A = tpu.sem_alloc : memref<!tpu.dma_semaphore, #tpu.memory_space<semaphore_mem>>
      %dma_start3A = arith.constant 0 : i32
      %dma_start3A_87 = tpu.memref_slice %arg15[%add3A_10, %dma_start3A] : memref<10240x64xf32, #tpu.memory_space<vmem_shared>> -> memref<128x64xf32, #tpu.memory_space<vmem_shared>>
      %dma_start3A_88 = arith.constant 0 : i32
      %dma_start3A_89 = tpu.memref_slice %arg15[%add3A_10, %dma_start3A_88] : memref<10240x64xf32, #tpu.memory_space<vmem_shared>> -> memref<128x64xf32, #tpu.memory_space<vmem_shared>>
      tpu.enqueue_dma source(%arg10 : memref<128x64xf32, #tpu.memory_space<vmem>>) target(%dma_start3A_89 : memref<128x64xf32, #tpu.memory_space<vmem_shared>>) target_semaphore(%run_scoped3A : memref<!tpu.dma_semaphore, #tpu.memory_space<semaphore_mem>>)
      %dma_wait3A = arith.constant 0 : i32
      %dma_wait3A_90 = tpu.memref_slice %arg15[%add3A_10, %dma_wait3A] : memref<10240x64xf32, #tpu.memory_space<vmem_shared>> -> memref<128x64xf32, #tpu.memory_space<vmem_shared>>
      %dma_wait3A_91 = arith.constant 0 : i32
      %dma_wait3A_92 = tpu.memref_slice %arg15[%add3A_10, %dma_wait3A_91] : memref<10240x64xf32, #tpu.memory_space<vmem_shared>> -> memref<128x64xf32, #tpu.memory_space<vmem_shared>>
      tpu.wait_dma2 semaphore(%run_scoped3A : memref<!tpu.dma_semaphore, #tpu.memory_space<semaphore_mem>>) src(%arg10 : memref<128x64xf32, #tpu.memory_space<vmem>>) dst(%dma_wait3A_92 : memref<128x64xf32, #tpu.memory_space<vmem_shared>>)
      tpu.yield
    }) : () -> ()
    %add3A_11 = arith.constant 384 : i32
    %add3A_12 = arith.addi %mul3A_5, %add3A_11 : i32
    "tpu.region"() ({
      %run_scoped3A = tpu.sem_alloc : memref<!tpu.dma_semaphore, #tpu.memory_space<semaphore_mem>>
      %dma_start3A = arith.constant 0 : i32
      %dma_start3A_87 = tpu.memref_slice %arg15[%add3A_12, %dma_start3A] : memref<10240x64xf32, #tpu.memory_space<vmem_shared>> -> memref<128x64xf32, #tpu.memory_space<vmem_shared>>
      %dma_start3A_88 = arith.constant 0 : i32
      %dma_start3A_89 = tpu.memref_slice %arg15[%add3A_12, %dma_start3A_88] : memref<10240x64xf32, #tpu.memory_space<vmem_shared>> -> memref<128x64xf32, #tpu.memory_space<vmem_shared>>
      tpu.enqueue_dma source(%arg10 : memref<128x64xf32, #tpu.memory_space<vmem>>) target(%dma_start3A_89 : memref<128x64xf32, #tpu.memory_space<vmem_shared>>) target_semaphore(%run_scoped3A : memref<!tpu.dma_semaphore, #tpu.memory_space<semaphore_mem>>)
      %dma_wait3A = arith.constant 0 : i32
      %dma_wait3A_90 = tpu.memref_slice %arg15[%add3A_12, %dma_wait3A] : memref<10240x64xf32, #tpu.memory_space<vmem_shared>> -> memref<128x64xf32, #tpu.memory_space<vmem_shared>>
      %dma_wait3A_91 = arith.constant 0 : i32
      %dma_wait3A_92 = tpu.memref_slice %arg15[%add3A_12, %dma_wait3A_91] : memref<10240x64xf32, #tpu.memory_space<vmem_shared>> -> memref<128x64xf32, #tpu.memory_space<vmem_shared>>
      tpu.wait_dma2 semaphore(%run_scoped3A : memref<!tpu.dma_semaphore, #tpu.memory_space<semaphore_mem>>) src(%arg10 : memref<128x64xf32, #tpu.memory_space<vmem>>) dst(%dma_wait3A_92 : memref<128x64xf32, #tpu.memory_space<vmem_shared>>)
      tpu.yield
    }) : () -> ()
    %add3A_13 = arith.constant 512 : i32
    %add3A_14 = arith.addi %mul3A_5, %add3A_13 : i32
    "tpu.region"() ({
      %run_scoped3A = tpu.sem_alloc : memref<!tpu.dma_semaphore, #tpu.memory_space<semaphore_mem>>
      %dma_start3A = arith.constant 0 : i32
      %dma_start3A_87 = tpu.memref_slice %arg15[%add3A_14, %dma_start3A] : memref<10240x64xf32, #tpu.memory_space<vmem_shared>> -> memref<128x64xf32, #tpu.memory_space<vmem_shared>>
      %dma_start3A_88 = arith.constant 0 : i32
      %dma_start3A_89 = tpu.memref_slice %arg15[%add3A_14, %dma_start3A_88] : memref<10240x64xf32, #tpu.memory_space<vmem_shared>> -> memref<128x64xf32, #tpu.memory_space<vmem_shared>>
      tpu.enqueue_dma source(%arg10 : memref<128x64xf32, #tpu.memory_space<vmem>>) target(%dma_start3A_89 : memref<128x64xf32, #tpu.memory_space<vmem_shared>>) target_semaphore(%run_scoped3A : memref<!tpu.dma_semaphore, #tpu.memory_space<semaphore_mem>>)
      %dma_wait3A = arith.constant 0 : i32
      %dma_wait3A_90 = tpu.memref_slice %arg15[%add3A_14, %dma_wait3A] : memref<10240x64xf32, #tpu.memory_space<vmem_shared>> -> memref<128x64xf32, #tpu.memory_space<vmem_shared>>
      %dma_wait3A_91 = arith.constant 0 : i32
      %dma_wait3A_92 = tpu.memref_slice %arg15[%add3A_14, %dma_wait3A_91] : memref<10240x64xf32, #tpu.memory_space<vmem_shared>> -> memref<128x64xf32, #tpu.memory_space<vmem_shared>>
      tpu.wait_dma2 semaphore(%run_scoped3A : memref<!tpu.dma_semaphore, #tpu.memory_space<semaphore_mem>>) src(%arg10 : memref<128x64xf32, #tpu.memory_space<vmem>>) dst(%dma_wait3A_92 : memref<128x64xf32, #tpu.memory_space<vmem_shared>>)
      tpu.yield
    }) : () -> ()
    %barrier3A = arith.constant 0 : index
    tpu.barrier barrier_id(%barrier3A)
    %mul3A_15 = arith.constant 160 : i32
    %mul3A_16 = arith.muli %arg1, %mul3A_15 : i32
    "tpu.region"() ({
      %run_scoped3A = tpu.sem_alloc : memref<!tpu.dma_semaphore, #tpu.memory_space<semaphore_mem>>
      %dma_start3A = arith.constant 0 : i32
      %dma_start3A_87 = tpu.memref_slice %arg2[%mul3A_16, %dma_start3A] : memref<2560x128xi32, #tpu.memory_space<hbm>> -> memref<160x128xi32, #tpu.memory_space<hbm>>
      %dma_start3A_88 = arith.constant 0 : i32
      %dma_start3A_89 = tpu.memref_slice %arg2[%mul3A_16, %dma_start3A_88] : memref<2560x128xi32, #tpu.memory_space<hbm>> -> memref<160x128xi32, #tpu.memory_space<hbm>>
      tpu.enqueue_dma source(%dma_start3A_89 : memref<160x128xi32, #tpu.memory_space<hbm>>) target(%arg8 : memref<160x128xi32, #tpu.memory_space<vmem>>) target_semaphore(%run_scoped3A : memref<!tpu.dma_semaphore, #tpu.memory_space<semaphore_mem>>)
      %dma_wait3A = arith.constant 0 : i32
      %dma_wait3A_90 = tpu.memref_slice %arg2[%mul3A_16, %dma_wait3A] : memref<2560x128xi32, #tpu.memory_space<hbm>> -> memref<160x128xi32, #tpu.memory_space<hbm>>
      %dma_wait3A_91 = arith.constant 0 : i32
      %dma_wait3A_92 = tpu.memref_slice %arg2[%mul3A_16, %dma_wait3A_91] : memref<2560x128xi32, #tpu.memory_space<hbm>> -> memref<160x128xi32, #tpu.memory_space<hbm>>
      tpu.wait_dma2 semaphore(%run_scoped3A : memref<!tpu.dma_semaphore, #tpu.memory_space<semaphore_mem>>) src(%dma_wait3A_92 : memref<160x128xi32, #tpu.memory_space<hbm>>) dst(%arg8 : memref<160x128xi32, #tpu.memory_space<vmem>>)
      tpu.yield
    }) : () -> ()
    %mul3A_17 = arith.constant 160 : i32
    %mul3A_18 = arith.muli %arg1, %mul3A_17 : i32
    "tpu.region"() ({
      %run_scoped3A = tpu.sem_alloc : memref<!tpu.dma_semaphore, #tpu.memory_space<semaphore_mem>>
      %dma_start3A = arith.constant 0 : i32
      %dma_start3A_87 = tpu.memref_slice %arg3[%mul3A_18, %dma_start3A] : memref<2560x128xi32, #tpu.memory_space<hbm>> -> memref<160x128xi32, #tpu.memory_space<hbm>>
      %dma_start3A_88 = arith.constant 0 : i32
      %dma_start3A_89 = tpu.memref_slice %arg3[%mul3A_18, %dma_start3A_88] : memref<2560x128xi32, #tpu.memory_space<hbm>> -> memref<160x128xi32, #tpu.memory_space<hbm>>
      tpu.enqueue_dma source(%dma_start3A_89 : memref<160x128xi32, #tpu.memory_space<hbm>>) target(%arg9 : memref<160x128xi32, #tpu.memory_space<vmem>>) target_semaphore(%run_scoped3A : memref<!tpu.dma_semaphore, #tpu.memory_space<semaphore_mem>>)
      %dma_wait3A = arith.constant 0 : i32
      %dma_wait3A_90 = tpu.memref_slice %arg3[%mul3A_18, %dma_wait3A] : memref<2560x128xi32, #tpu.memory_space<hbm>> -> memref<160x128xi32, #tpu.memory_space<hbm>>
      %dma_wait3A_91 = arith.constant 0 : i32
      %dma_wait3A_92 = tpu.memref_slice %arg3[%mul3A_18, %dma_wait3A_91] : memref<2560x128xi32, #tpu.memory_space<hbm>> -> memref<160x128xi32, #tpu.memory_space<hbm>>
      tpu.wait_dma2 semaphore(%run_scoped3A : memref<!tpu.dma_semaphore, #tpu.memory_space<semaphore_mem>>) src(%dma_wait3A_92 : memref<160x128xi32, #tpu.memory_space<hbm>>) dst(%arg9 : memref<160x128xi32, #tpu.memory_space<vmem>>)
      tpu.yield
    }) : () -> ()
    %eq3A = arith.constant 0 : i32
    %eq3A_19 = arith.cmpi eq, %arg0, %eq3A : i32
    %convert_element_type3A = arith.extui %eq3A_19 : i1 to i32
    %cond3A = arith.constant 0 : i32
    %cond3A_20 = arith.cmpi ne, %convert_element_type3A, %cond3A : i32
    scf.if %cond3A_20 {
      %dma_start3A = arith.constant 0 : i32
      %dma_start3A_87 = arith.constant 0 : i32
      %dma_start3A_88 = tpu.memref_slice %arg8[%dma_start3A, %dma_start3A_87] : memref<160x128xi32, #tpu.memory_space<vmem>> -> memref<1x128xi32, #tpu.memory_space<vmem>>
      %dma_start3A_89 = tpu.memref_squeeze %dma_start3A_88 : memref<1x128xi32, #tpu.memory_space<vmem>> -> memref<128xi32, #tpu.memory_space<vmem>>
      %dma_start3A_90 = arith.constant 0 : i32
      %dma_start3A_91 = arith.constant 0 : i32
      %dma_start3A_92 = tpu.memref_slice %arg4[%dma_start3A_90, %dma_start3A_91] : memref<10240x64xf32, #tpu.memory_space<hbm>> -> memref<10240x64xf32, #tpu.memory_space<hbm>>
      tpu.enqueue_indirect_dma source(%dma_start3A_92 : memref<10240x64xf32, #tpu.memory_space<hbm>>) target(%arg10 : memref<128x64xf32, #tpu.memory_space<vmem>>) offsets(%dma_start3A_89 : memref<128xi32, #tpu.memory_space<vmem>>) semaphore(%arg16 : memref<!tpu.dma_semaphore, #tpu.memory_space<semaphore_mem>>)
      %dma_start3A_93 = arith.constant 1 : i32
      %dma_start3A_94 = arith.constant 0 : i32
      %dma_start3A_95 = tpu.memref_slice %arg8[%dma_start3A_93, %dma_start3A_94] : memref<160x128xi32, #tpu.memory_space<vmem>> -> memref<1x128xi32, #tpu.memory_space<vmem>>
      %dma_start3A_96 = tpu.memref_squeeze %dma_start3A_95 : memref<1x128xi32, #tpu.memory_space<vmem>> -> memref<128xi32, #tpu.memory_space<vmem>>
      %dma_start3A_97 = arith.constant 0 : i32
      %dma_start3A_98 = arith.constant 0 : i32
      %dma_start3A_99 = tpu.memref_slice %arg4[%dma_start3A_97, %dma_start3A_98] : memref<10240x64xf32, #tpu.memory_space<hbm>> -> memref<10240x64xf32, #tpu.memory_space<hbm>>
      tpu.enqueue_indirect_dma source(%dma_start3A_99 : memref<10240x64xf32, #tpu.memory_space<hbm>>) target(%arg11 : memref<128x64xf32, #tpu.memory_space<vmem>>) offsets(%dma_start3A_96 : memref<128xi32, #tpu.memory_space<vmem>>) semaphore(%arg17 : memref<!tpu.dma_semaphore, #tpu.memory_space<semaphore_mem>>)
      %dma_start3A_100 = arith.constant 2 : i32
      %dma_start3A_101 = arith.constant 0 : i32
      %dma_start3A_102 = tpu.memref_slice %arg8[%dma_start3A_100, %dma_start3A_101] : memref<160x128xi32, #tpu.memory_space<vmem>> -> memref<1x128xi32, #tpu.memory_space<vmem>>
      %dma_start3A_103 = tpu.memref_squeeze %dma_start3A_102 : memref<1x128xi32, #tpu.memory_space<vmem>> -> memref<128xi32, #tpu.memory_space<vmem>>
      %dma_start3A_104 = arith.constant 0 : i32
      %dma_start3A_105 = arith.constant 0 : i32
      %dma_start3A_106 = tpu.memref_slice %arg4[%dma_start3A_104, %dma_start3A_105] : memref<10240x64xf32, #tpu.memory_space<hbm>> -> memref<10240x64xf32, #tpu.memory_space<hbm>>
      tpu.enqueue_indirect_dma source(%dma_start3A_106 : memref<10240x64xf32, #tpu.memory_space<hbm>>) target(%arg12 : memref<128x64xf32, #tpu.memory_space<vmem>>) offsets(%dma_start3A_103 : memref<128xi32, #tpu.memory_space<vmem>>) semaphore(%arg18 : memref<!tpu.dma_semaphore, #tpu.memory_space<semaphore_mem>>)
      %dma_start3A_107 = arith.constant 3 : i32
      %dma_start3A_108 = arith.constant 0 : i32
      %dma_start3A_109 = tpu.memref_slice %arg8[%dma_start3A_107, %dma_start3A_108] : memref<160x128xi32, #tpu.memory_space<vmem>> -> memref<1x128xi32, #tpu.memory_space<vmem>>
      %dma_start3A_110 = tpu.memref_squeeze %dma_start3A_109 : memref<1x128xi32, #tpu.memory_space<vmem>> -> memref<128xi32, #tpu.memory_space<vmem>>
      %dma_start3A_111 = arith.constant 0 : i32
      %dma_start3A_112 = arith.constant 0 : i32
      %dma_start3A_113 = tpu.memref_slice %arg4[%dma_start3A_111, %dma_start3A_112] : memref<10240x64xf32, #tpu.memory_space<hbm>> -> memref<10240x64xf32, #tpu.memory_space<hbm>>
      tpu.enqueue_indirect_dma source(%dma_start3A_113 : memref<10240x64xf32, #tpu.memory_space<hbm>>) target(%arg13 : memref<128x64xf32, #tpu.memory_space<vmem>>) offsets(%dma_start3A_110 : memref<128xi32, #tpu.memory_space<vmem>>) semaphore(%arg19 : memref<!tpu.dma_semaphore, #tpu.memory_space<semaphore_mem>>)
      %dma_start3A_114 = arith.constant 4 : i32
      %dma_start3A_115 = arith.constant 0 : i32
      %dma_start3A_116 = tpu.memref_slice %arg8[%dma_start3A_114, %dma_start3A_115] : memref<160x128xi32, #tpu.memory_space<vmem>> -> memref<1x128xi32, #tpu.memory_space<vmem>>
      %dma_start3A_117 = tpu.memref_squeeze %dma_start3A_116 : memref<1x128xi32, #tpu.memory_space<vmem>> -> memref<128xi32, #tpu.memory_space<vmem>>
      %dma_start3A_118 = arith.constant 0 : i32
      %dma_start3A_119 = arith.constant 0 : i32
      %dma_start3A_120 = tpu.memref_slice %arg4[%dma_start3A_118, %dma_start3A_119] : memref<10240x64xf32, #tpu.memory_space<hbm>> -> memref<10240x64xf32, #tpu.memory_space<hbm>>
      tpu.enqueue_indirect_dma source(%dma_start3A_120 : memref<10240x64xf32, #tpu.memory_space<hbm>>) target(%arg14 : memref<128x64xf32, #tpu.memory_space<vmem>>) offsets(%dma_start3A_117 : memref<128xi32, #tpu.memory_space<vmem>>) semaphore(%arg20 : memref<!tpu.dma_semaphore, #tpu.memory_space<semaphore_mem>>)
      %scan3A_121 = arith.constant 0 : i32
      %scan3A_122 = arith.constant 32 : i32
      %scan3A_123 = arith.addi %scan3A_121, %scan3A_122 : i32
      %scan3A_124 = arith.constant 1 : i32
      scf.for %scan3A_126 = %scan3A_121 to %scan3A_123 step %scan3A_124  : i32 {
        %mul3A_127 = arith.constant 1 : i32
        %mul3A_128 = arith.muli %scan3A_126, %mul3A_127 : i32
        %add3A_129 = arith.constant 0 : i32
        %add3A_130 = arith.addi %add3A_129, %mul3A_128 : i32
        %mul3A_131 = arith.constant 5 : i32
        %mul3A_132 = arith.muli %add3A_130, %mul3A_131 : i32
        %dma_wait3A = arith.constant 0 : i32
        %dma_wait3A_133 = arith.constant 0 : i32
        %dma_wait3A_134 = tpu.memref_slice %arg8[%dma_wait3A, %dma_wait3A_133] : memref<160x128xi32, #tpu.memory_space<vmem>> -> memref<1x128xi32, #tpu.memory_space<vmem>>
        %dma_wait3A_135 = tpu.memref_squeeze %dma_wait3A_134 : memref<1x128xi32, #tpu.memory_space<vmem>> -> memref<128xi32, #tpu.memory_space<vmem>>
        %dma_wait3A_136 = arith.constant 0 : i32
        %dma_wait3A_137 = arith.constant 0 : i32
        %dma_wait3A_138 = tpu.memref_slice %arg4[%dma_wait3A_136, %dma_wait3A_137] : memref<10240x64xf32, #tpu.memory_space<hbm>> -> memref<10240x64xf32, #tpu.memory_space<hbm>>
        tpu.wait_indirect_dma semaphore(%arg16 : memref<!tpu.dma_semaphore, #tpu.memory_space<semaphore_mem>>) src(%dma_wait3A_138 : memref<10240x64xf32, #tpu.memory_space<hbm>>) dst(%arg10 : memref<128x64xf32, #tpu.memory_space<vmem>>)
        %add3A_139 = arith.constant 0 : i32
        %add3A_140 = arith.addi %mul3A_132, %add3A_139 : i32
        %dma_start3A_141 = arith.constant 0 : i32
        %dma_start3A_142 = tpu.memref_slice %arg9[%add3A_140, %dma_start3A_141] : memref<160x128xi32, #tpu.memory_space<vmem>> -> memref<1x128xi32, #tpu.memory_space<vmem>>
        %dma_start3A_143 = tpu.memref_squeeze %dma_start3A_142 : memref<1x128xi32, #tpu.memory_space<vmem>> -> memref<128xi32, #tpu.memory_space<vmem>>
        %dma_start3A_144 = arith.constant 0 : i32
        %dma_start3A_145 = arith.constant 0 : i32
        %dma_start3A_146 = tpu.memref_slice %arg15[%dma_start3A_144, %dma_start3A_145] : memref<10240x64xf32, #tpu.memory_space<vmem_shared>> -> memref<10240x64xf32, #tpu.memory_space<vmem_shared>>
        tpu.enqueue_indirect_dma source(%arg10 : memref<128x64xf32, #tpu.memory_space<vmem>>) target(%dma_start3A_146 : memref<10240x64xf32, #tpu.memory_space<vmem_shared>>) offsets(%dma_start3A_143 : memref<128xi32, #tpu.memory_space<vmem>>) semaphore(%arg21 : memref<!tpu.dma_semaphore, #tpu.memory_space<semaphore_mem>>) {add = true}
        %dma_wait3A_147 = arith.constant 0 : i32
        %dma_wait3A_148 = arith.constant 0 : i32
        %dma_wait3A_149 = tpu.memref_slice %arg8[%dma_wait3A_147, %dma_wait3A_148] : memref<160x128xi32, #tpu.memory_space<vmem>> -> memref<1x128xi32, #tpu.memory_space<vmem>>
        %dma_wait3A_150 = tpu.memref_squeeze %dma_wait3A_149 : memref<1x128xi32, #tpu.memory_space<vmem>> -> memref<128xi32, #tpu.memory_space<vmem>>
        %dma_wait3A_151 = arith.constant 0 : i32
        %dma_wait3A_152 = arith.constant 0 : i32
        %dma_wait3A_153 = tpu.memref_slice %arg4[%dma_wait3A_151, %dma_wait3A_152] : memref<10240x64xf32, #tpu.memory_space<hbm>> -> memref<10240x64xf32, #tpu.memory_space<hbm>>
        tpu.wait_indirect_dma semaphore(%arg17 : memref<!tpu.dma_semaphore, #tpu.memory_space<semaphore_mem>>) src(%dma_wait3A_153 : memref<10240x64xf32, #tpu.memory_space<hbm>>) dst(%arg11 : memref<128x64xf32, #tpu.memory_space<vmem>>)
        %add3A_154 = arith.constant 1 : i32
        %add3A_155 = arith.addi %mul3A_132, %add3A_154 : i32
        %dma_start3A_156 = arith.constant 0 : i32
        %dma_start3A_157 = tpu.memref_slice %arg9[%add3A_155, %dma_start3A_156] : memref<160x128xi32, #tpu.memory_space<vmem>> -> memref<1x128xi32, #tpu.memory_space<vmem>>
        %dma_start3A_158 = tpu.memref_squeeze %dma_start3A_157 : memref<1x128xi32, #tpu.memory_space<vmem>> -> memref<128xi32, #tpu.memory_space<vmem>>
        %dma_start3A_159 = arith.constant 0 : i32
        %dma_start3A_160 = arith.constant 0 : i32
        %dma_start3A_161 = tpu.memref_slice %arg15[%dma_start3A_159, %dma_start3A_160] : memref<10240x64xf32, #tpu.memory_space<vmem_shared>> -> memref<10240x64xf32, #tpu.memory_space<vmem_shared>>
        tpu.enqueue_indirect_dma source(%arg11 : memref<128x64xf32, #tpu.memory_space<vmem>>) target(%dma_start3A_161 : memref<10240x64xf32, #tpu.memory_space<vmem_shared>>) offsets(%dma_start3A_158 : memref<128xi32, #tpu.memory_space<vmem>>) semaphore(%arg22 : memref<!tpu.dma_semaphore, #tpu.memory_space<semaphore_mem>>) {add = true}
        %dma_wait3A_162 = arith.constant 0 : i32
        %dma_wait3A_163 = arith.constant 0 : i32
        %dma_wait3A_164 = tpu.memref_slice %arg8[%dma_wait3A_162, %dma_wait3A_163] : memref<160x128xi32, #tpu.memory_space<vmem>> -> memref<1x128xi32, #tpu.memory_space<vmem>>
        %dma_wait3A_165 = tpu.memref_squeeze %dma_wait3A_164 : memref<1x128xi32, #tpu.memory_space<vmem>> -> memref<128xi32, #tpu.memory_space<vmem>>
        %dma_wait3A_166 = arith.constant 0 : i32
        %dma_wait3A_167 = arith.constant 0 : i32
        %dma_wait3A_168 = tpu.memref_slice %arg4[%dma_wait3A_166, %dma_wait3A_167] : memref<10240x64xf32, #tpu.memory_space<hbm>> -> memref<10240x64xf32, #tpu.memory_space<hbm>>
        tpu.wait_indirect_dma semaphore(%arg18 : memref<!tpu.dma_semaphore, #tpu.memory_space<semaphore_mem>>) src(%dma_wait3A_168 : memref<10240x64xf32, #tpu.memory_space<hbm>>) dst(%arg12 : memref<128x64xf32, #tpu.memory_space<vmem>>)
        %add3A_169 = arith.constant 2 : i32
        %add3A_170 = arith.addi %mul3A_132, %add3A_169 : i32
        %dma_start3A_171 = arith.constant 0 : i32
        %dma_start3A_172 = tpu.memref_slice %arg9[%add3A_170, %dma_start3A_171] : memref<160x128xi32, #tpu.memory_space<vmem>> -> memref<1x128xi32, #tpu.memory_space<vmem>>
        %dma_start3A_173 = tpu.memref_squeeze %dma_start3A_172 : memref<1x128xi32, #tpu.memory_space<vmem>> -> memref<128xi32, #tpu.memory_space<vmem>>
        %dma_start3A_174 = arith.constant 0 : i32
        %dma_start3A_175 = arith.constant 0 : i32
        %dma_start3A_176 = tpu.memref_slice %arg15[%dma_start3A_174, %dma_start3A_175] : memref<10240x64xf32, #tpu.memory_space<vmem_shared>> -> memref<10240x64xf32, #tpu.memory_space<vmem_shared>>
        tpu.enqueue_indirect_dma source(%arg12 : memref<128x64xf32, #tpu.memory_space<vmem>>) target(%dma_start3A_176 : memref<10240x64xf32, #tpu.memory_space<vmem_shared>>) offsets(%dma_start3A_173 : memref<128xi32, #tpu.memory_space<vmem>>) semaphore(%arg23 : memref<!tpu.dma_semaphore, #tpu.memory_space<semaphore_mem>>) {add = true}
        %dma_wait3A_177 = arith.constant 0 : i32
        %dma_wait3A_178 = arith.constant 0 : i32
        %dma_wait3A_179 = tpu.memref_slice %arg8[%dma_wait3A_177, %dma_wait3A_178] : memref<160x128xi32, #tpu.memory_space<vmem>> -> memref<1x128xi32, #tpu.memory_space<vmem>>
        %dma_wait3A_180 = tpu.memref_squeeze %dma_wait3A_179 : memref<1x128xi32, #tpu.memory_space<vmem>> -> memref<128xi32, #tpu.memory_space<vmem>>
        %dma_wait3A_181 = arith.constant 0 : i32
        %dma_wait3A_182 = arith.constant 0 : i32
        %dma_wait3A_183 = tpu.memref_slice %arg4[%dma_wait3A_181, %dma_wait3A_182] : memref<10240x64xf32, #tpu.memory_space<hbm>> -> memref<10240x64xf32, #tpu.memory_space<hbm>>
        tpu.wait_indirect_dma semaphore(%arg19 : memref<!tpu.dma_semaphore, #tpu.memory_space<semaphore_mem>>) src(%dma_wait3A_183 : memref<10240x64xf32, #tpu.memory_space<hbm>>) dst(%arg13 : memref<128x64xf32, #tpu.memory_space<vmem>>)
        %add3A_184 = arith.constant 3 : i32
        %add3A_185 = arith.addi %mul3A_132, %add3A_184 : i32
        %dma_start3A_186 = arith.constant 0 : i32
        %dma_start3A_187 = tpu.memref_slice %arg9[%add3A_185, %dma_start3A_186] : memref<160x128xi32, #tpu.memory_space<vmem>> -> memref<1x128xi32, #tpu.memory_space<vmem>>
        %dma_start3A_188 = tpu.memref_squeeze %dma_start3A_187 : memref<1x128xi32, #tpu.memory_space<vmem>> -> memref<128xi32, #tpu.memory_space<vmem>>
        %dma_start3A_189 = arith.constant 0 : i32
        %dma_start3A_190 = arith.constant 0 : i32
        %dma_start3A_191 = tpu.memref_slice %arg15[%dma_start3A_189, %dma_start3A_190] : memref<10240x64xf32, #tpu.memory_space<vmem_shared>> -> memref<10240x64xf32, #tpu.memory_space<vmem_shared>>
        tpu.enqueue_indirect_dma source(%arg13 : memref<128x64xf32, #tpu.memory_space<vmem>>) target(%dma_start3A_191 : memref<10240x64xf32, #tpu.memory_space<vmem_shared>>) offsets(%dma_start3A_188 : memref<128xi32, #tpu.memory_space<vmem>>) semaphore(%arg24 : memref<!tpu.dma_semaphore, #tpu.memory_space<semaphore_mem>>) {add = true}
        %dma_wait3A_192 = arith.constant 0 : i32
        %dma_wait3A_193 = arith.constant 0 : i32
        %dma_wait3A_194 = tpu.memref_slice %arg8[%dma_wait3A_192, %dma_wait3A_193] : memref<160x128xi32, #tpu.memory_space<vmem>> -> memref<1x128xi32, #tpu.memory_space<vmem>>
        %dma_wait3A_195 = tpu.memref_squeeze %dma_wait3A_194 : memref<1x128xi32, #tpu.memory_space<vmem>> -> memref<128xi32, #tpu.memory_space<vmem>>
        %dma_wait3A_196 = arith.constant 0 : i32
        %dma_wait3A_197 = arith.constant 0 : i32
        %dma_wait3A_198 = tpu.memref_slice %arg4[%dma_wait3A_196, %dma_wait3A_197] : memref<10240x64xf32, #tpu.memory_space<hbm>> -> memref<10240x64xf32, #tpu.memory_space<hbm>>
        tpu.wait_indirect_dma semaphore(%arg20 : memref<!tpu.dma_semaphore, #tpu.memory_space<semaphore_mem>>) src(%dma_wait3A_198 : memref<10240x64xf32, #tpu.memory_space<hbm>>) dst(%arg14 : memref<128x64xf32, #tpu.memory_space<vmem>>)
        %add3A_199 = arith.constant 4 : i32
        %add3A_200 = arith.addi %mul3A_132, %add3A_199 : i32
        %dma_start3A_201 = arith.constant 0 : i32
        %dma_start3A_202 = tpu.memref_slice %arg9[%add3A_200, %dma_start3A_201] : memref<160x128xi32, #tpu.memory_space<vmem>> -> memref<1x128xi32, #tpu.memory_space<vmem>>
        %dma_start3A_203 = tpu.memref_squeeze %dma_start3A_202 : memref<1x128xi32, #tpu.memory_space<vmem>> -> memref<128xi32, #tpu.memory_space<vmem>>
        %dma_start3A_204 = arith.constant 0 : i32
        %dma_start3A_205 = arith.constant 0 : i32
        %dma_start3A_206 = tpu.memref_slice %arg15[%dma_start3A_204, %dma_start3A_205] : memref<10240x64xf32, #tpu.memory_space<vmem_shared>> -> memref<10240x64xf32, #tpu.memory_space<vmem_shared>>
        tpu.enqueue_indirect_dma source(%arg14 : memref<128x64xf32, #tpu.memory_space<vmem>>) target(%dma_start3A_206 : memref<10240x64xf32, #tpu.memory_space<vmem_shared>>) offsets(%dma_start3A_203 : memref<128xi32, #tpu.memory_space<vmem>>) semaphore(%arg25 : memref<!tpu.dma_semaphore, #tpu.memory_space<semaphore_mem>>) {add = true}
        %dma_wait3A_207 = arith.constant 0 : i32
        %dma_wait3A_208 = arith.constant 0 : i32
        %dma_wait3A_209 = tpu.memref_slice %arg9[%dma_wait3A_207, %dma_wait3A_208] : memref<160x128xi32, #tpu.memory_space<vmem>> -> memref<1x128xi32, #tpu.memory_space<vmem>>
        %dma_wait3A_210 = tpu.memref_squeeze %dma_wait3A_209 : memref<1x128xi32, #tpu.memory_space<vmem>> -> memref<128xi32, #tpu.memory_space<vmem>>
        %dma_wait3A_211 = arith.constant 0 : i32
        %dma_wait3A_212 = arith.constant 0 : i32
        %dma_wait3A_213 = tpu.memref_slice %arg15[%dma_wait3A_211, %dma_wait3A_212] : memref<10240x64xf32, #tpu.memory_space<vmem_shared>> -> memref<10240x64xf32, #tpu.memory_space<vmem_shared>>
        tpu.wait_indirect_dma semaphore(%arg21 : memref<!tpu.dma_semaphore, #tpu.memory_space<semaphore_mem>>) src(%arg10 : memref<128x64xf32, #tpu.memory_space<vmem>>) dst(%dma_wait3A_213 : memref<10240x64xf32, #tpu.memory_space<vmem_shared>>)
        %lt3A = arith.constant 31 : i32
        %lt3A_214 = arith.cmpi slt, %add3A_130, %lt3A : i32
        %convert_element_type3A_215 = arith.extui %lt3A_214 : i1 to i32
        %cond3A_216 = arith.constant 0 : i32
        %cond3A_217 = arith.cmpi ne, %convert_element_type3A_215, %cond3A_216 : i32
        scf.if %cond3A_217 {
          %add3A_266 = arith.constant 5 : i32
          %add3A_267 = arith.addi %mul3A_132, %add3A_266 : i32
          %add3A_268 = arith.constant 0 : i32
          %add3A_269 = arith.addi %add3A_267, %add3A_268 : i32
          %dma_start3A_270 = arith.constant 0 : i32
          %dma_start3A_271 = tpu.memref_slice %arg8[%add3A_269, %dma_start3A_270] : memref<160x128xi32, #tpu.memory_space<vmem>> -> memref<1x128xi32, #tpu.memory_space<vmem>>
          %dma_start3A_272 = tpu.memref_squeeze %dma_start3A_271 : memref<1x128xi32, #tpu.memory_space<vmem>> -> memref<128xi32, #tpu.memory_space<vmem>>
          %dma_start3A_273 = arith.constant 0 : i32
          %dma_start3A_274 = arith.constant 0 : i32
          %dma_start3A_275 = tpu.memref_slice %arg4[%dma_start3A_273, %dma_start3A_274] : memref<10240x64xf32, #tpu.memory_space<hbm>> -> memref<10240x64xf32, #tpu.memory_space<hbm>>
          tpu.enqueue_indirect_dma source(%dma_start3A_275 : memref<10240x64xf32, #tpu.memory_space<hbm>>) target(%arg10 : memref<128x64xf32, #tpu.memory_space<vmem>>) offsets(%dma_start3A_272 : memref<128xi32, #tpu.memory_space<vmem>>) semaphore(%arg16 : memref<!tpu.dma_semaphore, #tpu.memory_space<semaphore_mem>>)
        } else {
        }
        %dma_wait3A_218 = arith.constant 0 : i32
        %dma_wait3A_219 = arith.constant 0 : i32
        %dma_wait3A_220 = tpu.memref_slice %arg9[%dma_wait3A_218, %dma_wait3A_219] : memref<160x128xi32, #tpu.memory_space<vmem>> -> memref<1x128xi32, #tpu.memory_space<vmem>>
        %dma_wait3A_221 = tpu.memref_squeeze %dma_wait3A_220 : memref<1x128xi32, #tpu.memory_space<vmem>> -> memref<128xi32, #tpu.memory_space<vmem>>
        %dma_wait3A_222 = arith.constant 0 : i32
        %dma_wait3A_223 = arith.constant 0 : i32
        %dma_wait3A_224 = tpu.memref_slice %arg15[%dma_wait3A_222, %dma_wait3A_223] : memref<10240x64xf32, #tpu.memory_space<vmem_shared>> -> memref<10240x64xf32, #tpu.memory_space<vmem_shared>>
        tpu.wait_indirect_dma semaphore(%arg22 : memref<!tpu.dma_semaphore, #tpu.memory_space<semaphore_mem>>) src(%arg11 : memref<128x64xf32, #tpu.memory_space<vmem>>) dst(%dma_wait3A_224 : memref<10240x64xf32, #tpu.memory_space<vmem_shared>>)
        %lt3A_225 = arith.constant 31 : i32
        %lt3A_226 = arith.cmpi slt, %add3A_130, %lt3A_225 : i32
        %convert_element_type3A_227 = arith.extui %lt3A_226 : i1 to i32
        %cond3A_228 = arith.constant 0 : i32
        %cond3A_229 = arith.cmpi ne, %convert_element_type3A_227, %cond3A_228 : i32
        scf.if %cond3A_229 {
          %add3A_266 = arith.constant 5 : i32
          %add3A_267 = arith.addi %mul3A_132, %add3A_266 : i32
          %add3A_268 = arith.constant 1 : i32
          %add3A_269 = arith.addi %add3A_267, %add3A_268 : i32
          %dma_start3A_270 = arith.constant 0 : i32
          %dma_start3A_271 = tpu.memref_slice %arg8[%add3A_269, %dma_start3A_270] : memref<160x128xi32, #tpu.memory_space<vmem>> -> memref<1x128xi32, #tpu.memory_space<vmem>>
          %dma_start3A_272 = tpu.memref_squeeze %dma_start3A_271 : memref<1x128xi32, #tpu.memory_space<vmem>> -> memref<128xi32, #tpu.memory_space<vmem>>
          %dma_start3A_273 = arith.constant 0 : i32
          %dma_start3A_274 = arith.constant 0 : i32
          %dma_start3A_275 = tpu.memref_slice %arg4[%dma_start3A_273, %dma_start3A_274] : memref<10240x64xf32, #tpu.memory_space<hbm>> -> memref<10240x64xf32, #tpu.memory_space<hbm>>
          tpu.enqueue_indirect_dma source(%dma_start3A_275 : memref<10240x64xf32, #tpu.memory_space<hbm>>) target(%arg11 : memref<128x64xf32, #tpu.memory_space<vmem>>) offsets(%dma_start3A_272 : memref<128xi32, #tpu.memory_space<vmem>>) semaphore(%arg17 : memref<!tpu.dma_semaphore, #tpu.memory_space<semaphore_mem>>)
        } else {
        }
        %dma_wait3A_230 = arith.constant 0 : i32
        %dma_wait3A_231 = arith.constant 0 : i32
        %dma_wait3A_232 = tpu.memref_slice %arg9[%dma_wait3A_230, %dma_wait3A_231] : memref<160x128xi32, #tpu.memory_space<vmem>> -> memref<1x128xi32, #tpu.memory_space<vmem>>
        %dma_wait3A_233 = tpu.memref_squeeze %dma_wait3A_232 : memref<1x128xi32, #tpu.memory_space<vmem>> -> memref<128xi32, #tpu.memory_space<vmem>>
        %dma_wait3A_234 = arith.constant 0 : i32
        %dma_wait3A_235 = arith.constant 0 : i32
        %dma_wait3A_236 = tpu.memref_slice %arg15[%dma_wait3A_234, %dma_wait3A_235] : memref<10240x64xf32, #tpu.memory_space<vmem_shared>> -> memref<10240x64xf32, #tpu.memory_space<vmem_shared>>
        tpu.wait_indirect_dma semaphore(%arg23 : memref<!tpu.dma_semaphore, #tpu.memory_space<semaphore_mem>>) src(%arg12 : memref<128x64xf32, #tpu.memory_space<vmem>>) dst(%dma_wait3A_236 : memref<10240x64xf32, #tpu.memory_space<vmem_shared>>)
        %lt3A_237 = arith.constant 31 : i32
        %lt3A_238 = arith.cmpi slt, %add3A_130, %lt3A_237 : i32
        %convert_element_type3A_239 = arith.extui %lt3A_238 : i1 to i32
        %cond3A_240 = arith.constant 0 : i32
        %cond3A_241 = arith.cmpi ne, %convert_element_type3A_239, %cond3A_240 : i32
        scf.if %cond3A_241 {
          %add3A_266 = arith.constant 5 : i32
          %add3A_267 = arith.addi %mul3A_132, %add3A_266 : i32
          %add3A_268 = arith.constant 2 : i32
          %add3A_269 = arith.addi %add3A_267, %add3A_268 : i32
          %dma_start3A_270 = arith.constant 0 : i32
          %dma_start3A_271 = tpu.memref_slice %arg8[%add3A_269, %dma_start3A_270] : memref<160x128xi32, #tpu.memory_space<vmem>> -> memref<1x128xi32, #tpu.memory_space<vmem>>
          %dma_start3A_272 = tpu.memref_squeeze %dma_start3A_271 : memref<1x128xi32, #tpu.memory_space<vmem>> -> memref<128xi32, #tpu.memory_space<vmem>>
          %dma_start3A_273 = arith.constant 0 : i32
          %dma_start3A_274 = arith.constant 0 : i32
          %dma_start3A_275 = tpu.memref_slice %arg4[%dma_start3A_273, %dma_start3A_274] : memref<10240x64xf32, #tpu.memory_space<hbm>> -> memref<10240x64xf32, #tpu.memory_space<hbm>>
          tpu.enqueue_indirect_dma source(%dma_start3A_275 : memref<10240x64xf32, #tpu.memory_space<hbm>>) target(%arg12 : memref<128x64xf32, #tpu.memory_space<vmem>>) offsets(%dma_start3A_272 : memref<128xi32, #tpu.memory_space<vmem>>) semaphore(%arg18 : memref<!tpu.dma_semaphore, #tpu.memory_space<semaphore_mem>>)
        } else {
        }
        %dma_wait3A_242 = arith.constant 0 : i32
        %dma_wait3A_243 = arith.constant 0 : i32
        %dma_wait3A_244 = tpu.memref_slice %arg9[%dma_wait3A_242, %dma_wait3A_243] : memref<160x128xi32, #tpu.memory_space<vmem>> -> memref<1x128xi32, #tpu.memory_space<vmem>>
        %dma_wait3A_245 = tpu.memref_squeeze %dma_wait3A_244 : memref<1x128xi32, #tpu.memory_space<vmem>> -> memref<128xi32, #tpu.memory_space<vmem>>
        %dma_wait3A_246 = arith.constant 0 : i32
        %dma_wait3A_247 = arith.constant 0 : i32
        %dma_wait3A_248 = tpu.memref_slice %arg15[%dma_wait3A_246, %dma_wait3A_247] : memref<10240x64xf32, #tpu.memory_space<vmem_shared>> -> memref<10240x64xf32, #tpu.memory_space<vmem_shared>>
        tpu.wait_indirect_dma semaphore(%arg24 : memref<!tpu.dma_semaphore, #tpu.memory_space<semaphore_mem>>) src(%arg13 : memref<128x64xf32, #tpu.memory_space<vmem>>) dst(%dma_wait3A_248 : memref<10240x64xf32, #tpu.memory_space<vmem_shared>>)
        %lt3A_249 = arith.constant 31 : i32
        %lt3A_250 = arith.cmpi slt, %add3A_130, %lt3A_249 : i32
        %convert_element_type3A_251 = arith.extui %lt3A_250 : i1 to i32
        %cond3A_252 = arith.constant 0 : i32
        %cond3A_253 = arith.cmpi ne, %convert_element_type3A_251, %cond3A_252 : i32
        scf.if %cond3A_253 {
          %add3A_266 = arith.constant 5 : i32
          %add3A_267 = arith.addi %mul3A_132, %add3A_266 : i32
          %add3A_268 = arith.constant 3 : i32
          %add3A_269 = arith.addi %add3A_267, %add3A_268 : i32
          %dma_start3A_270 = arith.constant 0 : i32
          %dma_start3A_271 = tpu.memref_slice %arg8[%add3A_269, %dma_start3A_270] : memref<160x128xi32, #tpu.memory_space<vmem>> -> memref<1x128xi32, #tpu.memory_space<vmem>>
          %dma_start3A_272 = tpu.memref_squeeze %dma_start3A_271 : memref<1x128xi32, #tpu.memory_space<vmem>> -> memref<128xi32, #tpu.memory_space<vmem>>
          %dma_start3A_273 = arith.constant 0 : i32
          %dma_start3A_274 = arith.constant 0 : i32
          %dma_start3A_275 = tpu.memref_slice %arg4[%dma_start3A_273, %dma_start3A_274] : memref<10240x64xf32, #tpu.memory_space<hbm>> -> memref<10240x64xf32, #tpu.memory_space<hbm>>
          tpu.enqueue_indirect_dma source(%dma_start3A_275 : memref<10240x64xf32, #tpu.memory_space<hbm>>) target(%arg13 : memref<128x64xf32, #tpu.memory_space<vmem>>) offsets(%dma_start3A_272 : memref<128xi32, #tpu.memory_space<vmem>>) semaphore(%arg19 : memref<!tpu.dma_semaphore, #tpu.memory_space<semaphore_mem>>)
        } else {
        }
        %dma_wait3A_254 = arith.constant 0 : i32
        %dma_wait3A_255 = arith.constant 0 : i32
        %dma_wait3A_256 = tpu.memref_slice %arg9[%dma_wait3A_254, %dma_wait3A_255] : memref<160x128xi32, #tpu.memory_space<vmem>> -> memref<1x128xi32, #tpu.memory_space<vmem>>
        %dma_wait3A_257 = tpu.memref_squeeze %dma_wait3A_256 : memref<1x128xi32, #tpu.memory_space<vmem>> -> memref<128xi32, #tpu.memory_space<vmem>>
        %dma_wait3A_258 = arith.constant 0 : i32
        %dma_wait3A_259 = arith.constant 0 : i32
        %dma_wait3A_260 = tpu.memref_slice %arg15[%dma_wait3A_258, %dma_wait3A_259] : memref<10240x64xf32, #tpu.memory_space<vmem_shared>> -> memref<10240x64xf32, #tpu.memory_space<vmem_shared>>
        tpu.wait_indirect_dma semaphore(%arg25 : memref<!tpu.dma_semaphore, #tpu.memory_space<semaphore_mem>>) src(%arg14 : memref<128x64xf32, #tpu.memory_space<vmem>>) dst(%dma_wait3A_260 : memref<10240x64xf32, #tpu.memory_space<vmem_shared>>)
        %lt3A_261 = arith.constant 31 : i32
        %lt3A_262 = arith.cmpi slt, %add3A_130, %lt3A_261 : i32
        %convert_element_type3A_263 = arith.extui %lt3A_262 : i1 to i32
        %cond3A_264 = arith.constant 0 : i32
        %cond3A_265 = arith.cmpi ne, %convert_element_type3A_263, %cond3A_264 : i32
        scf.if %cond3A_265 {
          %add3A_266 = arith.constant 5 : i32
          %add3A_267 = arith.addi %mul3A_132, %add3A_266 : i32
          %add3A_268 = arith.constant 4 : i32
          %add3A_269 = arith.addi %add3A_267, %add3A_268 : i32
          %dma_start3A_270 = arith.constant 0 : i32
          %dma_start3A_271 = tpu.memref_slice %arg8[%add3A_269, %dma_start3A_270] : memref<160x128xi32, #tpu.memory_space<vmem>> -> memref<1x128xi32, #tpu.memory_space<vmem>>
          %dma_start3A_272 = tpu.memref_squeeze %dma_start3A_271 : memref<1x128xi32, #tpu.memory_space<vmem>> -> memref<128xi32, #tpu.memory_space<vmem>>
          %dma_start3A_273 = arith.constant 0 : i32
          %dma_start3A_274 = arith.constant 0 : i32
          %dma_start3A_275 = tpu.memref_slice %arg4[%dma_start3A_273, %dma_start3A_274] : memref<10240x64xf32, #tpu.memory_space<hbm>> -> memref<10240x64xf32, #tpu.memory_space<hbm>>
          tpu.enqueue_indirect_dma source(%dma_start3A_275 : memref<10240x64xf32, #tpu.memory_space<hbm>>) target(%arg14 : memref<128x64xf32, #tpu.memory_space<vmem>>) offsets(%dma_start3A_272 : memref<128xi32, #tpu.memory_space<vmem>>) semaphore(%arg20 : memref<!tpu.dma_semaphore, #tpu.memory_space<semaphore_mem>>)
        } else {
        }
      }
      %scan3A_125 = arith.constant 32 : i32
    } else {
    }
    %eq3A_21 = arith.constant 1 : i32
    %eq3A_22 = arith.cmpi eq, %arg0, %eq3A_21 : i32
    %convert_element_type3A_23 = arith.extui %eq3A_22 : i1 to i32
    %cond3A_24 = arith.constant 0 : i32
    %cond3A_25 = arith.cmpi ne, %convert_element_type3A_23, %cond3A_24 : i32
    scf.if %cond3A_25 {
      %dma_start3A = arith.constant 0 : i32
      %dma_start3A_87 = arith.constant 0 : i32
      %dma_start3A_88 = tpu.memref_slice %arg8[%dma_start3A, %dma_start3A_87] : memref<160x128xi32, #tpu.memory_space<vmem>> -> memref<1x128xi32, #tpu.memory_space<vmem>>
      %dma_start3A_89 = tpu.memref_squeeze %dma_start3A_88 : memref<1x128xi32, #tpu.memory_space<vmem>> -> memref<128xi32, #tpu.memory_space<vmem>>
      %dma_start3A_90 = arith.constant 0 : i32
      %dma_start3A_91 = arith.constant 0 : i32
      %dma_start3A_92 = tpu.memref_slice %arg5[%dma_start3A_90, %dma_start3A_91] : memref<10240x64xf32, #tpu.memory_space<hbm>> -> memref<10240x64xf32, #tpu.memory_space<hbm>>
      tpu.enqueue_indirect_dma source(%dma_start3A_92 : memref<10240x64xf32, #tpu.memory_space<hbm>>) target(%arg10 : memref<128x64xf32, #tpu.memory_space<vmem>>) offsets(%dma_start3A_89 : memref<128xi32, #tpu.memory_space<vmem>>) semaphore(%arg16 : memref<!tpu.dma_semaphore, #tpu.memory_space<semaphore_mem>>)
      %dma_start3A_93 = arith.constant 1 : i32
      %dma_start3A_94 = arith.constant 0 : i32
      %dma_start3A_95 = tpu.memref_slice %arg8[%dma_start3A_93, %dma_start3A_94] : memref<160x128xi32, #tpu.memory_space<vmem>> -> memref<1x128xi32, #tpu.memory_space<vmem>>
      %dma_start3A_96 = tpu.memref_squeeze %dma_start3A_95 : memref<1x128xi32, #tpu.memory_space<vmem>> -> memref<128xi32, #tpu.memory_space<vmem>>
      %dma_start3A_97 = arith.constant 0 : i32
      %dma_start3A_98 = arith.constant 0 : i32
      %dma_start3A_99 = tpu.memref_slice %arg5[%dma_start3A_97, %dma_start3A_98] : memref<10240x64xf32, #tpu.memory_space<hbm>> -> memref<10240x64xf32, #tpu.memory_space<hbm>>
      tpu.enqueue_indirect_dma source(%dma_start3A_99 : memref<10240x64xf32, #tpu.memory_space<hbm>>) target(%arg11 : memref<128x64xf32, #tpu.memory_space<vmem>>) offsets(%dma_start3A_96 : memref<128xi32, #tpu.memory_space<vmem>>) semaphore(%arg17 : memref<!tpu.dma_semaphore, #tpu.memory_space<semaphore_mem>>)
      %dma_start3A_100 = arith.constant 2 : i32
      %dma_start3A_101 = arith.constant 0 : i32
      %dma_start3A_102 = tpu.memref_slice %arg8[%dma_start3A_100, %dma_start3A_101] : memref<160x128xi32, #tpu.memory_space<vmem>> -> memref<1x128xi32, #tpu.memory_space<vmem>>
      %dma_start3A_103 = tpu.memref_squeeze %dma_start3A_102 : memref<1x128xi32, #tpu.memory_space<vmem>> -> memref<128xi32, #tpu.memory_space<vmem>>
      %dma_start3A_104 = arith.constant 0 : i32
      %dma_start3A_105 = arith.constant 0 : i32
      %dma_start3A_106 = tpu.memref_slice %arg5[%dma_start3A_104, %dma_start3A_105] : memref<10240x64xf32, #tpu.memory_space<hbm>> -> memref<10240x64xf32, #tpu.memory_space<hbm>>
      tpu.enqueue_indirect_dma source(%dma_start3A_106 : memref<10240x64xf32, #tpu.memory_space<hbm>>) target(%arg12 : memref<128x64xf32, #tpu.memory_space<vmem>>) offsets(%dma_start3A_103 : memref<128xi32, #tpu.memory_space<vmem>>) semaphore(%arg18 : memref<!tpu.dma_semaphore, #tpu.memory_space<semaphore_mem>>)
      %dma_start3A_107 = arith.constant 3 : i32
      %dma_start3A_108 = arith.constant 0 : i32
      %dma_start3A_109 = tpu.memref_slice %arg8[%dma_start3A_107, %dma_start3A_108] : memref<160x128xi32, #tpu.memory_space<vmem>> -> memref<1x128xi32, #tpu.memory_space<vmem>>
      %dma_start3A_110 = tpu.memref_squeeze %dma_start3A_109 : memref<1x128xi32, #tpu.memory_space<vmem>> -> memref<128xi32, #tpu.memory_space<vmem>>
      %dma_start3A_111 = arith.constant 0 : i32
      %dma_start3A_112 = arith.constant 0 : i32
      %dma_start3A_113 = tpu.memref_slice %arg5[%dma_start3A_111, %dma_start3A_112] : memref<10240x64xf32, #tpu.memory_space<hbm>> -> memref<10240x64xf32, #tpu.memory_space<hbm>>
      tpu.enqueue_indirect_dma source(%dma_start3A_113 : memref<10240x64xf32, #tpu.memory_space<hbm>>) target(%arg13 : memref<128x64xf32, #tpu.memory_space<vmem>>) offsets(%dma_start3A_110 : memref<128xi32, #tpu.memory_space<vmem>>) semaphore(%arg19 : memref<!tpu.dma_semaphore, #tpu.memory_space<semaphore_mem>>)
      %dma_start3A_114 = arith.constant 4 : i32
      %dma_start3A_115 = arith.constant 0 : i32
      %dma_start3A_116 = tpu.memref_slice %arg8[%dma_start3A_114, %dma_start3A_115] : memref<160x128xi32, #tpu.memory_space<vmem>> -> memref<1x128xi32, #tpu.memory_space<vmem>>
      %dma_start3A_117 = tpu.memref_squeeze %dma_start3A_116 : memref<1x128xi32, #tpu.memory_space<vmem>> -> memref<128xi32, #tpu.memory_space<vmem>>
      %dma_start3A_118 = arith.constant 0 : i32
      %dma_start3A_119 = arith.constant 0 : i32
      %dma_start3A_120 = tpu.memref_slice %arg5[%dma_start3A_118, %dma_start3A_119] : memref<10240x64xf32, #tpu.memory_space<hbm>> -> memref<10240x64xf32, #tpu.memory_space<hbm>>
      tpu.enqueue_indirect_dma source(%dma_start3A_120 : memref<10240x64xf32, #tpu.memory_space<hbm>>) target(%arg14 : memref<128x64xf32, #tpu.memory_space<vmem>>) offsets(%dma_start3A_117 : memref<128xi32, #tpu.memory_space<vmem>>) semaphore(%arg20 : memref<!tpu.dma_semaphore, #tpu.memory_space<semaphore_mem>>)
      %scan3A_121 = arith.constant 0 : i32
      %scan3A_122 = arith.constant 32 : i32
      %scan3A_123 = arith.addi %scan3A_121, %scan3A_122 : i32
      %scan3A_124 = arith.constant 1 : i32
      scf.for %scan3A_126 = %scan3A_121 to %scan3A_123 step %scan3A_124  : i32 {
        %mul3A_127 = arith.constant 1 : i32
        %mul3A_128 = arith.muli %scan3A_126, %mul3A_127 : i32
        %add3A_129 = arith.constant 0 : i32
        %add3A_130 = arith.addi %add3A_129, %mul3A_128 : i32
        %mul3A_131 = arith.constant 5 : i32
        %mul3A_132 = arith.muli %add3A_130, %mul3A_131 : i32
        %dma_wait3A = arith.constant 0 : i32
        %dma_wait3A_133 = arith.constant 0 : i32
        %dma_wait3A_134 = tpu.memref_slice %arg8[%dma_wait3A, %dma_wait3A_133] : memref<160x128xi32, #tpu.memory_space<vmem>> -> memref<1x128xi32, #tpu.memory_space<vmem>>
        %dma_wait3A_135 = tpu.memref_squeeze %dma_wait3A_134 : memref<1x128xi32, #tpu.memory_space<vmem>> -> memref<128xi32, #tpu.memory_space<vmem>>
        %dma_wait3A_136 = arith.constant 0 : i32
        %dma_wait3A_137 = arith.constant 0 : i32
        %dma_wait3A_138 = tpu.memref_slice %arg5[%dma_wait3A_136, %dma_wait3A_137] : memref<10240x64xf32, #tpu.memory_space<hbm>> -> memref<10240x64xf32, #tpu.memory_space<hbm>>
        tpu.wait_indirect_dma semaphore(%arg16 : memref<!tpu.dma_semaphore, #tpu.memory_space<semaphore_mem>>) src(%dma_wait3A_138 : memref<10240x64xf32, #tpu.memory_space<hbm>>) dst(%arg10 : memref<128x64xf32, #tpu.memory_space<vmem>>)
        %add3A_139 = arith.constant 0 : i32
        %add3A_140 = arith.addi %mul3A_132, %add3A_139 : i32
        %dma_start3A_141 = arith.constant 0 : i32
        %dma_start3A_142 = tpu.memref_slice %arg9[%add3A_140, %dma_start3A_141] : memref<160x128xi32, #tpu.memory_space<vmem>> -> memref<1x128xi32, #tpu.memory_space<vmem>>
        %dma_start3A_143 = tpu.memref_squeeze %dma_start3A_142 : memref<1x128xi32, #tpu.memory_space<vmem>> -> memref<128xi32, #tpu.memory_space<vmem>>
        %dma_start3A_144 = arith.constant 0 : i32
        %dma_start3A_145 = arith.constant 0 : i32
        %dma_start3A_146 = tpu.memref_slice %arg15[%dma_start3A_144, %dma_start3A_145] : memref<10240x64xf32, #tpu.memory_space<vmem_shared>> -> memref<10240x64xf32, #tpu.memory_space<vmem_shared>>
        tpu.enqueue_indirect_dma source(%arg10 : memref<128x64xf32, #tpu.memory_space<vmem>>) target(%dma_start3A_146 : memref<10240x64xf32, #tpu.memory_space<vmem_shared>>) offsets(%dma_start3A_143 : memref<128xi32, #tpu.memory_space<vmem>>) semaphore(%arg21 : memref<!tpu.dma_semaphore, #tpu.memory_space<semaphore_mem>>) {add = true}
        %dma_wait3A_147 = arith.constant 0 : i32
        %dma_wait3A_148 = arith.constant 0 : i32
        %dma_wait3A_149 = tpu.memref_slice %arg8[%dma_wait3A_147, %dma_wait3A_148] : memref<160x128xi32, #tpu.memory_space<vmem>> -> memref<1x128xi32, #tpu.memory_space<vmem>>
        %dma_wait3A_150 = tpu.memref_squeeze %dma_wait3A_149 : memref<1x128xi32, #tpu.memory_space<vmem>> -> memref<128xi32, #tpu.memory_space<vmem>>
        %dma_wait3A_151 = arith.constant 0 : i32
        %dma_wait3A_152 = arith.constant 0 : i32
        %dma_wait3A_153 = tpu.memref_slice %arg5[%dma_wait3A_151, %dma_wait3A_152] : memref<10240x64xf32, #tpu.memory_space<hbm>> -> memref<10240x64xf32, #tpu.memory_space<hbm>>
        tpu.wait_indirect_dma semaphore(%arg17 : memref<!tpu.dma_semaphore, #tpu.memory_space<semaphore_mem>>) src(%dma_wait3A_153 : memref<10240x64xf32, #tpu.memory_space<hbm>>) dst(%arg11 : memref<128x64xf32, #tpu.memory_space<vmem>>)
        %add3A_154 = arith.constant 1 : i32
        %add3A_155 = arith.addi %mul3A_132, %add3A_154 : i32
        %dma_start3A_156 = arith.constant 0 : i32
        %dma_start3A_157 = tpu.memref_slice %arg9[%add3A_155, %dma_start3A_156] : memref<160x128xi32, #tpu.memory_space<vmem>> -> memref<1x128xi32, #tpu.memory_space<vmem>>
        %dma_start3A_158 = tpu.memref_squeeze %dma_start3A_157 : memref<1x128xi32, #tpu.memory_space<vmem>> -> memref<128xi32, #tpu.memory_space<vmem>>
        %dma_start3A_159 = arith.constant 0 : i32
        %dma_start3A_160 = arith.constant 0 : i32
        %dma_start3A_161 = tpu.memref_slice %arg15[%dma_start3A_159, %dma_start3A_160] : memref<10240x64xf32, #tpu.memory_space<vmem_shared>> -> memref<10240x64xf32, #tpu.memory_space<vmem_shared>>
        tpu.enqueue_indirect_dma source(%arg11 : memref<128x64xf32, #tpu.memory_space<vmem>>) target(%dma_start3A_161 : memref<10240x64xf32, #tpu.memory_space<vmem_shared>>) offsets(%dma_start3A_158 : memref<128xi32, #tpu.memory_space<vmem>>) semaphore(%arg22 : memref<!tpu.dma_semaphore, #tpu.memory_space<semaphore_mem>>) {add = true}
        %dma_wait3A_162 = arith.constant 0 : i32
        %dma_wait3A_163 = arith.constant 0 : i32
        %dma_wait3A_164 = tpu.memref_slice %arg8[%dma_wait3A_162, %dma_wait3A_163] : memref<160x128xi32, #tpu.memory_space<vmem>> -> memref<1x128xi32, #tpu.memory_space<vmem>>
        %dma_wait3A_165 = tpu.memref_squeeze %dma_wait3A_164 : memref<1x128xi32, #tpu.memory_space<vmem>> -> memref<128xi32, #tpu.memory_space<vmem>>
        %dma_wait3A_166 = arith.constant 0 : i32
        %dma_wait3A_167 = arith.constant 0 : i32
        %dma_wait3A_168 = tpu.memref_slice %arg5[%dma_wait3A_166, %dma_wait3A_167] : memref<10240x64xf32, #tpu.memory_space<hbm>> -> memref<10240x64xf32, #tpu.memory_space<hbm>>
        tpu.wait_indirect_dma semaphore(%arg18 : memref<!tpu.dma_semaphore, #tpu.memory_space<semaphore_mem>>) src(%dma_wait3A_168 : memref<10240x64xf32, #tpu.memory_space<hbm>>) dst(%arg12 : memref<128x64xf32, #tpu.memory_space<vmem>>)
        %add3A_169 = arith.constant 2 : i32
        %add3A_170 = arith.addi %mul3A_132, %add3A_169 : i32
        %dma_start3A_171 = arith.constant 0 : i32
        %dma_start3A_172 = tpu.memref_slice %arg9[%add3A_170, %dma_start3A_171] : memref<160x128xi32, #tpu.memory_space<vmem>> -> memref<1x128xi32, #tpu.memory_space<vmem>>
        %dma_start3A_173 = tpu.memref_squeeze %dma_start3A_172 : memref<1x128xi32, #tpu.memory_space<vmem>> -> memref<128xi32, #tpu.memory_space<vmem>>
        %dma_start3A_174 = arith.constant 0 : i32
        %dma_start3A_175 = arith.constant 0 : i32
        %dma_start3A_176 = tpu.memref_slice %arg15[%dma_start3A_174, %dma_start3A_175] : memref<10240x64xf32, #tpu.memory_space<vmem_shared>> -> memref<10240x64xf32, #tpu.memory_space<vmem_shared>>
        tpu.enqueue_indirect_dma source(%arg12 : memref<128x64xf32, #tpu.memory_space<vmem>>) target(%dma_start3A_176 : memref<10240x64xf32, #tpu.memory_space<vmem_shared>>) offsets(%dma_start3A_173 : memref<128xi32, #tpu.memory_space<vmem>>) semaphore(%arg23 : memref<!tpu.dma_semaphore, #tpu.memory_space<semaphore_mem>>) {add = true}
        %dma_wait3A_177 = arith.constant 0 : i32
        %dma_wait3A_178 = arith.constant 0 : i32
        %dma_wait3A_179 = tpu.memref_slice %arg8[%dma_wait3A_177, %dma_wait3A_178] : memref<160x128xi32, #tpu.memory_space<vmem>> -> memref<1x128xi32, #tpu.memory_space<vmem>>
        %dma_wait3A_180 = tpu.memref_squeeze %dma_wait3A_179 : memref<1x128xi32, #tpu.memory_space<vmem>> -> memref<128xi32, #tpu.memory_space<vmem>>
        %dma_wait3A_181 = arith.constant 0 : i32
        %dma_wait3A_182 = arith.constant 0 : i32
        %dma_wait3A_183 = tpu.memref_slice %arg5[%dma_wait3A_181, %dma_wait3A_182] : memref<10240x64xf32, #tpu.memory_space<hbm>> -> memref<10240x64xf32, #tpu.memory_space<hbm>>
        tpu.wait_indirect_dma semaphore(%arg19 : memref<!tpu.dma_semaphore, #tpu.memory_space<semaphore_mem>>) src(%dma_wait3A_183 : memref<10240x64xf32, #tpu.memory_space<hbm>>) dst(%arg13 : memref<128x64xf32, #tpu.memory_space<vmem>>)
        %add3A_184 = arith.constant 3 : i32
        %add3A_185 = arith.addi %mul3A_132, %add3A_184 : i32
        %dma_start3A_186 = arith.constant 0 : i32
        %dma_start3A_187 = tpu.memref_slice %arg9[%add3A_185, %dma_start3A_186] : memref<160x128xi32, #tpu.memory_space<vmem>> -> memref<1x128xi32, #tpu.memory_space<vmem>>
        %dma_start3A_188 = tpu.memref_squeeze %dma_start3A_187 : memref<1x128xi32, #tpu.memory_space<vmem>> -> memref<128xi32, #tpu.memory_space<vmem>>
        %dma_start3A_189 = arith.constant 0 : i32
        %dma_start3A_190 = arith.constant 0 : i32
        %dma_start3A_191 = tpu.memref_slice %arg15[%dma_start3A_189, %dma_start3A_190] : memref<10240x64xf32, #tpu.memory_space<vmem_shared>> -> memref<10240x64xf32, #tpu.memory_space<vmem_shared>>
        tpu.enqueue_indirect_dma source(%arg13 : memref<128x64xf32, #tpu.memory_space<vmem>>) target(%dma_start3A_191 : memref<10240x64xf32, #tpu.memory_space<vmem_shared>>) offsets(%dma_start3A_188 : memref<128xi32, #tpu.memory_space<vmem>>) semaphore(%arg24 : memref<!tpu.dma_semaphore, #tpu.memory_space<semaphore_mem>>) {add = true}
        %dma_wait3A_192 = arith.constant 0 : i32
        %dma_wait3A_193 = arith.constant 0 : i32
        %dma_wait3A_194 = tpu.memref_slice %arg8[%dma_wait3A_192, %dma_wait3A_193] : memref<160x128xi32, #tpu.memory_space<vmem>> -> memref<1x128xi32, #tpu.memory_space<vmem>>
        %dma_wait3A_195 = tpu.memref_squeeze %dma_wait3A_194 : memref<1x128xi32, #tpu.memory_space<vmem>> -> memref<128xi32, #tpu.memory_space<vmem>>
        %dma_wait3A_196 = arith.constant 0 : i32
        %dma_wait3A_197 = arith.constant 0 : i32
        %dma_wait3A_198 = tpu.memref_slice %arg5[%dma_wait3A_196, %dma_wait3A_197] : memref<10240x64xf32, #tpu.memory_space<hbm>> -> memref<10240x64xf32, #tpu.memory_space<hbm>>
        tpu.wait_indirect_dma semaphore(%arg20 : memref<!tpu.dma_semaphore, #tpu.memory_space<semaphore_mem>>) src(%dma_wait3A_198 : memref<10240x64xf32, #tpu.memory_space<hbm>>) dst(%arg14 : memref<128x64xf32, #tpu.memory_space<vmem>>)
        %add3A_199 = arith.constant 4 : i32
        %add3A_200 = arith.addi %mul3A_132, %add3A_199 : i32
        %dma_start3A_201 = arith.constant 0 : i32
        %dma_start3A_202 = tpu.memref_slice %arg9[%add3A_200, %dma_start3A_201] : memref<160x128xi32, #tpu.memory_space<vmem>> -> memref<1x128xi32, #tpu.memory_space<vmem>>
        %dma_start3A_203 = tpu.memref_squeeze %dma_start3A_202 : memref<1x128xi32, #tpu.memory_space<vmem>> -> memref<128xi32, #tpu.memory_space<vmem>>
        %dma_start3A_204 = arith.constant 0 : i32
        %dma_start3A_205 = arith.constant 0 : i32
        %dma_start3A_206 = tpu.memref_slice %arg15[%dma_start3A_204, %dma_start3A_205] : memref<10240x64xf32, #tpu.memory_space<vmem_shared>> -> memref<10240x64xf32, #tpu.memory_space<vmem_shared>>
        tpu.enqueue_indirect_dma source(%arg14 : memref<128x64xf32, #tpu.memory_space<vmem>>) target(%dma_start3A_206 : memref<10240x64xf32, #tpu.memory_space<vmem_shared>>) offsets(%dma_start3A_203 : memref<128xi32, #tpu.memory_space<vmem>>) semaphore(%arg25 : memref<!tpu.dma_semaphore, #tpu.memory_space<semaphore_mem>>) {add = true}
        %dma_wait3A_207 = arith.constant 0 : i32
        %dma_wait3A_208 = arith.constant 0 : i32
        %dma_wait3A_209 = tpu.memref_slice %arg9[%dma_wait3A_207, %dma_wait3A_208] : memref<160x128xi32, #tpu.memory_space<vmem>> -> memref<1x128xi32, #tpu.memory_space<vmem>>
        %dma_wait3A_210 = tpu.memref_squeeze %dma_wait3A_209 : memref<1x128xi32, #tpu.memory_space<vmem>> -> memref<128xi32, #tpu.memory_space<vmem>>
        %dma_wait3A_211 = arith.constant 0 : i32
        %dma_wait3A_212 = arith.constant 0 : i32
        %dma_wait3A_213 = tpu.memref_slice %arg15[%dma_wait3A_211, %dma_wait3A_212] : memref<10240x64xf32, #tpu.memory_space<vmem_shared>> -> memref<10240x64xf32, #tpu.memory_space<vmem_shared>>
        tpu.wait_indirect_dma semaphore(%arg21 : memref<!tpu.dma_semaphore, #tpu.memory_space<semaphore_mem>>) src(%arg10 : memref<128x64xf32, #tpu.memory_space<vmem>>) dst(%dma_wait3A_213 : memref<10240x64xf32, #tpu.memory_space<vmem_shared>>)
        %lt3A = arith.constant 31 : i32
        %lt3A_214 = arith.cmpi slt, %add3A_130, %lt3A : i32
        %convert_element_type3A_215 = arith.extui %lt3A_214 : i1 to i32
        %cond3A_216 = arith.constant 0 : i32
        %cond3A_217 = arith.cmpi ne, %convert_element_type3A_215, %cond3A_216 : i32
        scf.if %cond3A_217 {
          %add3A_266 = arith.constant 5 : i32
          %add3A_267 = arith.addi %mul3A_132, %add3A_266 : i32
          %add3A_268 = arith.constant 0 : i32
          %add3A_269 = arith.addi %add3A_267, %add3A_268 : i32
          %dma_start3A_270 = arith.constant 0 : i32
          %dma_start3A_271 = tpu.memref_slice %arg8[%add3A_269, %dma_start3A_270] : memref<160x128xi32, #tpu.memory_space<vmem>> -> memref<1x128xi32, #tpu.memory_space<vmem>>
          %dma_start3A_272 = tpu.memref_squeeze %dma_start3A_271 : memref<1x128xi32, #tpu.memory_space<vmem>> -> memref<128xi32, #tpu.memory_space<vmem>>
          %dma_start3A_273 = arith.constant 0 : i32
          %dma_start3A_274 = arith.constant 0 : i32
          %dma_start3A_275 = tpu.memref_slice %arg5[%dma_start3A_273, %dma_start3A_274] : memref<10240x64xf32, #tpu.memory_space<hbm>> -> memref<10240x64xf32, #tpu.memory_space<hbm>>
          tpu.enqueue_indirect_dma source(%dma_start3A_275 : memref<10240x64xf32, #tpu.memory_space<hbm>>) target(%arg10 : memref<128x64xf32, #tpu.memory_space<vmem>>) offsets(%dma_start3A_272 : memref<128xi32, #tpu.memory_space<vmem>>) semaphore(%arg16 : memref<!tpu.dma_semaphore, #tpu.memory_space<semaphore_mem>>)
        } else {
        }
        %dma_wait3A_218 = arith.constant 0 : i32
        %dma_wait3A_219 = arith.constant 0 : i32
        %dma_wait3A_220 = tpu.memref_slice %arg9[%dma_wait3A_218, %dma_wait3A_219] : memref<160x128xi32, #tpu.memory_space<vmem>> -> memref<1x128xi32, #tpu.memory_space<vmem>>
        %dma_wait3A_221 = tpu.memref_squeeze %dma_wait3A_220 : memref<1x128xi32, #tpu.memory_space<vmem>> -> memref<128xi32, #tpu.memory_space<vmem>>
        %dma_wait3A_222 = arith.constant 0 : i32
        %dma_wait3A_223 = arith.constant 0 : i32
        %dma_wait3A_224 = tpu.memref_slice %arg15[%dma_wait3A_222, %dma_wait3A_223] : memref<10240x64xf32, #tpu.memory_space<vmem_shared>> -> memref<10240x64xf32, #tpu.memory_space<vmem_shared>>
        tpu.wait_indirect_dma semaphore(%arg22 : memref<!tpu.dma_semaphore, #tpu.memory_space<semaphore_mem>>) src(%arg11 : memref<128x64xf32, #tpu.memory_space<vmem>>) dst(%dma_wait3A_224 : memref<10240x64xf32, #tpu.memory_space<vmem_shared>>)
        %lt3A_225 = arith.constant 31 : i32
        %lt3A_226 = arith.cmpi slt, %add3A_130, %lt3A_225 : i32
        %convert_element_type3A_227 = arith.extui %lt3A_226 : i1 to i32
        %cond3A_228 = arith.constant 0 : i32
        %cond3A_229 = arith.cmpi ne, %convert_element_type3A_227, %cond3A_228 : i32
        scf.if %cond3A_229 {
          %add3A_266 = arith.constant 5 : i32
          %add3A_267 = arith.addi %mul3A_132, %add3A_266 : i32
          %add3A_268 = arith.constant 1 : i32
          %add3A_269 = arith.addi %add3A_267, %add3A_268 : i32
          %dma_start3A_270 = arith.constant 0 : i32
          %dma_start3A_271 = tpu.memref_slice %arg8[%add3A_269, %dma_start3A_270] : memref<160x128xi32, #tpu.memory_space<vmem>> -> memref<1x128xi32, #tpu.memory_space<vmem>>
          %dma_start3A_272 = tpu.memref_squeeze %dma_start3A_271 : memref<1x128xi32, #tpu.memory_space<vmem>> -> memref<128xi32, #tpu.memory_space<vmem>>
          %dma_start3A_273 = arith.constant 0 : i32
          %dma_start3A_274 = arith.constant 0 : i32
          %dma_start3A_275 = tpu.memref_slice %arg5[%dma_start3A_273, %dma_start3A_274] : memref<10240x64xf32, #tpu.memory_space<hbm>> -> memref<10240x64xf32, #tpu.memory_space<hbm>>
          tpu.enqueue_indirect_dma source(%dma_start3A_275 : memref<10240x64xf32, #tpu.memory_space<hbm>>) target(%arg11 : memref<128x64xf32, #tpu.memory_space<vmem>>) offsets(%dma_start3A_272 : memref<128xi32, #tpu.memory_space<vmem>>) semaphore(%arg17 : memref<!tpu.dma_semaphore, #tpu.memory_space<semaphore_mem>>)
        } else {
        }
        %dma_wait3A_230 = arith.constant 0 : i32
        %dma_wait3A_231 = arith.constant 0 : i32
        %dma_wait3A_232 = tpu.memref_slice %arg9[%dma_wait3A_230, %dma_wait3A_231] : memref<160x128xi32, #tpu.memory_space<vmem>> -> memref<1x128xi32, #tpu.memory_space<vmem>>
        %dma_wait3A_233 = tpu.memref_squeeze %dma_wait3A_232 : memref<1x128xi32, #tpu.memory_space<vmem>> -> memref<128xi32, #tpu.memory_space<vmem>>
        %dma_wait3A_234 = arith.constant 0 : i32
        %dma_wait3A_235 = arith.constant 0 : i32
        %dma_wait3A_236 = tpu.memref_slice %arg15[%dma_wait3A_234, %dma_wait3A_235] : memref<10240x64xf32, #tpu.memory_space<vmem_shared>> -> memref<10240x64xf32, #tpu.memory_space<vmem_shared>>
        tpu.wait_indirect_dma semaphore(%arg23 : memref<!tpu.dma_semaphore, #tpu.memory_space<semaphore_mem>>) src(%arg12 : memref<128x64xf32, #tpu.memory_space<vmem>>) dst(%dma_wait3A_236 : memref<10240x64xf32, #tpu.memory_space<vmem_shared>>)
        %lt3A_237 = arith.constant 31 : i32
        %lt3A_238 = arith.cmpi slt, %add3A_130, %lt3A_237 : i32
        %convert_element_type3A_239 = arith.extui %lt3A_238 : i1 to i32
        %cond3A_240 = arith.constant 0 : i32
        %cond3A_241 = arith.cmpi ne, %convert_element_type3A_239, %cond3A_240 : i32
        scf.if %cond3A_241 {
          %add3A_266 = arith.constant 5 : i32
          %add3A_267 = arith.addi %mul3A_132, %add3A_266 : i32
          %add3A_268 = arith.constant 2 : i32
          %add3A_269 = arith.addi %add3A_267, %add3A_268 : i32
          %dma_start3A_270 = arith.constant 0 : i32
          %dma_start3A_271 = tpu.memref_slice %arg8[%add3A_269, %dma_start3A_270] : memref<160x128xi32, #tpu.memory_space<vmem>> -> memref<1x128xi32, #tpu.memory_space<vmem>>
          %dma_start3A_272 = tpu.memref_squeeze %dma_start3A_271 : memref<1x128xi32, #tpu.memory_space<vmem>> -> memref<128xi32, #tpu.memory_space<vmem>>
          %dma_start3A_273 = arith.constant 0 : i32
          %dma_start3A_274 = arith.constant 0 : i32
          %dma_start3A_275 = tpu.memref_slice %arg5[%dma_start3A_273, %dma_start3A_274] : memref<10240x64xf32, #tpu.memory_space<hbm>> -> memref<10240x64xf32, #tpu.memory_space<hbm>>
          tpu.enqueue_indirect_dma source(%dma_start3A_275 : memref<10240x64xf32, #tpu.memory_space<hbm>>) target(%arg12 : memref<128x64xf32, #tpu.memory_space<vmem>>) offsets(%dma_start3A_272 : memref<128xi32, #tpu.memory_space<vmem>>) semaphore(%arg18 : memref<!tpu.dma_semaphore, #tpu.memory_space<semaphore_mem>>)
        } else {
        }
        %dma_wait3A_242 = arith.constant 0 : i32
        %dma_wait3A_243 = arith.constant 0 : i32
        %dma_wait3A_244 = tpu.memref_slice %arg9[%dma_wait3A_242, %dma_wait3A_243] : memref<160x128xi32, #tpu.memory_space<vmem>> -> memref<1x128xi32, #tpu.memory_space<vmem>>
        %dma_wait3A_245 = tpu.memref_squeeze %dma_wait3A_244 : memref<1x128xi32, #tpu.memory_space<vmem>> -> memref<128xi32, #tpu.memory_space<vmem>>
        %dma_wait3A_246 = arith.constant 0 : i32
        %dma_wait3A_247 = arith.constant 0 : i32
        %dma_wait3A_248 = tpu.memref_slice %arg15[%dma_wait3A_246, %dma_wait3A_247] : memref<10240x64xf32, #tpu.memory_space<vmem_shared>> -> memref<10240x64xf32, #tpu.memory_space<vmem_shared>>
        tpu.wait_indirect_dma semaphore(%arg24 : memref<!tpu.dma_semaphore, #tpu.memory_space<semaphore_mem>>) src(%arg13 : memref<128x64xf32, #tpu.memory_space<vmem>>) dst(%dma_wait3A_248 : memref<10240x64xf32, #tpu.memory_space<vmem_shared>>)
        %lt3A_249 = arith.constant 31 : i32
        %lt3A_250 = arith.cmpi slt, %add3A_130, %lt3A_249 : i32
        %convert_element_type3A_251 = arith.extui %lt3A_250 : i1 to i32
        %cond3A_252 = arith.constant 0 : i32
        %cond3A_253 = arith.cmpi ne, %convert_element_type3A_251, %cond3A_252 : i32
        scf.if %cond3A_253 {
          %add3A_266 = arith.constant 5 : i32
          %add3A_267 = arith.addi %mul3A_132, %add3A_266 : i32
          %add3A_268 = arith.constant 3 : i32
          %add3A_269 = arith.addi %add3A_267, %add3A_268 : i32
          %dma_start3A_270 = arith.constant 0 : i32
          %dma_start3A_271 = tpu.memref_slice %arg8[%add3A_269, %dma_start3A_270] : memref<160x128xi32, #tpu.memory_space<vmem>> -> memref<1x128xi32, #tpu.memory_space<vmem>>
          %dma_start3A_272 = tpu.memref_squeeze %dma_start3A_271 : memref<1x128xi32, #tpu.memory_space<vmem>> -> memref<128xi32, #tpu.memory_space<vmem>>
          %dma_start3A_273 = arith.constant 0 : i32
          %dma_start3A_274 = arith.constant 0 : i32
          %dma_start3A_275 = tpu.memref_slice %arg5[%dma_start3A_273, %dma_start3A_274] : memref<10240x64xf32, #tpu.memory_space<hbm>> -> memref<10240x64xf32, #tpu.memory_space<hbm>>
          tpu.enqueue_indirect_dma source(%dma_start3A_275 : memref<10240x64xf32, #tpu.memory_space<hbm>>) target(%arg13 : memref<128x64xf32, #tpu.memory_space<vmem>>) offsets(%dma_start3A_272 : memref<128xi32, #tpu.memory_space<vmem>>) semaphore(%arg19 : memref<!tpu.dma_semaphore, #tpu.memory_space<semaphore_mem>>)
        } else {
        }
        %dma_wait3A_254 = arith.constant 0 : i32
        %dma_wait3A_255 = arith.constant 0 : i32
        %dma_wait3A_256 = tpu.memref_slice %arg9[%dma_wait3A_254, %dma_wait3A_255] : memref<160x128xi32, #tpu.memory_space<vmem>> -> memref<1x128xi32, #tpu.memory_space<vmem>>
        %dma_wait3A_257 = tpu.memref_squeeze %dma_wait3A_256 : memref<1x128xi32, #tpu.memory_space<vmem>> -> memref<128xi32, #tpu.memory_space<vmem>>
        %dma_wait3A_258 = arith.constant 0 : i32
        %dma_wait3A_259 = arith.constant 0 : i32
        %dma_wait3A_260 = tpu.memref_slice %arg15[%dma_wait3A_258, %dma_wait3A_259] : memref<10240x64xf32, #tpu.memory_space<vmem_shared>> -> memref<10240x64xf32, #tpu.memory_space<vmem_shared>>
        tpu.wait_indirect_dma semaphore(%arg25 : memref<!tpu.dma_semaphore, #tpu.memory_space<semaphore_mem>>) src(%arg14 : memref<128x64xf32, #tpu.memory_space<vmem>>) dst(%dma_wait3A_260 : memref<10240x64xf32, #tpu.memory_space<vmem_shared>>)
        %lt3A_261 = arith.constant 31 : i32
        %lt3A_262 = arith.cmpi slt, %add3A_130, %lt3A_261 : i32
        %convert_element_type3A_263 = arith.extui %lt3A_262 : i1 to i32
        %cond3A_264 = arith.constant 0 : i32
        %cond3A_265 = arith.cmpi ne, %convert_element_type3A_263, %cond3A_264 : i32
        scf.if %cond3A_265 {
          %add3A_266 = arith.constant 5 : i32
          %add3A_267 = arith.addi %mul3A_132, %add3A_266 : i32
          %add3A_268 = arith.constant 4 : i32
          %add3A_269 = arith.addi %add3A_267, %add3A_268 : i32
          %dma_start3A_270 = arith.constant 0 : i32
          %dma_start3A_271 = tpu.memref_slice %arg8[%add3A_269, %dma_start3A_270] : memref<160x128xi32, #tpu.memory_space<vmem>> -> memref<1x128xi32, #tpu.memory_space<vmem>>
          %dma_start3A_272 = tpu.memref_squeeze %dma_start3A_271 : memref<1x128xi32, #tpu.memory_space<vmem>> -> memref<128xi32, #tpu.memory_space<vmem>>
          %dma_start3A_273 = arith.constant 0 : i32
          %dma_start3A_274 = arith.constant 0 : i32
          %dma_start3A_275 = tpu.memref_slice %arg5[%dma_start3A_273, %dma_start3A_274] : memref<10240x64xf32, #tpu.memory_space<hbm>> -> memref<10240x64xf32, #tpu.memory_space<hbm>>
          tpu.enqueue_indirect_dma source(%dma_start3A_275 : memref<10240x64xf32, #tpu.memory_space<hbm>>) target(%arg14 : memref<128x64xf32, #tpu.memory_space<vmem>>) offsets(%dma_start3A_272 : memref<128xi32, #tpu.memory_space<vmem>>) semaphore(%arg20 : memref<!tpu.dma_semaphore, #tpu.memory_space<semaphore_mem>>)
        } else {
        }
      }
      %scan3A_125 = arith.constant 32 : i32
    } else {
    }
    %barrier3A_26 = arith.constant 0 : index
    tpu.barrier barrier_id(%barrier3A_26)
    %add3A_27 = arith.constant 0 : i32
    %add3A_28 = arith.addi %mul3A_5, %add3A_27 : i32
    "tpu.region"() ({
      %run_scoped3A = tpu.sem_alloc : memref<!tpu.dma_semaphore, #tpu.memory_space<semaphore_mem>>
      %dma_start3A = arith.constant 0 : i32
      %dma_start3A_87 = tpu.memref_slice %arg15[%add3A_28, %dma_start3A] : memref<10240x64xf32, #tpu.memory_space<vmem_shared>> -> memref<128x64xf32, #tpu.memory_space<vmem_shared>>
      %dma_start3A_88 = arith.constant 0 : i32
      %dma_start3A_89 = tpu.memref_slice %arg15[%add3A_28, %dma_start3A_88] : memref<10240x64xf32, #tpu.memory_space<vmem_shared>> -> memref<128x64xf32, #tpu.memory_space<vmem_shared>>
      tpu.enqueue_dma source(%dma_start3A_89 : memref<128x64xf32, #tpu.memory_space<vmem_shared>>) target(%arg10 : memref<128x64xf32, #tpu.memory_space<vmem>>) target_semaphore(%run_scoped3A : memref<!tpu.dma_semaphore, #tpu.memory_space<semaphore_mem>>)
      %dma_wait3A = arith.constant 0 : i32
      %dma_wait3A_90 = tpu.memref_slice %arg15[%add3A_28, %dma_wait3A] : memref<10240x64xf32, #tpu.memory_space<vmem_shared>> -> memref<128x64xf32, #tpu.memory_space<vmem_shared>>
      %dma_wait3A_91 = arith.constant 0 : i32
      %dma_wait3A_92 = tpu.memref_slice %arg15[%add3A_28, %dma_wait3A_91] : memref<10240x64xf32, #tpu.memory_space<vmem_shared>> -> memref<128x64xf32, #tpu.memory_space<vmem_shared>>
      tpu.wait_dma2 semaphore(%run_scoped3A : memref<!tpu.dma_semaphore, #tpu.memory_space<semaphore_mem>>) src(%dma_wait3A_92 : memref<128x64xf32, #tpu.memory_space<vmem_shared>>) dst(%arg10 : memref<128x64xf32, #tpu.memory_space<vmem>>)
      tpu.yield
    }) : () -> ()
    %eq3A_29 = arith.constant 0 : i32
    %eq3A_30 = arith.cmpi eq, %arg0, %eq3A_29 : i32
    %convert_element_type3A_31 = arith.extui %eq3A_30 : i1 to i32
    %cond3A_32 = arith.constant 0 : i32
    %cond3A_33 = arith.cmpi ne, %convert_element_type3A_31, %cond3A_32 : i32
    scf.if %cond3A_33 {
      %add3A_87 = arith.constant 0 : i32
      %add3A_88 = arith.addi %mul3A_5, %add3A_87 : i32
      "tpu.region"() ({
        %run_scoped3A = tpu.sem_alloc : memref<!tpu.dma_semaphore, #tpu.memory_space<semaphore_mem>>
        %dma_start3A = arith.constant 0 : i32
        %dma_start3A_89 = tpu.memref_slice %arg6[%add3A_88, %dma_start3A] : memref<10240x64xf32, #tpu.memory_space<hbm>> -> memref<128x64xf32, #tpu.memory_space<hbm>>
        %dma_start3A_90 = arith.constant 0 : i32
        %dma_start3A_91 = tpu.memref_slice %arg6[%add3A_88, %dma_start3A_90] : memref<10240x64xf32, #tpu.memory_space<hbm>> -> memref<128x64xf32, #tpu.memory_space<hbm>>
        tpu.enqueue_dma source(%arg10 : memref<128x64xf32, #tpu.memory_space<vmem>>) target(%dma_start3A_91 : memref<128x64xf32, #tpu.memory_space<hbm>>) target_semaphore(%run_scoped3A : memref<!tpu.dma_semaphore, #tpu.memory_space<semaphore_mem>>)
        %dma_wait3A = arith.constant 0 : i32
        %dma_wait3A_92 = tpu.memref_slice %arg6[%add3A_88, %dma_wait3A] : memref<10240x64xf32, #tpu.memory_space<hbm>> -> memref<128x64xf32, #tpu.memory_space<hbm>>
        %dma_wait3A_93 = arith.constant 0 : i32
        %dma_wait3A_94 = tpu.memref_slice %arg6[%add3A_88, %dma_wait3A_93] : memref<10240x64xf32, #tpu.memory_space<hbm>> -> memref<128x64xf32, #tpu.memory_space<hbm>>
        tpu.wait_dma2 semaphore(%run_scoped3A : memref<!tpu.dma_semaphore, #tpu.memory_space<semaphore_mem>>) src(%arg10 : memref<128x64xf32, #tpu.memory_space<vmem>>) dst(%dma_wait3A_94 : memref<128x64xf32, #tpu.memory_space<hbm>>)
        tpu.yield
      }) : () -> ()
    } else {
    }
    %eq3A_34 = arith.constant 1 : i32
    %eq3A_35 = arith.cmpi eq, %arg0, %eq3A_34 : i32
    %convert_element_type3A_36 = arith.extui %eq3A_35 : i1 to i32
    %cond3A_37 = arith.constant 0 : i32
    %cond3A_38 = arith.cmpi ne, %convert_element_type3A_36, %cond3A_37 : i32
    scf.if %cond3A_38 {
      %add3A_87 = arith.constant 0 : i32
      %add3A_88 = arith.addi %mul3A_5, %add3A_87 : i32
      "tpu.region"() ({
        %run_scoped3A = tpu.sem_alloc : memref<!tpu.dma_semaphore, #tpu.memory_space<semaphore_mem>>
        %dma_start3A = arith.constant 0 : i32
        %dma_start3A_89 = tpu.memref_slice %arg7[%add3A_88, %dma_start3A] : memref<10240x64xf32, #tpu.memory_space<hbm>> -> memref<128x64xf32, #tpu.memory_space<hbm>>
        %dma_start3A_90 = arith.constant 0 : i32
        %dma_start3A_91 = tpu.memref_slice %arg7[%add3A_88, %dma_start3A_90] : memref<10240x64xf32, #tpu.memory_space<hbm>> -> memref<128x64xf32, #tpu.memory_space<hbm>>
        tpu.enqueue_dma source(%arg10 : memref<128x64xf32, #tpu.memory_space<vmem>>) target(%dma_start3A_91 : memref<128x64xf32, #tpu.memory_space<hbm>>) target_semaphore(%run_scoped3A : memref<!tpu.dma_semaphore, #tpu.memory_space<semaphore_mem>>)
        %dma_wait3A = arith.constant 0 : i32
        %dma_wait3A_92 = tpu.memref_slice %arg7[%add3A_88, %dma_wait3A] : memref<10240x64xf32, #tpu.memory_space<hbm>> -> memref<128x64xf32, #tpu.memory_space<hbm>>
        %dma_wait3A_93 = arith.constant 0 : i32
        %dma_wait3A_94 = tpu.memref_slice %arg7[%add3A_88, %dma_wait3A_93] : memref<10240x64xf32, #tpu.memory_space<hbm>> -> memref<128x64xf32, #tpu.memory_space<hbm>>
        tpu.wait_dma2 semaphore(%run_scoped3A : memref<!tpu.dma_semaphore, #tpu.memory_space<semaphore_mem>>) src(%arg10 : memref<128x64xf32, #tpu.memory_space<vmem>>) dst(%dma_wait3A_94 : memref<128x64xf32, #tpu.memory_space<hbm>>)
        tpu.yield
      }) : () -> ()
    } else {
    }
    %add3A_39 = arith.constant 128 : i32
    %add3A_40 = arith.addi %mul3A_5, %add3A_39 : i32
    "tpu.region"() ({
      %run_scoped3A = tpu.sem_alloc : memref<!tpu.dma_semaphore, #tpu.memory_space<semaphore_mem>>
      %dma_start3A = arith.constant 0 : i32
      %dma_start3A_87 = tpu.memref_slice %arg15[%add3A_40, %dma_start3A] : memref<10240x64xf32, #tpu.memory_space<vmem_shared>> -> memref<128x64xf32, #tpu.memory_space<vmem_shared>>
      %dma_start3A_88 = arith.constant 0 : i32
      %dma_start3A_89 = tpu.memref_slice %arg15[%add3A_40, %dma_start3A_88] : memref<10240x64xf32, #tpu.memory_space<vmem_shared>> -> memref<128x64xf32, #tpu.memory_space<vmem_shared>>
      tpu.enqueue_dma source(%dma_start3A_89 : memref<128x64xf32, #tpu.memory_space<vmem_shared>>) target(%arg10 : memref<128x64xf32, #tpu.memory_space<vmem>>) target_semaphore(%run_scoped3A : memref<!tpu.dma_semaphore, #tpu.memory_space<semaphore_mem>>)
      %dma_wait3A = arith.constant 0 : i32
      %dma_wait3A_90 = tpu.memref_slice %arg15[%add3A_40, %dma_wait3A] : memref<10240x64xf32, #tpu.memory_space<vmem_shared>> -> memref<128x64xf32, #tpu.memory_space<vmem_shared>>
      %dma_wait3A_91 = arith.constant 0 : i32
      %dma_wait3A_92 = tpu.memref_slice %arg15[%add3A_40, %dma_wait3A_91] : memref<10240x64xf32, #tpu.memory_space<vmem_shared>> -> memref<128x64xf32, #tpu.memory_space<vmem_shared>>
      tpu.wait_dma2 semaphore(%run_scoped3A : memref<!tpu.dma_semaphore, #tpu.memory_space<semaphore_mem>>) src(%dma_wait3A_92 : memref<128x64xf32, #tpu.memory_space<vmem_shared>>) dst(%arg10 : memref<128x64xf32, #tpu.memory_space<vmem>>)
      tpu.yield
    }) : () -> ()
    %eq3A_41 = arith.constant 0 : i32
    %eq3A_42 = arith.cmpi eq, %arg0, %eq3A_41 : i32
    %convert_element_type3A_43 = arith.extui %eq3A_42 : i1 to i32
    %cond3A_44 = arith.constant 0 : i32
    %cond3A_45 = arith.cmpi ne, %convert_element_type3A_43, %cond3A_44 : i32
    scf.if %cond3A_45 {
      %add3A_87 = arith.constant 128 : i32
      %add3A_88 = arith.addi %mul3A_5, %add3A_87 : i32
      "tpu.region"() ({
        %run_scoped3A = tpu.sem_alloc : memref<!tpu.dma_semaphore, #tpu.memory_space<semaphore_mem>>
        %dma_start3A = arith.constant 0 : i32
        %dma_start3A_89 = tpu.memref_slice %arg6[%add3A_88, %dma_start3A] : memref<10240x64xf32, #tpu.memory_space<hbm>> -> memref<128x64xf32, #tpu.memory_space<hbm>>
        %dma_start3A_90 = arith.constant 0 : i32
        %dma_start3A_91 = tpu.memref_slice %arg6[%add3A_88, %dma_start3A_90] : memref<10240x64xf32, #tpu.memory_space<hbm>> -> memref<128x64xf32, #tpu.memory_space<hbm>>
        tpu.enqueue_dma source(%arg10 : memref<128x64xf32, #tpu.memory_space<vmem>>) target(%dma_start3A_91 : memref<128x64xf32, #tpu.memory_space<hbm>>) target_semaphore(%run_scoped3A : memref<!tpu.dma_semaphore, #tpu.memory_space<semaphore_mem>>)
        %dma_wait3A = arith.constant 0 : i32
        %dma_wait3A_92 = tpu.memref_slice %arg6[%add3A_88, %dma_wait3A] : memref<10240x64xf32, #tpu.memory_space<hbm>> -> memref<128x64xf32, #tpu.memory_space<hbm>>
        %dma_wait3A_93 = arith.constant 0 : i32
        %dma_wait3A_94 = tpu.memref_slice %arg6[%add3A_88, %dma_wait3A_93] : memref<10240x64xf32, #tpu.memory_space<hbm>> -> memref<128x64xf32, #tpu.memory_space<hbm>>
        tpu.wait_dma2 semaphore(%run_scoped3A : memref<!tpu.dma_semaphore, #tpu.memory_space<semaphore_mem>>) src(%arg10 : memref<128x64xf32, #tpu.memory_space<vmem>>) dst(%dma_wait3A_94 : memref<128x64xf32, #tpu.memory_space<hbm>>)
        tpu.yield
      }) : () -> ()
    } else {
    }
    %eq3A_46 = arith.constant 1 : i32
    %eq3A_47 = arith.cmpi eq, %arg0, %eq3A_46 : i32
    %convert_element_type3A_48 = arith.extui %eq3A_47 : i1 to i32
    %cond3A_49 = arith.constant 0 : i32
    %cond3A_50 = arith.cmpi ne, %convert_element_type3A_48, %cond3A_49 : i32
    scf.if %cond3A_50 {
      %add3A_87 = arith.constant 128 : i32
      %add3A_88 = arith.addi %mul3A_5, %add3A_87 : i32
      "tpu.region"() ({
        %run_scoped3A = tpu.sem_alloc : memref<!tpu.dma_semaphore, #tpu.memory_space<semaphore_mem>>
        %dma_start3A = arith.constant 0 : i32
        %dma_start3A_89 = tpu.memref_slice %arg7[%add3A_88, %dma_start3A] : memref<10240x64xf32, #tpu.memory_space<hbm>> -> memref<128x64xf32, #tpu.memory_space<hbm>>
        %dma_start3A_90 = arith.constant 0 : i32
        %dma_start3A_91 = tpu.memref_slice %arg7[%add3A_88, %dma_start3A_90] : memref<10240x64xf32, #tpu.memory_space<hbm>> -> memref<128x64xf32, #tpu.memory_space<hbm>>
        tpu.enqueue_dma source(%arg10 : memref<128x64xf32, #tpu.memory_space<vmem>>) target(%dma_start3A_91 : memref<128x64xf32, #tpu.memory_space<hbm>>) target_semaphore(%run_scoped3A : memref<!tpu.dma_semaphore, #tpu.memory_space<semaphore_mem>>)
        %dma_wait3A = arith.constant 0 : i32
        %dma_wait3A_92 = tpu.memref_slice %arg7[%add3A_88, %dma_wait3A] : memref<10240x64xf32, #tpu.memory_space<hbm>> -> memref<128x64xf32, #tpu.memory_space<hbm>>
        %dma_wait3A_93 = arith.constant 0 : i32
        %dma_wait3A_94 = tpu.memref_slice %arg7[%add3A_88, %dma_wait3A_93] : memref<10240x64xf32, #tpu.memory_space<hbm>> -> memref<128x64xf32, #tpu.memory_space<hbm>>
        tpu.wait_dma2 semaphore(%run_scoped3A : memref<!tpu.dma_semaphore, #tpu.memory_space<semaphore_mem>>) src(%arg10 : memref<128x64xf32, #tpu.memory_space<vmem>>) dst(%dma_wait3A_94 : memref<128x64xf32, #tpu.memory_space<hbm>>)
        tpu.yield
      }) : () -> ()
    } else {
    }
    %add3A_51 = arith.constant 256 : i32
    %add3A_52 = arith.addi %mul3A_5, %add3A_51 : i32
    "tpu.region"() ({
      %run_scoped3A = tpu.sem_alloc : memref<!tpu.dma_semaphore, #tpu.memory_space<semaphore_mem>>
      %dma_start3A = arith.constant 0 : i32
      %dma_start3A_87 = tpu.memref_slice %arg15[%add3A_52, %dma_start3A] : memref<10240x64xf32, #tpu.memory_space<vmem_shared>> -> memref<128x64xf32, #tpu.memory_space<vmem_shared>>
      %dma_start3A_88 = arith.constant 0 : i32
      %dma_start3A_89 = tpu.memref_slice %arg15[%add3A_52, %dma_start3A_88] : memref<10240x64xf32, #tpu.memory_space<vmem_shared>> -> memref<128x64xf32, #tpu.memory_space<vmem_shared>>
      tpu.enqueue_dma source(%dma_start3A_89 : memref<128x64xf32, #tpu.memory_space<vmem_shared>>) target(%arg10 : memref<128x64xf32, #tpu.memory_space<vmem>>) target_semaphore(%run_scoped3A : memref<!tpu.dma_semaphore, #tpu.memory_space<semaphore_mem>>)
      %dma_wait3A = arith.constant 0 : i32
      %dma_wait3A_90 = tpu.memref_slice %arg15[%add3A_52, %dma_wait3A] : memref<10240x64xf32, #tpu.memory_space<vmem_shared>> -> memref<128x64xf32, #tpu.memory_space<vmem_shared>>
      %dma_wait3A_91 = arith.constant 0 : i32
      %dma_wait3A_92 = tpu.memref_slice %arg15[%add3A_52, %dma_wait3A_91] : memref<10240x64xf32, #tpu.memory_space<vmem_shared>> -> memref<128x64xf32, #tpu.memory_space<vmem_shared>>
      tpu.wait_dma2 semaphore(%run_scoped3A : memref<!tpu.dma_semaphore, #tpu.memory_space<semaphore_mem>>) src(%dma_wait3A_92 : memref<128x64xf32, #tpu.memory_space<vmem_shared>>) dst(%arg10 : memref<128x64xf32, #tpu.memory_space<vmem>>)
      tpu.yield
    }) : () -> ()
    %eq3A_53 = arith.constant 0 : i32
    %eq3A_54 = arith.cmpi eq, %arg0, %eq3A_53 : i32
    %convert_element_type3A_55 = arith.extui %eq3A_54 : i1 to i32
    %cond3A_56 = arith.constant 0 : i32
    %cond3A_57 = arith.cmpi ne, %convert_element_type3A_55, %cond3A_56 : i32
    scf.if %cond3A_57 {
      %add3A_87 = arith.constant 256 : i32
      %add3A_88 = arith.addi %mul3A_5, %add3A_87 : i32
      "tpu.region"() ({
        %run_scoped3A = tpu.sem_alloc : memref<!tpu.dma_semaphore, #tpu.memory_space<semaphore_mem>>
        %dma_start3A = arith.constant 0 : i32
        %dma_start3A_89 = tpu.memref_slice %arg6[%add3A_88, %dma_start3A] : memref<10240x64xf32, #tpu.memory_space<hbm>> -> memref<128x64xf32, #tpu.memory_space<hbm>>
        %dma_start3A_90 = arith.constant 0 : i32
        %dma_start3A_91 = tpu.memref_slice %arg6[%add3A_88, %dma_start3A_90] : memref<10240x64xf32, #tpu.memory_space<hbm>> -> memref<128x64xf32, #tpu.memory_space<hbm>>
        tpu.enqueue_dma source(%arg10 : memref<128x64xf32, #tpu.memory_space<vmem>>) target(%dma_start3A_91 : memref<128x64xf32, #tpu.memory_space<hbm>>) target_semaphore(%run_scoped3A : memref<!tpu.dma_semaphore, #tpu.memory_space<semaphore_mem>>)
        %dma_wait3A = arith.constant 0 : i32
        %dma_wait3A_92 = tpu.memref_slice %arg6[%add3A_88, %dma_wait3A] : memref<10240x64xf32, #tpu.memory_space<hbm>> -> memref<128x64xf32, #tpu.memory_space<hbm>>
        %dma_wait3A_93 = arith.constant 0 : i32
        %dma_wait3A_94 = tpu.memref_slice %arg6[%add3A_88, %dma_wait3A_93] : memref<10240x64xf32, #tpu.memory_space<hbm>> -> memref<128x64xf32, #tpu.memory_space<hbm>>
        tpu.wait_dma2 semaphore(%run_scoped3A : memref<!tpu.dma_semaphore, #tpu.memory_space<semaphore_mem>>) src(%arg10 : memref<128x64xf32, #tpu.memory_space<vmem>>) dst(%dma_wait3A_94 : memref<128x64xf32, #tpu.memory_space<hbm>>)
        tpu.yield
      }) : () -> ()
    } else {
    }
    %eq3A_58 = arith.constant 1 : i32
    %eq3A_59 = arith.cmpi eq, %arg0, %eq3A_58 : i32
    %convert_element_type3A_60 = arith.extui %eq3A_59 : i1 to i32
    %cond3A_61 = arith.constant 0 : i32
    %cond3A_62 = arith.cmpi ne, %convert_element_type3A_60, %cond3A_61 : i32
    scf.if %cond3A_62 {
      %add3A_87 = arith.constant 256 : i32
      %add3A_88 = arith.addi %mul3A_5, %add3A_87 : i32
      "tpu.region"() ({
        %run_scoped3A = tpu.sem_alloc : memref<!tpu.dma_semaphore, #tpu.memory_space<semaphore_mem>>
        %dma_start3A = arith.constant 0 : i32
        %dma_start3A_89 = tpu.memref_slice %arg7[%add3A_88, %dma_start3A] : memref<10240x64xf32, #tpu.memory_space<hbm>> -> memref<128x64xf32, #tpu.memory_space<hbm>>
        %dma_start3A_90 = arith.constant 0 : i32
        %dma_start3A_91 = tpu.memref_slice %arg7[%add3A_88, %dma_start3A_90] : memref<10240x64xf32, #tpu.memory_space<hbm>> -> memref<128x64xf32, #tpu.memory_space<hbm>>
        tpu.enqueue_dma source(%arg10 : memref<128x64xf32, #tpu.memory_space<vmem>>) target(%dma_start3A_91 : memref<128x64xf32, #tpu.memory_space<hbm>>) target_semaphore(%run_scoped3A : memref<!tpu.dma_semaphore, #tpu.memory_space<semaphore_mem>>)
        %dma_wait3A = arith.constant 0 : i32
        %dma_wait3A_92 = tpu.memref_slice %arg7[%add3A_88, %dma_wait3A] : memref<10240x64xf32, #tpu.memory_space<hbm>> -> memref<128x64xf32, #tpu.memory_space<hbm>>
        %dma_wait3A_93 = arith.constant 0 : i32
        %dma_wait3A_94 = tpu.memref_slice %arg7[%add3A_88, %dma_wait3A_93] : memref<10240x64xf32, #tpu.memory_space<hbm>> -> memref<128x64xf32, #tpu.memory_space<hbm>>
        tpu.wait_dma2 semaphore(%run_scoped3A : memref<!tpu.dma_semaphore, #tpu.memory_space<semaphore_mem>>) src(%arg10 : memref<128x64xf32, #tpu.memory_space<vmem>>) dst(%dma_wait3A_94 : memref<128x64xf32, #tpu.memory_space<hbm>>)
        tpu.yield
      }) : () -> ()
    } else {
    }
    %add3A_63 = arith.constant 384 : i32
    %add3A_64 = arith.addi %mul3A_5, %add3A_63 : i32
    "tpu.region"() ({
      %run_scoped3A = tpu.sem_alloc : memref<!tpu.dma_semaphore, #tpu.memory_space<semaphore_mem>>
      %dma_start3A = arith.constant 0 : i32
      %dma_start3A_87 = tpu.memref_slice %arg15[%add3A_64, %dma_start3A] : memref<10240x64xf32, #tpu.memory_space<vmem_shared>> -> memref<128x64xf32, #tpu.memory_space<vmem_shared>>
      %dma_start3A_88 = arith.constant 0 : i32
      %dma_start3A_89 = tpu.memref_slice %arg15[%add3A_64, %dma_start3A_88] : memref<10240x64xf32, #tpu.memory_space<vmem_shared>> -> memref<128x64xf32, #tpu.memory_space<vmem_shared>>
      tpu.enqueue_dma source(%dma_start3A_89 : memref<128x64xf32, #tpu.memory_space<vmem_shared>>) target(%arg10 : memref<128x64xf32, #tpu.memory_space<vmem>>) target_semaphore(%run_scoped3A : memref<!tpu.dma_semaphore, #tpu.memory_space<semaphore_mem>>)
      %dma_wait3A = arith.constant 0 : i32
      %dma_wait3A_90 = tpu.memref_slice %arg15[%add3A_64, %dma_wait3A] : memref<10240x64xf32, #tpu.memory_space<vmem_shared>> -> memref<128x64xf32, #tpu.memory_space<vmem_shared>>
      %dma_wait3A_91 = arith.constant 0 : i32
      %dma_wait3A_92 = tpu.memref_slice %arg15[%add3A_64, %dma_wait3A_91] : memref<10240x64xf32, #tpu.memory_space<vmem_shared>> -> memref<128x64xf32, #tpu.memory_space<vmem_shared>>
      tpu.wait_dma2 semaphore(%run_scoped3A : memref<!tpu.dma_semaphore, #tpu.memory_space<semaphore_mem>>) src(%dma_wait3A_92 : memref<128x64xf32, #tpu.memory_space<vmem_shared>>) dst(%arg10 : memref<128x64xf32, #tpu.memory_space<vmem>>)
      tpu.yield
    }) : () -> ()
    %eq3A_65 = arith.constant 0 : i32
    %eq3A_66 = arith.cmpi eq, %arg0, %eq3A_65 : i32
    %convert_element_type3A_67 = arith.extui %eq3A_66 : i1 to i32
    %cond3A_68 = arith.constant 0 : i32
    %cond3A_69 = arith.cmpi ne, %convert_element_type3A_67, %cond3A_68 : i32
    scf.if %cond3A_69 {
      %add3A_87 = arith.constant 384 : i32
      %add3A_88 = arith.addi %mul3A_5, %add3A_87 : i32
      "tpu.region"() ({
        %run_scoped3A = tpu.sem_alloc : memref<!tpu.dma_semaphore, #tpu.memory_space<semaphore_mem>>
        %dma_start3A = arith.constant 0 : i32
        %dma_start3A_89 = tpu.memref_slice %arg6[%add3A_88, %dma_start3A] : memref<10240x64xf32, #tpu.memory_space<hbm>> -> memref<128x64xf32, #tpu.memory_space<hbm>>
        %dma_start3A_90 = arith.constant 0 : i32
        %dma_start3A_91 = tpu.memref_slice %arg6[%add3A_88, %dma_start3A_90] : memref<10240x64xf32, #tpu.memory_space<hbm>> -> memref<128x64xf32, #tpu.memory_space<hbm>>
        tpu.enqueue_dma source(%arg10 : memref<128x64xf32, #tpu.memory_space<vmem>>) target(%dma_start3A_91 : memref<128x64xf32, #tpu.memory_space<hbm>>) target_semaphore(%run_scoped3A : memref<!tpu.dma_semaphore, #tpu.memory_space<semaphore_mem>>)
        %dma_wait3A = arith.constant 0 : i32
        %dma_wait3A_92 = tpu.memref_slice %arg6[%add3A_88, %dma_wait3A] : memref<10240x64xf32, #tpu.memory_space<hbm>> -> memref<128x64xf32, #tpu.memory_space<hbm>>
        %dma_wait3A_93 = arith.constant 0 : i32
        %dma_wait3A_94 = tpu.memref_slice %arg6[%add3A_88, %dma_wait3A_93] : memref<10240x64xf32, #tpu.memory_space<hbm>> -> memref<128x64xf32, #tpu.memory_space<hbm>>
        tpu.wait_dma2 semaphore(%run_scoped3A : memref<!tpu.dma_semaphore, #tpu.memory_space<semaphore_mem>>) src(%arg10 : memref<128x64xf32, #tpu.memory_space<vmem>>) dst(%dma_wait3A_94 : memref<128x64xf32, #tpu.memory_space<hbm>>)
        tpu.yield
      }) : () -> ()
    } else {
    }
    %eq3A_70 = arith.constant 1 : i32
    %eq3A_71 = arith.cmpi eq, %arg0, %eq3A_70 : i32
    %convert_element_type3A_72 = arith.extui %eq3A_71 : i1 to i32
    %cond3A_73 = arith.constant 0 : i32
    %cond3A_74 = arith.cmpi ne, %convert_element_type3A_72, %cond3A_73 : i32
    scf.if %cond3A_74 {
      %add3A_87 = arith.constant 384 : i32
      %add3A_88 = arith.addi %mul3A_5, %add3A_87 : i32
      "tpu.region"() ({
        %run_scoped3A = tpu.sem_alloc : memref<!tpu.dma_semaphore, #tpu.memory_space<semaphore_mem>>
        %dma_start3A = arith.constant 0 : i32
        %dma_start3A_89 = tpu.memref_slice %arg7[%add3A_88, %dma_start3A] : memref<10240x64xf32, #tpu.memory_space<hbm>> -> memref<128x64xf32, #tpu.memory_space<hbm>>
        %dma_start3A_90 = arith.constant 0 : i32
        %dma_start3A_91 = tpu.memref_slice %arg7[%add3A_88, %dma_start3A_90] : memref<10240x64xf32, #tpu.memory_space<hbm>> -> memref<128x64xf32, #tpu.memory_space<hbm>>
        tpu.enqueue_dma source(%arg10 : memref<128x64xf32, #tpu.memory_space<vmem>>) target(%dma_start3A_91 : memref<128x64xf32, #tpu.memory_space<hbm>>) target_semaphore(%run_scoped3A : memref<!tpu.dma_semaphore, #tpu.memory_space<semaphore_mem>>)
        %dma_wait3A = arith.constant 0 : i32
        %dma_wait3A_92 = tpu.memref_slice %arg7[%add3A_88, %dma_wait3A] : memref<10240x64xf32, #tpu.memory_space<hbm>> -> memref<128x64xf32, #tpu.memory_space<hbm>>
        %dma_wait3A_93 = arith.constant 0 : i32
        %dma_wait3A_94 = tpu.memref_slice %arg7[%add3A_88, %dma_wait3A_93] : memref<10240x64xf32, #tpu.memory_space<hbm>> -> memref<128x64xf32, #tpu.memory_space<hbm>>
        tpu.wait_dma2 semaphore(%run_scoped3A : memref<!tpu.dma_semaphore, #tpu.memory_space<semaphore_mem>>) src(%arg10 : memref<128x64xf32, #tpu.memory_space<vmem>>) dst(%dma_wait3A_94 : memref<128x64xf32, #tpu.memory_space<hbm>>)
        tpu.yield
      }) : () -> ()
    } else {
    }
    %add3A_75 = arith.constant 512 : i32
    %add3A_76 = arith.addi %mul3A_5, %add3A_75 : i32
    "tpu.region"() ({
      %run_scoped3A = tpu.sem_alloc : memref<!tpu.dma_semaphore, #tpu.memory_space<semaphore_mem>>
      %dma_start3A = arith.constant 0 : i32
      %dma_start3A_87 = tpu.memref_slice %arg15[%add3A_76, %dma_start3A] : memref<10240x64xf32, #tpu.memory_space<vmem_shared>> -> memref<128x64xf32, #tpu.memory_space<vmem_shared>>
      %dma_start3A_88 = arith.constant 0 : i32
      %dma_start3A_89 = tpu.memref_slice %arg15[%add3A_76, %dma_start3A_88] : memref<10240x64xf32, #tpu.memory_space<vmem_shared>> -> memref<128x64xf32, #tpu.memory_space<vmem_shared>>
      tpu.enqueue_dma source(%dma_start3A_89 : memref<128x64xf32, #tpu.memory_space<vmem_shared>>) target(%arg10 : memref<128x64xf32, #tpu.memory_space<vmem>>) target_semaphore(%run_scoped3A : memref<!tpu.dma_semaphore, #tpu.memory_space<semaphore_mem>>)
      %dma_wait3A = arith.constant 0 : i32
      %dma_wait3A_90 = tpu.memref_slice %arg15[%add3A_76, %dma_wait3A] : memref<10240x64xf32, #tpu.memory_space<vmem_shared>> -> memref<128x64xf32, #tpu.memory_space<vmem_shared>>
      %dma_wait3A_91 = arith.constant 0 : i32
      %dma_wait3A_92 = tpu.memref_slice %arg15[%add3A_76, %dma_wait3A_91] : memref<10240x64xf32, #tpu.memory_space<vmem_shared>> -> memref<128x64xf32, #tpu.memory_space<vmem_shared>>
      tpu.wait_dma2 semaphore(%run_scoped3A : memref<!tpu.dma_semaphore, #tpu.memory_space<semaphore_mem>>) src(%dma_wait3A_92 : memref<128x64xf32, #tpu.memory_space<vmem_shared>>) dst(%arg10 : memref<128x64xf32, #tpu.memory_space<vmem>>)
      tpu.yield
    }) : () -> ()
    %eq3A_77 = arith.constant 0 : i32
    %eq3A_78 = arith.cmpi eq, %arg0, %eq3A_77 : i32
    %convert_element_type3A_79 = arith.extui %eq3A_78 : i1 to i32
    %cond3A_80 = arith.constant 0 : i32
    %cond3A_81 = arith.cmpi ne, %convert_element_type3A_79, %cond3A_80 : i32
    scf.if %cond3A_81 {
      %add3A_87 = arith.constant 512 : i32
      %add3A_88 = arith.addi %mul3A_5, %add3A_87 : i32
      "tpu.region"() ({
        %run_scoped3A = tpu.sem_alloc : memref<!tpu.dma_semaphore, #tpu.memory_space<semaphore_mem>>
        %dma_start3A = arith.constant 0 : i32
        %dma_start3A_89 = tpu.memref_slice %arg6[%add3A_88, %dma_start3A] : memref<10240x64xf32, #tpu.memory_space<hbm>> -> memref<128x64xf32, #tpu.memory_space<hbm>>
        %dma_start3A_90 = arith.constant 0 : i32
        %dma_start3A_91 = tpu.memref_slice %arg6[%add3A_88, %dma_start3A_90] : memref<10240x64xf32, #tpu.memory_space<hbm>> -> memref<128x64xf32, #tpu.memory_space<hbm>>
        tpu.enqueue_dma source(%arg10 : memref<128x64xf32, #tpu.memory_space<vmem>>) target(%dma_start3A_91 : memref<128x64xf32, #tpu.memory_space<hbm>>) target_semaphore(%run_scoped3A : memref<!tpu.dma_semaphore, #tpu.memory_space<semaphore_mem>>)
        %dma_wait3A = arith.constant 0 : i32
        %dma_wait3A_92 = tpu.memref_slice %arg6[%add3A_88, %dma_wait3A] : memref<10240x64xf32, #tpu.memory_space<hbm>> -> memref<128x64xf32, #tpu.memory_space<hbm>>
        %dma_wait3A_93 = arith.constant 0 : i32
        %dma_wait3A_94 = tpu.memref_slice %arg6[%add3A_88, %dma_wait3A_93] : memref<10240x64xf32, #tpu.memory_space<hbm>> -> memref<128x64xf32, #tpu.memory_space<hbm>>
        tpu.wait_dma2 semaphore(%run_scoped3A : memref<!tpu.dma_semaphore, #tpu.memory_space<semaphore_mem>>) src(%arg10 : memref<128x64xf32, #tpu.memory_space<vmem>>) dst(%dma_wait3A_94 : memref<128x64xf32, #tpu.memory_space<hbm>>)
        tpu.yield
      }) : () -> ()
    } else {
    }
    %eq3A_82 = arith.constant 1 : i32
    %eq3A_83 = arith.cmpi eq, %arg0, %eq3A_82 : i32
    %convert_element_type3A_84 = arith.extui %eq3A_83 : i1 to i32
    %cond3A_85 = arith.constant 0 : i32
    %cond3A_86 = arith.cmpi ne, %convert_element_type3A_84, %cond3A_85 : i32
    scf.if %cond3A_86 {
      %add3A_87 = arith.constant 512 : i32
      %add3A_88 = arith.addi %mul3A_5, %add3A_87 : i32
      "tpu.region"() ({
        %run_scoped3A = tpu.sem_alloc : memref<!tpu.dma_semaphore, #tpu.memory_space<semaphore_mem>>
        %dma_start3A = arith.constant 0 : i32
        %dma_start3A_89 = tpu.memref_slice %arg7[%add3A_88, %dma_start3A] : memref<10240x64xf32, #tpu.memory_space<hbm>> -> memref<128x64xf32, #tpu.memory_space<hbm>>
        %dma_start3A_90 = arith.constant 0 : i32
        %dma_start3A_91 = tpu.memref_slice %arg7[%add3A_88, %dma_start3A_90] : memref<10240x64xf32, #tpu.memory_space<hbm>> -> memref<128x64xf32, #tpu.memory_space<hbm>>
        tpu.enqueue_dma source(%arg10 : memref<128x64xf32, #tpu.memory_space<vmem>>) target(%dma_start3A_91 : memref<128x64xf32, #tpu.memory_space<hbm>>) target_semaphore(%run_scoped3A : memref<!tpu.dma_semaphore, #tpu.memory_space<semaphore_mem>>)
        %dma_wait3A = arith.constant 0 : i32
        %dma_wait3A_92 = tpu.memref_slice %arg7[%add3A_88, %dma_wait3A] : memref<10240x64xf32, #tpu.memory_space<hbm>> -> memref<128x64xf32, #tpu.memory_space<hbm>>
        %dma_wait3A_93 = arith.constant 0 : i32
        %dma_wait3A_94 = tpu.memref_slice %arg7[%add3A_88, %dma_wait3A_93] : memref<10240x64xf32, #tpu.memory_space<hbm>> -> memref<128x64xf32, #tpu.memory_space<hbm>>
        tpu.wait_dma2 semaphore(%run_scoped3A : memref<!tpu.dma_semaphore, #tpu.memory_space<semaphore_mem>>) src(%arg10 : memref<128x64xf32, #tpu.memory_space<vmem>>) dst(%dma_wait3A_94 : memref<128x64xf32, #tpu.memory_space<hbm>>)
        tpu.yield
      }) : () -> ()
    } else {
    }
    return
  }
}

module attributes {stable_mosaic.version = 14 : i64} {
  func.func @_tc1_body(%arg0: i32, %arg1: memref<1024x128xf32, #tpu.memory_space<vmem>>, %arg2: memref<128x128xf32, #tpu.memory_space<vmem>>, %arg3: memref<32x1024xf32, #tpu.memory_space<vmem>>, %arg4: memref<1024x64xf32, #tpu.memory_space<vmem>>, %arg5: memref<1024x64xf32, #tpu.memory_space<vmem>>, %arg6: memref<1024xf32, #tpu.memory_space<vmem>>) attributes {dimension_semantics = [#tpu.dimension_semantics<arbitrary>], iteration_bounds = array<i64: 10>, scalar_prefetch = 0 : i64, scratch_operands = 0 : i64, tpu.core_type = #tpu.core_type<tc>, window_params = [{transform_indices = @transform_0, window_bounds = array<i64: 1024, 128>}, {pipeline_mode = #tpu.pipeline_mode<synchronous>, transform_indices = @transform_1, window_bounds = array<i64: 128, 128>}, {transform_indices = @transform_2, window_bounds = array<i64: 32, 1024>}, {transform_indices = @transform_3, window_bounds = array<i64: 1024, 64>}, {transform_indices = @transform_4, window_bounds = array<i64: 1024, 64>}, {transform_indices = @transform_5, window_bounds = array<i64: 1024>}]} {
    %get3A = arith.constant 0 : index
    %get3A_0 = arith.constant 0 : index
    %get3A_1 = vector.load %arg3[%get3A, %get3A_0] : memref<32x1024xf32, #tpu.memory_space<vmem>>, vector<32x1024xf32>
    %reduce_sum3A = arith.constant dense<0.000000e+00> : vector<1024xf32>
    %reduce_sum3A_2 = vector.multi_reduction <add>, %get3A_1, %reduce_sum3A [0] : vector<32x1024xf32> to vector<1024xf32>
    %add3A = arith.constant 1.000000e+00 : f32
    %add3A_3 = vector.broadcast %add3A : f32 to vector<1024xf32>
    %add3A_4 = arith.addf %reduce_sum3A_2, %add3A_3 : vector<1024xf32>
    %rsqrt3A = math.rsqrt %add3A_4 : vector<1024xf32>
    %swap3A = arith.constant 0 : index
    %swap3A_5 = vector.load %arg6[%swap3A] : memref<1024xf32, #tpu.memory_space<vmem>>, vector<1024xf32>
    tpu.vector_store %arg6[%swap3A], %rsqrt3A {strides = array<i32>} : memref<1024xf32, #tpu.memory_space<vmem>>, vector<1024xf32>,
    %get3A_6 = arith.constant 0 : index
    %get3A_7 = arith.constant 0 : index
    %get3A_8 = vector.load %arg1[%get3A_6, %get3A_7] : memref<1024x128xf32, #tpu.memory_space<vmem>>, vector<1024x128xf32>
    %get3A_9 = arith.constant 0 : index
    %get3A_10 = arith.constant 0 : index
    %get3A_11 = vector.load %arg2[%get3A_9, %get3A_10] : memref<128x128xf32, #tpu.memory_space<vmem>>, vector<128x128xf32>
    %dot_general3A = arith.constant dense<0.000000e+00> : vector<1024x128xf32>
    %dot_general3A_12 = tpu.matmul %get3A_8, %get3A_11, %dot_general3A {dimension_numbers = #tpu.dot_dimension_numbers<[1], [0], [0], [1], [0, 0, 1, 1], [], []>, transpose_lhs_hint = false} : vector<1024x128xf32>, vector<128x128xf32>, vector<1024x128xf32> -> vector<1024x128xf32>
    %broadcast_in_dim3A = vector.shape_cast %rsqrt3A : vector<1024xf32> to vector<1024x1xf32>
    %mul3A = vector.broadcast %broadcast_in_dim3A : vector<1024x1xf32> to vector<1024x128xf32>
    %mul3A_13 = arith.mulf %dot_general3A_12, %mul3A : vector<1024x128xf32>
    %slice3A = vector.extract_strided_slice %mul3A_13 {offsets = [0, 0], sizes = [1024, 64], strides = [1, 1]} : vector<1024x128xf32> to vector<1024x64xf32>
    %swap3A_14 = arith.constant 0 : index
    %swap3A_15 = arith.constant 0 : index
    %swap3A_16 = vector.load %arg4[%swap3A_14, %swap3A_15] : memref<1024x64xf32, #tpu.memory_space<vmem>>, vector<1024x64xf32>
    tpu.vector_store %arg4[%swap3A_14, %swap3A_15], %slice3A {strides = array<i32>} : memref<1024x64xf32, #tpu.memory_space<vmem>>, vector<1024x64xf32>,
    %slice3A_17 = vector.extract_strided_slice %mul3A_13 {offsets = [0, 64], sizes = [1024, 64], strides = [1, 1]} : vector<1024x128xf32> to vector<1024x64xf32>
    %swap3A_18 = arith.constant 0 : index
    %swap3A_19 = arith.constant 0 : index
    %swap3A_20 = vector.load %arg5[%swap3A_18, %swap3A_19] : memref<1024x64xf32, #tpu.memory_space<vmem>>, vector<1024x64xf32>
    tpu.vector_store %arg5[%swap3A_18, %swap3A_19], %slice3A_17 {strides = array<i32>} : memref<1024x64xf32, #tpu.memory_space<vmem>>, vector<1024x64xf32>,
    return
  }
  func.func @transform_0(%arg0: i32) -> (i32, i32) {
    %c0_i32 = arith.constant 0 : i32
    %c0_i32_0 = arith.constant 0 : i32
    return %arg0, %c0_i32 : i32, i32
  }
  func.func @transform_1(%arg0: i32) -> (i32, i32) {
    %c0_i32 = arith.constant 0 : i32
    %c0_i32_0 = arith.constant 0 : i32
    %c0_i32_1 = arith.constant 0 : i32
    return %c0_i32, %c0_i32_0 : i32, i32
  }
  func.func @transform_2(%arg0: i32) -> (i32, i32) {
    %c0_i32 = arith.constant 0 : i32
    %c0_i32_0 = arith.constant 0 : i32
    return %c0_i32, %arg0 : i32, i32
  }
  func.func @transform_3(%arg0: i32) -> (i32, i32) {
    %c0_i32 = arith.constant 0 : i32
    %c0_i32_0 = arith.constant 0 : i32
    return %arg0, %c0_i32 : i32, i32
  }
  func.func @transform_4(%arg0: i32) -> (i32, i32) {
    %c0_i32 = arith.constant 0 : i32
    %c0_i32_0 = arith.constant 0 : i32
    return %arg0, %c0_i32 : i32, i32
  }
  func.func @transform_5(%arg0: i32) -> i32 {
    %c0_i32 = arith.constant 0 : i32
    return %arg0 : i32
  }
}

module attributes {stable_mosaic.version = 14 : i64} {
  func.func @_tc2_body(%arg0: i32, %arg1: memref<1024x64xf32, #tpu.memory_space<vmem>>, %arg2: memref<1024x64xf32, #tpu.memory_space<vmem>>, %arg3: memref<1024x64xf32, #tpu.memory_space<vmem>>, %arg4: memref<1024x64xf32, #tpu.memory_space<vmem>>, %arg5: memref<1024xf32, #tpu.memory_space<vmem>>, %arg6: memref<128xf32, #tpu.memory_space<vmem>>, %arg7: memref<128x128xf32, #tpu.memory_space<vmem>>, %arg8: memref<1024x64xf32, #tpu.memory_space<vmem>>, %arg9: memref<1024x64xf32, #tpu.memory_space<vmem>>) attributes {dimension_semantics = [#tpu.dimension_semantics<arbitrary>], iteration_bounds = array<i64: 10>, scalar_prefetch = 0 : i64, scratch_operands = 0 : i64, tpu.core_type = #tpu.core_type<tc>, window_params = [{transform_indices = @transform_0, window_bounds = array<i64: 1024, 64>}, {transform_indices = @transform_1, window_bounds = array<i64: 1024, 64>}, {transform_indices = @transform_2, window_bounds = array<i64: 1024, 64>}, {transform_indices = @transform_3, window_bounds = array<i64: 1024, 64>}, {transform_indices = @transform_4, window_bounds = array<i64: 1024>}, {pipeline_mode = #tpu.pipeline_mode<synchronous>, transform_indices = @transform_5, window_bounds = array<i64: 128>}, {pipeline_mode = #tpu.pipeline_mode<synchronous>, transform_indices = @transform_6, window_bounds = array<i64: 128, 128>}, {transform_indices = @transform_7, window_bounds = array<i64: 1024, 64>}, {transform_indices = @transform_8, window_bounds = array<i64: 1024, 64>}]} {
    %get3A = arith.constant 0 : index
    %get3A_0 = vector.load %arg5[%get3A] : memref<1024xf32, #tpu.memory_space<vmem>>, vector<1024xf32>
    %get3A_1 = arith.constant 0 : index
    %get3A_2 = arith.constant 0 : index
    %get3A_3 = vector.load %arg1[%get3A_1, %get3A_2] : memref<1024x64xf32, #tpu.memory_space<vmem>>, vector<1024x64xf32>
    %get3A_4 = arith.constant 0 : index
    %get3A_5 = arith.constant 0 : index
    %get3A_6 = vector.load %arg3[%get3A_4, %get3A_5] : memref<1024x64xf32, #tpu.memory_space<vmem>>, vector<1024x64xf32>
    %add3A = arith.addf %get3A_3, %get3A_6 : vector<1024x64xf32>
    %get3A_7 = arith.constant 0 : index
    %get3A_8 = arith.constant 0 : index
    %get3A_9 = vector.load %arg2[%get3A_7, %get3A_8] : memref<1024x64xf32, #tpu.memory_space<vmem>>, vector<1024x64xf32>
    %get3A_10 = arith.constant 0 : index
    %get3A_11 = arith.constant 0 : index
    %get3A_12 = vector.load %arg4[%get3A_10, %get3A_11] : memref<1024x64xf32, #tpu.memory_space<vmem>>, vector<1024x64xf32>
    %add3A_13 = arith.addf %get3A_9, %get3A_12 : vector<1024x64xf32>
    %concatenate3A = tpu.concatenate %add3A, %add3A_13 in 1 : vector<1024x64xf32>, vector<1024x64xf32> -> vector<1024x128xf32>
    %broadcast_in_dim3A = vector.shape_cast %get3A_0 : vector<1024xf32> to vector<1024x1xf32>
    %mul3A = vector.broadcast %broadcast_in_dim3A : vector<1024x1xf32> to vector<1024x128xf32>
    %mul3A_14 = arith.mulf %concatenate3A, %mul3A : vector<1024x128xf32>
    %get3A_15 = arith.constant 0 : index
    %get3A_16 = vector.load %arg6[%get3A_15] : memref<128xf32, #tpu.memory_space<vmem>>, vector<128xf32>
    %broadcast_in_dim3A_17 = vector.shape_cast %get3A_16 : vector<128xf32> to vector<1x128xf32>
    %add3A_18 = vector.broadcast %broadcast_in_dim3A_17 : vector<1x128xf32> to vector<1024x128xf32>
    %add3A_19 = arith.addf %mul3A_14, %add3A_18 : vector<1024x128xf32>
    %max3A = arith.constant 0.000000e+00 : f32
    %max3A_20 = vector.broadcast %max3A : f32 to vector<1024x128xf32>
    %max3A_21 = arith.maximumf %add3A_19, %max3A_20 : vector<1024x128xf32>
    %get3A_22 = arith.constant 0 : index
    %get3A_23 = arith.constant 0 : index
    %get3A_24 = vector.load %arg7[%get3A_22, %get3A_23] : memref<128x128xf32, #tpu.memory_space<vmem>>, vector<128x128xf32>
    %dot_general3A = arith.constant dense<0.000000e+00> : vector<1024x128xf32>
    %dot_general3A_25 = tpu.matmul %max3A_21, %get3A_24, %dot_general3A {dimension_numbers = #tpu.dot_dimension_numbers<[1], [0], [0], [1], [0, 0, 1, 1], [], []>, transpose_lhs_hint = false} : vector<1024x128xf32>, vector<128x128xf32>, vector<1024x128xf32> -> vector<1024x128xf32>
    %broadcast_in_dim3A_26 = vector.shape_cast %get3A_0 : vector<1024xf32> to vector<1024x1xf32>
    %mul3A_27 = vector.broadcast %broadcast_in_dim3A_26 : vector<1024x1xf32> to vector<1024x128xf32>
    %mul3A_28 = arith.mulf %dot_general3A_25, %mul3A_27 : vector<1024x128xf32>
    %slice3A = vector.extract_strided_slice %mul3A_28 {offsets = [0, 0], sizes = [1024, 64], strides = [1, 1]} : vector<1024x128xf32> to vector<1024x64xf32>
    %swap3A = arith.constant 0 : index
    %swap3A_29 = arith.constant 0 : index
    %swap3A_30 = vector.load %arg8[%swap3A, %swap3A_29] : memref<1024x64xf32, #tpu.memory_space<vmem>>, vector<1024x64xf32>
    tpu.vector_store %arg8[%swap3A, %swap3A_29], %slice3A {strides = array<i32>} : memref<1024x64xf32, #tpu.memory_space<vmem>>, vector<1024x64xf32>,
    %slice3A_31 = vector.extract_strided_slice %mul3A_28 {offsets = [0, 64], sizes = [1024, 64], strides = [1, 1]} : vector<1024x128xf32> to vector<1024x64xf32>
    %swap3A_32 = arith.constant 0 : index
    %swap3A_33 = arith.constant 0 : index
    %swap3A_34 = vector.load %arg9[%swap3A_32, %swap3A_33] : memref<1024x64xf32, #tpu.memory_space<vmem>>, vector<1024x64xf32>
    tpu.vector_store %arg9[%swap3A_32, %swap3A_33], %slice3A_31 {strides = array<i32>} : memref<1024x64xf32, #tpu.memory_space<vmem>>, vector<1024x64xf32>,
    return
  }
  func.func @transform_0(%arg0: i32) -> (i32, i32) {
    %c0_i32 = arith.constant 0 : i32
    %c0_i32_0 = arith.constant 0 : i32
    return %arg0, %c0_i32 : i32, i32
  }
  func.func @transform_1(%arg0: i32) -> (i32, i32) {
    %c0_i32 = arith.constant 0 : i32
    %c0_i32_0 = arith.constant 0 : i32
    return %arg0, %c0_i32 : i32, i32
  }
  func.func @transform_2(%arg0: i32) -> (i32, i32) {
    %c0_i32 = arith.constant 0 : i32
    %c0_i32_0 = arith.constant 0 : i32
    return %arg0, %c0_i32 : i32, i32
  }
  func.func @transform_3(%arg0: i32) -> (i32, i32) {
    %c0_i32 = arith.constant 0 : i32
    %c0_i32_0 = arith.constant 0 : i32
    return %arg0, %c0_i32 : i32, i32
  }
  func.func @transform_4(%arg0: i32) -> i32 {
    %c0_i32 = arith.constant 0 : i32
    return %arg0 : i32
  }
  func.func @transform_5(%arg0: i32) -> i32 {
    %c0_i32 = arith.constant 0 : i32
    %c0_i32_0 = arith.constant 0 : i32
    return %c0_i32 : i32
  }
  func.func @transform_6(%arg0: i32) -> (i32, i32) {
    %c0_i32 = arith.constant 0 : i32
    %c0_i32_0 = arith.constant 0 : i32
    %c0_i32_1 = arith.constant 0 : i32
    return %c0_i32, %c0_i32_0 : i32, i32
  }
  func.func @transform_7(%arg0: i32) -> (i32, i32) {
    %c0_i32 = arith.constant 0 : i32
    %c0_i32_0 = arith.constant 0 : i32
    return %arg0, %c0_i32 : i32, i32
  }
  func.func @transform_8(%arg0: i32) -> (i32, i32) {
    %c0_i32 = arith.constant 0 : i32
    %c0_i32_0 = arith.constant 0 : i32
    return %arg0, %c0_i32 : i32, i32
  }
}

module attributes {stable_mosaic.version = 14 : i64} {
  func.func @_tc3_body(%arg0: i32, %arg1: memref<1024x64xf32, #tpu.memory_space<vmem>>, %arg2: memref<1024x64xf32, #tpu.memory_space<vmem>>, %arg3: memref<1024x64xf32, #tpu.memory_space<vmem>>, %arg4: memref<1024x64xf32, #tpu.memory_space<vmem>>, %arg5: memref<1024xf32, #tpu.memory_space<vmem>>, %arg6: memref<128xf32, #tpu.memory_space<vmem>>, %arg7: memref<1024x128xf32, #tpu.memory_space<vmem>>) attributes {dimension_semantics = [#tpu.dimension_semantics<arbitrary>], iteration_bounds = array<i64: 10>, scalar_prefetch = 0 : i64, scratch_operands = 0 : i64, tpu.core_type = #tpu.core_type<tc>, window_params = [{transform_indices = @transform_0, window_bounds = array<i64: 1024, 64>}, {transform_indices = @transform_1, window_bounds = array<i64: 1024, 64>}, {transform_indices = @transform_2, window_bounds = array<i64: 1024, 64>}, {transform_indices = @transform_3, window_bounds = array<i64: 1024, 64>}, {transform_indices = @transform_4, window_bounds = array<i64: 1024>}, {pipeline_mode = #tpu.pipeline_mode<synchronous>, transform_indices = @transform_5, window_bounds = array<i64: 128>}, {transform_indices = @transform_6, window_bounds = array<i64: 1024, 128>}]} {
    %get3A = arith.constant 0 : index
    %get3A_0 = vector.load %arg5[%get3A] : memref<1024xf32, #tpu.memory_space<vmem>>, vector<1024xf32>
    %get3A_1 = arith.constant 0 : index
    %get3A_2 = arith.constant 0 : index
    %get3A_3 = vector.load %arg1[%get3A_1, %get3A_2] : memref<1024x64xf32, #tpu.memory_space<vmem>>, vector<1024x64xf32>
    %get3A_4 = arith.constant 0 : index
    %get3A_5 = arith.constant 0 : index
    %get3A_6 = vector.load %arg3[%get3A_4, %get3A_5] : memref<1024x64xf32, #tpu.memory_space<vmem>>, vector<1024x64xf32>
    %add3A = arith.addf %get3A_3, %get3A_6 : vector<1024x64xf32>
    %get3A_7 = arith.constant 0 : index
    %get3A_8 = arith.constant 0 : index
    %get3A_9 = vector.load %arg2[%get3A_7, %get3A_8] : memref<1024x64xf32, #tpu.memory_space<vmem>>, vector<1024x64xf32>
    %get3A_10 = arith.constant 0 : index
    %get3A_11 = arith.constant 0 : index
    %get3A_12 = vector.load %arg4[%get3A_10, %get3A_11] : memref<1024x64xf32, #tpu.memory_space<vmem>>, vector<1024x64xf32>
    %add3A_13 = arith.addf %get3A_9, %get3A_12 : vector<1024x64xf32>
    %concatenate3A = tpu.concatenate %add3A, %add3A_13 in 1 : vector<1024x64xf32>, vector<1024x64xf32> -> vector<1024x128xf32>
    %broadcast_in_dim3A = vector.shape_cast %get3A_0 : vector<1024xf32> to vector<1024x1xf32>
    %mul3A = vector.broadcast %broadcast_in_dim3A : vector<1024x1xf32> to vector<1024x128xf32>
    %mul3A_14 = arith.mulf %concatenate3A, %mul3A : vector<1024x128xf32>
    %get3A_15 = arith.constant 0 : index
    %get3A_16 = vector.load %arg6[%get3A_15] : memref<128xf32, #tpu.memory_space<vmem>>, vector<128xf32>
    %broadcast_in_dim3A_17 = vector.shape_cast %get3A_16 : vector<128xf32> to vector<1x128xf32>
    %add3A_18 = vector.broadcast %broadcast_in_dim3A_17 : vector<1x128xf32> to vector<1024x128xf32>
    %add3A_19 = arith.addf %mul3A_14, %add3A_18 : vector<1024x128xf32>
    %swap3A = arith.constant 0 : index
    %swap3A_20 = arith.constant 0 : index
    %swap3A_21 = vector.load %arg7[%swap3A, %swap3A_20] : memref<1024x128xf32, #tpu.memory_space<vmem>>, vector<1024x128xf32>
    tpu.vector_store %arg7[%swap3A, %swap3A_20], %add3A_19 {strides = array<i32>} : memref<1024x128xf32, #tpu.memory_space<vmem>>, vector<1024x128xf32>,
    return
  }
  func.func @transform_0(%arg0: i32) -> (i32, i32) {
    %c0_i32 = arith.constant 0 : i32
    %c0_i32_0 = arith.constant 0 : i32
    return %arg0, %c0_i32 : i32, i32
  }
  func.func @transform_1(%arg0: i32) -> (i32, i32) {
    %c0_i32 = arith.constant 0 : i32
    %c0_i32_0 = arith.constant 0 : i32
    return %arg0, %c0_i32 : i32, i32
  }
  func.func @transform_2(%arg0: i32) -> (i32, i32) {
    %c0_i32 = arith.constant 0 : i32
    %c0_i32_0 = arith.constant 0 : i32
    return %arg0, %c0_i32 : i32, i32
  }
  func.func @transform_3(%arg0: i32) -> (i32, i32) {
    %c0_i32 = arith.constant 0 : i32
    %c0_i32_0 = arith.constant 0 : i32
    return %arg0, %c0_i32 : i32, i32
  }
  func.func @transform_4(%arg0: i32) -> i32 {
    %c0_i32 = arith.constant 0 : i32
    return %arg0 : i32
  }
  func.func @transform_5(%arg0: i32) -> i32 {
    %c0_i32 = arith.constant 0 : i32
    %c0_i32_0 = arith.constant 0 : i32
    return %c0_i32 : i32
  }
  func.func @transform_6(%arg0: i32) -> (i32, i32) {
    %c0_i32 = arith.constant 0 : i32
    %c0_i32_0 = arith.constant 0 : i32
    return %arg0, %c0_i32 : i32, i32
  }
}

</mosaic_0001>

<sc_bundles>
// kernel: kernel.11.cloned.1.call-start
scs
__scs_entry_jumppad:
0x0: {  	(pc) =	sbr.rel $0x88, $3  }
0x1: {  	(tag) =	ssettag $0x0;
	lr =	simm.s32 $0x1  }
0x2: {  	[smem:$0x3F9B] =	sst lr;
	_ =	strace $0xD0000000  }
0x3: {  	_ = 	snop  }
0x4: {  	_ = 	snop  }
0x5: {  	_ = 	snop  }
0x6: {  	_ = 	snop  }
0x7: {  	_ = 	snop  }
__scs_overlays_trampoline_lowered:
0x8: {  	[smem:$0x3FAA] =	sst s0  }
0x9: {  	[smem:$0x3FAB] =	sst s1  }
0xa: {  	[smem:$0x3FAC] =	sst s2  }
0xb: {  	[smem:$0x3FAD] =	sst s3  }
0xc: {  	[smem:$0x3FAE] =	sst s4  }
0xd: {  	[smem:$0x3FAF] =	sst s5  }
0xe: {  	[smem:$0x3FB0] =	sst s6  }
0xf: {  	[smem:$0x3FB1] =	sst s7  }
0x10: {  	[smem:$0x3FB2] =	sst s8  }
0x11: {  	[smem:$0x3FB3] =	sst s9;
	s0 =	simm.s32 @!p0 $0x0  }
0x12: {  	s1 =	sld [smem:$0x3F99];
	s0 =	simm.s32 @p0 $0x1  }
0x13: {  	[smem:$0x3FB4] =	sst s0;
	s0 =	simm.s32 @!p1 $0x0  }
0x14: {  	s2 =	sld [smem:$0x3F98];
	s0 =	simm.s32 @p1 $0x1  }
0x15: {  	[smem:$0x3FB5] =	sst s0;
	s0 =	simm.s32 @!p2 $0x0  }
0x16: {  	s3 =	sld [smem:$0x3FDB];
	s0 =	simm.s32 @p2 $0x1  }
0x17: {  	s4 =	simm.s32 $0x1BF5;
	[smem:$0x3FB7] =	sst s0  }
0x18: {  	s0 =	sld [smem:$0x3F9A];
	_ =	swait.ge [sflag:s4], $0x0  }
0x19: {  	s7 =	sld [smem:$0x3F9B]  }
0x1a: {  	s8 =	sadd.s32 $0xFFFFE003, lr  }
0x1b: {  	s9 =	sadd.s32 $0xFFFFFEF7, lr;
	s5 =	simm.s32 $0xFFFFFFFF;
	p2 =	slt.u32 s8, $0xFFFFF086  }
0x1c: {  	p1 =	slt.u32 s9, $0xF7A;
	s5 =	simm.s32 @!p2 $0x0  }
0x1d: {  	s5 =	simm.s32 @p1 $0x1;
	p0 =	seq.s32 s7, s2  }
0x1e: {  	s7 =	smul.u32 @!p0 $0xF7A, s2;
	p2 =	seq.s32 @!p0 s5, $0x0  }
0x1f: {  	s9 =	smul.u32 $0xF7A, s1;
	s8 =	simm.s32 @!p0 $0x1BF5;
	p2 =	por !p2, p0  }
0x20: {  	[sflag:s8] =	ssyncset.s32 @!p0 $0xFFFFF086;
	s6 =	sadd.s32 @!p0 s3, s7;
	s7 =	simm.s32 @!p0 $0x108  }
0x21: {  	s3 =	sadd.s32 s3, s9;
	s6 =	sadd.s32 @!p0 $0x88, s6;
	s7 =	simm.s32 @p2 $0x1082  }
0x22: {  	[simem:s7], [sflag:s8] =	dma.local @!p0 [hbm:s6], $0xF7A  }
0x23: {  	s9 =	sor.u32 $0xD0000000, s2;
	s6 =	simm.s32 $0x108;
	_ =	swait.ge @!p0 [sflag:s8], $0x0  }
0x24: {  	s3 =	sadd.s32 $0x88, s3;
	s6 =	simm.s32 @!p1 $0x1082;
	[sflag:s4] =	ssyncset.s32 $0xFFFFF086  }
0x25: {  	[simem:s6], [sflag:s4] =	dma.local [hbm:s3], $0xF7A  }
0x26: {  	[smem:$0x3F9B] =	sst s1;
	(tag) =	ssettag s2;
	_ =	strace s9  }
0x27: {  	s1 =	sld [smem:$0x3FAB]  }
0x28: {  	s2 =	sld [smem:$0x3FAC]  }
0x29: {  	s4 =	sld [smem:$0x3FAE]  }
0x2a: {  	p0 =	seq.s32 s5, $0x0;
	s5 =	sld [smem:$0x3FAF]  }
0x2b: {  	s6 =	sld [smem:$0x3FB0]  }
0x2c: {  	s7 =	sld [smem:$0x3FB1]  }
0x2d: {  	s3 =	simm.s32 $0x108;
	s8 =	sld [smem:$0x3FB2]  }
0x2e: {  	s3 =	simm.s32 @!p0 $0x1082;
	s9 =	sld [smem:$0x3FB3]  }
0x2f: {  	lr =	sadd.s32 s0, s3;
	s0 =	sld [smem:$0x3FAA]  }
0x30: {  	s3 =	sld [smem:$0x3FAD]  }
0x31: {  	[smem:$0x3FB6] =	sst s10  }
0x32: {  	s10 =	sld [smem:$0x3FB4];
	_ =	sdelay $0x3  }
0x33: {  	p0 =	seq.s32 s10, $0x1;
	s10 =	sld [smem:$0x3FB6];
	_ =	sdelay $0x3  }
0x34: {  	[smem:$0x3FB6] =	sst s10  }
0x35: {  	s10 =	sld [smem:$0x3FB5];
	_ =	sdelay $0x3  }
0x36: {  	p1 =	seq.s32 s10, $0x1;
	s10 =	sld [smem:$0x3FB6];
	_ =	sdelay $0x3  }
0x37: {  	[smem:$0x3FB6] =	sst s10  }
0x38: {  	s10 =	sld [smem:$0x3FB7]  }
0x39: {  	_ = 	snop;
	(pc) =	sbr.ind lr, $3  }
0x3a: {  	_ = 	snop  }
0x3b: {  	_ = 	snop  }
0x3c: {  	p2 =	seq.s32 s10, $0x1;
	s10 =	sld [smem:$0x3FB6]  }
0x3d: {  	_ =	shalt  }
0x3e: {  	_ =	shalt  }
0x3f: {  	_ =	shalt  }
0x40: {  	_ =	shalt  }
0x41: {  	_ =	shalt  }
0x42: {  	_ =	shalt  }
0x43: {  	_ =	shalt  }
0x44: {  	_ =	shalt  }
0x45: {  	_ =	shalt  }
0x46: {  	_ =	shalt  }
0x47: {  	_ =	shalt  }
0x48: {  	_ =	shalt  }
0x49: {  	_ =	shalt  }
0x4a: {  	_ =	shalt  }
0x4b: {  	_ =	shalt  }
0x4c: {  	_ =	shalt  }
0x4d: {  	_ =	shalt  }
0x4e: {  	_ =	shalt  }
0x4f: {  	_ =	shalt  }
0x50: {  	_ =	shalt  }
0x51: {  	_ =	shalt  }
0x52: {  	_ =	shalt  }
0x53: {  	_ =	shalt  }
0x54: {  	_ =	shalt  }
0x55: {  	_ =	shalt  }
0x56: {  	_ =	shalt  }
0x57: {  	_ =	shalt  }
0x58: {  	_ =	shalt  }
0x59: {  	_ =	shalt  }
0x5a: {  	_ =	shalt  }
0x5b: {  	_ =	shalt  }
0x5c: {  	_ =	shalt  }
0x5d: {  	_ =	shalt  }
0x5e: {  	_ =	shalt  }
0x5f: {  	_ =	shalt  }
0x60: {  	_ =	shalt  }
0x61: {  	_ =	shalt  }
0x62: {  	_ =	shalt  }
0x63: {  	_ =	shalt  }
0x64: {  	_ =	shalt  }
0x65: {  	_ =	shalt  }
0x66: {  	_ =	shalt  }
0x67: {  	_ =	shalt  }
0x68: {  	_ =	shalt  }
0x69: {  	_ =	shalt  }
0x6a: {  	_ =	shalt  }
0x6b: {  	_ =	shalt  }
0x6c: {  	_ =	shalt  }
0x6d: {  	_ =	shalt  }
0x6e: {  	_ =	shalt  }
0x6f: {  	_ =	shalt  }
0x70: {  	_ =	shalt  }
0x71: {  	_ =	shalt  }
0x72: {  	_ =	shalt  }
0x73: {  	_ =	shalt  }
0x74: {  	_ =	shalt  }
0x75: {  	_ =	shalt  }
0x76: {  	_ =	shalt  }
0x77: {  	_ =	shalt  }
0x78: {  	_ =	shalt  }
0x79: {  	_ =	shalt  }
0x7a: {  	_ =	shalt  }
0x7b: {  	_ =	shalt  }
0x7c: {  	_ =	shalt  }
0x7d: {  	_ =	shalt  }
0x7e: {  	_ =	shalt  }
0x7f: {  	_ =	shalt  }
0x80: {  	_ =	shalt  }
0x81: {  	_ =	shalt  }
0x82: {  	_ =	shalt  }
0x83: {  	_ =	shalt  }
0x84: {  	_ =	shalt  }
0x85: {  	_ =	shalt  }
0x86: {  	_ =	shalt  }
0x87: {  	_ =	shalt  }
.Lfunc_end0:
.L_simem_size_0:
called_computation.1_lowered:
.L_overlay_start_0:
0x88: {  	s2 =	sld [smem:$0x3FD9]  }
0x89: {  	s3 =	sld [smem:$0x3FFE];
	_ =	sdelay $0x1  }
0x8a: {  	s1 =	srdreg.scid  }
0x8b: {  	s0 =	sand.u32 $0x1, s1  }
0x8c: {  	s17 =	sshll.u32 s0, $0xA;
	s2 =	sadd.s32 s3, s2  }
0x8d: {  	s2 =	sadd.s32 s2, s17  }
0x8e: {  	[smem:$0x3FC2] =	sst s2  }
0x8f: {  	_ = 	snop  }
0x90: {  	s2 =	sld [smem:$0x3FD0];
	(tm) =	ssettm $0x1  }
0x91: {  	s18 =	sld [smem:$0x3FFB];
	_ =	sdelay $0x3  }
0x92: {  	_ =	strace s18  }
0x93: {  	s3 =	sld [smem:$0x3FFC];
	_ =	sdelay $0x3  }
0x94: {  	_ =	strace s3  }
0x95: {  	s3 =	sld [smem:$0x3FFD];
	_ =	sdelay $0x3  }
0x96: {  	_ =	strace s3  }
0x97: {  	_ =	strace $0x8FFFFFFF  }
0x98: {  	s19 =	sld [smem:$0x3FDB];
	_ =	sdelay $0x1  }
0x99: {  	s4 =	simm.s32 $_scs_section_size  }
0x9a: {  	s5 =	simm.s32 $_size__tile_overlayer_lowered;
	s6 =	simm.s32 $_tile_overlayer_lowered  }
0x9b: {  	s22 =	simm.s32 $0x1BFF;
	s21 =	sshll.u32 s6, $0x1;
	s3 =	sadd.s32 s4, s19  }
0x9c: {  	s7 =	simm.s32 $0x0;
	s20 =	sshll.u32 s5, $0x1;
	s5 =	sadd.s32 s21, s3  }
0x9d: {  	[timem:s7], [sflag:s22] =	dma.local [hbm:s5], s20  }
0x9e: {  	_ =	swait.ge [sflag:s22], s20  }
0x9f: {  	s4 =	ssub.s32 $0x0, s20;
	[sflag:s22] =	ssyncset.done $0x0  }
0xa0: {  	[sflag:s22] =	ssyncadd.s32 s4;
	_ =	sdelay $0x1  }
0xa1: {  	s23 =	simm.s32 $0x1B8B  }
0xa2: {  	_ =	swait.ge [sflag:s23], $0x1  }
0xa3: {  	[sflag:s23] =	ssyncset.done $0x0  }
0xa4: {  	s25 =	simm.s32 $0x1B8E;
	s24 =	sld [smem:$0x3FFE];
	[sflag:s23] =	ssyncadd.s32 $0xFFFFFFFF  }
0xa5: {  	s26 =	simm.s32 $execute0_lowered;
	[smem:$0x3FD2] =	sst s25  }
0xa6: {  	s5 =	sshll.u32 s26, $0x1;
	_ =	strace $0x80000049;
	[dreg:$0x1] =	wrdreg $0xFFFFFFFF  }
0xa7: {  	s28 =	simm.s32 $_size_execute0_lowered;
	s3 =	sadd.s32 s3, s5;
	[dreg:$0x0] =	wrdreg $0x0  }
0xa8: {  	s5 =	sshll.u32 s28, $0x1;
	[dreg:$0x2] =	wrdreg s3  }
0xa9: {  	[dreg:$0x3] =	wrdreg s5  }
0xaa: {  	[dreg:$0x4] =	wrdreg $0xC0  }
0xab: {  	_ =	task [dreg:s7], $0x5FFFF  }
0xac: {  	[dreg:$0x1] =	wrdreg $0xFFFFFFFF  }
0xad: {  	[dreg:$0x0] =	wrdreg $0x60  }
0xae: {  	[dreg:$0x2] =	wrdreg s24  }
0xaf: {  	[dreg:$0x3] =	wrdreg s2  }
0xb0: {  	[dreg:$0x4] =	wrdreg $0x140000  }
0xb1: {  	[dreg:$0x5] =	wrdreg $0x9  }
0xb2: {  	_ =	task.clear_ibuf [dreg:s7], $0x6FFFF;
	_ =	strace $0x90000049  }
0xb3: {  	s29 =	simm.s32 $0x9;
	_ =	strace $0x8000004B  }
0xb4: {  	_ =	swait.ge [sflag:s29], $0x1  }
0xb5: {  	[sflag:s29] =	ssyncadd.s32 $0xFFFFFFFF  }
0xb6: {  	_ =	strace $0x9000004B  }
0xb7: {  	_ =	sfence  }
0xb8: {  	s30 =	sld [smem:$0x0];
	_ =	sdelay $0x2  }
0xb9: {  	s31 =	sshll.u32 s1, $0xD;
	s1 =	sshrl.u32 s1, $0x2  }
0xba: {  	s3 =	sand.u32 $0x4000, s31;
	s1 =	sadd.s32 s1, s30  }
0xbb: {  	s0 =	sor.u32 s3, s0;
	s1 =	sshll.u32 s1, $0x11  }
0xbc: {  	s0 =	sor.u32 s1, s0  }
0xbd: {  	s0 =	sadd.s32 $0x8F2B, s0  }
0xbe: {  	[sflag:s0] =	ssyncadd.remote.s32 $0x1  }
0xbf: {  	_ =	sfence.sel $0xFFFF  }
0xc0: {  	[dreg:$0x0] =	wrdreg $0xFFFFFFFF;
	(pc) =	sbr.abs _section_cstart, $3  }
0xc1: {  	[dreg:$0x1] =	wrdreg $0xFFFFFFFF  }
0xc2: {  	_ =	task.clear_ibuf [dreg:s7], $0x2FFFF;
	_ =	strace $0x9FFFFFFF  }
0xc3: {  	(tm) =	ssettm $0x7FFFFFFF  }
tec
execute0_lowered:
.L_overlay_start_1:
0x0: {  	(tag) =	ssettag $0x1  }
0x1: {  	s0 =	rddreg [dreg:$0x0]  }
0x2: {  	s2 =	rddreg [dreg:$0x1]  }
0x3: {  	s3 =	rddreg [dreg:$0x2];
	s4 =	simm.s32 $0x0  }
0x4: {  	s7 =	stileid.u32;
	s5 =	srdreg.scid;
	s28 =	simm.s32 $0xE000  }
0x5: {  	s30 =	simm.s32 $0x10000;
	s29 =	simm.s32 $0x6;
	s31 =	simm.s32 $0x7  }
0x6: {  	[smem:$0x7FF] =	sst s4;
	s1 =	smul.u32 $0xA00, s7;
	s6 =	sand.u32 $0x1, s5  }
0x7: {  	s7 =	smul.u32 $0xA000, s7;
	s5 =	sadd.s32 $0x70E00, s0;
	s8 =	sadd.s32 $0x98E00, s0  }
0x8: {  	_ =	strace $0x8000004A;
	[dreg:$0x4] =	wrdreg s8;
	s20 =	ssub.s32 $0x2, s6  }
0x9: {  	p0 =	sne.s32 s6, $0x0;
	s6 =	simm.s32 $0x2;
	s1 =	sadd.s32 s1, s0  }
0xa: {  	s0 =	sadd.s32 $0x84E00, s0;
	s21 =	sshrl.u32 s20, $0x1;
	s13 =	sadd.s32 $0x2000, s7  }
0xb: {  	s8 =	sadd.s32 s7, s3;
	s14 =	sadd.s32 $0x4000, s7;
	s15 =	sadd.s32 $0x6000, s7  }
0xc: {  	s16 =	sadd.s32 $0x8000, s7;
	s22 =	sshrl.u32 s7, $0x3;
	s7 =	simm.s32 $0x3  }
0xd: {  	[dreg:$0x5] =	wrdreg s0;
	s0 =	ssub.s32 s20, s21;
	s9 =	sadd.s32 s13, s3  }
0xe: {  	s10 =	sadd.s32 s14, s3;
	s11 =	sadd.s32 s15, s3;
	s12 =	sadd.s32 s16, s3  }
0xf: {  	s17 =	sadd.s32 $0x16E00, s1;
	s1 =	sadd.s32 $0x2E00, s1;
	[dreg:$0x8] =	wrdreg s22  }
0x10: {  	s23 =	sshrl.u32 s13, $0x3;
	s24 =	sshrl.u32 s14, $0x3;
	[dreg:$0x6] =	wrdreg s17  }
0x11: {  	s25 =	sshrl.u32 s15, $0x3;
	s26 =	sshrl.u32 s16, $0x3;
	[dreg:$0x7] =	wrdreg s1  }
0x12: {  	s21 =	simm.s32 $0xA000;
	s22 =	simm.s32 $0xB;
	[dreg:$0x9] =	wrdreg s23  }
.Ltmp0:
0x13: {  	s13 =	simm.s32 $0x8;
	[dreg:$0xa] =	wrdreg s24;
	(pc) =	sbr.rel .LBB2_1-.Ltmp0, $4  }
0x14: {  	s14 =	simm.s32 $0x9;
	s15 =	simm.s32 $0xA;
	[dreg:$0xb] =	wrdreg s25  }
0x15: {  	s16 =	simm.s32 $0x0;
	[dreg:$0xc] =	wrdreg s26;
	s20 =	smax.u32 s0, $0x1  }
0x16: {  	s24 =	simm.s32 $0x80;
	s25 =	simm.s32 $0xC000;
	s0 =	simm.s32 $0x12000  }
0x17: {  	v0 =	vimm.f32 $0.0e+00;
	s1 =	simm.s32 $0x1;
	s23 =	simm.s32 $0x4;
	s26 =	simm.s32 $0x5  }
.LBB2_9:
0x18: {  	[tilespmem:s0], [sflag:$0x5] =	stream.indirect.gather [hbm4b:s5+s24], $0x40, s18, s24, $0xb8;
	[tilespmem:$0x1E000] =	vst v63  }
0x19: {  	s17 =	rddreg [dreg:$0x5]  }
.LBB2_10:
0x1a: {  	_ =	swait.ge [sflag:s1], $0x2000  }
0x1b: {  	[sflag:s1] =	ssyncset.done $0x0  }
0x1c: {  	s18 =	simm.s32 $0x9D80;
	[sflag:s1] =	ssyncadd.s32 $0xFFFFE000  }
0x1d: {  	[spmem:s3] =	stream.indirect.scatter.add.f32 [tilespmem:s21], [sflag:$0x6], $0x40, s18, s24, $0xb8;
	[tilespmem:$0x1E000] =	vst v63  }
0x1e: {  	_ =	swait.ge [sflag:s6], $0x2000  }
0x1f: {  	[sflag:s6] =	ssyncset.done $0x0  }
0x20: {  	s19 =	simm.s32 $0x9E00;
	[sflag:s6] =	ssyncadd.s32 $0xFFFFE000  }
0x21: {  	[spmem:s3] =	stream.indirect.scatter.add.f32 [tilespmem:s25], [sflag:$0x7], $0x40, s19, s24, $0xb8;
	[tilespmem:$0x1E000] =	vst v63  }
0x22: {  	_ =	swait.ge [sflag:s7], $0x2000  }
0x23: {  	[sflag:s7] =	ssyncset.done $0x0  }
0x24: {  	s19 =	simm.s32 $0x9E80;
	[sflag:s7] =	ssyncadd.s32 $0xFFFFE000  }
0x25: {  	[spmem:s3] =	stream.indirect.scatter.add.f32 [tilespmem:s28], [sflag:$0x8], $0x40, s19, s24, $0xb8;
	[tilespmem:$0x1E000] =	vst v63  }
0x26: {  	_ =	swait.ge [sflag:s23], $0x2000  }
0x27: {  	[sflag:s23] =	ssyncset.done $0x0  }
0x28: {  	s19 =	simm.s32 $0x9F00;
	[sflag:s23] =	ssyncadd.s32 $0xFFFFE000  }
0x29: {  	[spmem:s3] =	stream.indirect.scatter.add.f32 [tilespmem:s30], [sflag:$0x9], $0x40, s19, s24, $0xb8;
	[tilespmem:$0x1E000] =	vst v63  }
0x2a: {  	_ =	swait.ge [sflag:s26], $0x2000  }
0x2b: {  	[sflag:s26] =	ssyncset.done $0x0  }
0x2c: {  	s19 =	simm.s32 $0x9F80;
	[sflag:s26] =	ssyncadd.s32 $0xFFFFE000  }
0x2d: {  	[spmem:s3] =	stream.indirect.scatter.add.f32 [tilespmem:s0], [sflag:$0xA], $0x40, s19, s24, $0xb8;
	[tilespmem:$0x1E000] =	vst v63  }
0x2e: {  	_ =	swait.ge [sflag:s29], $0x2000  }
0x2f: {  	[sflag:s29] =	ssyncset.done $0x0  }
0x30: {  	[sflag:s29] =	ssyncadd.s32 $0xFFFFE000  }
0x31: {  	_ =	swait.ge [sflag:s31], $0x2000  }
0x32: {  	[sflag:s31] =	ssyncset.done $0x0  }
0x33: {  	[sflag:s31] =	ssyncadd.s32 $0xFFFFE000  }
0x34: {  	_ =	swait.ge [sflag:s13], $0x2000  }
0x35: {  	[sflag:s13] =	ssyncset.done $0x0  }
0x36: {  	[sflag:s13] =	ssyncadd.s32 $0xFFFFE000  }
0x37: {  	_ =	swait.ge [sflag:s14], $0x2000  }
0x38: {  	[sflag:s14] =	ssyncset.done $0x0  }
0x39: {  	[sflag:s14] =	ssyncadd.s32 $0xFFFFE000  }
0x3a: {  	_ =	swait.ge [sflag:s15], $0x2000  }
0x3b: {  	[sflag:s15] =	ssyncset.done $0x0  }
0x3c: {  	[sflag:s15] =	ssyncadd.s32 $0xFFFFE000  }
0x3d: {  	[bflag:$0x0] =	sbarrier.arrive $0xFFFF  }
0x3e: {  	[tilespmem:s21], [sflag:$0xB] =	stream.linear.gather [spmem:s8], $0x2000, $0x38;
	[tilespmem:$0x1E000] =	vst v63  }
0x3f: {  	_ =	swait.ge [sflag:s22], $0x2000  }
0x40: {  	[sflag:s22] =	ssyncset.done $0x0;
	s19 =	rddreg [dreg:$0x8]  }
0x41: {  	s18 =	sadd.s32 s17, s19;
	[sflag:s22] =	ssyncadd.s32 $0xFFFFE000  }
0x42: {  	[hbm4b:s18+s4] =	stream.linear.scatter [tilespmem:s21], [sflag:$0xB], $0x2000, $0x38;
	[tilespmem:$0x1E000] =	vst v63  }
0x43: {  	_ =	swait.ge [sflag:s22], $0x2000  }
0x44: {  	[sflag:s22] =	ssyncset.done $0x0  }
0x45: {  	[sflag:s22] =	ssyncadd.s32 $0xFFFFE000  }
0x46: {  	[tilespmem:s21], [sflag:$0xB] =	stream.linear.gather [spmem:s9], $0x2000, $0x38;
	[tilespmem:$0x1E000] =	vst v63  }
0x47: {  	_ =	swait.ge [sflag:s22], $0x2000  }
0x48: {  	[sflag:s22] =	ssyncset.done $0x0;
	s19 =	rddreg [dreg:$0x9]  }
0x49: {  	[sflag:s22] =	ssyncadd.s32 $0xFFFFE000;
	s18 =	sadd.s32 s17, s19  }
0x4a: {  	[hbm4b:s18+s4] =	stream.linear.scatter [tilespmem:s21], [sflag:$0xB], $0x2000, $0x38;
	[tilespmem:$0x1E000] =	vst v63  }
0x4b: {  	_ =	swait.ge [sflag:s22], $0x2000  }
0x4c: {  	[sflag:s22] =	ssyncset.done $0x0  }
0x4d: {  	[sflag:s22] =	ssyncadd.s32 $0xFFFFE000  }
0x4e: {  	[tilespmem:s21], [sflag:$0xB] =	stream.linear.gather [spmem:s10], $0x2000, $0x38;
	[tilespmem:$0x1E000] =	vst v63  }
0x4f: {  	_ =	swait.ge [sflag:s22], $0x2000  }
0x50: {  	[sflag:s22] =	ssyncset.done $0x0;
	s19 =	rddreg [dreg:$0xa]  }
0x51: {  	[sflag:s22] =	ssyncadd.s32 $0xFFFFE000;
	s18 =	sadd.s32 s17, s19  }
0x52: {  	[hbm4b:s18+s4] =	stream.linear.scatter [tilespmem:s21], [sflag:$0xB], $0x2000, $0x38;
	[tilespmem:$0x1E000] =	vst v63  }
0x53: {  	_ =	swait.ge [sflag:s22], $0x2000  }
0x54: {  	[sflag:s22] =	ssyncset.done $0x0  }
0x55: {  	[sflag:s22] =	ssyncadd.s32 $0xFFFFE000  }
0x56: {  	[tilespmem:s21], [sflag:$0xB] =	stream.linear.gather [spmem:s11], $0x2000, $0x38;
	[tilespmem:$0x1E000] =	vst v63  }
0x57: {  	_ =	swait.ge [sflag:s22], $0x2000  }
0x58: {  	[sflag:s22] =	ssyncset.done $0x0;
	s19 =	rddreg [dreg:$0xb]  }
0x59: {  	[sflag:s22] =	ssyncadd.s32 $0xFFFFE000;
	s18 =	sadd.s32 s17, s19  }
0x5a: {  	[hbm4b:s18+s4] =	stream.linear.scatter [tilespmem:s21], [sflag:$0xB], $0x2000, $0x38;
	[tilespmem:$0x1E000] =	vst v63  }
0x5b: {  	_ =	swait.ge [sflag:s22], $0x2000  }
0x5c: {  	[sflag:s22] =	ssyncset.done $0x0  }
0x5d: {  	[sflag:s22] =	ssyncadd.s32 $0xFFFFE000  }
0x5e: {  	[tilespmem:s21], [sflag:$0xB] =	stream.linear.gather [spmem:s12], $0x2000, $0x38;
	[tilespmem:$0x1E000] =	vst v63  }
0x5f: {  	s16 =	sadd.s32 $0x1, s16;
	_ =	swait.ge [sflag:s22], $0x2000  }
0x60: {  	p1 =	sne.s32 s16, s20;
	[sflag:s22] =	ssyncset.done $0x0;
	s19 =	rddreg [dreg:$0xc]  }
.Ltmp1:
0x61: {  	[sflag:s22] =	ssyncadd.s32 $0xFFFFE000;
	s19 =	sadd.s32 s17, s19;
	(pc) =	sbr.rel @!p1 .LBB2_11-.Ltmp1, $4  }
0x62: {  	[hbm4b:s19+s4] =	stream.linear.scatter [tilespmem:s21], [sflag:$0xB], $0x2000, $0x38;
	[tilespmem:$0x1E000] =	vst v63  }
0x63: {  	_ =	swait.ge [sflag:s22], $0x2000  }
0x64: {  	[sflag:s22] =	ssyncset.done $0x0  }
0x65: {  	[sflag:s22] =	ssyncadd.s32 $0xFFFFE000  }
.LBB2_1:
0x66: {  	s18 =	simm.s32 $0x100;
	s17 =	simm.s32 $0x0  }
.LBB2_2:
0x67: {  	p1 =	sne.s32 s18, $0x7F00;
	[tilespmem:s17+$0xA030] =	vst v0;
	s19 =	smov.u32 s18;
	s18 =	sadd.s32 $0x100, s18  }
.Ltmp2:
0x68: {  	[tilespmem:s17+$0xA020] =	vst v0;
	(pc) =	sbr.rel @p1 .LBB2_2-.Ltmp2, $3  }
0x69: {  	[tilespmem:s17+$0xA000] =	vst v0  }
0x6a: {  	[tilespmem:s17+$0xA010] =	vst v0;
	_ =	sdelay $0x1  }
0x6b: {  	s17 =	sshra.s32 s19, $0x2  }
0x6c: {  	[tilespmem:s17+$0xA030] =	vst v0  }
0x6d: {  	[tilespmem:s17+$0xA020] =	vst v0  }
0x6e: {  	[tilespmem:s17+$0xA000] =	vst v0  }
0x6f: {  	[tilespmem:s17+$0xA010] =	vst v0  }
0x70: {  	[spmem:s8] =	stream.linear.scatter [tilespmem:s21], [sflag:$0xB], $0x2000, $0x38;
	[tilespmem:$0x1E000] =	vst v63  }
0x71: {  	_ =	swait.ge [sflag:s22], $0x2000  }
0x72: {  	[sflag:s22] =	ssyncset.done $0x0  }
0x73: {  	[sflag:s22] =	ssyncadd.s32 $0xFFFFE000  }
0x74: {  	[spmem:s9] =	stream.linear.scatter [tilespmem:s21], [sflag:$0xB], $0x2000, $0x38;
	[tilespmem:$0x1E000] =	vst v63  }
0x75: {  	_ =	swait.ge [sflag:s22], $0x2000  }
0x76: {  	[sflag:s22] =	ssyncset.done $0x0  }
0x77: {  	[sflag:s22] =	ssyncadd.s32 $0xFFFFE000  }
0x78: {  	[spmem:s10] =	stream.linear.scatter [tilespmem:s21], [sflag:$0xB], $0x2000, $0x38;
	[tilespmem:$0x1E000] =	vst v63  }
0x79: {  	_ =	swait.ge [sflag:s22], $0x2000  }
0x7a: {  	[sflag:s22] =	ssyncset.done $0x0  }
0x7b: {  	[sflag:s22] =	ssyncadd.s32 $0xFFFFE000  }
0x7c: {  	[spmem:s11] =	stream.linear.scatter [tilespmem:s21], [sflag:$0xB], $0x2000, $0x38;
	[tilespmem:$0x1E000] =	vst v63  }
0x7d: {  	_ =	swait.ge [sflag:s22], $0x2000  }
0x7e: {  	[sflag:s22] =	ssyncset.done $0x0  }
0x7f: {  	[sflag:s22] =	ssyncadd.s32 $0xFFFFE000  }
0x80: {  	[spmem:s12] =	stream.linear.scatter [tilespmem:s21], [sflag:$0xB], $0x2000, $0x38;
	[tilespmem:$0x1E000] =	vst v63  }
0x81: {  	_ =	swait.ge [sflag:s22], $0x2000  }
0x82: {  	[sflag:s22] =	ssyncset.done $0x0  }
0x83: {  	[sflag:s22] =	ssyncadd.s32 $0xFFFFE000  }
0x84: {  	[bflag:$0x0] =	sbarrier.arrive $0xFFFF  }
0x85: {  	s18 =	rddreg [dreg:$0x6]  }
0x86: {  	[tilespmem:s4], [sflag:$0xB] =	stream.linear.gather [hbm4b:s18+s4], $0x5000, $0x38;
	[tilespmem:$0x1E000] =	vst v63  }
0x87: {  	_ =	swait.ge [sflag:s22], $0x5000  }
0x88: {  	s18 =	simm.s32 $0x5000;
	[sflag:s22] =	ssyncset.done $0x0  }
.Ltmp3:
0x89: {  	s19 =	rddreg [dreg:$0x7];
	[sflag:s22] =	ssyncadd.s32 $0xFFFFB000;
	(pc) =	sbr.rel @p0 .LBB2_7-.Ltmp3, $4  }
0x8a: {  	[tilespmem:s18], [sflag:$0xB] =	stream.linear.gather [hbm4b:s19+s4], $0x5000, $0x38;
	[tilespmem:$0x1E000] =	vst v63  }
0x8b: {  	_ =	swait.ge [sflag:s22], $0x5000  }
0x8c: {  	[sflag:s22] =	ssyncset.done $0x0  }
0x8d: {  	s17 =	simm.s32 $0x0;
	[sflag:s22] =	ssyncadd.s32 $0xFFFFB000  }
0x8e: {  	[tilespmem:s21], [sflag:$0x1] =	stream.indirect.gather [hbm4b:s2+s24], $0x40, s17, s24, $0xb8;
	[tilespmem:$0x1E000] =	vst v63  }
0x8f: {  	_ = 	snop  }
0x90: {  	[tilespmem:s25], [sflag:$0x2] =	stream.indirect.gather [hbm4b:s2+s24], $0x40, s24, s24, $0xb8;
	[tilespmem:$0x1E000] =	vst v63  }
0x91: {  	s18 =	simm.s32 $0x100  }
0x92: {  	[tilespmem:s28], [sflag:$0x3] =	stream.indirect.gather [hbm4b:s2+s24], $0x40, s18, s24, $0xb8;
	[tilespmem:$0x1E000] =	vst v63  }
0x93: {  	s19 =	simm.s32 $0x180  }
0x94: {  	[tilespmem:s30], [sflag:$0x4] =	stream.indirect.gather [hbm4b:s2+s24], $0x40, s19, s24, $0xb8;
	[tilespmem:$0x1E000] =	vst v63  }
0x95: {  	s18 =	simm.s32 $0x200  }
0x96: {  	[tilespmem:s0], [sflag:$0x5] =	stream.indirect.gather [hbm4b:s2+s24], $0x40, s18, s24, $0xb8;
	[tilespmem:$0x1E000] =	vst v63  }
0x97: {  	_ =	swait.ge [sflag:s1], $0x2000  }
0x98: {  	[sflag:s1] =	ssyncset.done $0x0  }
0x99: {  	s19 =	simm.s32 $0x5000;
	[sflag:s1] =	ssyncadd.s32 $0xFFFFE000  }
0x9a: {  	[spmem:s3] =	stream.indirect.scatter.add.f32 [tilespmem:s21], [sflag:$0x6], $0x40, s19, s24, $0xb8;
	[tilespmem:$0x1E000] =	vst v63  }
0x9b: {  	_ =	swait.ge [sflag:s6], $0x2000  }
0x9c: {  	[sflag:s6] =	ssyncset.done $0x0  }
0x9d: {  	s18 =	simm.s32 $0x5080;
	[sflag:s6] =	ssyncadd.s32 $0xFFFFE000  }
0x9e: {  	[spmem:s3] =	stream.indirect.scatter.add.f32 [tilespmem:s25], [sflag:$0x7], $0x40, s18, s24, $0xb8;
	[tilespmem:$0x1E000] =	vst v63  }
0x9f: {  	_ =	swait.ge [sflag:s7], $0x2000  }
0xa0: {  	[sflag:s7] =	ssyncset.done $0x0  }
0xa1: {  	s19 =	simm.s32 $0x5100;
	[sflag:s7] =	ssyncadd.s32 $0xFFFFE000  }
0xa2: {  	[spmem:s3] =	stream.indirect.scatter.add.f32 [tilespmem:s28], [sflag:$0x8], $0x40, s19, s24, $0xb8;
	[tilespmem:$0x1E000] =	vst v63  }
0xa3: {  	_ =	swait.ge [sflag:s23], $0x2000  }
0xa4: {  	[sflag:s23] =	ssyncset.done $0x0  }
0xa5: {  	s18 =	simm.s32 $0x5180;
	[sflag:s23] =	ssyncadd.s32 $0xFFFFE000  }
0xa6: {  	[spmem:s3] =	stream.indirect.scatter.add.f32 [tilespmem:s30], [sflag:$0x9], $0x40, s18, s24, $0xb8;
	[tilespmem:$0x1E000] =	vst v63  }
0xa7: {  	_ =	swait.ge [sflag:s26], $0x2000  }
0xa8: {  	[sflag:s26] =	ssyncset.done $0x0  }
0xa9: {  	s19 =	simm.s32 $0x5200;
	[sflag:s26] =	ssyncadd.s32 $0xFFFFE000  }
0xaa: {  	[spmem:s3] =	stream.indirect.scatter.add.f32 [tilespmem:s0], [sflag:$0xA], $0x40, s19, s24, $0xb8;
	[tilespmem:$0x1E000] =	vst v63  }
0xab: {  	_ =	swait.ge [sflag:s29], $0x2000  }
0xac: {  	[sflag:s29] =	ssyncset.done $0x0  }
0xad: {  	s18 =	simm.s32 $0x280;
	[sflag:s29] =	ssyncadd.s32 $0xFFFFE000  }
0xae: {  	[tilespmem:s21], [sflag:$0x1] =	stream.indirect.gather [hbm4b:s2+s24], $0x40, s18, s24, $0xb8;
	[tilespmem:$0x1E000] =	vst v63  }
0xaf: {  	_ =	swait.ge [sflag:s31], $0x2000  }
0xb0: {  	[sflag:s31] =	ssyncset.done $0x0  }
0xb1: {  	s19 =	simm.s32 $0x300;
	[sflag:s31] =	ssyncadd.s32 $0xFFFFE000  }
0xb2: {  	[tilespmem:s25], [sflag:$0x2] =	stream.indirect.gather [hbm4b:s2+s24], $0x40, s19, s24, $0xb8;
	[tilespmem:$0x1E000] =	vst v63  }
0xb3: {  	_ =	swait.ge [sflag:s13], $0x2000  }
0xb4: {  	[sflag:s13] =	ssyncset.done $0x0  }
0xb5: {  	s18 =	simm.s32 $0x380;
	[sflag:s13] =	ssyncadd.s32 $0xFFFFE000  }
0xb6: {  	[tilespmem:s28], [sflag:$0x3] =	stream.indirect.gather [hbm4b:s2+s24], $0x40, s18, s24, $0xb8;
	[tilespmem:$0x1E000] =	vst v63  }
0xb7: {  	_ =	swait.ge [sflag:s14], $0x2000  }
0xb8: {  	[sflag:s14] =	ssyncset.done $0x0  }
0xb9: {  	s19 =	simm.s32 $0x400;
	[sflag:s14] =	ssyncadd.s32 $0xFFFFE000  }
0xba: {  	[tilespmem:s30], [sflag:$0x4] =	stream.indirect.gather [hbm4b:s2+s24], $0x40, s19, s24, $0xb8;
	[tilespmem:$0x1E000] =	vst v63  }
0xbb: {  	_ =	swait.ge [sflag:s15], $0x2000  }
0xbc: {  	[sflag:s15] =	ssyncset.done $0x0  }
0xbd: {  	s17 =	simm.s32 $0xA00;
	s18 =	simm.s32 $0x480;
	[sflag:s15] =	ssyncadd.s32 $0xFFFFE000  }
.LBB2_5:
0xbe: {  	[tilespmem:s0], [sflag:$0x5] =	stream.indirect.gather [hbm4b:s2+s24], $0x40, s18, s24, $0xb8;
	[tilespmem:$0x1E000] =	vst v63  }
0xbf: {  	s18 =	smov.u32 s17  }
0xc0: {  	p1 =	seq.s32 s17, $0x12C00;
	s17 =	sadd.s32 $0xA00, s17;
	_ =	swait.ge [sflag:s1], $0x2000  }
0xc1: {  	s18 =	sshra.s32 s18, $0x2;
	[sflag:s1] =	ssyncset.done $0x0  }
0xc2: {  	s19 =	sadd.s32 $0x5000, s18;
	[sflag:s1] =	ssyncadd.s32 $0xFFFFE000  }
0xc3: {  	[spmem:s3] =	stream.indirect.scatter.add.f32 [tilespmem:s21], [sflag:$0x6], $0x40, s19, s24, $0xb8;
	[tilespmem:$0x1E000] =	vst v63  }
0xc4: {  	_ =	swait.ge [sflag:s6], $0x2000  }
0xc5: {  	[sflag:s6] =	ssyncset.done $0x0  }
0xc6: {  	s19 =	sadd.s32 $0x5080, s18;
	[sflag:s6] =	ssyncadd.s32 $0xFFFFE000  }
0xc7: {  	[spmem:s3] =	stream.indirect.scatter.add.f32 [tilespmem:s25], [sflag:$0x7], $0x40, s19, s24, $0xb8;
	[tilespmem:$0x1E000] =	vst v63  }
0xc8: {  	_ =	swait.ge [sflag:s7], $0x2000  }
0xc9: {  	[sflag:s7] =	ssyncset.done $0x0  }
0xca: {  	s19 =	sadd.s32 $0x5100, s18;
	[sflag:s7] =	ssyncadd.s32 $0xFFFFE000  }
0xcb: {  	[spmem:s3] =	stream.indirect.scatter.add.f32 [tilespmem:s28], [sflag:$0x8], $0x40, s19, s24, $0xb8;
	[tilespmem:$0x1E000] =	vst v63  }
0xcc: {  	_ =	swait.ge [sflag:s23], $0x2000  }
0xcd: {  	[sflag:s23] =	ssyncset.done $0x0  }
0xce: {  	s19 =	sadd.s32 $0x5180, s18;
	[sflag:s23] =	ssyncadd.s32 $0xFFFFE000  }
0xcf: {  	[spmem:s3] =	stream.indirect.scatter.add.f32 [tilespmem:s30], [sflag:$0x9], $0x40, s19, s24, $0xb8;
	[tilespmem:$0x1E000] =	vst v63  }
0xd0: {  	_ =	swait.ge [sflag:s26], $0x2000  }
0xd1: {  	[sflag:s26] =	ssyncset.done $0x0  }
0xd2: {  	s19 =	sadd.s32 $0x5200, s18;
	[sflag:s26] =	ssyncadd.s32 $0xFFFFE000  }
0xd3: {  	[spmem:s3] =	stream.indirect.scatter.add.f32 [tilespmem:s0], [sflag:$0xA], $0x40, s19, s24, $0xb8;
	[tilespmem:$0x1E000] =	vst v63  }
0xd4: {  	_ =	swait.ge [sflag:s29], $0x2000  }
0xd5: {  	[sflag:s29] =	ssyncset.done $0x0  }
0xd6: {  	s19 =	sadd.s32 $0x280, s18;
	[sflag:s29] =	ssyncadd.s32 $0xFFFFE000  }
0xd7: {  	[tilespmem:s21], [sflag:$0x1] =	stream.indirect.gather [hbm4b:s2+s24], $0x40, s19, s24, $0xb8;
	[tilespmem:$0x1E000] =	vst v63  }
0xd8: {  	_ =	swait.ge [sflag:s31], $0x2000  }
0xd9: {  	[sflag:s31] =	ssyncset.done $0x0  }
0xda: {  	s19 =	sadd.s32 $0x300, s18;
	[sflag:s31] =	ssyncadd.s32 $0xFFFFE000  }
0xdb: {  	[tilespmem:s25], [sflag:$0x2] =	stream.indirect.gather [hbm4b:s2+s24], $0x40, s19, s24, $0xb8;
	[tilespmem:$0x1E000] =	vst v63  }
0xdc: {  	_ =	swait.ge [sflag:s13], $0x2000  }
0xdd: {  	[sflag:s13] =	ssyncset.done $0x0  }
0xde: {  	s19 =	sadd.s32 $0x380, s18;
	[sflag:s13] =	ssyncadd.s32 $0xFFFFE000  }
0xdf: {  	[tilespmem:s28], [sflag:$0x3] =	stream.indirect.gather [hbm4b:s2+s24], $0x40, s19, s24, $0xb8;
	[tilespmem:$0x1E000] =	vst v63  }
0xe0: {  	_ =	swait.ge [sflag:s14], $0x2000  }
0xe1: {  	[sflag:s14] =	ssyncset.done $0x0  }
.Ltmp4:
0xe2: {  	s19 =	sadd.s32 $0x400, s18;
	[sflag:s14] =	ssyncadd.s32 $0xFFFFE000;
	(pc) =	sbr.rel @!p1 .LBB2_5-.Ltmp4, $4  }
0xe3: {  	[tilespmem:s30], [sflag:$0x4] =	stream.indirect.gather [hbm4b:s2+s24], $0x40, s19, s24, $0xb8;
	[tilespmem:$0x1E000] =	vst v63  }
0xe4: {  	_ =	swait.ge [sflag:s15], $0x2000  }
0xe5: {  	[sflag:s15] =	ssyncset.done $0x0  }
0xe6: {  	s18 =	sadd.s32 $0x480, s18;
	[sflag:s15] =	ssyncadd.s32 $0xFFFFE000  }
.Ltmp5:
0xe7: {  	(pc) =	sbr.rel .LBB2_10-.Ltmp5, $3  }
0xe8: {  	_ =	sdelay $0x1  }
0xe9: {  	[tilespmem:s0], [sflag:$0x5] =	stream.indirect.gather [hbm4b:s2+s24], $0x40, s18, s24, $0xb8;
	[tilespmem:$0x1E000] =	vst v63  }
0xea: {  	s17 =	rddreg [dreg:$0x4]  }
.LBB2_7:
0xeb: {  	[tilespmem:s21], [sflag:$0x1] =	stream.indirect.gather [hbm4b:s5+s24], $0x40, s17, s24, $0xb8;
	[tilespmem:$0x1E000] =	vst v63  }
0xec: {  	_ = 	snop  }
0xed: {  	[tilespmem:s25], [sflag:$0x2] =	stream.indirect.gather [hbm4b:s5+s24], $0x40, s24, s24, $0xb8;
	[tilespmem:$0x1E000] =	vst v63  }
0xee: {  	s18 =	simm.s32 $0x100  }
0xef: {  	[tilespmem:s28], [sflag:$0x3] =	stream.indirect.gather [hbm4b:s5+s24], $0x40, s18, s24, $0xb8;
	[tilespmem:$0x1E000] =	vst v63  }
0xf0: {  	s19 =	simm.s32 $0x180  }
0xf1: {  	[tilespmem:s30], [sflag:$0x4] =	stream.indirect.gather [hbm4b:s5+s24], $0x40, s19, s24, $0xb8;
	[tilespmem:$0x1E000] =	vst v63  }
0xf2: {  	s18 =	simm.s32 $0x200  }
0xf3: {  	[tilespmem:s0], [sflag:$0x5] =	stream.indirect.gather [hbm4b:s5+s24], $0x40, s18, s24, $0xb8;
	[tilespmem:$0x1E000] =	vst v63  }
0xf4: {  	_ =	swait.ge [sflag:s1], $0x2000  }
0xf5: {  	[sflag:s1] =	ssyncset.done $0x0  }
0xf6: {  	s19 =	simm.s32 $0x5000;
	[sflag:s1] =	ssyncadd.s32 $0xFFFFE000  }
0xf7: {  	[spmem:s3] =	stream.indirect.scatter.add.f32 [tilespmem:s21], [sflag:$0x6], $0x40, s19, s24, $0xb8;
	[tilespmem:$0x1E000] =	vst v63  }
0xf8: {  	_ =	swait.ge [sflag:s6], $0x2000  }
0xf9: {  	[sflag:s6] =	ssyncset.done $0x0  }
0xfa: {  	s18 =	simm.s32 $0x5080;
	[sflag:s6] =	ssyncadd.s32 $0xFFFFE000  }
0xfb: {  	[spmem:s3] =	stream.indirect.scatter.add.f32 [tilespmem:s25], [sflag:$0x7], $0x40, s18, s24, $0xb8;
	[tilespmem:$0x1E000] =	vst v63  }
0xfc: {  	_ =	swait.ge [sflag:s7], $0x2000  }
0xfd: {  	[sflag:s7] =	ssyncset.done $0x0  }
0xfe: {  	s19 =	simm.s32 $0x5100;
	[sflag:s7] =	ssyncadd.s32 $0xFFFFE000  }
0xff: {  	[spmem:s3] =	stream.indirect.scatter.add.f32 [tilespmem:s28], [sflag:$0x8], $0x40, s19, s24, $0xb8;
	[tilespmem:$0x1E000] =	vst v63  }
0x100: {  	_ =	swait.ge [sflag:s23], $0x2000  }
0x101: {  	[sflag:s23] =	ssyncset.done $0x0  }
0x102: {  	s18 =	simm.s32 $0x5180;
	[sflag:s23] =	ssyncadd.s32 $0xFFFFE000  }
0x103: {  	[spmem:s3] =	stream.indirect.scatter.add.f32 [tilespmem:s30], [sflag:$0x9], $0x40, s18, s24, $0xb8;
	[tilespmem:$0x1E000] =	vst v63  }
0x104: {  	_ =	swait.ge [sflag:s26], $0x2000  }
0x105: {  	[sflag:s26] =	ssyncset.done $0x0  }
0x106: {  	s19 =	simm.s32 $0x5200;
	[sflag:s26] =	ssyncadd.s32 $0xFFFFE000  }
0x107: {  	[spmem:s3] =	stream.indirect.scatter.add.f32 [tilespmem:s0], [sflag:$0xA], $0x40, s19, s24, $0xb8;
	[tilespmem:$0x1E000] =	vst v63  }
0x108: {  	_ =	swait.ge [sflag:s29], $0x2000  }
0x109: {  	[sflag:s29] =	ssyncset.done $0x0  }
0x10a: {  	s18 =	simm.s32 $0x280;
	[sflag:s29] =	ssyncadd.s32 $0xFFFFE000  }
0x10b: {  	[tilespmem:s21], [sflag:$0x1] =	stream.indirect.gather [hbm4b:s5+s24], $0x40, s18, s24, $0xb8;
	[tilespmem:$0x1E000] =	vst v63  }
0x10c: {  	_ =	swait.ge [sflag:s31], $0x2000  }
0x10d: {  	[sflag:s31] =	ssyncset.done $0x0  }
0x10e: {  	s19 =	simm.s32 $0x300;
	[sflag:s31] =	ssyncadd.s32 $0xFFFFE000  }
0x10f: {  	[tilespmem:s25], [sflag:$0x2] =	stream.indirect.gather [hbm4b:s5+s24], $0x40, s19, s24, $0xb8;
	[tilespmem:$0x1E000] =	vst v63  }
0x110: {  	_ =	swait.ge [sflag:s13], $0x2000  }
0x111: {  	[sflag:s13] =	ssyncset.done $0x0  }
0x112: {  	s18 =	simm.s32 $0x380;
	[sflag:s13] =	ssyncadd.s32 $0xFFFFE000  }
0x113: {  	[tilespmem:s28], [sflag:$0x3] =	stream.indirect.gather [hbm4b:s5+s24], $0x40, s18, s24, $0xb8;
	[tilespmem:$0x1E000] =	vst v63  }
0x114: {  	_ =	swait.ge [sflag:s14], $0x2000  }
0x115: {  	[sflag:s14] =	ssyncset.done $0x0  }
0x116: {  	s19 =	simm.s32 $0x400;
	[sflag:s14] =	ssyncadd.s32 $0xFFFFE000  }
0x117: {  	[tilespmem:s30], [sflag:$0x4] =	stream.indirect.gather [hbm4b:s5+s24], $0x40, s19, s24, $0xb8;
	[tilespmem:$0x1E000] =	vst v63  }
0x118: {  	_ =	swait.ge [sflag:s15], $0x2000  }
0x119: {  	[sflag:s15] =	ssyncset.done $0x0  }
0x11a: {  	s17 =	simm.s32 $0xA00;
	s18 =	simm.s32 $0x480;
	[sflag:s15] =	ssyncadd.s32 $0xFFFFE000  }
.LBB2_8:
0x11b: {  	[tilespmem:s0], [sflag:$0x5] =	stream.indirect.gather [hbm4b:s5+s24], $0x40, s18, s24, $0xb8;
	[tilespmem:$0x1E000] =	vst v63  }
0x11c: {  	s18 =	smov.u32 s17  }
0x11d: {  	p1 =	sne.s32 s17, $0x12C00;
	s17 =	sadd.s32 $0xA00, s17;
	_ =	swait.ge [sflag:s1], $0x2000  }
0x11e: {  	s18 =	sshra.s32 s18, $0x2;
	[sflag:s1] =	ssyncset.done $0x0  }
0x11f: {  	s19 =	sadd.s32 $0x5000, s18;
	[sflag:s1] =	ssyncadd.s32 $0xFFFFE000  }
0x120: {  	[spmem:s3] =	stream.indirect.scatter.add.f32 [tilespmem:s21], [sflag:$0x6], $0x40, s19, s24, $0xb8;
	[tilespmem:$0x1E000] =	vst v63  }
0x121: {  	_ =	swait.ge [sflag:s6], $0x2000  }
0x122: {  	[sflag:s6] =	ssyncset.done $0x0  }
0x123: {  	s19 =	sadd.s32 $0x5080, s18;
	[sflag:s6] =	ssyncadd.s32 $0xFFFFE000  }
0x124: {  	[spmem:s3] =	stream.indirect.scatter.add.f32 [tilespmem:s25], [sflag:$0x7], $0x40, s19, s24, $0xb8;
	[tilespmem:$0x1E000] =	vst v63  }
0x125: {  	_ =	swait.ge [sflag:s7], $0x2000  }
0x126: {  	[sflag:s7] =	ssyncset.done $0x0  }
0x127: {  	s19 =	sadd.s32 $0x5100, s18;
	[sflag:s7] =	ssyncadd.s32 $0xFFFFE000  }
0x128: {  	[spmem:s3] =	stream.indirect.scatter.add.f32 [tilespmem:s28], [sflag:$0x8], $0x40, s19, s24, $0xb8;
	[tilespmem:$0x1E000] =	vst v63  }
0x129: {  	_ =	swait.ge [sflag:s23], $0x2000  }
0x12a: {  	[sflag:s23] =	ssyncset.done $0x0  }
0x12b: {  	s19 =	sadd.s32 $0x5180, s18;
	[sflag:s23] =	ssyncadd.s32 $0xFFFFE000  }
0x12c: {  	[spmem:s3] =	stream.indirect.scatter.add.f32 [tilespmem:s30], [sflag:$0x9], $0x40, s19, s24, $0xb8;
	[tilespmem:$0x1E000] =	vst v63  }
0x12d: {  	_ =	swait.ge [sflag:s26], $0x2000  }
0x12e: {  	[sflag:s26] =	ssyncset.done $0x0  }
0x12f: {  	s19 =	sadd.s32 $0x5200, s18;
	[sflag:s26] =	ssyncadd.s32 $0xFFFFE000  }
0x130: {  	[spmem:s3] =	stream.indirect.scatter.add.f32 [tilespmem:s0], [sflag:$0xA], $0x40, s19, s24, $0xb8;
	[tilespmem:$0x1E000] =	vst v63  }
0x131: {  	_ =	swait.ge [sflag:s29], $0x2000  }
0x132: {  	[sflag:s29] =	ssyncset.done $0x0  }
0x133: {  	s19 =	sadd.s32 $0x280, s18;
	[sflag:s29] =	ssyncadd.s32 $0xFFFFE000  }
0x134: {  	[tilespmem:s21], [sflag:$0x1] =	stream.indirect.gather [hbm4b:s5+s24], $0x40, s19, s24, $0xb8;
	[tilespmem:$0x1E000] =	vst v63  }
0x135: {  	_ =	swait.ge [sflag:s31], $0x2000  }
0x136: {  	[sflag:s31] =	ssyncset.done $0x0  }
0x137: {  	s19 =	sadd.s32 $0x300, s18;
	[sflag:s31] =	ssyncadd.s32 $0xFFFFE000  }
0x138: {  	[tilespmem:s25], [sflag:$0x2] =	stream.indirect.gather [hbm4b:s5+s24], $0x40, s19, s24, $0xb8;
	[tilespmem:$0x1E000] =	vst v63  }
0x139: {  	_ =	swait.ge [sflag:s13], $0x2000  }
0x13a: {  	[sflag:s13] =	ssyncset.done $0x0  }
0x13b: {  	s19 =	sadd.s32 $0x380, s18;
	[sflag:s13] =	ssyncadd.s32 $0xFFFFE000  }
0x13c: {  	[tilespmem:s28], [sflag:$0x3] =	stream.indirect.gather [hbm4b:s5+s24], $0x40, s19, s24, $0xb8;
	[tilespmem:$0x1E000] =	vst v63  }
0x13d: {  	_ =	swait.ge [sflag:s14], $0x2000  }
0x13e: {  	[sflag:s14] =	ssyncset.done $0x0  }
.Ltmp6:
0x13f: {  	s19 =	sadd.s32 $0x400, s18;
	[sflag:s14] =	ssyncadd.s32 $0xFFFFE000;
	(pc) =	sbr.rel @p1 .LBB2_8-.Ltmp6, $4  }
0x140: {  	[tilespmem:s30], [sflag:$0x4] =	stream.indirect.gather [hbm4b:s5+s24], $0x40, s19, s24, $0xb8;
	[tilespmem:$0x1E000] =	vst v63  }
0x141: {  	_ =	swait.ge [sflag:s15], $0x2000  }
0x142: {  	[sflag:s15] =	ssyncset.done $0x0  }
0x143: {  	s18 =	sadd.s32 $0x480, s18;
	[sflag:s15] =	ssyncadd.s32 $0xFFFFE000  }
.Ltmp7:
0x144: {  	_ = 	snop;
	(pc) =	sbr.rel .LBB2_9-.Ltmp7, $1  }
0x145: {  	_ =	sdelay $0x3  }
.LBB2_11:
0x146: {  	_ =	sfence.sel $0x180000  }
0x147: {  	[bflag:$0x0] =	sbarrier.arrive $0xFFFF  }
0x148: {  	_ =	strace $0x9000004A  }
0x149: {  	s0 =	stileid.u32;
	[bflag:$0x2] =	sbarrier.arrive $0xFFFF  }
0x14a: {  	p0 =	sne.s32 s0, $0x0;
	s0 =	rddreg [dreg:$0x3]  }
0x14b: {  	s0 =	sadd.s32 @!p0 $0x100000, s0  }
0x14c: {  	[sflag:s0] =	ssyncadd.tile.s32 @!p0 $0x1;
	_ =	shalt  }
.Lfunc_end2:
_tile_overlayer_lowered:
.L_overlay_start_2:
0x14d: {  	(tag) =	ssettag $0x2  }
0x14e: {  	s0 =	rddreg [dreg:$0x0];
	s2 =	stileid.u32  }
0x14f: {  	s1 =	rddreg [dreg:$0x1];
	p0 =	sne.s32 s2, $0x0  }
0x150: {  	s3 =	rddreg [dreg:$0x2];
	[bflag:$0x3] =	sbarrier.arrive $0xFFFF;
	s2 =	simm.s32 @!p0 $0x1C0B  }
0x151: {  	[timem:s3], [sflag:s2] =	dma.local @!p0 [hbm:s0], s1  }
0x152: {  	s0 =	simm.s32 @!p0 $0xB  }
0x153: {  	_ =	swait.ge @!p0 [sflag:s0], s1  }
0x154: {  	s1 =	ssub.s32 @!p0 $0x0, s1;
	[sflag:s0] =	ssyncset.done @!p0 $0x0  }
0x155: {  	[sflag:s0] =	ssyncadd.s32 @!p0 s1  }
0x156: {  	[bflag:$0x3] =	sbarrier.arrive $0xFFFF  }
0x157: {  	_ =	shalt  }

// kernel: kernel.14.cloned.1.call-start
scs
__scs_entry_jumppad:
0x0: {  	(pc) =	sbr.rel $0x88, $3  }
0x1: {  	(tag) =	ssettag $0x0;
	lr =	simm.s32 $0x1  }
0x2: {  	[smem:$0x3F9B] =	sst lr;
	_ =	strace $0xD0000000  }
0x3: {  	_ = 	snop  }
0x4: {  	_ = 	snop  }
0x5: {  	_ = 	snop  }
0x6: {  	_ = 	snop  }
0x7: {  	_ = 	snop  }
__scs_overlays_trampoline_lowered:
0x8: {  	[smem:$0x3FAA] =	sst s0  }
0x9: {  	[smem:$0x3FAB] =	sst s1  }
0xa: {  	[smem:$0x3FAC] =	sst s2  }
0xb: {  	[smem:$0x3FAD] =	sst s3  }
0xc: {  	[smem:$0x3FAE] =	sst s4  }
0xd: {  	[smem:$0x3FAF] =	sst s5  }
0xe: {  	[smem:$0x3FB0] =	sst s6  }
0xf: {  	[smem:$0x3FB1] =	sst s7  }
0x10: {  	[smem:$0x3FB2] =	sst s8  }
0x11: {  	[smem:$0x3FB3] =	sst s9;
	s0 =	simm.s32 @!p0 $0x0  }
0x12: {  	s1 =	sld [smem:$0x3F99];
	s0 =	simm.s32 @p0 $0x1  }
0x13: {  	[smem:$0x3FB4] =	sst s0;
	s0 =	simm.s32 @!p1 $0x0  }
0x14: {  	s2 =	sld [smem:$0x3F98];
	s0 =	simm.s32 @p1 $0x1  }
0x15: {  	[smem:$0x3FB5] =	sst s0;
	s0 =	simm.s32 @!p2 $0x0  }
0x16: {  	s3 =	sld [smem:$0x3FDB];
	s0 =	simm.s32 @p2 $0x1  }
0x17: {  	s4 =	simm.s32 $0x1BF5;
	[smem:$0x3FB7] =	sst s0  }
0x18: {  	s0 =	sld [smem:$0x3F9A];
	_ =	swait.ge [sflag:s4], $0x0  }
0x19: {  	s7 =	sld [smem:$0x3F9B]  }
0x1a: {  	s8 =	sadd.s32 $0xFFFFE003, lr  }
0x1b: {  	s9 =	sadd.s32 $0xFFFFFEF7, lr;
	s5 =	simm.s32 $0xFFFFFFFF;
	p2 =	slt.u32 s8, $0xFFFFF086  }
0x1c: {  	p1 =	slt.u32 s9, $0xF7A;
	s5 =	simm.s32 @!p2 $0x0  }
0x1d: {  	s5 =	simm.s32 @p1 $0x1;
	p0 =	seq.s32 s7, s2  }
0x1e: {  	s7 =	smul.u32 @!p0 $0xF7A, s2;
	p2 =	seq.s32 @!p0 s5, $0x0  }
0x1f: {  	s9 =	smul.u32 $0xF7A, s1;
	s8 =	simm.s32 @!p0 $0x1BF5;
	p2 =	por !p2, p0  }
0x20: {  	[sflag:s8] =	ssyncset.s32 @!p0 $0xFFFFF086;
	s6 =	sadd.s32 @!p0 s3, s7;
	s7 =	simm.s32 @!p0 $0x108  }
0x21: {  	s3 =	sadd.s32 s3, s9;
	s6 =	sadd.s32 @!p0 $0x88, s6;
	s7 =	simm.s32 @p2 $0x1082  }
0x22: {  	[simem:s7], [sflag:s8] =	dma.local @!p0 [hbm:s6], $0xF7A  }
0x23: {  	s9 =	sor.u32 $0xD0000000, s2;
	s6 =	simm.s32 $0x108;
	_ =	swait.ge @!p0 [sflag:s8], $0x0  }
0x24: {  	s3 =	sadd.s32 $0x88, s3;
	s6 =	simm.s32 @!p1 $0x1082;
	[sflag:s4] =	ssyncset.s32 $0xFFFFF086  }
0x25: {  	[simem:s6], [sflag:s4] =	dma.local [hbm:s3], $0xF7A  }
0x26: {  	[smem:$0x3F9B] =	sst s1;
	(tag) =	ssettag s2;
	_ =	strace s9  }
0x27: {  	s1 =	sld [smem:$0x3FAB]  }
0x28: {  	s2 =	sld [smem:$0x3FAC]  }
0x29: {  	s4 =	sld [smem:$0x3FAE]  }
0x2a: {  	p0 =	seq.s32 s5, $0x0;
	s5 =	sld [smem:$0x3FAF]  }
0x2b: {  	s6 =	sld [smem:$0x3FB0]  }
0x2c: {  	s7 =	sld [smem:$0x3FB1]  }
0x2d: {  	s3 =	simm.s32 $0x108;
	s8 =	sld [smem:$0x3FB2]  }
0x2e: {  	s3 =	simm.s32 @!p0 $0x1082;
	s9 =	sld [smem:$0x3FB3]  }
0x2f: {  	lr =	sadd.s32 s0, s3;
	s0 =	sld [smem:$0x3FAA]  }
0x30: {  	s3 =	sld [smem:$0x3FAD]  }
0x31: {  	[smem:$0x3FB6] =	sst s10  }
0x32: {  	s10 =	sld [smem:$0x3FB4];
	_ =	sdelay $0x3  }
0x33: {  	p0 =	seq.s32 s10, $0x1;
	s10 =	sld [smem:$0x3FB6];
	_ =	sdelay $0x3  }
0x34: {  	[smem:$0x3FB6] =	sst s10  }
0x35: {  	s10 =	sld [smem:$0x3FB5];
	_ =	sdelay $0x3  }
0x36: {  	p1 =	seq.s32 s10, $0x1;
	s10 =	sld [smem:$0x3FB6];
	_ =	sdelay $0x3  }
0x37: {  	[smem:$0x3FB6] =	sst s10  }
0x38: {  	s10 =	sld [smem:$0x3FB7]  }
0x39: {  	_ = 	snop;
	(pc) =	sbr.ind lr, $3  }
0x3a: {  	_ = 	snop  }
0x3b: {  	_ = 	snop  }
0x3c: {  	p2 =	seq.s32 s10, $0x1;
	s10 =	sld [smem:$0x3FB6]  }
0x3d: {  	_ =	shalt  }
0x3e: {  	_ =	shalt  }
0x3f: {  	_ =	shalt  }
0x40: {  	_ =	shalt  }
0x41: {  	_ =	shalt  }
0x42: {  	_ =	shalt  }
0x43: {  	_ =	shalt  }
0x44: {  	_ =	shalt  }
0x45: {  	_ =	shalt  }
0x46: {  	_ =	shalt  }
0x47: {  	_ =	shalt  }
0x48: {  	_ =	shalt  }
0x49: {  	_ =	shalt  }
0x4a: {  	_ =	shalt  }
0x4b: {  	_ =	shalt  }
0x4c: {  	_ =	shalt  }
0x4d: {  	_ =	shalt  }
0x4e: {  	_ =	shalt  }
0x4f: {  	_ =	shalt  }
0x50: {  	_ =	shalt  }
0x51: {  	_ =	shalt  }
0x52: {  	_ =	shalt  }
0x53: {  	_ =	shalt  }
0x54: {  	_ =	shalt  }
0x55: {  	_ =	shalt  }
0x56: {  	_ =	shalt  }
0x57: {  	_ =	shalt  }
0x58: {  	_ =	shalt  }
0x59: {  	_ =	shalt  }
0x5a: {  	_ =	shalt  }
0x5b: {  	_ =	shalt  }
0x5c: {  	_ =	shalt  }
0x5d: {  	_ =	shalt  }
0x5e: {  	_ =	shalt  }
0x5f: {  	_ =	shalt  }
0x60: {  	_ =	shalt  }
0x61: {  	_ =	shalt  }
0x62: {  	_ =	shalt  }
0x63: {  	_ =	shalt  }
0x64: {  	_ =	shalt  }
0x65: {  	_ =	shalt  }
0x66: {  	_ =	shalt  }
0x67: {  	_ =	shalt  }
0x68: {  	_ =	shalt  }
0x69: {  	_ =	shalt  }
0x6a: {  	_ =	shalt  }
0x6b: {  	_ =	shalt  }
0x6c: {  	_ =	shalt  }
0x6d: {  	_ =	shalt  }
0x6e: {  	_ =	shalt  }
0x6f: {  	_ =	shalt  }
0x70: {  	_ =	shalt  }
0x71: {  	_ =	shalt  }
0x72: {  	_ =	shalt  }
0x73: {  	_ =	shalt  }
0x74: {  	_ =	shalt  }
0x75: {  	_ =	shalt  }
0x76: {  	_ =	shalt  }
0x77: {  	_ =	shalt  }
0x78: {  	_ =	shalt  }
0x79: {  	_ =	shalt  }
0x7a: {  	_ =	shalt  }
0x7b: {  	_ =	shalt  }
0x7c: {  	_ =	shalt  }
0x7d: {  	_ =	shalt  }
0x7e: {  	_ =	shalt  }
0x7f: {  	_ =	shalt  }
0x80: {  	_ =	shalt  }
0x81: {  	_ =	shalt  }
0x82: {  	_ =	shalt  }
0x83: {  	_ =	shalt  }
0x84: {  	_ =	shalt  }
0x85: {  	_ =	shalt  }
0x86: {  	_ =	shalt  }
0x87: {  	_ =	shalt  }
.Lfunc_end0:
.L_simem_size_0:
called_computation.2_lowered:
.L_overlay_start_0:
0x88: {  	s2 =	sld [smem:$0x3FD9]  }
0x89: {  	s3 =	sld [smem:$0x3FFE];
	_ =	sdelay $0x1  }
0x8a: {  	s1 =	srdreg.scid  }
0x8b: {  	s0 =	sand.u32 $0x1, s1  }
0x8c: {  	s17 =	sshll.u32 s0, $0xA;
	s2 =	sadd.s32 s3, s2  }
0x8d: {  	s2 =	sadd.s32 s2, s17  }
0x8e: {  	[smem:$0x3FC2] =	sst s2  }
0x8f: {  	_ = 	snop  }
0x90: {  	s2 =	sld [smem:$0x3FD0];
	(tm) =	ssettm $0x1  }
0x91: {  	s18 =	sld [smem:$0x3FFB];
	_ =	sdelay $0x3  }
0x92: {  	_ =	strace s18  }
0x93: {  	s3 =	sld [smem:$0x3FFC];
	_ =	sdelay $0x3  }
0x94: {  	_ =	strace s3  }
0x95: {  	s3 =	sld [smem:$0x3FFD];
	_ =	sdelay $0x3  }
0x96: {  	_ =	strace s3  }
0x97: {  	_ =	strace $0x8FFFFFFF  }
0x98: {  	s19 =	sld [smem:$0x3FDB];
	_ =	sdelay $0x1  }
0x99: {  	s4 =	simm.s32 $_scs_section_size  }
0x9a: {  	s5 =	simm.s32 $_size__tile_overlayer_lowered;
	s6 =	simm.s32 $_tile_overlayer_lowered  }
0x9b: {  	s22 =	simm.s32 $0x1BFF;
	s21 =	sshll.u32 s6, $0x1;
	s3 =	sadd.s32 s4, s19  }
0x9c: {  	s7 =	simm.s32 $0x0;
	s20 =	sshll.u32 s5, $0x1;
	s5 =	sadd.s32 s21, s3  }
0x9d: {  	[timem:s7], [sflag:s22] =	dma.local [hbm:s5], s20  }
0x9e: {  	_ =	swait.ge [sflag:s22], s20  }
0x9f: {  	s4 =	ssub.s32 $0x0, s20;
	[sflag:s22] =	ssyncset.done $0x0  }
0xa0: {  	[sflag:s22] =	ssyncadd.s32 s4;
	_ =	sdelay $0x1  }
0xa1: {  	s23 =	simm.s32 $0x1B8B  }
0xa2: {  	_ =	swait.ge [sflag:s23], $0x1  }
0xa3: {  	[sflag:s23] =	ssyncset.done $0x0  }
0xa4: {  	s25 =	simm.s32 $0x1B8E;
	s24 =	sld [smem:$0x3FFE];
	[sflag:s23] =	ssyncadd.s32 $0xFFFFFFFF  }
0xa5: {  	s26 =	simm.s32 $execute0_lowered;
	[smem:$0x3FD2] =	sst s25  }
0xa6: {  	s5 =	sshll.u32 s26, $0x1;
	_ =	strace $0x8000004C;
	[dreg:$0x1] =	wrdreg $0xFFFFFFFF  }
0xa7: {  	s28 =	simm.s32 $_size_execute0_lowered;
	s3 =	sadd.s32 s3, s5;
	[dreg:$0x0] =	wrdreg $0x0  }
0xa8: {  	s5 =	sshll.u32 s28, $0x1;
	[dreg:$0x2] =	wrdreg s3  }
0xa9: {  	[dreg:$0x3] =	wrdreg s5  }
0xaa: {  	[dreg:$0x4] =	wrdreg $0xC0  }
0xab: {  	_ =	task [dreg:s7], $0x5FFFF  }
0xac: {  	[dreg:$0x1] =	wrdreg $0xFFFFFFFF  }
0xad: {  	[dreg:$0x0] =	wrdreg $0x60  }
0xae: {  	[dreg:$0x2] =	wrdreg s24  }
0xaf: {  	[dreg:$0x3] =	wrdreg s2  }
0xb0: {  	[dreg:$0x4] =	wrdreg $0x140000  }
0xb1: {  	[dreg:$0x5] =	wrdreg $0x9  }
0xb2: {  	_ =	task.clear_ibuf [dreg:s7], $0x6FFFF;
	_ =	strace $0x9000004C  }
0xb3: {  	s29 =	simm.s32 $0x9;
	_ =	strace $0x8000004E  }
0xb4: {  	_ =	swait.ge [sflag:s29], $0x1  }
0xb5: {  	[sflag:s29] =	ssyncadd.s32 $0xFFFFFFFF  }
0xb6: {  	_ =	strace $0x9000004E  }
0xb7: {  	_ =	sfence  }
0xb8: {  	s30 =	sld [smem:$0x0];
	_ =	sdelay $0x2  }
0xb9: {  	s31 =	sshll.u32 s1, $0xD;
	s1 =	sshrl.u32 s1, $0x2  }
0xba: {  	s3 =	sand.u32 $0x4000, s31;
	s1 =	sadd.s32 s1, s30  }
0xbb: {  	s0 =	sor.u32 s3, s0;
	s1 =	sshll.u32 s1, $0x11  }
0xbc: {  	s0 =	sor.u32 s1, s0  }
0xbd: {  	s0 =	sadd.s32 $0x8F2B, s0  }
0xbe: {  	[sflag:s0] =	ssyncadd.remote.s32 $0x1  }
0xbf: {  	_ =	sfence.sel $0xFFFF  }
0xc0: {  	[dreg:$0x0] =	wrdreg $0xFFFFFFFF;
	(pc) =	sbr.abs _section_cstart, $3  }
0xc1: {  	[dreg:$0x1] =	wrdreg $0xFFFFFFFF  }
0xc2: {  	_ =	task.clear_ibuf [dreg:s7], $0x2FFFF;
	_ =	strace $0x9FFFFFFF  }
0xc3: {  	(tm) =	ssettm $0x7FFFFFFF  }
tec
execute0_lowered:
.L_overlay_start_1:
0x0: {  	(tag) =	ssettag $0x1  }
0x1: {  	s0 =	rddreg [dreg:$0x0]  }
0x2: {  	s2 =	rddreg [dreg:$0x1]  }
0x3: {  	s3 =	rddreg [dreg:$0x2];
	s4 =	simm.s32 $0x0  }
0x4: {  	s7 =	stileid.u32;
	s5 =	srdreg.scid;
	s28 =	simm.s32 $0xE000  }
0x5: {  	s30 =	simm.s32 $0x10000;
	s29 =	simm.s32 $0x6;
	s31 =	simm.s32 $0x7  }
0x6: {  	[smem:$0x7FF] =	sst s4;
	s1 =	smul.u32 $0xA00, s7;
	s6 =	sand.u32 $0x1, s5  }
0x7: {  	s7 =	smul.u32 $0xA000, s7;
	s5 =	sadd.s32 $0x48E00, s0;
	s8 =	sadd.s32 $0x70E00, s0  }
0x8: {  	_ =	strace $0x8000004D;
	[dreg:$0x4] =	wrdreg s8;
	s20 =	ssub.s32 $0x2, s6  }
0x9: {  	p0 =	sne.s32 s6, $0x0;
	s6 =	simm.s32 $0x2;
	s1 =	sadd.s32 s1, s0  }
0xa: {  	s0 =	sadd.s32 $0x5CE00, s0;
	s21 =	sshrl.u32 s20, $0x1;
	s13 =	sadd.s32 $0x2000, s7  }
0xb: {  	s8 =	sadd.s32 s7, s3;
	s14 =	sadd.s32 $0x4000, s7;
	s15 =	sadd.s32 $0x6000, s7  }
0xc: {  	s16 =	sadd.s32 $0x8000, s7;
	s22 =	sshrl.u32 s7, $0x3;
	s7 =	simm.s32 $0x3  }
0xd: {  	[dreg:$0x5] =	wrdreg s0;
	s0 =	ssub.s32 s20, s21;
	s9 =	sadd.s32 s13, s3  }
0xe: {  	s10 =	sadd.s32 s14, s3;
	s11 =	sadd.s32 s15, s3;
	s12 =	sadd.s32 s16, s3  }
0xf: {  	s17 =	sadd.s32 $0x16E00, s1;
	s1 =	sadd.s32 $0x2E00, s1;
	[dreg:$0x8] =	wrdreg s22  }
0x10: {  	s23 =	sshrl.u32 s13, $0x3;
	s24 =	sshrl.u32 s14, $0x3;
	[dreg:$0x6] =	wrdreg s17  }
0x11: {  	s25 =	sshrl.u32 s15, $0x3;
	s26 =	sshrl.u32 s16, $0x3;
	[dreg:$0x7] =	wrdreg s1  }
0x12: {  	s21 =	simm.s32 $0xA000;
	s22 =	simm.s32 $0xB;
	[dreg:$0x9] =	wrdreg s23  }
.Ltmp0:
0x13: {  	s13 =	simm.s32 $0x8;
	[dreg:$0xa] =	wrdreg s24;
	(pc) =	sbr.rel .LBB2_1-.Ltmp0, $4  }
0x14: {  	s14 =	simm.s32 $0x9;
	s15 =	simm.s32 $0xA;
	[dreg:$0xb] =	wrdreg s25  }
0x15: {  	s16 =	simm.s32 $0x0;
	[dreg:$0xc] =	wrdreg s26;
	s20 =	smax.u32 s0, $0x1  }
0x16: {  	s24 =	simm.s32 $0x80;
	s25 =	simm.s32 $0xC000;
	s0 =	simm.s32 $0x12000  }
0x17: {  	v0 =	vimm.f32 $0.0e+00;
	s1 =	simm.s32 $0x1;
	s23 =	simm.s32 $0x4;
	s26 =	simm.s32 $0x5  }
.LBB2_9:
0x18: {  	[tilespmem:s0], [sflag:$0x5] =	stream.indirect.gather [hbm4b:s5+s24], $0x40, s18, s24, $0xb8;
	[tilespmem:$0x1E000] =	vst v63  }
0x19: {  	s17 =	rddreg [dreg:$0x5]  }
.LBB2_10:
0x1a: {  	_ =	swait.ge [sflag:s1], $0x2000  }
0x1b: {  	[sflag:s1] =	ssyncset.done $0x0  }
0x1c: {  	s18 =	simm.s32 $0x9D80;
	[sflag:s1] =	ssyncadd.s32 $0xFFFFE000  }
0x1d: {  	[spmem:s3] =	stream.indirect.scatter.add.f32 [tilespmem:s21], [sflag:$0x6], $0x40, s18, s24, $0xb8;
	[tilespmem:$0x1E000] =	vst v63  }
0x1e: {  	_ =	swait.ge [sflag:s6], $0x2000  }
0x1f: {  	[sflag:s6] =	ssyncset.done $0x0  }
0x20: {  	s19 =	simm.s32 $0x9E00;
	[sflag:s6] =	ssyncadd.s32 $0xFFFFE000  }
0x21: {  	[spmem:s3] =	stream.indirect.scatter.add.f32 [tilespmem:s25], [sflag:$0x7], $0x40, s19, s24, $0xb8;
	[tilespmem:$0x1E000] =	vst v63  }
0x22: {  	_ =	swait.ge [sflag:s7], $0x2000  }
0x23: {  	[sflag:s7] =	ssyncset.done $0x0  }
0x24: {  	s19 =	simm.s32 $0x9E80;
	[sflag:s7] =	ssyncadd.s32 $0xFFFFE000  }
0x25: {  	[spmem:s3] =	stream.indirect.scatter.add.f32 [tilespmem:s28], [sflag:$0x8], $0x40, s19, s24, $0xb8;
	[tilespmem:$0x1E000] =	vst v63  }
0x26: {  	_ =	swait.ge [sflag:s23], $0x2000  }
0x27: {  	[sflag:s23] =	ssyncset.done $0x0  }
0x28: {  	s19 =	simm.s32 $0x9F00;
	[sflag:s23] =	ssyncadd.s32 $0xFFFFE000  }
0x29: {  	[spmem:s3] =	stream.indirect.scatter.add.f32 [tilespmem:s30], [sflag:$0x9], $0x40, s19, s24, $0xb8;
	[tilespmem:$0x1E000] =	vst v63  }
0x2a: {  	_ =	swait.ge [sflag:s26], $0x2000  }
0x2b: {  	[sflag:s26] =	ssyncset.done $0x0  }
0x2c: {  	s19 =	simm.s32 $0x9F80;
	[sflag:s26] =	ssyncadd.s32 $0xFFFFE000  }
0x2d: {  	[spmem:s3] =	stream.indirect.scatter.add.f32 [tilespmem:s0], [sflag:$0xA], $0x40, s19, s24, $0xb8;
	[tilespmem:$0x1E000] =	vst v63  }
0x2e: {  	_ =	swait.ge [sflag:s29], $0x2000  }
0x2f: {  	[sflag:s29] =	ssyncset.done $0x0  }
0x30: {  	[sflag:s29] =	ssyncadd.s32 $0xFFFFE000  }
0x31: {  	_ =	swait.ge [sflag:s31], $0x2000  }
0x32: {  	[sflag:s31] =	ssyncset.done $0x0  }
0x33: {  	[sflag:s31] =	ssyncadd.s32 $0xFFFFE000  }
0x34: {  	_ =	swait.ge [sflag:s13], $0x2000  }
0x35: {  	[sflag:s13] =	ssyncset.done $0x0  }
0x36: {  	[sflag:s13] =	ssyncadd.s32 $0xFFFFE000  }
0x37: {  	_ =	swait.ge [sflag:s14], $0x2000  }
0x38: {  	[sflag:s14] =	ssyncset.done $0x0  }
0x39: {  	[sflag:s14] =	ssyncadd.s32 $0xFFFFE000  }
0x3a: {  	_ =	swait.ge [sflag:s15], $0x2000  }
0x3b: {  	[sflag:s15] =	ssyncset.done $0x0  }
0x3c: {  	[sflag:s15] =	ssyncadd.s32 $0xFFFFE000  }
0x3d: {  	[bflag:$0x0] =	sbarrier.arrive $0xFFFF  }
0x3e: {  	[tilespmem:s21], [sflag:$0xB] =	stream.linear.gather [spmem:s8], $0x2000, $0x38;
	[tilespmem:$0x1E000] =	vst v63  }
0x3f: {  	_ =	swait.ge [sflag:s22], $0x2000  }
0x40: {  	[sflag:s22] =	ssyncset.done $0x0;
	s19 =	rddreg [dreg:$0x8]  }
0x41: {  	s18 =	sadd.s32 s17, s19;
	[sflag:s22] =	ssyncadd.s32 $0xFFFFE000  }
0x42: {  	[hbm4b:s18+s4] =	stream.linear.scatter [tilespmem:s21], [sflag:$0xB], $0x2000, $0x38;
	[tilespmem:$0x1E000] =	vst v63  }
0x43: {  	_ =	swait.ge [sflag:s22], $0x2000  }
0x44: {  	[sflag:s22] =	ssyncset.done $0x0  }
0x45: {  	[sflag:s22] =	ssyncadd.s32 $0xFFFFE000  }
0x46: {  	[tilespmem:s21], [sflag:$0xB] =	stream.linear.gather [spmem:s9], $0x2000, $0x38;
	[tilespmem:$0x1E000] =	vst v63  }
0x47: {  	_ =	swait.ge [sflag:s22], $0x2000  }
0x48: {  	[sflag:s22] =	ssyncset.done $0x0;
	s19 =	rddreg [dreg:$0x9]  }
0x49: {  	[sflag:s22] =	ssyncadd.s32 $0xFFFFE000;
	s18 =	sadd.s32 s17, s19  }
0x4a: {  	[hbm4b:s18+s4] =	stream.linear.scatter [tilespmem:s21], [sflag:$0xB], $0x2000, $0x38;
	[tilespmem:$0x1E000] =	vst v63  }
0x4b: {  	_ =	swait.ge [sflag:s22], $0x2000  }
0x4c: {  	[sflag:s22] =	ssyncset.done $0x0  }
0x4d: {  	[sflag:s22] =	ssyncadd.s32 $0xFFFFE000  }
0x4e: {  	[tilespmem:s21], [sflag:$0xB] =	stream.linear.gather [spmem:s10], $0x2000, $0x38;
	[tilespmem:$0x1E000] =	vst v63  }
0x4f: {  	_ =	swait.ge [sflag:s22], $0x2000  }
0x50: {  	[sflag:s22] =	ssyncset.done $0x0;
	s19 =	rddreg [dreg:$0xa]  }
0x51: {  	[sflag:s22] =	ssyncadd.s32 $0xFFFFE000;
	s18 =	sadd.s32 s17, s19  }
0x52: {  	[hbm4b:s18+s4] =	stream.linear.scatter [tilespmem:s21], [sflag:$0xB], $0x2000, $0x38;
	[tilespmem:$0x1E000] =	vst v63  }
0x53: {  	_ =	swait.ge [sflag:s22], $0x2000  }
0x54: {  	[sflag:s22] =	ssyncset.done $0x0  }
0x55: {  	[sflag:s22] =	ssyncadd.s32 $0xFFFFE000  }
0x56: {  	[tilespmem:s21], [sflag:$0xB] =	stream.linear.gather [spmem:s11], $0x2000, $0x38;
	[tilespmem:$0x1E000] =	vst v63  }
0x57: {  	_ =	swait.ge [sflag:s22], $0x2000  }
0x58: {  	[sflag:s22] =	ssyncset.done $0x0;
	s19 =	rddreg [dreg:$0xb]  }
0x59: {  	[sflag:s22] =	ssyncadd.s32 $0xFFFFE000;
	s18 =	sadd.s32 s17, s19  }
0x5a: {  	[hbm4b:s18+s4] =	stream.linear.scatter [tilespmem:s21], [sflag:$0xB], $0x2000, $0x38;
	[tilespmem:$0x1E000] =	vst v63  }
0x5b: {  	_ =	swait.ge [sflag:s22], $0x2000  }
0x5c: {  	[sflag:s22] =	ssyncset.done $0x0  }
0x5d: {  	[sflag:s22] =	ssyncadd.s32 $0xFFFFE000  }
0x5e: {  	[tilespmem:s21], [sflag:$0xB] =	stream.linear.gather [spmem:s12], $0x2000, $0x38;
	[tilespmem:$0x1E000] =	vst v63  }
0x5f: {  	s16 =	sadd.s32 $0x1, s16;
	_ =	swait.ge [sflag:s22], $0x2000  }
0x60: {  	p1 =	sne.s32 s16, s20;
	[sflag:s22] =	ssyncset.done $0x0;
	s19 =	rddreg [dreg:$0xc]  }
.Ltmp1:
0x61: {  	[sflag:s22] =	ssyncadd.s32 $0xFFFFE000;
	s19 =	sadd.s32 s17, s19;
	(pc) =	sbr.rel @!p1 .LBB2_11-.Ltmp1, $4  }
0x62: {  	[hbm4b:s19+s4] =	stream.linear.scatter [tilespmem:s21], [sflag:$0xB], $0x2000, $0x38;
	[tilespmem:$0x1E000] =	vst v63  }
0x63: {  	_ =	swait.ge [sflag:s22], $0x2000  }
0x64: {  	[sflag:s22] =	ssyncset.done $0x0  }
0x65: {  	[sflag:s22] =	ssyncadd.s32 $0xFFFFE000  }
.LBB2_1:
0x66: {  	s18 =	simm.s32 $0x100;
	s17 =	simm.s32 $0x0  }
.LBB2_2:
0x67: {  	p1 =	sne.s32 s18, $0x7F00;
	[tilespmem:s17+$0xA030] =	vst v0;
	s19 =	smov.u32 s18;
	s18 =	sadd.s32 $0x100, s18  }
.Ltmp2:
0x68: {  	[tilespmem:s17+$0xA020] =	vst v0;
	(pc) =	sbr.rel @p1 .LBB2_2-.Ltmp2, $3  }
0x69: {  	[tilespmem:s17+$0xA000] =	vst v0  }
0x6a: {  	[tilespmem:s17+$0xA010] =	vst v0;
	_ =	sdelay $0x1  }
0x6b: {  	s17 =	sshra.s32 s19, $0x2  }
0x6c: {  	[tilespmem:s17+$0xA030] =	vst v0  }
0x6d: {  	[tilespmem:s17+$0xA020] =	vst v0  }
0x6e: {  	[tilespmem:s17+$0xA000] =	vst v0  }
0x6f: {  	[tilespmem:s17+$0xA010] =	vst v0  }
0x70: {  	[spmem:s8] =	stream.linear.scatter [tilespmem:s21], [sflag:$0xB], $0x2000, $0x38;
	[tilespmem:$0x1E000] =	vst v63  }
0x71: {  	_ =	swait.ge [sflag:s22], $0x2000  }
0x72: {  	[sflag:s22] =	ssyncset.done $0x0  }
0x73: {  	[sflag:s22] =	ssyncadd.s32 $0xFFFFE000  }
0x74: {  	[spmem:s9] =	stream.linear.scatter [tilespmem:s21], [sflag:$0xB], $0x2000, $0x38;
	[tilespmem:$0x1E000] =	vst v63  }
0x75: {  	_ =	swait.ge [sflag:s22], $0x2000  }
0x76: {  	[sflag:s22] =	ssyncset.done $0x0  }
0x77: {  	[sflag:s22] =	ssyncadd.s32 $0xFFFFE000  }
0x78: {  	[spmem:s10] =	stream.linear.scatter [tilespmem:s21], [sflag:$0xB], $0x2000, $0x38;
	[tilespmem:$0x1E000] =	vst v63  }
0x79: {  	_ =	swait.ge [sflag:s22], $0x2000  }
0x7a: {  	[sflag:s22] =	ssyncset.done $0x0  }
0x7b: {  	[sflag:s22] =	ssyncadd.s32 $0xFFFFE000  }
0x7c: {  	[spmem:s11] =	stream.linear.scatter [tilespmem:s21], [sflag:$0xB], $0x2000, $0x38;
	[tilespmem:$0x1E000] =	vst v63  }
0x7d: {  	_ =	swait.ge [sflag:s22], $0x2000  }
0x7e: {  	[sflag:s22] =	ssyncset.done $0x0  }
0x7f: {  	[sflag:s22] =	ssyncadd.s32 $0xFFFFE000  }
0x80: {  	[spmem:s12] =	stream.linear.scatter [tilespmem:s21], [sflag:$0xB], $0x2000, $0x38;
	[tilespmem:$0x1E000] =	vst v63  }
0x81: {  	_ =	swait.ge [sflag:s22], $0x2000  }
0x82: {  	[sflag:s22] =	ssyncset.done $0x0  }
0x83: {  	[sflag:s22] =	ssyncadd.s32 $0xFFFFE000  }
0x84: {  	[bflag:$0x0] =	sbarrier.arrive $0xFFFF  }
0x85: {  	s18 =	rddreg [dreg:$0x6]  }
0x86: {  	[tilespmem:s4], [sflag:$0xB] =	stream.linear.gather [hbm4b:s18+s4], $0x5000, $0x38;
	[tilespmem:$0x1E000] =	vst v63  }
0x87: {  	_ =	swait.ge [sflag:s22], $0x5000  }
0x88: {  	s18 =	simm.s32 $0x5000;
	[sflag:s22] =	ssyncset.done $0x0  }
.Ltmp3:
0x89: {  	s19 =	rddreg [dreg:$0x7];
	[sflag:s22] =	ssyncadd.s32 $0xFFFFB000;
	(pc) =	sbr.rel @p0 .LBB2_7-.Ltmp3, $4  }
0x8a: {  	[tilespmem:s18], [sflag:$0xB] =	stream.linear.gather [hbm4b:s19+s4], $0x5000, $0x38;
	[tilespmem:$0x1E000] =	vst v63  }
0x8b: {  	_ =	swait.ge [sflag:s22], $0x5000  }
0x8c: {  	[sflag:s22] =	ssyncset.done $0x0  }
0x8d: {  	s17 =	simm.s32 $0x0;
	[sflag:s22] =	ssyncadd.s32 $0xFFFFB000  }
0x8e: {  	[tilespmem:s21], [sflag:$0x1] =	stream.indirect.gather [hbm4b:s2+s24], $0x40, s17, s24, $0xb8;
	[tilespmem:$0x1E000] =	vst v63  }
0x8f: {  	_ = 	snop  }
0x90: {  	[tilespmem:s25], [sflag:$0x2] =	stream.indirect.gather [hbm4b:s2+s24], $0x40, s24, s24, $0xb8;
	[tilespmem:$0x1E000] =	vst v63  }
0x91: {  	s18 =	simm.s32 $0x100  }
0x92: {  	[tilespmem:s28], [sflag:$0x3] =	stream.indirect.gather [hbm4b:s2+s24], $0x40, s18, s24, $0xb8;
	[tilespmem:$0x1E000] =	vst v63  }
0x93: {  	s19 =	simm.s32 $0x180  }
0x94: {  	[tilespmem:s30], [sflag:$0x4] =	stream.indirect.gather [hbm4b:s2+s24], $0x40, s19, s24, $0xb8;
	[tilespmem:$0x1E000] =	vst v63  }
0x95: {  	s18 =	simm.s32 $0x200  }
0x96: {  	[tilespmem:s0], [sflag:$0x5] =	stream.indirect.gather [hbm4b:s2+s24], $0x40, s18, s24, $0xb8;
	[tilespmem:$0x1E000] =	vst v63  }
0x97: {  	_ =	swait.ge [sflag:s1], $0x2000  }
0x98: {  	[sflag:s1] =	ssyncset.done $0x0  }
0x99: {  	s19 =	simm.s32 $0x5000;
	[sflag:s1] =	ssyncadd.s32 $0xFFFFE000  }
0x9a: {  	[spmem:s3] =	stream.indirect.scatter.add.f32 [tilespmem:s21], [sflag:$0x6], $0x40, s19, s24, $0xb8;
	[tilespmem:$0x1E000] =	vst v63  }
0x9b: {  	_ =	swait.ge [sflag:s6], $0x2000  }
0x9c: {  	[sflag:s6] =	ssyncset.done $0x0  }
0x9d: {  	s18 =	simm.s32 $0x5080;
	[sflag:s6] =	ssyncadd.s32 $0xFFFFE000  }
0x9e: {  	[spmem:s3] =	stream.indirect.scatter.add.f32 [tilespmem:s25], [sflag:$0x7], $0x40, s18, s24, $0xb8;
	[tilespmem:$0x1E000] =	vst v63  }
0x9f: {  	_ =	swait.ge [sflag:s7], $0x2000  }
0xa0: {  	[sflag:s7] =	ssyncset.done $0x0  }
0xa1: {  	s19 =	simm.s32 $0x5100;
	[sflag:s7] =	ssyncadd.s32 $0xFFFFE000  }
0xa2: {  	[spmem:s3] =	stream.indirect.scatter.add.f32 [tilespmem:s28], [sflag:$0x8], $0x40, s19, s24, $0xb8;
	[tilespmem:$0x1E000] =	vst v63  }
0xa3: {  	_ =	swait.ge [sflag:s23], $0x2000  }
0xa4: {  	[sflag:s23] =	ssyncset.done $0x0  }
0xa5: {  	s18 =	simm.s32 $0x5180;
	[sflag:s23] =	ssyncadd.s32 $0xFFFFE000  }
0xa6: {  	[spmem:s3] =	stream.indirect.scatter.add.f32 [tilespmem:s30], [sflag:$0x9], $0x40, s18, s24, $0xb8;
	[tilespmem:$0x1E000] =	vst v63  }
0xa7: {  	_ =	swait.ge [sflag:s26], $0x2000  }
0xa8: {  	[sflag:s26] =	ssyncset.done $0x0  }
0xa9: {  	s19 =	simm.s32 $0x5200;
	[sflag:s26] =	ssyncadd.s32 $0xFFFFE000  }
0xaa: {  	[spmem:s3] =	stream.indirect.scatter.add.f32 [tilespmem:s0], [sflag:$0xA], $0x40, s19, s24, $0xb8;
	[tilespmem:$0x1E000] =	vst v63  }
0xab: {  	_ =	swait.ge [sflag:s29], $0x2000  }
0xac: {  	[sflag:s29] =	ssyncset.done $0x0  }
0xad: {  	s18 =	simm.s32 $0x280;
	[sflag:s29] =	ssyncadd.s32 $0xFFFFE000  }
0xae: {  	[tilespmem:s21], [sflag:$0x1] =	stream.indirect.gather [hbm4b:s2+s24], $0x40, s18, s24, $0xb8;
	[tilespmem:$0x1E000] =	vst v63  }
0xaf: {  	_ =	swait.ge [sflag:s31], $0x2000  }
0xb0: {  	[sflag:s31] =	ssyncset.done $0x0  }
0xb1: {  	s19 =	simm.s32 $0x300;
	[sflag:s31] =	ssyncadd.s32 $0xFFFFE000  }
0xb2: {  	[tilespmem:s25], [sflag:$0x2] =	stream.indirect.gather [hbm4b:s2+s24], $0x40, s19, s24, $0xb8;
	[tilespmem:$0x1E000] =	vst v63  }
0xb3: {  	_ =	swait.ge [sflag:s13], $0x2000  }
0xb4: {  	[sflag:s13] =	ssyncset.done $0x0  }
0xb5: {  	s18 =	simm.s32 $0x380;
	[sflag:s13] =	ssyncadd.s32 $0xFFFFE000  }
0xb6: {  	[tilespmem:s28], [sflag:$0x3] =	stream.indirect.gather [hbm4b:s2+s24], $0x40, s18, s24, $0xb8;
	[tilespmem:$0x1E000] =	vst v63  }
0xb7: {  	_ =	swait.ge [sflag:s14], $0x2000  }
0xb8: {  	[sflag:s14] =	ssyncset.done $0x0  }
0xb9: {  	s19 =	simm.s32 $0x400;
	[sflag:s14] =	ssyncadd.s32 $0xFFFFE000  }
0xba: {  	[tilespmem:s30], [sflag:$0x4] =	stream.indirect.gather [hbm4b:s2+s24], $0x40, s19, s24, $0xb8;
	[tilespmem:$0x1E000] =	vst v63  }
0xbb: {  	_ =	swait.ge [sflag:s15], $0x2000  }
0xbc: {  	[sflag:s15] =	ssyncset.done $0x0  }
0xbd: {  	s17 =	simm.s32 $0xA00;
	s18 =	simm.s32 $0x480;
	[sflag:s15] =	ssyncadd.s32 $0xFFFFE000  }
.LBB2_5:
0xbe: {  	[tilespmem:s0], [sflag:$0x5] =	stream.indirect.gather [hbm4b:s2+s24], $0x40, s18, s24, $0xb8;
	[tilespmem:$0x1E000] =	vst v63  }
0xbf: {  	s18 =	smov.u32 s17  }
0xc0: {  	p1 =	seq.s32 s17, $0x12C00;
	s17 =	sadd.s32 $0xA00, s17;
	_ =	swait.ge [sflag:s1], $0x2000  }
0xc1: {  	s18 =	sshra.s32 s18, $0x2;
	[sflag:s1] =	ssyncset.done $0x0  }
0xc2: {  	s19 =	sadd.s32 $0x5000, s18;
	[sflag:s1] =	ssyncadd.s32 $0xFFFFE000  }
0xc3: {  	[spmem:s3] =	stream.indirect.scatter.add.f32 [tilespmem:s21], [sflag:$0x6], $0x40, s19, s24, $0xb8;
	[tilespmem:$0x1E000] =	vst v63  }
0xc4: {  	_ =	swait.ge [sflag:s6], $0x2000  }
0xc5: {  	[sflag:s6] =	ssyncset.done $0x0  }
0xc6: {  	s19 =	sadd.s32 $0x5080, s18;
	[sflag:s6] =	ssyncadd.s32 $0xFFFFE000  }
0xc7: {  	[spmem:s3] =	stream.indirect.scatter.add.f32 [tilespmem:s25], [sflag:$0x7], $0x40, s19, s24, $0xb8;
	[tilespmem:$0x1E000] =	vst v63  }
0xc8: {  	_ =	swait.ge [sflag:s7], $0x2000  }
0xc9: {  	[sflag:s7] =	ssyncset.done $0x0  }
0xca: {  	s19 =	sadd.s32 $0x5100, s18;
	[sflag:s7] =	ssyncadd.s32 $0xFFFFE000  }
0xcb: {  	[spmem:s3] =	stream.indirect.scatter.add.f32 [tilespmem:s28], [sflag:$0x8], $0x40, s19, s24, $0xb8;
	[tilespmem:$0x1E000] =	vst v63  }
0xcc: {  	_ =	swait.ge [sflag:s23], $0x2000  }
0xcd: {  	[sflag:s23] =	ssyncset.done $0x0  }
0xce: {  	s19 =	sadd.s32 $0x5180, s18;
	[sflag:s23] =	ssyncadd.s32 $0xFFFFE000  }
0xcf: {  	[spmem:s3] =	stream.indirect.scatter.add.f32 [tilespmem:s30], [sflag:$0x9], $0x40, s19, s24, $0xb8;
	[tilespmem:$0x1E000] =	vst v63  }
0xd0: {  	_ =	swait.ge [sflag:s26], $0x2000  }
0xd1: {  	[sflag:s26] =	ssyncset.done $0x0  }
0xd2: {  	s19 =	sadd.s32 $0x5200, s18;
	[sflag:s26] =	ssyncadd.s32 $0xFFFFE000  }
0xd3: {  	[spmem:s3] =	stream.indirect.scatter.add.f32 [tilespmem:s0], [sflag:$0xA], $0x40, s19, s24, $0xb8;
	[tilespmem:$0x1E000] =	vst v63  }
0xd4: {  	_ =	swait.ge [sflag:s29], $0x2000  }
0xd5: {  	[sflag:s29] =	ssyncset.done $0x0  }
0xd6: {  	s19 =	sadd.s32 $0x280, s18;
	[sflag:s29] =	ssyncadd.s32 $0xFFFFE000  }
0xd7: {  	[tilespmem:s21], [sflag:$0x1] =	stream.indirect.gather [hbm4b:s2+s24], $0x40, s19, s24, $0xb8;
	[tilespmem:$0x1E000] =	vst v63  }
0xd8: {  	_ =	swait.ge [sflag:s31], $0x2000  }
0xd9: {  	[sflag:s31] =	ssyncset.done $0x0  }
0xda: {  	s19 =	sadd.s32 $0x300, s18;
	[sflag:s31] =	ssyncadd.s32 $0xFFFFE000  }
0xdb: {  	[tilespmem:s25], [sflag:$0x2] =	stream.indirect.gather [hbm4b:s2+s24], $0x40, s19, s24, $0xb8;
	[tilespmem:$0x1E000] =	vst v63  }
0xdc: {  	_ =	swait.ge [sflag:s13], $0x2000  }
0xdd: {  	[sflag:s13] =	ssyncset.done $0x0  }
0xde: {  	s19 =	sadd.s32 $0x380, s18;
	[sflag:s13] =	ssyncadd.s32 $0xFFFFE000  }
0xdf: {  	[tilespmem:s28], [sflag:$0x3] =	stream.indirect.gather [hbm4b:s2+s24], $0x40, s19, s24, $0xb8;
	[tilespmem:$0x1E000] =	vst v63  }
0xe0: {  	_ =	swait.ge [sflag:s14], $0x2000  }
0xe1: {  	[sflag:s14] =	ssyncset.done $0x0  }
.Ltmp4:
0xe2: {  	s19 =	sadd.s32 $0x400, s18;
	[sflag:s14] =	ssyncadd.s32 $0xFFFFE000;
	(pc) =	sbr.rel @!p1 .LBB2_5-.Ltmp4, $4  }
0xe3: {  	[tilespmem:s30], [sflag:$0x4] =	stream.indirect.gather [hbm4b:s2+s24], $0x40, s19, s24, $0xb8;
	[tilespmem:$0x1E000] =	vst v63  }
0xe4: {  	_ =	swait.ge [sflag:s15], $0x2000  }
0xe5: {  	[sflag:s15] =	ssyncset.done $0x0  }
0xe6: {  	s18 =	sadd.s32 $0x480, s18;
	[sflag:s15] =	ssyncadd.s32 $0xFFFFE000  }
.Ltmp5:
0xe7: {  	(pc) =	sbr.rel .LBB2_10-.Ltmp5, $3  }
0xe8: {  	_ =	sdelay $0x1  }
0xe9: {  	[tilespmem:s0], [sflag:$0x5] =	stream.indirect.gather [hbm4b:s2+s24], $0x40, s18, s24, $0xb8;
	[tilespmem:$0x1E000] =	vst v63  }
0xea: {  	s17 =	rddreg [dreg:$0x4]  }
.LBB2_7:
0xeb: {  	[tilespmem:s21], [sflag:$0x1] =	stream.indirect.gather [hbm4b:s5+s24], $0x40, s17, s24, $0xb8;
	[tilespmem:$0x1E000] =	vst v63  }
0xec: {  	_ = 	snop  }
0xed: {  	[tilespmem:s25], [sflag:$0x2] =	stream.indirect.gather [hbm4b:s5+s24], $0x40, s24, s24, $0xb8;
	[tilespmem:$0x1E000] =	vst v63  }
0xee: {  	s18 =	simm.s32 $0x100  }
0xef: {  	[tilespmem:s28], [sflag:$0x3] =	stream.indirect.gather [hbm4b:s5+s24], $0x40, s18, s24, $0xb8;
	[tilespmem:$0x1E000] =	vst v63  }
0xf0: {  	s19 =	simm.s32 $0x180  }
0xf1: {  	[tilespmem:s30], [sflag:$0x4] =	stream.indirect.gather [hbm4b:s5+s24], $0x40, s19, s24, $0xb8;
	[tilespmem:$0x1E000] =	vst v63  }
0xf2: {  	s18 =	simm.s32 $0x200  }
0xf3: {  	[tilespmem:s0], [sflag:$0x5] =	stream.indirect.gather [hbm4b:s5+s24], $0x40, s18, s24, $0xb8;
	[tilespmem:$0x1E000] =	vst v63  }
0xf4: {  	_ =	swait.ge [sflag:s1], $0x2000  }
0xf5: {  	[sflag:s1] =	ssyncset.done $0x0  }
0xf6: {  	s19 =	simm.s32 $0x5000;
	[sflag:s1] =	ssyncadd.s32 $0xFFFFE000  }
0xf7: {  	[spmem:s3] =	stream.indirect.scatter.add.f32 [tilespmem:s21], [sflag:$0x6], $0x40, s19, s24, $0xb8;
	[tilespmem:$0x1E000] =	vst v63  }
0xf8: {  	_ =	swait.ge [sflag:s6], $0x2000  }
0xf9: {  	[sflag:s6] =	ssyncset.done $0x0  }
0xfa: {  	s18 =	simm.s32 $0x5080;
	[sflag:s6] =	ssyncadd.s32 $0xFFFFE000  }
0xfb: {  	[spmem:s3] =	stream.indirect.scatter.add.f32 [tilespmem:s25], [sflag:$0x7], $0x40, s18, s24, $0xb8;
	[tilespmem:$0x1E000] =	vst v63  }
0xfc: {  	_ =	swait.ge [sflag:s7], $0x2000  }
0xfd: {  	[sflag:s7] =	ssyncset.done $0x0  }
0xfe: {  	s19 =	simm.s32 $0x5100;
	[sflag:s7] =	ssyncadd.s32 $0xFFFFE000  }
0xff: {  	[spmem:s3] =	stream.indirect.scatter.add.f32 [tilespmem:s28], [sflag:$0x8], $0x40, s19, s24, $0xb8;
	[tilespmem:$0x1E000] =	vst v63  }
0x100: {  	_ =	swait.ge [sflag:s23], $0x2000  }
0x101: {  	[sflag:s23] =	ssyncset.done $0x0  }
0x102: {  	s18 =	simm.s32 $0x5180;
	[sflag:s23] =	ssyncadd.s32 $0xFFFFE000  }
0x103: {  	[spmem:s3] =	stream.indirect.scatter.add.f32 [tilespmem:s30], [sflag:$0x9], $0x40, s18, s24, $0xb8;
	[tilespmem:$0x1E000] =	vst v63  }
0x104: {  	_ =	swait.ge [sflag:s26], $0x2000  }
0x105: {  	[sflag:s26] =	ssyncset.done $0x0  }
0x106: {  	s19 =	simm.s32 $0x5200;
	[sflag:s26] =	ssyncadd.s32 $0xFFFFE000  }
0x107: {  	[spmem:s3] =	stream.indirect.scatter.add.f32 [tilespmem:s0], [sflag:$0xA], $0x40, s19, s24, $0xb8;
	[tilespmem:$0x1E000] =	vst v63  }
0x108: {  	_ =	swait.ge [sflag:s29], $0x2000  }
0x109: {  	[sflag:s29] =	ssyncset.done $0x0  }
0x10a: {  	s18 =	simm.s32 $0x280;
	[sflag:s29] =	ssyncadd.s32 $0xFFFFE000  }
0x10b: {  	[tilespmem:s21], [sflag:$0x1] =	stream.indirect.gather [hbm4b:s5+s24], $0x40, s18, s24, $0xb8;
	[tilespmem:$0x1E000] =	vst v63  }
0x10c: {  	_ =	swait.ge [sflag:s31], $0x2000  }
0x10d: {  	[sflag:s31] =	ssyncset.done $0x0  }
0x10e: {  	s19 =	simm.s32 $0x300;
	[sflag:s31] =	ssyncadd.s32 $0xFFFFE000  }
0x10f: {  	[tilespmem:s25], [sflag:$0x2] =	stream.indirect.gather [hbm4b:s5+s24], $0x40, s19, s24, $0xb8;
	[tilespmem:$0x1E000] =	vst v63  }
0x110: {  	_ =	swait.ge [sflag:s13], $0x2000  }
0x111: {  	[sflag:s13] =	ssyncset.done $0x0  }
0x112: {  	s18 =	simm.s32 $0x380;
	[sflag:s13] =	ssyncadd.s32 $0xFFFFE000  }
0x113: {  	[tilespmem:s28], [sflag:$0x3] =	stream.indirect.gather [hbm4b:s5+s24], $0x40, s18, s24, $0xb8;
	[tilespmem:$0x1E000] =	vst v63  }
0x114: {  	_ =	swait.ge [sflag:s14], $0x2000  }
0x115: {  	[sflag:s14] =	ssyncset.done $0x0  }
0x116: {  	s19 =	simm.s32 $0x400;
	[sflag:s14] =	ssyncadd.s32 $0xFFFFE000  }
0x117: {  	[tilespmem:s30], [sflag:$0x4] =	stream.indirect.gather [hbm4b:s5+s24], $0x40, s19, s24, $0xb8;
	[tilespmem:$0x1E000] =	vst v63  }
0x118: {  	_ =	swait.ge [sflag:s15], $0x2000  }
0x119: {  	[sflag:s15] =	ssyncset.done $0x0  }
0x11a: {  	s17 =	simm.s32 $0xA00;
	s18 =	simm.s32 $0x480;
	[sflag:s15] =	ssyncadd.s32 $0xFFFFE000  }
.LBB2_8:
0x11b: {  	[tilespmem:s0], [sflag:$0x5] =	stream.indirect.gather [hbm4b:s5+s24], $0x40, s18, s24, $0xb8;
	[tilespmem:$0x1E000] =	vst v63  }
0x11c: {  	s18 =	smov.u32 s17  }
0x11d: {  	p1 =	sne.s32 s17, $0x12C00;
	s17 =	sadd.s32 $0xA00, s17;
	_ =	swait.ge [sflag:s1], $0x2000  }
0x11e: {  	s18 =	sshra.s32 s18, $0x2;
	[sflag:s1] =	ssyncset.done $0x0  }
0x11f: {  	s19 =	sadd.s32 $0x5000, s18;
	[sflag:s1] =	ssyncadd.s32 $0xFFFFE000  }
0x120: {  	[spmem:s3] =	stream.indirect.scatter.add.f32 [tilespmem:s21], [sflag:$0x6], $0x40, s19, s24, $0xb8;
	[tilespmem:$0x1E000] =	vst v63  }
0x121: {  	_ =	swait.ge [sflag:s6], $0x2000  }
0x122: {  	[sflag:s6] =	ssyncset.done $0x0  }
0x123: {  	s19 =	sadd.s32 $0x5080, s18;
	[sflag:s6] =	ssyncadd.s32 $0xFFFFE000  }
0x124: {  	[spmem:s3] =	stream.indirect.scatter.add.f32 [tilespmem:s25], [sflag:$0x7], $0x40, s19, s24, $0xb8;
	[tilespmem:$0x1E000] =	vst v63  }
0x125: {  	_ =	swait.ge [sflag:s7], $0x2000  }
0x126: {  	[sflag:s7] =	ssyncset.done $0x0  }
0x127: {  	s19 =	sadd.s32 $0x5100, s18;
	[sflag:s7] =	ssyncadd.s32 $0xFFFFE000  }
0x128: {  	[spmem:s3] =	stream.indirect.scatter.add.f32 [tilespmem:s28], [sflag:$0x8], $0x40, s19, s24, $0xb8;
	[tilespmem:$0x1E000] =	vst v63  }
0x129: {  	_ =	swait.ge [sflag:s23], $0x2000  }
0x12a: {  	[sflag:s23] =	ssyncset.done $0x0  }
0x12b: {  	s19 =	sadd.s32 $0x5180, s18;
	[sflag:s23] =	ssyncadd.s32 $0xFFFFE000  }
0x12c: {  	[spmem:s3] =	stream.indirect.scatter.add.f32 [tilespmem:s30], [sflag:$0x9], $0x40, s19, s24, $0xb8;
	[tilespmem:$0x1E000] =	vst v63  }
0x12d: {  	_ =	swait.ge [sflag:s26], $0x2000  }
0x12e: {  	[sflag:s26] =	ssyncset.done $0x0  }
0x12f: {  	s19 =	sadd.s32 $0x5200, s18;
	[sflag:s26] =	ssyncadd.s32 $0xFFFFE000  }
0x130: {  	[spmem:s3] =	stream.indirect.scatter.add.f32 [tilespmem:s0], [sflag:$0xA], $0x40, s19, s24, $0xb8;
	[tilespmem:$0x1E000] =	vst v63  }
0x131: {  	_ =	swait.ge [sflag:s29], $0x2000  }
0x132: {  	[sflag:s29] =	ssyncset.done $0x0  }
0x133: {  	s19 =	sadd.s32 $0x280, s18;
	[sflag:s29] =	ssyncadd.s32 $0xFFFFE000  }
0x134: {  	[tilespmem:s21], [sflag:$0x1] =	stream.indirect.gather [hbm4b:s5+s24], $0x40, s19, s24, $0xb8;
	[tilespmem:$0x1E000] =	vst v63  }
0x135: {  	_ =	swait.ge [sflag:s31], $0x2000  }
0x136: {  	[sflag:s31] =	ssyncset.done $0x0  }
0x137: {  	s19 =	sadd.s32 $0x300, s18;
	[sflag:s31] =	ssyncadd.s32 $0xFFFFE000  }
0x138: {  	[tilespmem:s25], [sflag:$0x2] =	stream.indirect.gather [hbm4b:s5+s24], $0x40, s19, s24, $0xb8;
	[tilespmem:$0x1E000] =	vst v63  }
0x139: {  	_ =	swait.ge [sflag:s13], $0x2000  }
0x13a: {  	[sflag:s13] =	ssyncset.done $0x0  }
0x13b: {  	s19 =	sadd.s32 $0x380, s18;
	[sflag:s13] =	ssyncadd.s32 $0xFFFFE000  }
0x13c: {  	[tilespmem:s28], [sflag:$0x3] =	stream.indirect.gather [hbm4b:s5+s24], $0x40, s19, s24, $0xb8;
	[tilespmem:$0x1E000] =	vst v63  }
0x13d: {  	_ =	swait.ge [sflag:s14], $0x2000  }
0x13e: {  	[sflag:s14] =	ssyncset.done $0x0  }
.Ltmp6:
0x13f: {  	s19 =	sadd.s32 $0x400, s18;
	[sflag:s14] =	ssyncadd.s32 $0xFFFFE000;
	(pc) =	sbr.rel @p1 .LBB2_8-.Ltmp6, $4  }
0x140: {  	[tilespmem:s30], [sflag:$0x4] =	stream.indirect.gather [hbm4b:s5+s24], $0x40, s19, s24, $0xb8;
	[tilespmem:$0x1E000] =	vst v63  }
0x141: {  	_ =	swait.ge [sflag:s15], $0x2000  }
0x142: {  	[sflag:s15] =	ssyncset.done $0x0  }
0x143: {  	s18 =	sadd.s32 $0x480, s18;
	[sflag:s15] =	ssyncadd.s32 $0xFFFFE000  }
.Ltmp7:
0x144: {  	_ = 	snop;
	(pc) =	sbr.rel .LBB2_9-.Ltmp7, $1  }
0x145: {  	_ =	sdelay $0x3  }
.LBB2_11:
0x146: {  	_ =	sfence.sel $0x180000  }
0x147: {  	[bflag:$0x0] =	sbarrier.arrive $0xFFFF  }
0x148: {  	_ =	strace $0x9000004D  }
0x149: {  	s0 =	stileid.u32;
	[bflag:$0x2] =	sbarrier.arrive $0xFFFF  }
0x14a: {  	p0 =	sne.s32 s0, $0x0;
	s0 =	rddreg [dreg:$0x3]  }
0x14b: {  	s0 =	sadd.s32 @!p0 $0x100000, s0  }
0x14c: {  	[sflag:s0] =	ssyncadd.tile.s32 @!p0 $0x1;
	_ =	shalt  }
.Lfunc_end2:
_tile_overlayer_lowered:
.L_overlay_start_2:
0x14d: {  	(tag) =	ssettag $0x2  }
0x14e: {  	s0 =	rddreg [dreg:$0x0];
	s2 =	stileid.u32  }
0x14f: {  	s1 =	rddreg [dreg:$0x1];
	p0 =	sne.s32 s2, $0x0  }
0x150: {  	s3 =	rddreg [dreg:$0x2];
	[bflag:$0x3] =	sbarrier.arrive $0xFFFF;
	s2 =	simm.s32 @!p0 $0x1C0B  }
0x151: {  	[timem:s3], [sflag:s2] =	dma.local @!p0 [hbm:s0], s1  }
0x152: {  	s0 =	simm.s32 @!p0 $0xB  }
0x153: {  	_ =	swait.ge @!p0 [sflag:s0], s1  }
0x154: {  	s1 =	ssub.s32 @!p0 $0x0, s1;
	[sflag:s0] =	ssyncset.done @!p0 $0x0  }
0x155: {  	[sflag:s0] =	ssyncadd.s32 @!p0 s1  }
0x156: {  	[bflag:$0x3] =	sbarrier.arrive $0xFFFF  }
0x157: {  	_ =	shalt  }

// kernel: kernel.8.cloned.1.call-start
scs
__scs_entry_jumppad:
0x0: {  	(pc) =	sbr.rel $0x88, $3  }
0x1: {  	(tag) =	ssettag $0x0;
	lr =	simm.s32 $0x1  }
0x2: {  	[smem:$0x3F9B] =	sst lr;
	_ =	strace $0xD0000000  }
0x3: {  	_ = 	snop  }
0x4: {  	_ = 	snop  }
0x5: {  	_ = 	snop  }
0x6: {  	_ = 	snop  }
0x7: {  	_ = 	snop  }
__scs_overlays_trampoline_lowered:
0x8: {  	[smem:$0x3FAA] =	sst s0  }
0x9: {  	[smem:$0x3FAB] =	sst s1  }
0xa: {  	[smem:$0x3FAC] =	sst s2  }
0xb: {  	[smem:$0x3FAD] =	sst s3  }
0xc: {  	[smem:$0x3FAE] =	sst s4  }
0xd: {  	[smem:$0x3FAF] =	sst s5  }
0xe: {  	[smem:$0x3FB0] =	sst s6  }
0xf: {  	[smem:$0x3FB1] =	sst s7  }
0x10: {  	[smem:$0x3FB2] =	sst s8  }
0x11: {  	[smem:$0x3FB3] =	sst s9;
	s0 =	simm.s32 @!p0 $0x0  }
0x12: {  	s1 =	sld [smem:$0x3F99];
	s0 =	simm.s32 @p0 $0x1  }
0x13: {  	[smem:$0x3FB4] =	sst s0;
	s0 =	simm.s32 @!p1 $0x0  }
0x14: {  	s2 =	sld [smem:$0x3F98];
	s0 =	simm.s32 @p1 $0x1  }
0x15: {  	[smem:$0x3FB5] =	sst s0;
	s0 =	simm.s32 @!p2 $0x0  }
0x16: {  	s3 =	sld [smem:$0x3FDB];
	s0 =	simm.s32 @p2 $0x1  }
0x17: {  	s4 =	simm.s32 $0x1BF5;
	[smem:$0x3FB7] =	sst s0  }
0x18: {  	s0 =	sld [smem:$0x3F9A];
	_ =	swait.ge [sflag:s4], $0x0  }
0x19: {  	s7 =	sld [smem:$0x3F9B]  }
0x1a: {  	s8 =	sadd.s32 $0xFFFFE003, lr  }
0x1b: {  	s9 =	sadd.s32 $0xFFFFFEF7, lr;
	s5 =	simm.s32 $0xFFFFFFFF;
	p2 =	slt.u32 s8, $0xFFFFF086  }
0x1c: {  	p1 =	slt.u32 s9, $0xF7A;
	s5 =	simm.s32 @!p2 $0x0  }
0x1d: {  	s5 =	simm.s32 @p1 $0x1;
	p0 =	seq.s32 s7, s2  }
0x1e: {  	s7 =	smul.u32 @!p0 $0xF7A, s2;
	p2 =	seq.s32 @!p0 s5, $0x0  }
0x1f: {  	s9 =	smul.u32 $0xF7A, s1;
	s8 =	simm.s32 @!p0 $0x1BF5;
	p2 =	por !p2, p0  }
0x20: {  	[sflag:s8] =	ssyncset.s32 @!p0 $0xFFFFF086;
	s6 =	sadd.s32 @!p0 s3, s7;
	s7 =	simm.s32 @!p0 $0x108  }
0x21: {  	s3 =	sadd.s32 s3, s9;
	s6 =	sadd.s32 @!p0 $0x88, s6;
	s7 =	simm.s32 @p2 $0x1082  }
0x22: {  	[simem:s7], [sflag:s8] =	dma.local @!p0 [hbm:s6], $0xF7A  }
0x23: {  	s9 =	sor.u32 $0xD0000000, s2;
	s6 =	simm.s32 $0x108;
	_ =	swait.ge @!p0 [sflag:s8], $0x0  }
0x24: {  	s3 =	sadd.s32 $0x88, s3;
	s6 =	simm.s32 @!p1 $0x1082;
	[sflag:s4] =	ssyncset.s32 $0xFFFFF086  }
0x25: {  	[simem:s6], [sflag:s4] =	dma.local [hbm:s3], $0xF7A  }
0x26: {  	[smem:$0x3F9B] =	sst s1;
	(tag) =	ssettag s2;
	_ =	strace s9  }
0x27: {  	s1 =	sld [smem:$0x3FAB]  }
0x28: {  	s2 =	sld [smem:$0x3FAC]  }
0x29: {  	s4 =	sld [smem:$0x3FAE]  }
0x2a: {  	p0 =	seq.s32 s5, $0x0;
	s5 =	sld [smem:$0x3FAF]  }
0x2b: {  	s6 =	sld [smem:$0x3FB0]  }
0x2c: {  	s7 =	sld [smem:$0x3FB1]  }
0x2d: {  	s3 =	simm.s32 $0x108;
	s8 =	sld [smem:$0x3FB2]  }
0x2e: {  	s3 =	simm.s32 @!p0 $0x1082;
	s9 =	sld [smem:$0x3FB3]  }
0x2f: {  	lr =	sadd.s32 s0, s3;
	s0 =	sld [smem:$0x3FAA]  }
0x30: {  	s3 =	sld [smem:$0x3FAD]  }
0x31: {  	[smem:$0x3FB6] =	sst s10  }
0x32: {  	s10 =	sld [smem:$0x3FB4];
	_ =	sdelay $0x3  }
0x33: {  	p0 =	seq.s32 s10, $0x1;
	s10 =	sld [smem:$0x3FB6];
	_ =	sdelay $0x3  }
0x34: {  	[smem:$0x3FB6] =	sst s10  }
0x35: {  	s10 =	sld [smem:$0x3FB5];
	_ =	sdelay $0x3  }
0x36: {  	p1 =	seq.s32 s10, $0x1;
	s10 =	sld [smem:$0x3FB6];
	_ =	sdelay $0x3  }
0x37: {  	[smem:$0x3FB6] =	sst s10  }
0x38: {  	s10 =	sld [smem:$0x3FB7]  }
0x39: {  	_ = 	snop;
	(pc) =	sbr.ind lr, $3  }
0x3a: {  	_ = 	snop  }
0x3b: {  	_ = 	snop  }
0x3c: {  	p2 =	seq.s32 s10, $0x1;
	s10 =	sld [smem:$0x3FB6]  }
0x3d: {  	_ =	shalt  }
0x3e: {  	_ =	shalt  }
0x3f: {  	_ =	shalt  }
0x40: {  	_ =	shalt  }
0x41: {  	_ =	shalt  }
0x42: {  	_ =	shalt  }
0x43: {  	_ =	shalt  }
0x44: {  	_ =	shalt  }
0x45: {  	_ =	shalt  }
0x46: {  	_ =	shalt  }
0x47: {  	_ =	shalt  }
0x48: {  	_ =	shalt  }
0x49: {  	_ =	shalt  }
0x4a: {  	_ =	shalt  }
0x4b: {  	_ =	shalt  }
0x4c: {  	_ =	shalt  }
0x4d: {  	_ =	shalt  }
0x4e: {  	_ =	shalt  }
0x4f: {  	_ =	shalt  }
0x50: {  	_ =	shalt  }
0x51: {  	_ =	shalt  }
0x52: {  	_ =	shalt  }
0x53: {  	_ =	shalt  }
0x54: {  	_ =	shalt  }
0x55: {  	_ =	shalt  }
0x56: {  	_ =	shalt  }
0x57: {  	_ =	shalt  }
0x58: {  	_ =	shalt  }
0x59: {  	_ =	shalt  }
0x5a: {  	_ =	shalt  }
0x5b: {  	_ =	shalt  }
0x5c: {  	_ =	shalt  }
0x5d: {  	_ =	shalt  }
0x5e: {  	_ =	shalt  }
0x5f: {  	_ =	shalt  }
0x60: {  	_ =	shalt  }
0x61: {  	_ =	shalt  }
0x62: {  	_ =	shalt  }
0x63: {  	_ =	shalt  }
0x64: {  	_ =	shalt  }
0x65: {  	_ =	shalt  }
0x66: {  	_ =	shalt  }
0x67: {  	_ =	shalt  }
0x68: {  	_ =	shalt  }
0x69: {  	_ =	shalt  }
0x6a: {  	_ =	shalt  }
0x6b: {  	_ =	shalt  }
0x6c: {  	_ =	shalt  }
0x6d: {  	_ =	shalt  }
0x6e: {  	_ =	shalt  }
0x6f: {  	_ =	shalt  }
0x70: {  	_ =	shalt  }
0x71: {  	_ =	shalt  }
0x72: {  	_ =	shalt  }
0x73: {  	_ =	shalt  }
0x74: {  	_ =	shalt  }
0x75: {  	_ =	shalt  }
0x76: {  	_ =	shalt  }
0x77: {  	_ =	shalt  }
0x78: {  	_ =	shalt  }
0x79: {  	_ =	shalt  }
0x7a: {  	_ =	shalt  }
0x7b: {  	_ =	shalt  }
0x7c: {  	_ =	shalt  }
0x7d: {  	_ =	shalt  }
0x7e: {  	_ =	shalt  }
0x7f: {  	_ =	shalt  }
0x80: {  	_ =	shalt  }
0x81: {  	_ =	shalt  }
0x82: {  	_ =	shalt  }
0x83: {  	_ =	shalt  }
0x84: {  	_ =	shalt  }
0x85: {  	_ =	shalt  }
0x86: {  	_ =	shalt  }
0x87: {  	_ =	shalt  }
.Lfunc_end0:
.L_simem_size_0:
called_computation_lowered:
.L_overlay_start_0:
0x88: {  	s2 =	sld [smem:$0x3FD9]  }
0x89: {  	s3 =	sld [smem:$0x3FFE];
	_ =	sdelay $0x1  }
0x8a: {  	s1 =	srdreg.scid  }
0x8b: {  	s0 =	sand.u32 $0x1, s1  }
0x8c: {  	s17 =	sshll.u32 s0, $0xA;
	s2 =	sadd.s32 s3, s2  }
0x8d: {  	s2 =	sadd.s32 s2, s17  }
0x8e: {  	[smem:$0x3FC2] =	sst s2  }
0x8f: {  	_ = 	snop  }
0x90: {  	s2 =	sld [smem:$0x3FD0];
	(tm) =	ssettm $0x1  }
0x91: {  	s18 =	sld [smem:$0x3FFB];
	_ =	sdelay $0x3  }
0x92: {  	_ =	strace s18  }
0x93: {  	s3 =	sld [smem:$0x3FFC];
	_ =	sdelay $0x3  }
0x94: {  	_ =	strace s3  }
0x95: {  	s3 =	sld [smem:$0x3FFD];
	_ =	sdelay $0x3  }
0x96: {  	_ =	strace s3  }
0x97: {  	_ =	strace $0x8FFFFFFF  }
0x98: {  	s19 =	sld [smem:$0x3FDB];
	_ =	sdelay $0x1  }
0x99: {  	s4 =	simm.s32 $_scs_section_size  }
0x9a: {  	s5 =	simm.s32 $_size__tile_overlayer_lowered;
	s6 =	simm.s32 $_tile_overlayer_lowered  }
0x9b: {  	s22 =	simm.s32 $0x1BFF;
	s21 =	sshll.u32 s6, $0x1;
	s3 =	sadd.s32 s4, s19  }
0x9c: {  	s7 =	simm.s32 $0x0;
	s20 =	sshll.u32 s5, $0x1;
	s5 =	sadd.s32 s21, s3  }
0x9d: {  	[timem:s7], [sflag:s22] =	dma.local [hbm:s5], s20  }
0x9e: {  	_ =	swait.ge [sflag:s22], s20  }
0x9f: {  	s4 =	ssub.s32 $0x0, s20;
	[sflag:s22] =	ssyncset.done $0x0  }
0xa0: {  	[sflag:s22] =	ssyncadd.s32 s4;
	_ =	sdelay $0x1  }
0xa1: {  	s23 =	simm.s32 $0x1B8B  }
0xa2: {  	_ =	swait.ge [sflag:s23], $0x1  }
0xa3: {  	[sflag:s23] =	ssyncset.done $0x0  }
0xa4: {  	s25 =	simm.s32 $0x1B8E;
	s24 =	sld [smem:$0x3FFE];
	[sflag:s23] =	ssyncadd.s32 $0xFFFFFFFF  }
0xa5: {  	s26 =	simm.s32 $execute0_lowered;
	[smem:$0x3FD2] =	sst s25  }
0xa6: {  	s5 =	sshll.u32 s26, $0x1;
	_ =	strace $0x80000046;
	[dreg:$0x1] =	wrdreg $0xFFFFFFFF  }
0xa7: {  	s28 =	simm.s32 $_size_execute0_lowered;
	s3 =	sadd.s32 s3, s5;
	[dreg:$0x0] =	wrdreg $0x0  }
0xa8: {  	s5 =	sshll.u32 s28, $0x1;
	[dreg:$0x2] =	wrdreg s3  }
0xa9: {  	[dreg:$0x3] =	wrdreg s5  }
0xaa: {  	[dreg:$0x4] =	wrdreg $0xC0  }
0xab: {  	_ =	task [dreg:s7], $0x5FFFF  }
0xac: {  	[dreg:$0x1] =	wrdreg $0xFFFFFFFF  }
0xad: {  	[dreg:$0x0] =	wrdreg $0x60  }
0xae: {  	[dreg:$0x2] =	wrdreg s2  }
0xaf: {  	[dreg:$0x3] =	wrdreg s24  }
0xb0: {  	[dreg:$0x4] =	wrdreg $0x9  }
0xb1: {  	_ =	task.clear_ibuf [dreg:s7], $0x5FFFF;
	_ =	strace $0x90000046  }
0xb2: {  	s29 =	simm.s32 $0x9;
	_ =	strace $0x80000048  }
0xb3: {  	_ =	swait.ge [sflag:s29], $0x1  }
0xb4: {  	[sflag:s29] =	ssyncadd.s32 $0xFFFFFFFF  }
0xb5: {  	_ =	strace $0x90000048  }
0xb6: {  	_ =	sfence  }
0xb7: {  	s30 =	sld [smem:$0x0];
	_ =	sdelay $0x2  }
0xb8: {  	s31 =	sshll.u32 s1, $0xD;
	s1 =	sshrl.u32 s1, $0x2  }
0xb9: {  	s3 =	sand.u32 $0x4000, s31;
	s1 =	sadd.s32 s1, s30  }
0xba: {  	s0 =	sor.u32 s3, s0;
	s1 =	sshll.u32 s1, $0x11  }
0xbb: {  	s0 =	sor.u32 s1, s0  }
0xbc: {  	s0 =	sadd.s32 $0x8F2B, s0  }
0xbd: {  	[sflag:s0] =	ssyncadd.remote.s32 $0x1  }
0xbe: {  	_ =	sfence.sel $0xFFFF  }
0xbf: {  	[dreg:$0x0] =	wrdreg $0xFFFFFFFF;
	(pc) =	sbr.abs _section_cstart, $3  }
0xc0: {  	[dreg:$0x1] =	wrdreg $0xFFFFFFFF  }
0xc1: {  	_ =	task.clear_ibuf [dreg:s7], $0x2FFFF;
	_ =	strace $0x9FFFFFFF  }
0xc2: {  	(tm) =	ssettm $0x7FFFFFFF  }
0xc3: {  	_ =	shalt  }
tec
execute0_lowered:
.L_overlay_start_1:
0x0: {  	(tag) =	ssettag $0x1  }
0x1: {  	s0 =	srdreg.scid  }
0x2: {  	s3 =	sand.u32 $0x1, s0  }
0x3: {  	s4 =	rddreg [dreg:$0x0];
	s0 =	stileid.u32;
	s1 =	sshll.u32 s3, $0x4  }
0x4: {  	s5 =	rddreg [dreg:$0x1];
	s2 =	simm.s32 $0x0;
	s6 =	sor.u32 s0, s1  }
0x5: {  	s9 =	simm.s32 $0x400;
	[smem:$0x7FF] =	sst s2;
	s7 =	sshrl.u32 s6, $0x3  }
0x6: {  	s8 =	sshll.u32 s0, $0x7;
	s3 =	ssub.s32 $0x2, s3;
	s7 =	smul.u32 $0x14000, s7  }
0x7: {  	s1 =	rddreg [dreg:$0x2];
	s8 =	sand.u32 $0x380, s8;
	s6 =	smul.u32 $0x500, s6  }
0x8: {  	_ =	strace $0x80000047;
	s30 =	sshrl.u32 s3, $0x1;
	s7 =	sor.u32 s8, s7  }
0x9: {  	s31 =	ssub.s32 s3, s30;
	s3 =	sadd.s32 s4, s6;
	s7 =	sshrl.u32 s7, $0x3  }
0xa: {  	s6 =	simm.s32 $0x1;
	s8 =	simm.s32 $0x80;
	s5 =	sadd.s32 s7, s5  }
0xb: {  	v0 =	vimm.f32 $0.0e+00;
	v1 =	vimm.f32 $1.000000000e+00;
	s7 =	simm.s32 $0x2800;
	s4 =	sadd.s32 $0xCE00, s5;
	s5 =	smax.u32 s31, $0x1  }
.LBB2_1:
0xc: {  	s10 =	simm.s32 $0x40;
	s11 =	simm.s32 $0x0  }
.LBB2_2:
0xd: {  	p0 =	sne.s32 s10, $0x9FC0;
	[tilespmem:s11+$0x2800] =	vst v0;
	s11 =	smov.u32 s10;
	s10 =	sadd.s32 $0x40, s10  }
.Ltmp0:
0xe: {  	(pc) =	sbr.rel @p0 .LBB2_2-.Ltmp0, $2  }
0xf: {  	_ =	sdelay $0x2  }
0x10: {  	s11 =	sshra.s32 s11, $0x2  }
0x11: {  	[tilespmem:s11+$0x2800] =	vst v0;
	s10 =	simm.s32 $0x0  }
0x12: {  	[tilespmem:s10], [sflag:$0x1] =	stream.linear.gather [hbm4b:s3+s10], $0x2800, $0x38;
	[tilespmem:$0x5000] =	vst v63  }
0x13: {  	_ =	swait.ge [sflag:s6], $0x2800  }
0x14: {  	[sflag:s6] =	ssyncset.done $0x0  }
0x15: {  	[sflag:s6] =	ssyncadd.s32 $0xFFFFD800  }
.LBB2_4:
0x16: {  	s11 =	sshra.s32 s10, $0x2  }
0x17: {  	v2 =	vld [tilespmem:s11+$0x0];
	_ =	sdelay $0x7  }
0x18: {  	[tilespmem:v2+s7+$0x0] =	vst.idx.add.f32.msk $0xffff, v1  }
0x19: {  	v2 =	vld [tilespmem:s11+$0x10];
	_ =	sdelay $0x7  }
0x1a: {  	[tilespmem:v2+s7+$0x0] =	vst.idx.add.f32.msk $0xffff, v1  }
0x1b: {  	v2 =	vld [tilespmem:s11+$0x20];
	_ =	sdelay $0x7  }
0x1c: {  	[tilespmem:v2+s7+$0x0] =	vst.idx.add.f32.msk $0xffff, v1  }
0x1d: {  	v2 =	vld [tilespmem:s11+$0x30];
	_ =	sdelay $0x7  }
0x1e: {  	[tilespmem:v2+s7+$0x0] =	vst.idx.add.f32.msk $0xffff, v1  }
0x1f: {  	v2 =	vld [tilespmem:s11+$0x40];
	_ =	sdelay $0x7  }
0x20: {  	[tilespmem:v2+s7+$0x0] =	vst.idx.add.f32.msk $0xffff, v1  }
0x21: {  	v2 =	vld [tilespmem:s11+$0x50];
	_ =	sdelay $0x7  }
0x22: {  	[tilespmem:v2+s7+$0x0] =	vst.idx.add.f32.msk $0xffff, v1  }
0x23: {  	v2 =	vld [tilespmem:s11+$0x60];
	_ =	sdelay $0x7  }
0x24: {  	[tilespmem:v2+s7+$0x0] =	vst.idx.add.f32.msk $0xffff, v1  }
0x25: {  	v2 =	vld [tilespmem:s11+$0x70];
	_ =	sdelay $0x2  }
0x26: {  	p0 =	sne.s32 s10, $0x9E00  }
.Ltmp1:
0x27: {  	_ = 	snop;
	(pc) =	sbr.rel @p0 .LBB2_4-.Ltmp1, $2  }
0x28: {  	_ =	sdelay $0x2  }
0x29: {  	s10 =	sadd.s32 $0x200, s10;
	[tilespmem:v2+s7+$0x0] =	vst.idx.add.f32.msk $0xffff, v1  }
0x2a: {  	s2 =	sadd.s32 $0x1, s2  }
0x2b: {  	p0 =	sne.s32 s2, s5  }
.Ltmp2:
0x2c: {  	_ = 	snop;
	(pc) =	sbr.rel @p0 .LBB2_1-.Ltmp2, $4  }
0x2d: {  	[hbm4b:s4+s8] =	stream.strided.scatter [tilespmem:s7], [sflag:$0x1], $0x2800, s9, s8, $0x38;
	[tilespmem:$0x5000] =	vst v63  }
0x2e: {  	_ =	swait.ge [sflag:s6], $0x2800  }
0x2f: {  	[sflag:s6] =	ssyncset.done $0x0  }
0x30: {  	[sflag:s6] =	ssyncadd.s32 $0xFFFFD800  }
0x31: {  	_ =	sfence.sel $0x180000  }
0x32: {  	[bflag:$0x0] =	sbarrier.arrive $0xFFFF  }
0x33: {  	p0 =	sne.s32 s0, $0x0;
	_ =	strace $0x90000047  }
0x34: {  	s0 =	sadd.s32 @!p0 $0x100000, s1;
	[bflag:$0x2] =	sbarrier.arrive $0xFFFF  }
0x35: {  	[sflag:s0] =	ssyncadd.tile.s32 @!p0 $0x1;
	_ =	shalt  }
.Lfunc_end2:
_tile_overlayer_lowered:
.L_overlay_start_2:
0x36: {  	(tag) =	ssettag $0x2  }
0x37: {  	s0 =	rddreg [dreg:$0x0];
	s2 =	stileid.u32  }
0x38: {  	s1 =	rddreg [dreg:$0x1];
	p0 =	sne.s32 s2, $0x0  }
0x39: {  	s3 =	rddreg [dreg:$0x2];
	[bflag:$0x3] =	sbarrier.arrive $0xFFFF;
	s2 =	simm.s32 @!p0 $0x1C01  }
0x3a: {  	[timem:s3], [sflag:s2] =	dma.local @!p0 [hbm:s0], s1  }
0x3b: {  	s0 =	simm.s32 @!p0 $0x1  }
0x3c: {  	_ =	swait.ge @!p0 [sflag:s0], s1  }
0x3d: {  	s1 =	ssub.s32 @!p0 $0x0, s1;
	[sflag:s0] =	ssyncset.done @!p0 $0x0  }
0x3e: {  	[sflag:s0] =	ssyncadd.s32 @!p0 s1  }
0x3f: {  	[bflag:$0x3] =	sbarrier.arrive $0xFFFF  }
0x40: {  	_ =	shalt  }

</sc_bundles>
